<compile_context>
chip_gen: v7x
topology: tpu7x:2x2x1
jax: 0.10.2.dev20260603
libtpu: 0.0.44.dev20260713+nightly
codegen_flags: <defaults>
</compile_context>

<pallas_src>
import functools

import jax
import jax.numpy as jnp
from jax import lax
from jax.experimental import pallas as pl
from jax.experimental.pallas import tpu as pltpu
from jax.experimental.pallas import tpu_sc as plsc

_N = 10000
_E = 320000
_G = 64
_H = 128
_NC, _NS, _L = 2, 16, 16

_IDX_PAD = 647168
_NA = 10240

def _dot(a, b):
    return lax.dot_general(a, b, (((1,), (0,)), ((), ())),
                           preferred_element_type=jnp.float32)


def _dott(a, b):
    return lax.dot_general(a, b, (((0,), (0,)), ((), ())),
                           preferred_element_type=jnp.float32)


def _split(a):
    ah = a.astype(jnp.bfloat16)
    return ah, (a - ah.astype(jnp.float32)).astype(jnp.bfloat16)



def _embed_body(x_ref, w_ref, b_ref, o_ref):
    o_ref[...] = jnp.maximum(_dot(x_ref[...], w_ref[...]) + b_ref[...], 0.0)


def _tc_embed(x, w, b):
    return pl.pallas_call(
        _embed_body,
        out_shape=jax.ShapeDtypeStruct((_N, _H), jnp.float32),
    )(x, w, b)


def _msg_body(gs_ref, gt_ref, ea_ref, wee_ref, bee_ref, wf_ref, bf_ref,
              ws_ref, bs_ref, o_ref):
    e = jnp.maximum(_dot(ea_ref[...], wee_ref[...]) + bee_ref[...], 0.0)
    gs = gs_ref[...]
    gt = gt_ref[...]
    wf = wf_ref[...]
    ws = ws_ref[...]

    def gate(w):
        return (_dot(gs, w[:_H]) + _dot(gt, w[_H:2 * _H])
                + _dot(e, w[2 * _H:]))

    zf = gate(wf) + bf_ref[...]
    zs = gate(ws) + bs_ref[...]
    o_ref[...] = jax.nn.sigmoid(zf) * jax.nn.softplus(zs)


def _tc_msg(gathered, edge_attr, wee, bee, wf_i, bf_i, ws_i, bs_i):
    B = 2000
    nblk = _E // B
    full = lambda s: pl.BlockSpec(s, lambda i: (0, 0))
    return pl.pallas_call(
        _msg_body,
        grid=(nblk,),
        in_specs=[
            pl.BlockSpec((B, _H), lambda i: (i, 0)),
            pl.BlockSpec((B, _H), lambda i: (i + nblk, 0)),
            pl.BlockSpec((B, edge_attr.shape[1]), lambda i: (i, 0)),
            full(wee.shape), full(bee.shape), full(wf_i.shape),
            full(bf_i.shape), full(ws_i.shape), full(bs_i.shape),
        ],
        out_specs=pl.BlockSpec((B, _H), lambda i: (i, 0)),
        out_shape=jax.ShapeDtypeStruct((_E, _H), jnp.float32),
    )(gathered, gathered, edge_attr, wee, bee, wf_i, bf_i, ws_i, bs_i)


def _node_body(p_ref, h_ref, gam_ref, bet_ref, nb_ref, hn_ref, g_ref):
    m = (p_ref[0] + p_ref[1])[:_N]
    mean = jnp.mean(m, axis=0, keepdims=True)
    var = jnp.mean(jnp.square(m - mean), axis=0, keepdims=True)
    mn = (m - mean) / jnp.sqrt(var + 1e-5) * gam_ref[...] + bet_ref[...]
    hn = jax.nn.softplus(h_ref[...] + mn)
    hn_ref[...] = hn
    seg = lax.broadcasted_iota(jnp.int32, (_N, _G), 1)
    mask = (nb_ref[...] == seg).astype(jnp.bfloat16)
    hh, hl = _split(hn)
    g_ref[...] = _dott(mask, hh) + _dott(mask, hl)


def _tc_node(parts, h, gam, bet, nb2d):
    return pl.pallas_call(
        _node_body,
        out_shape=(jax.ShapeDtypeStruct((_N, _H), jnp.float32),
                   jax.ShapeDtypeStruct((_G, _H), jnp.float32)),
    )(parts, h, gam, bet, nb2d)


def _readout_body(g_ref, wg_ref, bg_ref, w1_ref, b1_ref, w2_ref, b2_ref,
                  w3_ref, b3_ref, w4_ref, b4_ref, o_ref):
    g3 = g_ref[...]
    wg = wg_ref[...]
    bg = bg_ref[...]
    acc = jnp.zeros((_G, _H), jnp.float32)
    for i in range(5):
        acc = acc + _dot(g3[i], wg[i]) + bg[i:i + 1]
    y = jnp.maximum(_dot(acc, w1_ref[...]) + b1_ref[...], 0.0)
    y = jnp.maximum(_dot(y, w2_ref[...]) + b2_ref[...], 0.0)
    y = jnp.maximum(_dot(y, w3_ref[...]) + b3_ref[...], 0.0)
    y = jnp.maximum(_dot(y, w4_ref[...]) + b4_ref[...], 0.0)
    o_ref[...] = y


def _tc_readout(gstack, wg, bg, w1, b1, w2, b2, w3, b3, w4, b4):
    return pl.pallas_call(
        _readout_body,
        out_shape=jax.ShapeDtypeStruct((_G, 1), jnp.float32),
    )(gstack, wg, bg, w1, b1, w2, b2, w3, b3, w4, b4)



def _sc_gather(h, idx2d):
    mesh = plsc.VectorSubcoreMesh(core_axis_name="c", subcore_axis_name="s")
    n = idx2d.shape[0] * 128
    nchunks = n // 128
    cpw = nchunks // (_NC * _NS)
    ng = cpw // 2

    @functools.partial(
        pl.kernel,
        out_type=jax.ShapeDtypeStruct((nchunks, 128, _H), jnp.float32),
        mesh=mesh,
        scratch_types=[
            pltpu.VMEM((4, 128, _H), jnp.float32),
            pltpu.VMEM((6, 128), jnp.int32),
            pltpu.SemaphoreType.DMA((3,)),
            pltpu.SemaphoreType.DMA((2,)),
            pltpu.SemaphoreType.DMA((2,)),
        ],
    )
    def k(h_hbm, i_hbm, o_hbm, rbuf, ibuf, sem_i, sem_g, sem_o):
        c = lax.axis_index("c")
        s = lax.axis_index("s")
        w = c * _NS + s
        base = w * cpw

        pltpu.async_copy(i_hbm.at[pl.ds(base, 2)],
                         ibuf.at[pl.ds(0, 2)], sem_i.at[0])
        pltpu.async_copy(i_hbm.at[pl.ds(base + 2, 2)],
                         ibuf.at[pl.ds(2, 2)], sem_i.at[1])

        @pl.loop(0, ng)
        def _(g):
            p = lax.rem(g, 2)
            q = 1 - p
            r = lax.rem(g, 3)

            @pl.when(g >= 2)
            def _():
                pltpu.make_async_copy(
                    rbuf.at[pl.ds(p * 2, 2)],
                    o_hbm.at[pl.ds(base + (g - 2) * 2, 2)],
                    sem_o.at[p]).wait()

            pltpu.make_async_copy(
                i_hbm.at[pl.ds(base + g * 2, 2)],
                ibuf.at[pl.ds(r * 2, 2)], sem_i.at[r]).wait()

            pltpu.async_copy(h_hbm.at[ibuf.at[r * 2]],
                             rbuf.at[p * 2], sem_g.at[p])
            pltpu.async_copy(h_hbm.at[ibuf.at[r * 2 + 1]],
                             rbuf.at[p * 2 + 1], sem_g.at[p])

            @pl.when(g >= 1)
            def _():
                rq = lax.rem(g + 2, 3)
                for j in range(2):
                    pltpu.make_async_copy(
                        h_hbm.at[ibuf.at[rq * 2 + j]],
                        rbuf.at[q * 2 + j], sem_g.at[q]).wait()
                pltpu.async_copy(rbuf.at[pl.ds(q * 2, 2)],
                                 o_hbm.at[pl.ds(base + (g - 1) * 2, 2)],
                                 sem_o.at[q])

            @pl.when(g + 2 < ng)
            def _():
                rn = lax.rem(g + 2, 3)
                pltpu.async_copy(i_hbm.at[pl.ds(base + (g + 2) * 2, 2)],
                                 ibuf.at[pl.ds(rn * 2, 2)], sem_i.at[rn])

        gl = ng - 1
        pl_ = gl % 2
        rl = gl % 3
        for j in range(2):
            pltpu.make_async_copy(
                h_hbm.at[ibuf.at[rl * 2 + j]],
                rbuf.at[pl_ * 2 + j], sem_g.at[pl_]).wait()
        pltpu.async_copy(rbuf.at[pl.ds(pl_ * 2, 2)],
                         o_hbm.at[pl.ds(base + gl * 2, 2)], sem_o.at[pl_])
        for gq in (ng - 2, ng - 1):
            pltpu.make_async_copy(
                rbuf.at[pl.ds((gq % 2) * 2, 2)],
                o_hbm.at[pl.ds(base + gq * 2, 2)],
                sem_o.at[gq % 2]).wait()

    return k(h, idx2d).reshape(n, _H)


def _sc_scatter(msg, src2d):
    mesh = plsc.VectorSubcoreMesh(core_axis_name="c", subcore_axis_name="s")
    nsc = _E // 256
    rps = _NA // _NS

    @functools.partial(
        pl.kernel,
        out_type=jax.ShapeDtypeStruct((_NC, _NA, _H), jnp.float32),
        mesh=mesh,
        scratch_types=[
            pltpu.VMEM_SHARED((_NA, _H), jnp.float32),
            pltpu.VMEM((256, _H), jnp.float32),
            pltpu.VMEM((2, 128), jnp.int32),
        ],
    )
    def k(m_hbm, i_hbm, o_hbm, acc, mbuf, ibuf):
        c = lax.axis_index("c")
        s = lax.axis_index("s")
        w = c * _NS + s

        @pl.loop(0, 128)
        def _(r):
            @pl.loop(0, _H, step=_L)
            def _(cc):
                mbuf[r, pl.ds(cc, _L)] = jnp.zeros((_L,), jnp.float32)

        @pl.loop(0, rps // 128)
        def _(j):
            pltpu.sync_copy(mbuf.at[pl.ds(0, 128)],
                            acc.at[pl.ds(s * rps + j * 128, 128)])

        plsc.subcore_barrier()

        @pl.loop(0, (nsc + 31) // 32)
        def _(kk):
            sc = w + kk * (_NC * _NS)

            @pl.when(sc < nsc)
            def _():
                pltpu.sync_copy(m_hbm.at[pl.ds(sc * 256, 256)], mbuf)
                pltpu.sync_copy(i_hbm.at[pl.ds(sc * 2, 2)], ibuf)
                for j in range(2):
                    pltpu.sync_copy(mbuf.at[pl.ds(j * 128, 128)],
                                    acc.at[ibuf.at[j]], add=True)

        plsc.subcore_barrier()
        pltpu.sync_copy(acc.at[pl.ds(s * rps, rps)],
                        o_hbm.at[c, pl.ds(s * rps, rps)])

    return k(msg, src2d)



def kernel(x, edge_attr, edge_source, edge_target, node_batch,
           W_ne, b_ne, W_ee, b_ee, Wf, bf, Ws, bs, gamma, beta,
           Wg, bg, Wr1, br1, Wr2, br2, Wr3, br3, Wr4, br4):
    es = edge_source.astype(jnp.int32)
    et = edge_target.astype(jnp.int32)
    idx_cat = jnp.pad(jnp.concatenate([es, et], 0), (0, _IDX_PAD - 2 * _E))
    idx2d = idx_cat.reshape(_IDX_PAD // 128, 128)
    src2d = es.reshape(_E // 128, 128)
    nb2d = node_batch.astype(jnp.int32).reshape(_N, 1)

    h = _tc_embed(x, W_ne, b_ne.reshape(1, _H))
    glist = []
    for i in range(5):
        gathered = _sc_gather(h, idx2d)
        msg = _tc_msg(gathered, edge_attr, W_ee, b_ee.reshape(1, _H),
                      Wf[i], bf[i].reshape(1, _H), Ws[i], bs[i].reshape(1, _H))
        parts = _sc_scatter(msg, src2d)
        h, g = _tc_node(parts, h, gamma[i].reshape(1, _H),
                        beta[i].reshape(1, _H), nb2d)
        glist.append(g)
    gstack = jnp.stack(glist)
    return _tc_readout(gstack, Wg, bg, Wr1, br1.reshape(1, -1),
                       Wr2, br2.reshape(1, -1), Wr3, br3.reshape(1, -1),
                       Wr4, br4.reshape(1, -1))

# --- scband reference (transcript-rebuilt; emitter-appended) ---
"""Pipeline reference for scband-in-cgcnn-conv-7499012898892 (READ-ONLY COPY).

The authoritative reference and input builder live on the scoring server;
editing this copy changes nothing except your own understanding.
"""

import jax, jax.numpy as jnp
import numpy as np

N_NODES = 10000
N_EDGES = 320000
NUM_GRAPHS = 64
NHID = 128
IN_X = 92
IN_E = 50


def setup_inputs(seed: int = 0) -> dict:
    key = jax.random.key(seed)
    ks = jax.random.split(key, 32)
    inp = {}
    inp['x'] = jax.random.normal(ks[0], (N_NODES, IN_X), dtype=jnp.float32)
    inp['edge_attr'] = jax.random.normal(ks[1], (N_EDGES, IN_E), dtype=jnp.float32)
    inp['edge_source'] = jax.random.randint(ks[2], (N_EDGES,), 0, N_NODES)
    inp['edge_target'] = jax.random.randint(ks[3], (N_EDGES,), 0, N_NODES)
    inp['node_batch'] = jnp.sort(jax.random.randint(ks[4], (N_NODES,), 0, NUM_GRAPHS))
    s = 0.05
    inp['W_ne'] = jax.random.normal(ks[5], (IN_X, NHID), dtype=jnp.float32) * s
    inp['b_ne'] = jnp.zeros((NHID,), dtype=jnp.float32)
    inp['W_ee'] = jax.random.normal(ks[6], (IN_E, NHID), dtype=jnp.float32) * s
    inp['b_ee'] = jnp.zeros((NHID,), dtype=jnp.float32)
    inp['Wf'] = jax.random.normal(ks[7], (5, 3 * NHID, NHID), dtype=jnp.float32) * s
    inp['bf'] = jnp.zeros((5, NHID), dtype=jnp.float32)
    inp['Ws'] = jax.random.normal(ks[8], (5, 3 * NHID, NHID), dtype=jnp.float32) * s
    inp['bs'] = jnp.zeros((5, NHID), dtype=jnp.float32)
    inp['gamma'] = jnp.ones((5, NHID), dtype=jnp.float32)
    inp['beta'] = jnp.zeros((5, NHID), dtype=jnp.float32)
    inp['Wg'] = jax.random.normal(ks[9], (5, NHID, NHID), dtype=jnp.float32) * s
    inp['bg'] = jnp.zeros((5, NHID), dtype=jnp.float32)
    inp['Wr1'] = jax.random.normal(ks[10], (NHID, 64), dtype=jnp.float32) * s
    inp['br1'] = jnp.zeros((64,), dtype=jnp.float32)
    inp['Wr2'] = jax.random.normal(ks[11], (64, 32), dtype=jnp.float32) * s
    inp['br2'] = jnp.zeros((32,), dtype=jnp.float32)
    inp['Wr3'] = jax.random.normal(ks[12], (32, 16), dtype=jnp.float32) * s
    inp['br3'] = jnp.zeros((16,), dtype=jnp.float32)
    inp['Wr4'] = jax.random.normal(ks[13], (16, 1), dtype=jnp.float32) * s
    inp['br4'] = jnp.zeros((1,), dtype=jnp.float32)
    return inp


def reference(x, edge_attr, edge_source, edge_target, node_batch,
              W_ne, b_ne, W_ee, b_ee, Wf, bf, Ws, bs, gamma, beta,
              Wg, bg, Wr1, br1, Wr2, br2, Wr3, br3, Wr4, br4):
    h = jax.nn.relu(x @ W_ne + b_ne)
    e = jax.nn.relu(edge_attr @ W_ee + b_ee)
    pools = []
    for i in range(5):
        z = jnp.concatenate([h[edge_source], h[edge_target], e], axis=-1)
        msg = jax.nn.sigmoid(z @ Wf[i] + bf[i]) * jax.nn.softplus(z @ Ws[i] + bs[i])
        m = jax.ops.segment_sum(msg, edge_source, num_segments=N_NODES)
        mean = jnp.mean(m, axis=0)
        var = jnp.mean((m - mean) ** 2, axis=0)
        m = (m - mean) / jnp.sqrt(var + 1e-5) * gamma[i] + beta[i]
        h = jax.nn.softplus(h + m)
        g = jax.ops.segment_sum(h, node_batch, num_segments=NUM_GRAPHS)
        pools.append(g @ Wg[i] + bg[i])
    y = jnp.sum(jnp.stack(pools), axis=0)
    y = jax.nn.relu(y @ Wr1 + br1)
    y = jax.nn.relu(y @ Wr2 + br2)
    y = jax.nn.relu(y @ Wr3 + br3)
    y = jax.nn.relu(y @ Wr4 + br4)
    return y

if __name__ == "__main__":
    import jax
    _d = setup_inputs()
    print(jax.jit(kernel)(*tuple(_d.values())))

</pallas_src>

<mosaic_0001>
#map = affine_map<(d0, d1) -> (0, 0)>
#map1 = affine_map<(d0, d1) -> (0, 0, 0)>
module attributes {stable_mosaic.version = 14 : i64} {
  func.func @k(%arg0: i32, %arg1: i32, %arg2: memref<10000x128xf32, #tpu.memory_space<hbm>>, %arg3: memref<5056x128xi32, #tpu.memory_space<hbm>>, %arg4: memref<5056x128x128xf32, #tpu.memory_space<hbm>>, %arg5: memref<4x128x128xf32, #tpu.memory_space<vmem>>, %arg6: memref<6x128xi32, #tpu.memory_space<vmem>>, %arg7: memref<3x!tpu.dma_semaphore, #tpu.memory_space<semaphore_mem>>, %arg8: memref<2x!tpu.dma_semaphore, #tpu.memory_space<semaphore_mem>>, %arg9: memref<2x!tpu.dma_semaphore, #tpu.memory_space<semaphore_mem>>) attributes {dimension_semantics = [#tpu.dimension_semantics<core_parallel>, #tpu.dimension_semantics<subcore_parallel>], iteration_bounds = array<i64: 2, 16>, scalar_prefetch = 0 : i64, scratch_operands = 5 : i64, tpu.core_type = #tpu.core_type<sc_vector_subcore>, window_params = [{transform_indices = #map}, {transform_indices = #map}, {transform_indices = #map1}]} {
    %mul3A = arith.constant 16 : i32
    %mul3A_0 = arith.muli %arg0, %mul3A : i32
    %add3A = arith.addi %mul3A_0, %arg1 : i32
    %mul3A_1 = arith.constant 158 : i32
    %mul3A_2 = arith.muli %add3A, %mul3A_1 : i32
    %dma_start3A = arith.constant 0 : i32
    %dma_start3A_3 = arith.constant 0 : i32
    %dma_start3A_4 = arith.constant 0 : i32
    %dma_start3A_5 = tpu.memref_slice %arg6[%dma_start3A_3, %dma_start3A_4] : memref<6x128xi32, #tpu.memory_space<vmem>> -> memref<2x128xi32, #tpu.memory_space<vmem>>
    %dma_start3A_6 = arith.constant 0 : i32
    %dma_start3A_7 = tpu.memref_slice %arg3[%mul3A_2, %dma_start3A_6] : memref<5056x128xi32, #tpu.memory_space<hbm>> -> memref<2x128xi32, #tpu.memory_space<hbm>>
    %dma_start3A_8 = tpu.memref_slice %arg7[%dma_start3A] : memref<3x!tpu.dma_semaphore, #tpu.memory_space<semaphore_mem>> -> memref<1x!tpu.dma_semaphore, #tpu.memory_space<semaphore_mem>>
    %dma_start3A_9 = tpu.memref_squeeze %dma_start3A_8 : memref<1x!tpu.dma_semaphore, #tpu.memory_space<semaphore_mem>> -> memref<!tpu.dma_semaphore, #tpu.memory_space<semaphore_mem>>
    %dma_start3A_10 = arith.constant 0 : i32
    %dma_start3A_11 = arith.constant 0 : i32
    %dma_start3A_12 = tpu.memref_slice %arg6[%dma_start3A_10, %dma_start3A_11] : memref<6x128xi32, #tpu.memory_space<vmem>> -> memref<2x128xi32, #tpu.memory_space<vmem>>
    %dma_start3A_13 = arith.constant 0 : i32
    %dma_start3A_14 = tpu.memref_slice %arg3[%mul3A_2, %dma_start3A_13] : memref<5056x128xi32, #tpu.memory_space<hbm>> -> memref<2x128xi32, #tpu.memory_space<hbm>>
    tpu.enqueue_dma source(%dma_start3A_14 : memref<2x128xi32, #tpu.memory_space<hbm>>) target(%dma_start3A_12 : memref<2x128xi32, #tpu.memory_space<vmem>>) target_semaphore(%dma_start3A_9 : memref<!tpu.dma_semaphore, #tpu.memory_space<semaphore_mem>>)
    %add3A_15 = arith.constant 2 : i32
    %add3A_16 = arith.addi %mul3A_2, %add3A_15 : i32
    %dma_start3A_17 = arith.constant 1 : i32
    %dma_start3A_18 = arith.constant 2 : i32
    %dma_start3A_19 = arith.constant 0 : i32
    %dma_start3A_20 = tpu.memref_slice %arg6[%dma_start3A_18, %dma_start3A_19] : memref<6x128xi32, #tpu.memory_space<vmem>> -> memref<2x128xi32, #tpu.memory_space<vmem>>
    %dma_start3A_21 = arith.constant 0 : i32
    %dma_start3A_22 = tpu.memref_slice %arg3[%add3A_16, %dma_start3A_21] : memref<5056x128xi32, #tpu.memory_space<hbm>> -> memref<2x128xi32, #tpu.memory_space<hbm>>
    %dma_start3A_23 = tpu.memref_slice %arg7[%dma_start3A_17] : memref<3x!tpu.dma_semaphore, #tpu.memory_space<semaphore_mem>> -> memref<1x!tpu.dma_semaphore, #tpu.memory_space<semaphore_mem>>
    %dma_start3A_24 = tpu.memref_squeeze %dma_start3A_23 : memref<1x!tpu.dma_semaphore, #tpu.memory_space<semaphore_mem>> -> memref<!tpu.dma_semaphore, #tpu.memory_space<semaphore_mem>>
    %dma_start3A_25 = arith.constant 2 : i32
    %dma_start3A_26 = arith.constant 0 : i32
    %dma_start3A_27 = tpu.memref_slice %arg6[%dma_start3A_25, %dma_start3A_26] : memref<6x128xi32, #tpu.memory_space<vmem>> -> memref<2x128xi32, #tpu.memory_space<vmem>>
    %dma_start3A_28 = arith.constant 0 : i32
    %dma_start3A_29 = tpu.memref_slice %arg3[%add3A_16, %dma_start3A_28] : memref<5056x128xi32, #tpu.memory_space<hbm>> -> memref<2x128xi32, #tpu.memory_space<hbm>>
    tpu.enqueue_dma source(%dma_start3A_29 : memref<2x128xi32, #tpu.memory_space<hbm>>) target(%dma_start3A_27 : memref<2x128xi32, #tpu.memory_space<vmem>>) target_semaphore(%dma_start3A_24 : memref<!tpu.dma_semaphore, #tpu.memory_space<semaphore_mem>>)
    %scan3A = arith.constant 0 : i32
    %scan3A_30 = arith.constant 79 : i32
    %scan3A_31 = arith.addi %scan3A, %scan3A_30 : i32
    %scan3A_32 = arith.constant 1 : i32
    scf.for %scan3A_120 = %scan3A to %scan3A_31 step %scan3A_32  : i32 {
      %mul3A_121 = arith.constant 1 : i32
      %mul3A_122 = arith.muli %scan3A_120, %mul3A_121 : i32
      %add3A_123 = arith.constant 0 : i32
      %add3A_124 = arith.addi %add3A_123, %mul3A_122 : i32
      %rem3A = arith.constant 2 : i32
      %rem3A_125 = arith.remsi %add3A_124, %rem3A : i32
      %sub3A = arith.constant 1 : i32
      %sub3A_126 = arith.subi %sub3A, %rem3A_125 : i32
      %rem3A_127 = arith.constant 3 : i32
      %rem3A_128 = arith.remsi %add3A_124, %rem3A_127 : i32
      %ge3A = arith.constant 2 : i32
      %ge3A_129 = arith.cmpi sge, %add3A_124, %ge3A : i32
      %convert_element_type3A = arith.extui %ge3A_129 : i1 to i32
      %cond3A = arith.constant 0 : i32
      %cond3A_130 = arith.cmpi ne, %convert_element_type3A, %cond3A : i32
      scf.if %cond3A_130 {
        %mul3A_193 = arith.constant 2 : i32
        %mul3A_194 = arith.muli %rem3A_125, %mul3A_193 : i32
        %sub3A_195 = arith.constant 2 : i32
        %sub3A_196 = arith.subi %add3A_124, %sub3A_195 : i32
        %mul3A_197 = arith.constant 2 : i32
        %mul3A_198 = arith.muli %sub3A_196, %mul3A_197 : i32
        %add3A_199 = arith.addi %mul3A_2, %mul3A_198 : i32
        %dma_wait3A_200 = arith.constant 0 : i32
        %dma_wait3A_201 = arith.constant 0 : i32
        %dma_wait3A_202 = tpu.memref_slice %arg5[%mul3A_194, %dma_wait3A_200, %dma_wait3A_201] : memref<4x128x128xf32, #tpu.memory_space<vmem>> -> memref<2x128x128xf32, #tpu.memory_space<vmem>>
        %dma_wait3A_203 = arith.constant 0 : i32
        %dma_wait3A_204 = arith.constant 0 : i32
        %dma_wait3A_205 = tpu.memref_slice %arg4[%add3A_199, %dma_wait3A_203, %dma_wait3A_204] : memref<5056x128x128xf32, #tpu.memory_space<hbm>> -> memref<2x128x128xf32, #tpu.memory_space<hbm>>
        %dma_wait3A_206 = tpu.memref_slice %arg9[%rem3A_125] : memref<2x!tpu.dma_semaphore, #tpu.memory_space<semaphore_mem>> -> memref<1x!tpu.dma_semaphore, #tpu.memory_space<semaphore_mem>>
        %dma_wait3A_207 = tpu.memref_squeeze %dma_wait3A_206 : memref<1x!tpu.dma_semaphore, #tpu.memory_space<semaphore_mem>> -> memref<!tpu.dma_semaphore, #tpu.memory_space<semaphore_mem>>
        %dma_wait3A_208 = arith.constant 0 : i32
        %dma_wait3A_209 = arith.constant 0 : i32
        %dma_wait3A_210 = tpu.memref_slice %arg4[%add3A_199, %dma_wait3A_208, %dma_wait3A_209] : memref<5056x128x128xf32, #tpu.memory_space<hbm>> -> memref<2x128x128xf32, #tpu.memory_space<hbm>>
        %dma_wait3A_211 = arith.constant 0 : i32
        %dma_wait3A_212 = arith.constant 0 : i32
        %dma_wait3A_213 = tpu.memref_slice %arg5[%mul3A_194, %dma_wait3A_211, %dma_wait3A_212] : memref<4x128x128xf32, #tpu.memory_space<vmem>> -> memref<2x128x128xf32, #tpu.memory_space<vmem>>
        tpu.wait_dma2 semaphore(%dma_wait3A_207 : memref<!tpu.dma_semaphore, #tpu.memory_space<semaphore_mem>>) src(%dma_wait3A_213 : memref<2x128x128xf32, #tpu.memory_space<vmem>>) dst(%dma_wait3A_210 : memref<2x128x128xf32, #tpu.memory_space<hbm>>)
      } else {
      }
      %mul3A_131 = arith.constant 2 : i32
      %mul3A_132 = arith.muli %add3A_124, %mul3A_131 : i32
      %add3A_133 = arith.addi %mul3A_2, %mul3A_132 : i32
      %mul3A_134 = arith.constant 2 : i32
      %mul3A_135 = arith.muli %rem3A_128, %mul3A_134 : i32
      %dma_wait3A_136 = arith.constant 0 : i32
      %dma_wait3A_137 = tpu.memref_slice %arg6[%mul3A_135, %dma_wait3A_136] : memref<6x128xi32, #tpu.memory_space<vmem>> -> memref<2x128xi32, #tpu.memory_space<vmem>>
      %dma_wait3A_138 = arith.constant 0 : i32
      %dma_wait3A_139 = tpu.memref_slice %arg3[%add3A_133, %dma_wait3A_138] : memref<5056x128xi32, #tpu.memory_space<hbm>> -> memref<2x128xi32, #tpu.memory_space<hbm>>
      %dma_wait3A_140 = tpu.memref_slice %arg7[%rem3A_128] : memref<3x!tpu.dma_semaphore, #tpu.memory_space<semaphore_mem>> -> memref<1x!tpu.dma_semaphore, #tpu.memory_space<semaphore_mem>>
      %dma_wait3A_141 = tpu.memref_squeeze %dma_wait3A_140 : memref<1x!tpu.dma_semaphore, #tpu.memory_space<semaphore_mem>> -> memref<!tpu.dma_semaphore, #tpu.memory_space<semaphore_mem>>
      %dma_wait3A_142 = arith.constant 0 : i32
      %dma_wait3A_143 = tpu.memref_slice %arg6[%mul3A_135, %dma_wait3A_142] : memref<6x128xi32, #tpu.memory_space<vmem>> -> memref<2x128xi32, #tpu.memory_space<vmem>>
      %dma_wait3A_144 = arith.constant 0 : i32
      %dma_wait3A_145 = tpu.memref_slice %arg3[%add3A_133, %dma_wait3A_144] : memref<5056x128xi32, #tpu.memory_space<hbm>> -> memref<2x128xi32, #tpu.memory_space<hbm>>
      tpu.wait_dma2 semaphore(%dma_wait3A_141 : memref<!tpu.dma_semaphore, #tpu.memory_space<semaphore_mem>>) src(%dma_wait3A_145 : memref<2x128xi32, #tpu.memory_space<hbm>>) dst(%dma_wait3A_143 : memref<2x128xi32, #tpu.memory_space<vmem>>)
      %mul3A_146 = arith.constant 2 : i32
      %mul3A_147 = arith.muli %rem3A_128, %mul3A_146 : i32
      %mul3A_148 = arith.constant 2 : i32
      %mul3A_149 = arith.muli %rem3A_125, %mul3A_148 : i32
      %dma_start3A_150 = arith.constant 0 : i32
      %dma_start3A_151 = arith.constant 0 : i32
      %dma_start3A_152 = tpu.memref_slice %arg5[%mul3A_149, %dma_start3A_150, %dma_start3A_151] : memref<4x128x128xf32, #tpu.memory_space<vmem>> -> memref<1x128x128xf32, #tpu.memory_space<vmem>>
      %dma_start3A_153 = tpu.memref_squeeze %dma_start3A_152 : memref<1x128x128xf32, #tpu.memory_space<vmem>> -> memref<128x128xf32, #tpu.memory_space<vmem>>
      %dma_start3A_154 = arith.constant 0 : i32
      %dma_start3A_155 = tpu.memref_slice %arg6[%mul3A_147, %dma_start3A_154] : memref<6x128xi32, #tpu.memory_space<vmem>> -> memref<1x128xi32, #tpu.memory_space<vmem>>
      %dma_start3A_156 = tpu.memref_squeeze %dma_start3A_155 : memref<1x128xi32, #tpu.memory_space<vmem>> -> memref<128xi32, #tpu.memory_space<vmem>>
      %dma_start3A_157 = arith.constant 0 : i32
      %dma_start3A_158 = arith.constant 0 : i32
      %dma_start3A_159 = tpu.memref_slice %arg2[%dma_start3A_157, %dma_start3A_158] : memref<10000x128xf32, #tpu.memory_space<hbm>> -> memref<10000x128xf32, #tpu.memory_space<hbm>>
      %dma_start3A_160 = tpu.memref_slice %arg8[%rem3A_125] : memref<2x!tpu.dma_semaphore, #tpu.memory_space<semaphore_mem>> -> memref<1x!tpu.dma_semaphore, #tpu.memory_space<semaphore_mem>>
      %dma_start3A_161 = tpu.memref_squeeze %dma_start3A_160 : memref<1x!tpu.dma_semaphore, #tpu.memory_space<semaphore_mem>> -> memref<!tpu.dma_semaphore, #tpu.memory_space<semaphore_mem>>
      tpu.enqueue_indirect_dma source(%dma_start3A_159 : memref<10000x128xf32, #tpu.memory_space<hbm>>) target(%dma_start3A_153 : memref<128x128xf32, #tpu.memory_space<vmem>>) offsets(%dma_start3A_156 : memref<128xi32, #tpu.memory_space<vmem>>) semaphore(%dma_start3A_161 : memref<!tpu.dma_semaphore, #tpu.memory_space<semaphore_mem>>)
      %mul3A_162 = arith.constant 2 : i32
      %mul3A_163 = arith.muli %rem3A_128, %mul3A_162 : i32
      %add3A_164 = arith.constant 1 : i32
      %add3A_165 = arith.addi %mul3A_163, %add3A_164 : i32
      %mul3A_166 = arith.constant 2 : i32
      %mul3A_167 = arith.muli %rem3A_125, %mul3A_166 : i32
      %add3A_168 = arith.constant 1 : i32
      %add3A_169 = arith.addi %mul3A_167, %add3A_168 : i32
      %dma_start3A_170 = arith.constant 0 : i32
      %dma_start3A_171 = arith.constant 0 : i32
      %dma_start3A_172 = tpu.memref_slice %arg5[%add3A_169, %dma_start3A_170, %dma_start3A_171] : memref<4x128x128xf32, #tpu.memory_space<vmem>> -> memref<1x128x128xf32, #tpu.memory_space<vmem>>
      %dma_start3A_173 = tpu.memref_squeeze %dma_start3A_172 : memref<1x128x128xf32, #tpu.memory_space<vmem>> -> memref<128x128xf32, #tpu.memory_space<vmem>>
      %dma_start3A_174 = arith.constant 0 : i32
      %dma_start3A_175 = tpu.memref_slice %arg6[%add3A_165, %dma_start3A_174] : memref<6x128xi32, #tpu.memory_space<vmem>> -> memref<1x128xi32, #tpu.memory_space<vmem>>
      %dma_start3A_176 = tpu.memref_squeeze %dma_start3A_175 : memref<1x128xi32, #tpu.memory_space<vmem>> -> memref<128xi32, #tpu.memory_space<vmem>>
      %dma_start3A_177 = arith.constant 0 : i32
      %dma_start3A_178 = arith.constant 0 : i32
      %dma_start3A_179 = tpu.memref_slice %arg2[%dma_start3A_177, %dma_start3A_178] : memref<10000x128xf32, #tpu.memory_space<hbm>> -> memref<10000x128xf32, #tpu.memory_space<hbm>>
      %dma_start3A_180 = tpu.memref_slice %arg8[%rem3A_125] : memref<2x!tpu.dma_semaphore, #tpu.memory_space<semaphore_mem>> -> memref<1x!tpu.dma_semaphore, #tpu.memory_space<semaphore_mem>>
      %dma_start3A_181 = tpu.memref_squeeze %dma_start3A_180 : memref<1x!tpu.dma_semaphore, #tpu.memory_space<semaphore_mem>> -> memref<!tpu.dma_semaphore, #tpu.memory_space<semaphore_mem>>
      tpu.enqueue_indirect_dma source(%dma_start3A_179 : memref<10000x128xf32, #tpu.memory_space<hbm>>) target(%dma_start3A_173 : memref<128x128xf32, #tpu.memory_space<vmem>>) offsets(%dma_start3A_176 : memref<128xi32, #tpu.memory_space<vmem>>) semaphore(%dma_start3A_181 : memref<!tpu.dma_semaphore, #tpu.memory_space<semaphore_mem>>)
      %ge3A_182 = arith.constant 1 : i32
      %ge3A_183 = arith.cmpi sge, %add3A_124, %ge3A_182 : i32
      %convert_element_type3A_184 = arith.extui %ge3A_183 : i1 to i32
      %cond3A_185 = arith.constant 0 : i32
      %cond3A_186 = arith.cmpi ne, %convert_element_type3A_184, %cond3A_185 : i32
      scf.if %cond3A_186 {
        %add3A_193 = arith.constant 2 : i32
        %add3A_194 = arith.addi %add3A_124, %add3A_193 : i32
        %rem3A_195 = arith.constant 3 : i32
        %rem3A_196 = arith.remsi %add3A_194, %rem3A_195 : i32
        %mul3A_197 = arith.constant 2 : i32
        %mul3A_198 = arith.muli %rem3A_196, %mul3A_197 : i32
        %add3A_199 = arith.constant 0 : i32
        %add3A_200 = arith.addi %mul3A_198, %add3A_199 : i32
        %mul3A_201 = arith.constant 2 : i32
        %mul3A_202 = arith.muli %sub3A_126, %mul3A_201 : i32
        %add3A_203 = arith.constant 0 : i32
        %add3A_204 = arith.addi %mul3A_202, %add3A_203 : i32
        %dma_wait3A_205 = arith.constant 0 : i32
        %dma_wait3A_206 = arith.constant 0 : i32
        %dma_wait3A_207 = tpu.memref_slice %arg5[%add3A_204, %dma_wait3A_205, %dma_wait3A_206] : memref<4x128x128xf32, #tpu.memory_space<vmem>> -> memref<1x128x128xf32, #tpu.memory_space<vmem>>
        %dma_wait3A_208 = tpu.memref_squeeze %dma_wait3A_207 : memref<1x128x128xf32, #tpu.memory_space<vmem>> -> memref<128x128xf32, #tpu.memory_space<vmem>>
        %dma_wait3A_209 = arith.constant 0 : i32
        %dma_wait3A_210 = tpu.memref_slice %arg6[%add3A_200, %dma_wait3A_209] : memref<6x128xi32, #tpu.memory_space<vmem>> -> memref<1x128xi32, #tpu.memory_space<vmem>>
        %dma_wait3A_211 = tpu.memref_squeeze %dma_wait3A_210 : memref<1x128xi32, #tpu.memory_space<vmem>> -> memref<128xi32, #tpu.memory_space<vmem>>
        %dma_wait3A_212 = arith.constant 0 : i32
        %dma_wait3A_213 = arith.constant 0 : i32
        %dma_wait3A_214 = tpu.memref_slice %arg2[%dma_wait3A_212, %dma_wait3A_213] : memref<10000x128xf32, #tpu.memory_space<hbm>> -> memref<10000x128xf32, #tpu.memory_space<hbm>>
        %dma_wait3A_215 = tpu.memref_slice %arg8[%sub3A_126] : memref<2x!tpu.dma_semaphore, #tpu.memory_space<semaphore_mem>> -> memref<1x!tpu.dma_semaphore, #tpu.memory_space<semaphore_mem>>
        %dma_wait3A_216 = tpu.memref_squeeze %dma_wait3A_215 : memref<1x!tpu.dma_semaphore, #tpu.memory_space<semaphore_mem>> -> memref<!tpu.dma_semaphore, #tpu.memory_space<semaphore_mem>>
        tpu.wait_indirect_dma semaphore(%dma_wait3A_216 : memref<!tpu.dma_semaphore, #tpu.memory_space<semaphore_mem>>) src(%dma_wait3A_214 : memref<10000x128xf32, #tpu.memory_space<hbm>>) dst(%dma_wait3A_208 : memref<128x128xf32, #tpu.memory_space<vmem>>)
        %mul3A_217 = arith.constant 2 : i32
        %mul3A_218 = arith.muli %rem3A_196, %mul3A_217 : i32
        %add3A_219 = arith.constant 1 : i32
        %add3A_220 = arith.addi %mul3A_218, %add3A_219 : i32
        %mul3A_221 = arith.constant 2 : i32
        %mul3A_222 = arith.muli %sub3A_126, %mul3A_221 : i32
        %add3A_223 = arith.constant 1 : i32
        %add3A_224 = arith.addi %mul3A_222, %add3A_223 : i32
        %dma_wait3A_225 = arith.constant 0 : i32
        %dma_wait3A_226 = arith.constant 0 : i32
        %dma_wait3A_227 = tpu.memref_slice %arg5[%add3A_224, %dma_wait3A_225, %dma_wait3A_226] : memref<4x128x128xf32, #tpu.memory_space<vmem>> -> memref<1x128x128xf32, #tpu.memory_space<vmem>>
        %dma_wait3A_228 = tpu.memref_squeeze %dma_wait3A_227 : memref<1x128x128xf32, #tpu.memory_space<vmem>> -> memref<128x128xf32, #tpu.memory_space<vmem>>
        %dma_wait3A_229 = arith.constant 0 : i32
        %dma_wait3A_230 = tpu.memref_slice %arg6[%add3A_220, %dma_wait3A_229] : memref<6x128xi32, #tpu.memory_space<vmem>> -> memref<1x128xi32, #tpu.memory_space<vmem>>
        %dma_wait3A_231 = tpu.memref_squeeze %dma_wait3A_230 : memref<1x128xi32, #tpu.memory_space<vmem>> -> memref<128xi32, #tpu.memory_space<vmem>>
        %dma_wait3A_232 = arith.constant 0 : i32
        %dma_wait3A_233 = arith.constant 0 : i32
        %dma_wait3A_234 = tpu.memref_slice %arg2[%dma_wait3A_232, %dma_wait3A_233] : memref<10000x128xf32, #tpu.memory_space<hbm>> -> memref<10000x128xf32, #tpu.memory_space<hbm>>
        %dma_wait3A_235 = tpu.memref_slice %arg8[%sub3A_126] : memref<2x!tpu.dma_semaphore, #tpu.memory_space<semaphore_mem>> -> memref<1x!tpu.dma_semaphore, #tpu.memory_space<semaphore_mem>>
        %dma_wait3A_236 = tpu.memref_squeeze %dma_wait3A_235 : memref<1x!tpu.dma_semaphore, #tpu.memory_space<semaphore_mem>> -> memref<!tpu.dma_semaphore, #tpu.memory_space<semaphore_mem>>
        tpu.wait_indirect_dma semaphore(%dma_wait3A_236 : memref<!tpu.dma_semaphore, #tpu.memory_space<semaphore_mem>>) src(%dma_wait3A_234 : memref<10000x128xf32, #tpu.memory_space<hbm>>) dst(%dma_wait3A_228 : memref<128x128xf32, #tpu.memory_space<vmem>>)
        %mul3A_237 = arith.constant 2 : i32
        %mul3A_238 = arith.muli %sub3A_126, %mul3A_237 : i32
        %sub3A_239 = arith.constant 1 : i32
        %sub3A_240 = arith.subi %add3A_124, %sub3A_239 : i32
        %mul3A_241 = arith.constant 2 : i32
        %mul3A_242 = arith.muli %sub3A_240, %mul3A_241 : i32
        %add3A_243 = arith.addi %mul3A_2, %mul3A_242 : i32
        %dma_start3A_244 = arith.constant 0 : i32
        %dma_start3A_245 = arith.constant 0 : i32
        %dma_start3A_246 = tpu.memref_slice %arg5[%mul3A_238, %dma_start3A_244, %dma_start3A_245] : memref<4x128x128xf32, #tpu.memory_space<vmem>> -> memref<2x128x128xf32, #tpu.memory_space<vmem>>
        %dma_start3A_247 = arith.constant 0 : i32
        %dma_start3A_248 = arith.constant 0 : i32
        %dma_start3A_249 = tpu.memref_slice %arg4[%add3A_243, %dma_start3A_247, %dma_start3A_248] : memref<5056x128x128xf32, #tpu.memory_space<hbm>> -> memref<2x128x128xf32, #tpu.memory_space<hbm>>
        %dma_start3A_250 = tpu.memref_slice %arg9[%sub3A_126] : memref<2x!tpu.dma_semaphore, #tpu.memory_space<semaphore_mem>> -> memref<1x!tpu.dma_semaphore, #tpu.memory_space<semaphore_mem>>
        %dma_start3A_251 = tpu.memref_squeeze %dma_start3A_250 : memref<1x!tpu.dma_semaphore, #tpu.memory_space<semaphore_mem>> -> memref<!tpu.dma_semaphore, #tpu.memory_space<semaphore_mem>>
        %dma_start3A_252 = arith.constant 0 : i32
        %dma_start3A_253 = arith.constant 0 : i32
        %dma_start3A_254 = tpu.memref_slice %arg4[%add3A_243, %dma_start3A_252, %dma_start3A_253] : memref<5056x128x128xf32, #tpu.memory_space<hbm>> -> memref<2x128x128xf32, #tpu.memory_space<hbm>>
        %dma_start3A_255 = arith.constant 0 : i32
        %dma_start3A_256 = arith.constant 0 : i32
        %dma_start3A_257 = tpu.memref_slice %arg5[%mul3A_238, %dma_start3A_255, %dma_start3A_256] : memref<4x128x128xf32, #tpu.memory_space<vmem>> -> memref<2x128x128xf32, #tpu.memory_space<vmem>>
        tpu.enqueue_dma source(%dma_start3A_257 : memref<2x128x128xf32, #tpu.memory_space<vmem>>) target(%dma_start3A_254 : memref<2x128x128xf32, #tpu.memory_space<hbm>>) target_semaphore(%dma_start3A_251 : memref<!tpu.dma_semaphore, #tpu.memory_space<semaphore_mem>>)
      } else {
      }
      %add3A_187 = arith.constant 2 : i32
      %add3A_188 = arith.addi %add3A_124, %add3A_187 : i32
      %lt3A = arith.constant 79 : i32
      %lt3A_189 = arith.cmpi slt, %add3A_188, %lt3A : i32
      %convert_element_type3A_190 = arith.extui %lt3A_189 : i1 to i32
      %cond3A_191 = arith.constant 0 : i32
      %cond3A_192 = arith.cmpi ne, %convert_element_type3A_190, %cond3A_191 : i32
      scf.if %cond3A_192 {
        %add3A_193 = arith.constant 2 : i32
        %add3A_194 = arith.addi %add3A_124, %add3A_193 : i32
        %rem3A_195 = arith.constant 3 : i32
        %rem3A_196 = arith.remsi %add3A_194, %rem3A_195 : i32
        %add3A_197 = arith.constant 2 : i32
        %add3A_198 = arith.addi %add3A_124, %add3A_197 : i32
        %mul3A_199 = arith.constant 2 : i32
        %mul3A_200 = arith.muli %add3A_198, %mul3A_199 : i32
        %add3A_201 = arith.addi %mul3A_2, %mul3A_200 : i32
        %mul3A_202 = arith.constant 2 : i32
        %mul3A_203 = arith.muli %rem3A_196, %mul3A_202 : i32
        %dma_start3A_204 = arith.constant 0 : i32
        %dma_start3A_205 = tpu.memref_slice %arg6[%mul3A_203, %dma_start3A_204] : memref<6x128xi32, #tpu.memory_space<vmem>> -> memref<2x128xi32, #tpu.memory_space<vmem>>
        %dma_start3A_206 = arith.constant 0 : i32
        %dma_start3A_207 = tpu.memref_slice %arg3[%add3A_201, %dma_start3A_206] : memref<5056x128xi32, #tpu.memory_space<hbm>> -> memref<2x128xi32, #tpu.memory_space<hbm>>
        %dma_start3A_208 = tpu.memref_slice %arg7[%rem3A_196] : memref<3x!tpu.dma_semaphore, #tpu.memory_space<semaphore_mem>> -> memref<1x!tpu.dma_semaphore, #tpu.memory_space<semaphore_mem>>
        %dma_start3A_209 = tpu.memref_squeeze %dma_start3A_208 : memref<1x!tpu.dma_semaphore, #tpu.memory_space<semaphore_mem>> -> memref<!tpu.dma_semaphore, #tpu.memory_space<semaphore_mem>>
        %dma_start3A_210 = arith.constant 0 : i32
        %dma_start3A_211 = tpu.memref_slice %arg6[%mul3A_203, %dma_start3A_210] : memref<6x128xi32, #tpu.memory_space<vmem>> -> memref<2x128xi32, #tpu.memory_space<vmem>>
        %dma_start3A_212 = arith.constant 0 : i32
        %dma_start3A_213 = tpu.memref_slice %arg3[%add3A_201, %dma_start3A_212] : memref<5056x128xi32, #tpu.memory_space<hbm>> -> memref<2x128xi32, #tpu.memory_space<hbm>>
        tpu.enqueue_dma source(%dma_start3A_213 : memref<2x128xi32, #tpu.memory_space<hbm>>) target(%dma_start3A_211 : memref<2x128xi32, #tpu.memory_space<vmem>>) target_semaphore(%dma_start3A_209 : memref<!tpu.dma_semaphore, #tpu.memory_space<semaphore_mem>>)
      } else {
      }
    }
    %scan3A_33 = arith.constant 79 : i32
    %dma_wait3A = arith.constant 0 : i32
    %dma_wait3A_34 = arith.constant 0 : i32
    %dma_wait3A_35 = arith.constant 0 : i32
    %dma_wait3A_36 = arith.constant 0 : i32
    %dma_wait3A_37 = arith.constant 0 : i32
    %dma_wait3A_38 = tpu.memref_slice %arg5[%dma_wait3A_34, %dma_wait3A_36, %dma_wait3A_37] : memref<4x128x128xf32, #tpu.memory_space<vmem>> -> memref<1x128x128xf32, #tpu.memory_space<vmem>>
    %dma_wait3A_39 = tpu.memref_squeeze %dma_wait3A_38 : memref<1x128x128xf32, #tpu.memory_space<vmem>> -> memref<128x128xf32, #tpu.memory_space<vmem>>
    %dma_wait3A_40 = arith.constant 0 : i32
    %dma_wait3A_41 = tpu.memref_slice %arg6[%dma_wait3A, %dma_wait3A_40] : memref<6x128xi32, #tpu.memory_space<vmem>> -> memref<1x128xi32, #tpu.memory_space<vmem>>
    %dma_wait3A_42 = tpu.memref_squeeze %dma_wait3A_41 : memref<1x128xi32, #tpu.memory_space<vmem>> -> memref<128xi32, #tpu.memory_space<vmem>>
    %dma_wait3A_43 = arith.constant 0 : i32
    %dma_wait3A_44 = arith.constant 0 : i32
    %dma_wait3A_45 = tpu.memref_slice %arg2[%dma_wait3A_43, %dma_wait3A_44] : memref<10000x128xf32, #tpu.memory_space<hbm>> -> memref<10000x128xf32, #tpu.memory_space<hbm>>
    %dma_wait3A_46 = tpu.memref_slice %arg8[%dma_wait3A_35] : memref<2x!tpu.dma_semaphore, #tpu.memory_space<semaphore_mem>> -> memref<1x!tpu.dma_semaphore, #tpu.memory_space<semaphore_mem>>
    %dma_wait3A_47 = tpu.memref_squeeze %dma_wait3A_46 : memref<1x!tpu.dma_semaphore, #tpu.memory_space<semaphore_mem>> -> memref<!tpu.dma_semaphore, #tpu.memory_space<semaphore_mem>>
    tpu.wait_indirect_dma semaphore(%dma_wait3A_47 : memref<!tpu.dma_semaphore, #tpu.memory_space<semaphore_mem>>) src(%dma_wait3A_45 : memref<10000x128xf32, #tpu.memory_space<hbm>>) dst(%dma_wait3A_39 : memref<128x128xf32, #tpu.memory_space<vmem>>)
    %dma_wait3A_48 = arith.constant 1 : i32
    %dma_wait3A_49 = arith.constant 1 : i32
    %dma_wait3A_50 = arith.constant 0 : i32
    %dma_wait3A_51 = arith.constant 0 : i32
    %dma_wait3A_52 = arith.constant 0 : i32
    %dma_wait3A_53 = tpu.memref_slice %arg5[%dma_wait3A_49, %dma_wait3A_51, %dma_wait3A_52] : memref<4x128x128xf32, #tpu.memory_space<vmem>> -> memref<1x128x128xf32, #tpu.memory_space<vmem>>
    %dma_wait3A_54 = tpu.memref_squeeze %dma_wait3A_53 : memref<1x128x128xf32, #tpu.memory_space<vmem>> -> memref<128x128xf32, #tpu.memory_space<vmem>>
    %dma_wait3A_55 = arith.constant 0 : i32
    %dma_wait3A_56 = tpu.memref_slice %arg6[%dma_wait3A_48, %dma_wait3A_55] : memref<6x128xi32, #tpu.memory_space<vmem>> -> memref<1x128xi32, #tpu.memory_space<vmem>>
    %dma_wait3A_57 = tpu.memref_squeeze %dma_wait3A_56 : memref<1x128xi32, #tpu.memory_space<vmem>> -> memref<128xi32, #tpu.memory_space<vmem>>
    %dma_wait3A_58 = arith.constant 0 : i32
    %dma_wait3A_59 = arith.constant 0 : i32
    %dma_wait3A_60 = tpu.memref_slice %arg2[%dma_wait3A_58, %dma_wait3A_59] : memref<10000x128xf32, #tpu.memory_space<hbm>> -> memref<10000x128xf32, #tpu.memory_space<hbm>>
    %dma_wait3A_61 = tpu.memref_slice %arg8[%dma_wait3A_50] : memref<2x!tpu.dma_semaphore, #tpu.memory_space<semaphore_mem>> -> memref<1x!tpu.dma_semaphore, #tpu.memory_space<semaphore_mem>>
    %dma_wait3A_62 = tpu.memref_squeeze %dma_wait3A_61 : memref<1x!tpu.dma_semaphore, #tpu.memory_space<semaphore_mem>> -> memref<!tpu.dma_semaphore, #tpu.memory_space<semaphore_mem>>
    tpu.wait_indirect_dma semaphore(%dma_wait3A_62 : memref<!tpu.dma_semaphore, #tpu.memory_space<semaphore_mem>>) src(%dma_wait3A_60 : memref<10000x128xf32, #tpu.memory_space<hbm>>) dst(%dma_wait3A_54 : memref<128x128xf32, #tpu.memory_space<vmem>>)
    %add3A_63 = arith.constant 156 : i32
    %add3A_64 = arith.addi %mul3A_2, %add3A_63 : i32
    %dma_start3A_65 = arith.constant 0 : i32
    %dma_start3A_66 = arith.constant 0 : i32
    %dma_start3A_67 = arith.constant 0 : i32
    %dma_start3A_68 = arith.constant 0 : i32
    %dma_start3A_69 = tpu.memref_slice %arg5[%dma_start3A_66, %dma_start3A_67, %dma_start3A_68] : memref<4x128x128xf32, #tpu.memory_space<vmem>> -> memref<2x128x128xf32, #tpu.memory_space<vmem>>
    %dma_start3A_70 = arith.constant 0 : i32
    %dma_start3A_71 = arith.constant 0 : i32
    %dma_start3A_72 = tpu.memref_slice %arg4[%add3A_64, %dma_start3A_70, %dma_start3A_71] : memref<5056x128x128xf32, #tpu.memory_space<hbm>> -> memref<2x128x128xf32, #tpu.memory_space<hbm>>
    %dma_start3A_73 = tpu.memref_slice %arg9[%dma_start3A_65] : memref<2x!tpu.dma_semaphore, #tpu.memory_space<semaphore_mem>> -> memref<1x!tpu.dma_semaphore, #tpu.memory_space<semaphore_mem>>
    %dma_start3A_74 = tpu.memref_squeeze %dma_start3A_73 : memref<1x!tpu.dma_semaphore, #tpu.memory_space<semaphore_mem>> -> memref<!tpu.dma_semaphore, #tpu.memory_space<semaphore_mem>>
    %dma_start3A_75 = arith.constant 0 : i32
    %dma_start3A_76 = arith.constant 0 : i32
    %dma_start3A_77 = tpu.memref_slice %arg4[%add3A_64, %dma_start3A_75, %dma_start3A_76] : memref<5056x128x128xf32, #tpu.memory_space<hbm>> -> memref<2x128x128xf32, #tpu.memory_space<hbm>>
    %dma_start3A_78 = arith.constant 0 : i32
    %dma_start3A_79 = arith.constant 0 : i32
    %dma_start3A_80 = arith.constant 0 : i32
    %dma_start3A_81 = tpu.memref_slice %arg5[%dma_start3A_78, %dma_start3A_79, %dma_start3A_80] : memref<4x128x128xf32, #tpu.memory_space<vmem>> -> memref<2x128x128xf32, #tpu.memory_space<vmem>>
    tpu.enqueue_dma source(%dma_start3A_81 : memref<2x128x128xf32, #tpu.memory_space<vmem>>) target(%dma_start3A_77 : memref<2x128x128xf32, #tpu.memory_space<hbm>>) target_semaphore(%dma_start3A_74 : memref<!tpu.dma_semaphore, #tpu.memory_space<semaphore_mem>>)
    %add3A_82 = arith.constant 154 : i32
    %add3A_83 = arith.addi %mul3A_2, %add3A_82 : i32
    %dma_wait3A_84 = arith.constant 1 : i32
    %dma_wait3A_85 = arith.constant 2 : i32
    %dma_wait3A_86 = arith.constant 0 : i32
    %dma_wait3A_87 = arith.constant 0 : i32
    %dma_wait3A_88 = tpu.memref_slice %arg5[%dma_wait3A_85, %dma_wait3A_86, %dma_wait3A_87] : memref<4x128x128xf32, #tpu.memory_space<vmem>> -> memref<2x128x128xf32, #tpu.memory_space<vmem>>
    %dma_wait3A_89 = arith.constant 0 : i32
    %dma_wait3A_90 = arith.constant 0 : i32
    %dma_wait3A_91 = tpu.memref_slice %arg4[%add3A_83, %dma_wait3A_89, %dma_wait3A_90] : memref<5056x128x128xf32, #tpu.memory_space<hbm>> -> memref<2x128x128xf32, #tpu.memory_space<hbm>>
    %dma_wait3A_92 = tpu.memref_slice %arg9[%dma_wait3A_84] : memref<2x!tpu.dma_semaphore, #tpu.memory_space<semaphore_mem>> -> memref<1x!tpu.dma_semaphore, #tpu.memory_space<semaphore_mem>>
    %dma_wait3A_93 = tpu.memref_squeeze %dma_wait3A_92 : memref<1x!tpu.dma_semaphore, #tpu.memory_space<semaphore_mem>> -> memref<!tpu.dma_semaphore, #tpu.memory_space<semaphore_mem>>
    %dma_wait3A_94 = arith.constant 0 : i32
    %dma_wait3A_95 = arith.constant 0 : i32
    %dma_wait3A_96 = tpu.memref_slice %arg4[%add3A_83, %dma_wait3A_94, %dma_wait3A_95] : memref<5056x128x128xf32, #tpu.memory_space<hbm>> -> memref<2x128x128xf32, #tpu.memory_space<hbm>>
    %dma_wait3A_97 = arith.constant 2 : i32
    %dma_wait3A_98 = arith.constant 0 : i32
    %dma_wait3A_99 = arith.constant 0 : i32
    %dma_wait3A_100 = tpu.memref_slice %arg5[%dma_wait3A_97, %dma_wait3A_98, %dma_wait3A_99] : memref<4x128x128xf32, #tpu.memory_space<vmem>> -> memref<2x128x128xf32, #tpu.memory_space<vmem>>
    tpu.wait_dma2 semaphore(%dma_wait3A_93 : memref<!tpu.dma_semaphore, #tpu.memory_space<semaphore_mem>>) src(%dma_wait3A_100 : memref<2x128x128xf32, #tpu.memory_space<vmem>>) dst(%dma_wait3A_96 : memref<2x128x128xf32, #tpu.memory_space<hbm>>)
    %add3A_101 = arith.constant 156 : i32
    %add3A_102 = arith.addi %mul3A_2, %add3A_101 : i32
    %dma_wait3A_103 = arith.constant 0 : i32
    %dma_wait3A_104 = arith.constant 0 : i32
    %dma_wait3A_105 = arith.constant 0 : i32
    %dma_wait3A_106 = arith.constant 0 : i32
    %dma_wait3A_107 = tpu.memref_slice %arg5[%dma_wait3A_104, %dma_wait3A_105, %dma_wait3A_106] : memref<4x128x128xf32, #tpu.memory_space<vmem>> -> memref<2x128x128xf32, #tpu.memory_space<vmem>>
    %dma_wait3A_108 = arith.constant 0 : i32
    %dma_wait3A_109 = arith.constant 0 : i32
    %dma_wait3A_110 = tpu.memref_slice %arg4[%add3A_102, %dma_wait3A_108, %dma_wait3A_109] : memref<5056x128x128xf32, #tpu.memory_space<hbm>> -> memref<2x128x128xf32, #tpu.memory_space<hbm>>
    %dma_wait3A_111 = tpu.memref_slice %arg9[%dma_wait3A_103] : memref<2x!tpu.dma_semaphore, #tpu.memory_space<semaphore_mem>> -> memref<1x!tpu.dma_semaphore, #tpu.memory_space<semaphore_mem>>
    %dma_wait3A_112 = tpu.memref_squeeze %dma_wait3A_111 : memref<1x!tpu.dma_semaphore, #tpu.memory_space<semaphore_mem>> -> memref<!tpu.dma_semaphore, #tpu.memory_space<semaphore_mem>>
    %dma_wait3A_113 = arith.constant 0 : i32
    %dma_wait3A_114 = arith.constant 0 : i32
    %dma_wait3A_115 = tpu.memref_slice %arg4[%add3A_102, %dma_wait3A_113, %dma_wait3A_114] : memref<5056x128x128xf32, #tpu.memory_space<hbm>> -> memref<2x128x128xf32, #tpu.memory_space<hbm>>
    %dma_wait3A_116 = arith.constant 0 : i32
    %dma_wait3A_117 = arith.constant 0 : i32
    %dma_wait3A_118 = arith.constant 0 : i32
    %dma_wait3A_119 = tpu.memref_slice %arg5[%dma_wait3A_116, %dma_wait3A_117, %dma_wait3A_118] : memref<4x128x128xf32, #tpu.memory_space<vmem>> -> memref<2x128x128xf32, #tpu.memory_space<vmem>>
    tpu.wait_dma2 semaphore(%dma_wait3A_112 : memref<!tpu.dma_semaphore, #tpu.memory_space<semaphore_mem>>) src(%dma_wait3A_119 : memref<2x128x128xf32, #tpu.memory_space<vmem>>) dst(%dma_wait3A_115 : memref<2x128x128xf32, #tpu.memory_space<hbm>>)
    return
  }
}

#map = affine_map<(d0, d1) -> (0, 0)>
#map1 = affine_map<(d0, d1) -> (0, 0, 0)>
module attributes {stable_mosaic.version = 14 : i64} {
  func.func @k(%arg0: i32, %arg1: i32, %arg2: memref<320000x128xf32, #tpu.memory_space<hbm>>, %arg3: memref<2500x128xi32, #tpu.memory_space<hbm>>, %arg4: memref<2x10240x128xf32, #tpu.memory_space<hbm>>, %arg5: memref<10240x128xf32, #tpu.memory_space<vmem_shared>>, %arg6: memref<256x128xf32, #tpu.memory_space<vmem>>, %arg7: memref<2x128xi32, #tpu.memory_space<vmem>>) attributes {dimension_semantics = [#tpu.dimension_semantics<core_parallel>, #tpu.dimension_semantics<subcore_parallel>], iteration_bounds = array<i64: 2, 16>, scalar_prefetch = 0 : i64, scratch_operands = 3 : i64, tpu.core_type = #tpu.core_type<sc_vector_subcore>, window_params = [{transform_indices = #map}, {transform_indices = #map}, {transform_indices = #map1}]} {
    %mul3A = arith.constant 16 : i32
    %mul3A_0 = arith.muli %arg0, %mul3A : i32
    %add3A = arith.addi %mul3A_0, %arg1 : i32
    %scan3A = arith.constant 0 : i32
    %scan3A_1 = arith.constant 128 : i32
    %scan3A_2 = arith.addi %scan3A, %scan3A_1 : i32
    %scan3A_3 = arith.constant 1 : i32
    scf.for %scan3A_20 = %scan3A to %scan3A_2 step %scan3A_3  : i32 {
      %mul3A_21 = arith.constant 1 : i32
      %mul3A_22 = arith.muli %scan3A_20, %mul3A_21 : i32
      %add3A_23 = arith.constant 0 : i32
      %add3A_24 = arith.addi %add3A_23, %mul3A_22 : i32
      %scan3A_25 = arith.constant 0 : i32
      %scan3A_26 = arith.constant 8 : i32
      %scan3A_27 = arith.addi %scan3A_25, %scan3A_26 : i32
      %scan3A_28 = arith.constant 1 : i32
      scf.for %scan3A_30 = %scan3A_25 to %scan3A_27 step %scan3A_28  : i32 {
        %mul3A_31 = arith.constant 16 : i32
        %mul3A_32 = arith.muli %scan3A_30, %mul3A_31 : i32
        %add3A_33 = arith.constant 0 : i32
        %add3A_34 = arith.addi %add3A_33, %mul3A_32 : i32
        %broadcast_in_dim3A = arith.constant 0.000000e+00 : f32
        %broadcast_in_dim3A_35 = vector.broadcast %broadcast_in_dim3A : f32 to vector<16xf32>
        %swap3A = arith.index_cast %add3A_24 : i32 to index
        %swap3A_36 = arith.index_cast %add3A_34 : i32 to index
        %swap3A_37 = tpu.vector_load %arg6[%swap3A, %swap3A_36] {strides = array<i32>} : memref<256x128xf32, #tpu.memory_space<vmem>>, vector<1x16xf32>,
        %swap3A_38 = vector.shape_cast %swap3A_37 : vector<1x16xf32> to vector<16xf32>
        %swap3A_39 = vector.shape_cast %broadcast_in_dim3A_35 : vector<16xf32> to vector<1x16xf32>
        tpu.vector_store %arg6[%swap3A, %swap3A_36], %swap3A_39 {strides = array<i32>} : memref<256x128xf32, #tpu.memory_space<vmem>>, vector<1x16xf32>,
      }
      %scan3A_29 = arith.constant 8 : i32
    }
    %scan3A_4 = arith.constant 128 : i32
    %scan3A_5 = arith.constant 0 : i32
    %scan3A_6 = arith.constant 5 : i32
    %scan3A_7 = arith.addi %scan3A_5, %scan3A_6 : i32
    %scan3A_8 = arith.constant 1 : i32
    scf.for %scan3A_20 = %scan3A_5 to %scan3A_7 step %scan3A_8  : i32 {
      %mul3A_21 = arith.constant 1 : i32
      %mul3A_22 = arith.muli %scan3A_20, %mul3A_21 : i32
      %add3A_23 = arith.constant 0 : i32
      %add3A_24 = arith.addi %add3A_23, %mul3A_22 : i32
      %mul3A_25 = arith.constant 640 : i32
      %mul3A_26 = arith.muli %arg1, %mul3A_25 : i32
      %mul3A_27 = arith.constant 128 : i32
      %mul3A_28 = arith.muli %add3A_24, %mul3A_27 : i32
      %add3A_29 = arith.addi %mul3A_26, %mul3A_28 : i32
      "tpu.region"() ({
        %run_scoped3A = tpu.sem_alloc : memref<!tpu.dma_semaphore, #tpu.memory_space<semaphore_mem>>
        %dma_start3A = arith.constant 0 : i32
        %dma_start3A_30 = arith.constant 0 : i32
        %dma_start3A_31 = tpu.memref_slice %arg6[%dma_start3A, %dma_start3A_30] : memref<256x128xf32, #tpu.memory_space<vmem>> -> memref<128x128xf32, #tpu.memory_space<vmem>>
        %dma_start3A_32 = arith.constant 0 : i32
        %dma_start3A_33 = tpu.memref_slice %arg5[%add3A_29, %dma_start3A_32] : memref<10240x128xf32, #tpu.memory_space<vmem_shared>> -> memref<128x128xf32, #tpu.memory_space<vmem_shared>>
        %dma_start3A_34 = arith.constant 0 : i32
        %dma_start3A_35 = tpu.memref_slice %arg5[%add3A_29, %dma_start3A_34] : memref<10240x128xf32, #tpu.memory_space<vmem_shared>> -> memref<128x128xf32, #tpu.memory_space<vmem_shared>>
        %dma_start3A_36 = arith.constant 0 : i32
        %dma_start3A_37 = arith.constant 0 : i32
        %dma_start3A_38 = tpu.memref_slice %arg6[%dma_start3A_36, %dma_start3A_37] : memref<256x128xf32, #tpu.memory_space<vmem>> -> memref<128x128xf32, #tpu.memory_space<vmem>>
        tpu.enqueue_dma source(%dma_start3A_38 : memref<128x128xf32, #tpu.memory_space<vmem>>) target(%dma_start3A_35 : memref<128x128xf32, #tpu.memory_space<vmem_shared>>) target_semaphore(%run_scoped3A : memref<!tpu.dma_semaphore, #tpu.memory_space<semaphore_mem>>)
        %dma_wait3A = arith.constant 0 : i32
        %dma_wait3A_39 = arith.constant 0 : i32
        %dma_wait3A_40 = tpu.memref_slice %arg6[%dma_wait3A, %dma_wait3A_39] : memref<256x128xf32, #tpu.memory_space<vmem>> -> memref<128x128xf32, #tpu.memory_space<vmem>>
        %dma_wait3A_41 = arith.constant 0 : i32
        %dma_wait3A_42 = tpu.memref_slice %arg5[%add3A_29, %dma_wait3A_41] : memref<10240x128xf32, #tpu.memory_space<vmem_shared>> -> memref<128x128xf32, #tpu.memory_space<vmem_shared>>
        %dma_wait3A_43 = arith.constant 0 : i32
        %dma_wait3A_44 = tpu.memref_slice %arg5[%add3A_29, %dma_wait3A_43] : memref<10240x128xf32, #tpu.memory_space<vmem_shared>> -> memref<128x128xf32, #tpu.memory_space<vmem_shared>>
        %dma_wait3A_45 = arith.constant 0 : i32
        %dma_wait3A_46 = arith.constant 0 : i32
        %dma_wait3A_47 = tpu.memref_slice %arg6[%dma_wait3A_45, %dma_wait3A_46] : memref<256x128xf32, #tpu.memory_space<vmem>> -> memref<128x128xf32, #tpu.memory_space<vmem>>
        tpu.wait_dma2 semaphore(%run_scoped3A : memref<!tpu.dma_semaphore, #tpu.memory_space<semaphore_mem>>) src(%dma_wait3A_47 : memref<128x128xf32, #tpu.memory_space<vmem>>) dst(%dma_wait3A_44 : memref<128x128xf32, #tpu.memory_space<vmem_shared>>)
        tpu.yield
      }) : () -> ()
    }
    %scan3A_9 = arith.constant 5 : i32
    %barrier3A = arith.constant 0 : index
    tpu.barrier barrier_id(%barrier3A)
    %scan3A_10 = arith.constant 0 : i32
    %scan3A_11 = arith.constant 40 : i32
    %scan3A_12 = arith.addi %scan3A_10, %scan3A_11 : i32
    %scan3A_13 = arith.constant 1 : i32
    scf.for %scan3A_20 = %scan3A_10 to %scan3A_12 step %scan3A_13  : i32 {
      %mul3A_21 = arith.constant 1 : i32
      %mul3A_22 = arith.muli %scan3A_20, %mul3A_21 : i32
      %add3A_23 = arith.constant 0 : i32
      %add3A_24 = arith.addi %add3A_23, %mul3A_22 : i32
      %mul3A_25 = arith.constant 32 : i32
      %mul3A_26 = arith.muli %add3A_24, %mul3A_25 : i32
      %add3A_27 = arith.addi %add3A, %mul3A_26 : i32
      %lt3A = arith.constant 1250 : i32
      %lt3A_28 = arith.cmpi slt, %add3A_27, %lt3A : i32
      %convert_element_type3A = arith.extui %lt3A_28 : i1 to i32
      %cond3A = arith.constant 0 : i32
      %cond3A_29 = arith.cmpi ne, %convert_element_type3A, %cond3A : i32
      scf.if %cond3A_29 {
        %mul3A_30 = arith.constant 256 : i32
        %mul3A_31 = arith.muli %add3A_27, %mul3A_30 : i32
        "tpu.region"() ({
          %run_scoped3A_35 = tpu.sem_alloc : memref<!tpu.dma_semaphore, #tpu.memory_space<semaphore_mem>>
          %dma_start3A = arith.constant 0 : i32
          %dma_start3A_36 = tpu.memref_slice %arg2[%mul3A_31, %dma_start3A] : memref<320000x128xf32, #tpu.memory_space<hbm>> -> memref<256x128xf32, #tpu.memory_space<hbm>>
          %dma_start3A_37 = arith.constant 0 : i32
          %dma_start3A_38 = tpu.memref_slice %arg2[%mul3A_31, %dma_start3A_37] : memref<320000x128xf32, #tpu.memory_space<hbm>> -> memref<256x128xf32, #tpu.memory_space<hbm>>
          tpu.enqueue_dma source(%dma_start3A_38 : memref<256x128xf32, #tpu.memory_space<hbm>>) target(%arg6 : memref<256x128xf32, #tpu.memory_space<vmem>>) target_semaphore(%run_scoped3A_35 : memref<!tpu.dma_semaphore, #tpu.memory_space<semaphore_mem>>)
          %dma_wait3A = arith.constant 0 : i32
          %dma_wait3A_39 = tpu.memref_slice %arg2[%mul3A_31, %dma_wait3A] : memref<320000x128xf32, #tpu.memory_space<hbm>> -> memref<256x128xf32, #tpu.memory_space<hbm>>
          %dma_wait3A_40 = arith.constant 0 : i32
          %dma_wait3A_41 = tpu.memref_slice %arg2[%mul3A_31, %dma_wait3A_40] : memref<320000x128xf32, #tpu.memory_space<hbm>> -> memref<256x128xf32, #tpu.memory_space<hbm>>
          tpu.wait_dma2 semaphore(%run_scoped3A_35 : memref<!tpu.dma_semaphore, #tpu.memory_space<semaphore_mem>>) src(%dma_wait3A_41 : memref<256x128xf32, #tpu.memory_space<hbm>>) dst(%arg6 : memref<256x128xf32, #tpu.memory_space<vmem>>)
          tpu.yield
        }) : () -> ()
        %mul3A_32 = arith.constant 2 : i32
        %mul3A_33 = arith.muli %add3A_27, %mul3A_32 : i32
        "tpu.region"() ({
          %run_scoped3A_35 = tpu.sem_alloc : memref<!tpu.dma_semaphore, #tpu.memory_space<semaphore_mem>>
          %dma_start3A = arith.constant 0 : i32
          %dma_start3A_36 = tpu.memref_slice %arg3[%mul3A_33, %dma_start3A] : memref<2500x128xi32, #tpu.memory_space<hbm>> -> memref<2x128xi32, #tpu.memory_space<hbm>>
          %dma_start3A_37 = arith.constant 0 : i32
          %dma_start3A_38 = tpu.memref_slice %arg3[%mul3A_33, %dma_start3A_37] : memref<2500x128xi32, #tpu.memory_space<hbm>> -> memref<2x128xi32, #tpu.memory_space<hbm>>
          tpu.enqueue_dma source(%dma_start3A_38 : memref<2x128xi32, #tpu.memory_space<hbm>>) target(%arg7 : memref<2x128xi32, #tpu.memory_space<vmem>>) target_semaphore(%run_scoped3A_35 : memref<!tpu.dma_semaphore, #tpu.memory_space<semaphore_mem>>)
          %dma_wait3A = arith.constant 0 : i32
          %dma_wait3A_39 = tpu.memref_slice %arg3[%mul3A_33, %dma_wait3A] : memref<2500x128xi32, #tpu.memory_space<hbm>> -> memref<2x128xi32, #tpu.memory_space<hbm>>
          %dma_wait3A_40 = arith.constant 0 : i32
          %dma_wait3A_41 = tpu.memref_slice %arg3[%mul3A_33, %dma_wait3A_40] : memref<2500x128xi32, #tpu.memory_space<hbm>> -> memref<2x128xi32, #tpu.memory_space<hbm>>
          tpu.wait_dma2 semaphore(%run_scoped3A_35 : memref<!tpu.dma_semaphore, #tpu.memory_space<semaphore_mem>>) src(%dma_wait3A_41 : memref<2x128xi32, #tpu.memory_space<hbm>>) dst(%arg7 : memref<2x128xi32, #tpu.memory_space<vmem>>)
          tpu.yield
        }) : () -> ()
        %run_scoped3A = arith.constant 0 : i32
        "tpu.region"() ({
          %run_scoped3A_35 = tpu.sem_alloc : memref<!tpu.dma_semaphore, #tpu.memory_space<semaphore_mem>>
          %dma_start3A = arith.constant 0 : i32
          %dma_start3A_36 = arith.constant 0 : i32
          %dma_start3A_37 = tpu.memref_slice %arg6[%dma_start3A, %dma_start3A_36] : memref<256x128xf32, #tpu.memory_space<vmem>> -> memref<128x128xf32, #tpu.memory_space<vmem>>
          %dma_start3A_38 = arith.constant 0 : i32
          %dma_start3A_39 = tpu.memref_slice %arg7[%run_scoped3A, %dma_start3A_38] : memref<2x128xi32, #tpu.memory_space<vmem>> -> memref<1x128xi32, #tpu.memory_space<vmem>>
          %dma_start3A_40 = tpu.memref_squeeze %dma_start3A_39 : memref<1x128xi32, #tpu.memory_space<vmem>> -> memref<128xi32, #tpu.memory_space<vmem>>
          %dma_start3A_41 = arith.constant 0 : i32
          %dma_start3A_42 = arith.constant 0 : i32
          %dma_start3A_43 = tpu.memref_slice %arg5[%dma_start3A_41, %dma_start3A_42] : memref<10240x128xf32, #tpu.memory_space<vmem_shared>> -> memref<10240x128xf32, #tpu.memory_space<vmem_shared>>
          tpu.enqueue_indirect_dma source(%dma_start3A_37 : memref<128x128xf32, #tpu.memory_space<vmem>>) target(%dma_start3A_43 : memref<10240x128xf32, #tpu.memory_space<vmem_shared>>) offsets(%dma_start3A_40 : memref<128xi32, #tpu.memory_space<vmem>>) semaphore(%run_scoped3A_35 : memref<!tpu.dma_semaphore, #tpu.memory_space<semaphore_mem>>) {add = true}
          %dma_wait3A = arith.constant 0 : i32
          %dma_wait3A_44 = arith.constant 0 : i32
          %dma_wait3A_45 = tpu.memref_slice %arg6[%dma_wait3A, %dma_wait3A_44] : memref<256x128xf32, #tpu.memory_space<vmem>> -> memref<128x128xf32, #tpu.memory_space<vmem>>
          %dma_wait3A_46 = arith.constant 0 : i32
          %dma_wait3A_47 = tpu.memref_slice %arg7[%run_scoped3A, %dma_wait3A_46] : memref<2x128xi32, #tpu.memory_space<vmem>> -> memref<1x128xi32, #tpu.memory_space<vmem>>
          %dma_wait3A_48 = tpu.memref_squeeze %dma_wait3A_47 : memref<1x128xi32, #tpu.memory_space<vmem>> -> memref<128xi32, #tpu.memory_space<vmem>>
          %dma_wait3A_49 = arith.constant 0 : i32
          %dma_wait3A_50 = arith.constant 0 : i32
          %dma_wait3A_51 = tpu.memref_slice %arg5[%dma_wait3A_49, %dma_wait3A_50] : memref<10240x128xf32, #tpu.memory_space<vmem_shared>> -> memref<10240x128xf32, #tpu.memory_space<vmem_shared>>
          tpu.wait_indirect_dma semaphore(%run_scoped3A_35 : memref<!tpu.dma_semaphore, #tpu.memory_space<semaphore_mem>>) src(%dma_wait3A_45 : memref<128x128xf32, #tpu.memory_space<vmem>>) dst(%dma_wait3A_51 : memref<10240x128xf32, #tpu.memory_space<vmem_shared>>)
          tpu.yield
        }) : () -> ()
        %run_scoped3A_34 = arith.constant 1 : i32
        "tpu.region"() ({
          %run_scoped3A_35 = tpu.sem_alloc : memref<!tpu.dma_semaphore, #tpu.memory_space<semaphore_mem>>
          %dma_start3A = arith.constant 128 : i32
          %dma_start3A_36 = arith.constant 0 : i32
          %dma_start3A_37 = tpu.memref_slice %arg6[%dma_start3A, %dma_start3A_36] : memref<256x128xf32, #tpu.memory_space<vmem>> -> memref<128x128xf32, #tpu.memory_space<vmem>>
          %dma_start3A_38 = arith.constant 0 : i32
          %dma_start3A_39 = tpu.memref_slice %arg7[%run_scoped3A_34, %dma_start3A_38] : memref<2x128xi32, #tpu.memory_space<vmem>> -> memref<1x128xi32, #tpu.memory_space<vmem>>
          %dma_start3A_40 = tpu.memref_squeeze %dma_start3A_39 : memref<1x128xi32, #tpu.memory_space<vmem>> -> memref<128xi32, #tpu.memory_space<vmem>>
          %dma_start3A_41 = arith.constant 0 : i32
          %dma_start3A_42 = arith.constant 0 : i32
          %dma_start3A_43 = tpu.memref_slice %arg5[%dma_start3A_41, %dma_start3A_42] : memref<10240x128xf32, #tpu.memory_space<vmem_shared>> -> memref<10240x128xf32, #tpu.memory_space<vmem_shared>>
          tpu.enqueue_indirect_dma source(%dma_start3A_37 : memref<128x128xf32, #tpu.memory_space<vmem>>) target(%dma_start3A_43 : memref<10240x128xf32, #tpu.memory_space<vmem_shared>>) offsets(%dma_start3A_40 : memref<128xi32, #tpu.memory_space<vmem>>) semaphore(%run_scoped3A_35 : memref<!tpu.dma_semaphore, #tpu.memory_space<semaphore_mem>>) {add = true}
          %dma_wait3A = arith.constant 128 : i32
          %dma_wait3A_44 = arith.constant 0 : i32
          %dma_wait3A_45 = tpu.memref_slice %arg6[%dma_wait3A, %dma_wait3A_44] : memref<256x128xf32, #tpu.memory_space<vmem>> -> memref<128x128xf32, #tpu.memory_space<vmem>>
          %dma_wait3A_46 = arith.constant 0 : i32
          %dma_wait3A_47 = tpu.memref_slice %arg7[%run_scoped3A_34, %dma_wait3A_46] : memref<2x128xi32, #tpu.memory_space<vmem>> -> memref<1x128xi32, #tpu.memory_space<vmem>>
          %dma_wait3A_48 = tpu.memref_squeeze %dma_wait3A_47 : memref<1x128xi32, #tpu.memory_space<vmem>> -> memref<128xi32, #tpu.memory_space<vmem>>
          %dma_wait3A_49 = arith.constant 0 : i32
          %dma_wait3A_50 = arith.constant 0 : i32
          %dma_wait3A_51 = tpu.memref_slice %arg5[%dma_wait3A_49, %dma_wait3A_50] : memref<10240x128xf32, #tpu.memory_space<vmem_shared>> -> memref<10240x128xf32, #tpu.memory_space<vmem_shared>>
          tpu.wait_indirect_dma semaphore(%run_scoped3A_35 : memref<!tpu.dma_semaphore, #tpu.memory_space<semaphore_mem>>) src(%dma_wait3A_45 : memref<128x128xf32, #tpu.memory_space<vmem>>) dst(%dma_wait3A_51 : memref<10240x128xf32, #tpu.memory_space<vmem_shared>>)
          tpu.yield
        }) : () -> ()
      } else {
      }
    }
    %scan3A_14 = arith.constant 40 : i32
    %barrier3A_15 = arith.constant 0 : index
    tpu.barrier barrier_id(%barrier3A_15)
    %mul3A_16 = arith.constant 640 : i32
    %mul3A_17 = arith.muli %arg1, %mul3A_16 : i32
    %mul3A_18 = arith.constant 640 : i32
    %mul3A_19 = arith.muli %arg1, %mul3A_18 : i32
    "tpu.region"() ({
      %run_scoped3A = tpu.sem_alloc : memref<!tpu.dma_semaphore, #tpu.memory_space<semaphore_mem>>
      %dma_start3A = arith.constant 0 : i32
      %dma_start3A_20 = tpu.memref_slice %arg4[%arg0, %mul3A_19, %dma_start3A] : memref<2x10240x128xf32, #tpu.memory_space<hbm>> -> memref<1x640x128xf32, #tpu.memory_space<hbm>>
      %dma_start3A_21 = tpu.memref_squeeze %dma_start3A_20 : memref<1x640x128xf32, #tpu.memory_space<hbm>> -> memref<640x128xf32, #tpu.memory_space<hbm>>
      %dma_start3A_22 = arith.constant 0 : i32
      %dma_start3A_23 = tpu.memref_slice %arg5[%mul3A_17, %dma_start3A_22] : memref<10240x128xf32, #tpu.memory_space<vmem_shared>> -> memref<640x128xf32, #tpu.memory_space<vmem_shared>>
      tpu.enqueue_dma source(%dma_start3A_23 : memref<640x128xf32, #tpu.memory_space<vmem_shared>>) target(%dma_start3A_21 : memref<640x128xf32, #tpu.memory_space<hbm>>) target_semaphore(%run_scoped3A : memref<!tpu.dma_semaphore, #tpu.memory_space<semaphore_mem>>)
      %dma_wait3A = arith.constant 0 : i32
      %dma_wait3A_24 = tpu.memref_slice %arg4[%arg0, %mul3A_19, %dma_wait3A] : memref<2x10240x128xf32, #tpu.memory_space<hbm>> -> memref<1x640x128xf32, #tpu.memory_space<hbm>>
      %dma_wait3A_25 = tpu.memref_squeeze %dma_wait3A_24 : memref<1x640x128xf32, #tpu.memory_space<hbm>> -> memref<640x128xf32, #tpu.memory_space<hbm>>
      %dma_wait3A_26 = arith.constant 0 : i32
      %dma_wait3A_27 = tpu.memref_slice %arg5[%mul3A_17, %dma_wait3A_26] : memref<10240x128xf32, #tpu.memory_space<vmem_shared>> -> memref<640x128xf32, #tpu.memory_space<vmem_shared>>
      tpu.wait_dma2 semaphore(%run_scoped3A : memref<!tpu.dma_semaphore, #tpu.memory_space<semaphore_mem>>) src(%dma_wait3A_27 : memref<640x128xf32, #tpu.memory_space<vmem_shared>>) dst(%dma_wait3A_25 : memref<640x128xf32, #tpu.memory_space<hbm>>)
      tpu.yield
    }) : () -> ()
    return
  }
}

#map = affine_map<(d0, d1) -> (0, 0)>
#map1 = affine_map<(d0, d1) -> (0, 0, 0)>
module attributes {stable_mosaic.version = 14 : i64} {
  func.func @k(%arg0: i32, %arg1: i32, %arg2: memref<10000x128xf32, #tpu.memory_space<hbm>>, %arg3: memref<5056x128xi32, #tpu.memory_space<hbm>>, %arg4: memref<5056x128x128xf32, #tpu.memory_space<hbm>>, %arg5: memref<4x128x128xf32, #tpu.memory_space<vmem>>, %arg6: memref<6x128xi32, #tpu.memory_space<vmem>>, %arg7: memref<3x!tpu.dma_semaphore, #tpu.memory_space<semaphore_mem>>, %arg8: memref<2x!tpu.dma_semaphore, #tpu.memory_space<semaphore_mem>>, %arg9: memref<2x!tpu.dma_semaphore, #tpu.memory_space<semaphore_mem>>) attributes {dimension_semantics = [#tpu.dimension_semantics<core_parallel>, #tpu.dimension_semantics<subcore_parallel>], iteration_bounds = array<i64: 2, 16>, scalar_prefetch = 0 : i64, scratch_operands = 5 : i64, tpu.core_type = #tpu.core_type<sc_vector_subcore>, window_params = [{transform_indices = #map}, {transform_indices = #map}, {transform_indices = #map1}]} {
    %mul3A = arith.constant 16 : i32
    %mul3A_0 = arith.muli %arg0, %mul3A : i32
    %add3A = arith.addi %mul3A_0, %arg1 : i32
    %mul3A_1 = arith.constant 158 : i32
    %mul3A_2 = arith.muli %add3A, %mul3A_1 : i32
    %dma_start3A = arith.constant 0 : i32
    %dma_start3A_3 = arith.constant 0 : i32
    %dma_start3A_4 = arith.constant 0 : i32
    %dma_start3A_5 = tpu.memref_slice %arg6[%dma_start3A_3, %dma_start3A_4] : memref<6x128xi32, #tpu.memory_space<vmem>> -> memref<2x128xi32, #tpu.memory_space<vmem>>
    %dma_start3A_6 = arith.constant 0 : i32
    %dma_start3A_7 = tpu.memref_slice %arg3[%mul3A_2, %dma_start3A_6] : memref<5056x128xi32, #tpu.memory_space<hbm>> -> memref<2x128xi32, #tpu.memory_space<hbm>>
    %dma_start3A_8 = tpu.memref_slice %arg7[%dma_start3A] : memref<3x!tpu.dma_semaphore, #tpu.memory_space<semaphore_mem>> -> memref<1x!tpu.dma_semaphore, #tpu.memory_space<semaphore_mem>>
    %dma_start3A_9 = tpu.memref_squeeze %dma_start3A_8 : memref<1x!tpu.dma_semaphore, #tpu.memory_space<semaphore_mem>> -> memref<!tpu.dma_semaphore, #tpu.memory_space<semaphore_mem>>
    %dma_start3A_10 = arith.constant 0 : i32
    %dma_start3A_11 = arith.constant 0 : i32
    %dma_start3A_12 = tpu.memref_slice %arg6[%dma_start3A_10, %dma_start3A_11] : memref<6x128xi32, #tpu.memory_space<vmem>> -> memref<2x128xi32, #tpu.memory_space<vmem>>
    %dma_start3A_13 = arith.constant 0 : i32
    %dma_start3A_14 = tpu.memref_slice %arg3[%mul3A_2, %dma_start3A_13] : memref<5056x128xi32, #tpu.memory_space<hbm>> -> memref<2x128xi32, #tpu.memory_space<hbm>>
    tpu.enqueue_dma source(%dma_start3A_14 : memref<2x128xi32, #tpu.memory_space<hbm>>) target(%dma_start3A_12 : memref<2x128xi32, #tpu.memory_space<vmem>>) target_semaphore(%dma_start3A_9 : memref<!tpu.dma_semaphore, #tpu.memory_space<semaphore_mem>>)
    %add3A_15 = arith.constant 2 : i32
    %add3A_16 = arith.addi %mul3A_2, %add3A_15 : i32
    %dma_start3A_17 = arith.constant 1 : i32
    %dma_start3A_18 = arith.constant 2 : i32
    %dma_start3A_19 = arith.constant 0 : i32
    %dma_start3A_20 = tpu.memref_slice %arg6[%dma_start3A_18, %dma_start3A_19] : memref<6x128xi32, #tpu.memory_space<vmem>> -> memref<2x128xi32, #tpu.memory_space<vmem>>
    %dma_start3A_21 = arith.constant 0 : i32
    %dma_start3A_22 = tpu.memref_slice %arg3[%add3A_16, %dma_start3A_21] : memref<5056x128xi32, #tpu.memory_space<hbm>> -> memref<2x128xi32, #tpu.memory_space<hbm>>
    %dma_start3A_23 = tpu.memref_slice %arg7[%dma_start3A_17] : memref<3x!tpu.dma_semaphore, #tpu.memory_space<semaphore_mem>> -> memref<1x!tpu.dma_semaphore, #tpu.memory_space<semaphore_mem>>
    %dma_start3A_24 = tpu.memref_squeeze %dma_start3A_23 : memref<1x!tpu.dma_semaphore, #tpu.memory_space<semaphore_mem>> -> memref<!tpu.dma_semaphore, #tpu.memory_space<semaphore_mem>>
    %dma_start3A_25 = arith.constant 2 : i32
    %dma_start3A_26 = arith.constant 0 : i32
    %dma_start3A_27 = tpu.memref_slice %arg6[%dma_start3A_25, %dma_start3A_26] : memref<6x128xi32, #tpu.memory_space<vmem>> -> memref<2x128xi32, #tpu.memory_space<vmem>>
    %dma_start3A_28 = arith.constant 0 : i32
    %dma_start3A_29 = tpu.memref_slice %arg3[%add3A_16, %dma_start3A_28] : memref<5056x128xi32, #tpu.memory_space<hbm>> -> memref<2x128xi32, #tpu.memory_space<hbm>>
    tpu.enqueue_dma source(%dma_start3A_29 : memref<2x128xi32, #tpu.memory_space<hbm>>) target(%dma_start3A_27 : memref<2x128xi32, #tpu.memory_space<vmem>>) target_semaphore(%dma_start3A_24 : memref<!tpu.dma_semaphore, #tpu.memory_space<semaphore_mem>>)
    %scan3A = arith.constant 0 : i32
    %scan3A_30 = arith.constant 79 : i32
    %scan3A_31 = arith.addi %scan3A, %scan3A_30 : i32
    %scan3A_32 = arith.constant 1 : i32
    scf.for %scan3A_120 = %scan3A to %scan3A_31 step %scan3A_32  : i32 {
      %mul3A_121 = arith.constant 1 : i32
      %mul3A_122 = arith.muli %scan3A_120, %mul3A_121 : i32
      %add3A_123 = arith.constant 0 : i32
      %add3A_124 = arith.addi %add3A_123, %mul3A_122 : i32
      %rem3A = arith.constant 2 : i32
      %rem3A_125 = arith.remsi %add3A_124, %rem3A : i32
      %sub3A = arith.constant 1 : i32
      %sub3A_126 = arith.subi %sub3A, %rem3A_125 : i32
      %rem3A_127 = arith.constant 3 : i32
      %rem3A_128 = arith.remsi %add3A_124, %rem3A_127 : i32
      %ge3A = arith.constant 2 : i32
      %ge3A_129 = arith.cmpi sge, %add3A_124, %ge3A : i32
      %convert_element_type3A = arith.extui %ge3A_129 : i1 to i32
      %cond3A = arith.constant 0 : i32
      %cond3A_130 = arith.cmpi ne, %convert_element_type3A, %cond3A : i32
      scf.if %cond3A_130 {
        %mul3A_193 = arith.constant 2 : i32
        %mul3A_194 = arith.muli %rem3A_125, %mul3A_193 : i32
        %sub3A_195 = arith.constant 2 : i32
        %sub3A_196 = arith.subi %add3A_124, %sub3A_195 : i32
        %mul3A_197 = arith.constant 2 : i32
        %mul3A_198 = arith.muli %sub3A_196, %mul3A_197 : i32
        %add3A_199 = arith.addi %mul3A_2, %mul3A_198 : i32
        %dma_wait3A_200 = arith.constant 0 : i32
        %dma_wait3A_201 = arith.constant 0 : i32
        %dma_wait3A_202 = tpu.memref_slice %arg5[%mul3A_194, %dma_wait3A_200, %dma_wait3A_201] : memref<4x128x128xf32, #tpu.memory_space<vmem>> -> memref<2x128x128xf32, #tpu.memory_space<vmem>>
        %dma_wait3A_203 = arith.constant 0 : i32
        %dma_wait3A_204 = arith.constant 0 : i32
        %dma_wait3A_205 = tpu.memref_slice %arg4[%add3A_199, %dma_wait3A_203, %dma_wait3A_204] : memref<5056x128x128xf32, #tpu.memory_space<hbm>> -> memref<2x128x128xf32, #tpu.memory_space<hbm>>
        %dma_wait3A_206 = tpu.memref_slice %arg9[%rem3A_125] : memref<2x!tpu.dma_semaphore, #tpu.memory_space<semaphore_mem>> -> memref<1x!tpu.dma_semaphore, #tpu.memory_space<semaphore_mem>>
        %dma_wait3A_207 = tpu.memref_squeeze %dma_wait3A_206 : memref<1x!tpu.dma_semaphore, #tpu.memory_space<semaphore_mem>> -> memref<!tpu.dma_semaphore, #tpu.memory_space<semaphore_mem>>
        %dma_wait3A_208 = arith.constant 0 : i32
        %dma_wait3A_209 = arith.constant 0 : i32
        %dma_wait3A_210 = tpu.memref_slice %arg4[%add3A_199, %dma_wait3A_208, %dma_wait3A_209] : memref<5056x128x128xf32, #tpu.memory_space<hbm>> -> memref<2x128x128xf32, #tpu.memory_space<hbm>>
        %dma_wait3A_211 = arith.constant 0 : i32
        %dma_wait3A_212 = arith.constant 0 : i32
        %dma_wait3A_213 = tpu.memref_slice %arg5[%mul3A_194, %dma_wait3A_211, %dma_wait3A_212] : memref<4x128x128xf32, #tpu.memory_space<vmem>> -> memref<2x128x128xf32, #tpu.memory_space<vmem>>
        tpu.wait_dma2 semaphore(%dma_wait3A_207 : memref<!tpu.dma_semaphore, #tpu.memory_space<semaphore_mem>>) src(%dma_wait3A_213 : memref<2x128x128xf32, #tpu.memory_space<vmem>>) dst(%dma_wait3A_210 : memref<2x128x128xf32, #tpu.memory_space<hbm>>)
      } else {
      }
      %mul3A_131 = arith.constant 2 : i32
      %mul3A_132 = arith.muli %add3A_124, %mul3A_131 : i32
      %add3A_133 = arith.addi %mul3A_2, %mul3A_132 : i32
      %mul3A_134 = arith.constant 2 : i32
      %mul3A_135 = arith.muli %rem3A_128, %mul3A_134 : i32
      %dma_wait3A_136 = arith.constant 0 : i32
      %dma_wait3A_137 = tpu.memref_slice %arg6[%mul3A_135, %dma_wait3A_136] : memref<6x128xi32, #tpu.memory_space<vmem>> -> memref<2x128xi32, #tpu.memory_space<vmem>>
      %dma_wait3A_138 = arith.constant 0 : i32
      %dma_wait3A_139 = tpu.memref_slice %arg3[%add3A_133, %dma_wait3A_138] : memref<5056x128xi32, #tpu.memory_space<hbm>> -> memref<2x128xi32, #tpu.memory_space<hbm>>
      %dma_wait3A_140 = tpu.memref_slice %arg7[%rem3A_128] : memref<3x!tpu.dma_semaphore, #tpu.memory_space<semaphore_mem>> -> memref<1x!tpu.dma_semaphore, #tpu.memory_space<semaphore_mem>>
      %dma_wait3A_141 = tpu.memref_squeeze %dma_wait3A_140 : memref<1x!tpu.dma_semaphore, #tpu.memory_space<semaphore_mem>> -> memref<!tpu.dma_semaphore, #tpu.memory_space<semaphore_mem>>
      %dma_wait3A_142 = arith.constant 0 : i32
      %dma_wait3A_143 = tpu.memref_slice %arg6[%mul3A_135, %dma_wait3A_142] : memref<6x128xi32, #tpu.memory_space<vmem>> -> memref<2x128xi32, #tpu.memory_space<vmem>>
      %dma_wait3A_144 = arith.constant 0 : i32
      %dma_wait3A_145 = tpu.memref_slice %arg3[%add3A_133, %dma_wait3A_144] : memref<5056x128xi32, #tpu.memory_space<hbm>> -> memref<2x128xi32, #tpu.memory_space<hbm>>
      tpu.wait_dma2 semaphore(%dma_wait3A_141 : memref<!tpu.dma_semaphore, #tpu.memory_space<semaphore_mem>>) src(%dma_wait3A_145 : memref<2x128xi32, #tpu.memory_space<hbm>>) dst(%dma_wait3A_143 : memref<2x128xi32, #tpu.memory_space<vmem>>)
      %mul3A_146 = arith.constant 2 : i32
      %mul3A_147 = arith.muli %rem3A_128, %mul3A_146 : i32
      %mul3A_148 = arith.constant 2 : i32
      %mul3A_149 = arith.muli %rem3A_125, %mul3A_148 : i32
      %dma_start3A_150 = arith.constant 0 : i32
      %dma_start3A_151 = arith.constant 0 : i32
      %dma_start3A_152 = tpu.memref_slice %arg5[%mul3A_149, %dma_start3A_150, %dma_start3A_151] : memref<4x128x128xf32, #tpu.memory_space<vmem>> -> memref<1x128x128xf32, #tpu.memory_space<vmem>>
      %dma_start3A_153 = tpu.memref_squeeze %dma_start3A_152 : memref<1x128x128xf32, #tpu.memory_space<vmem>> -> memref<128x128xf32, #tpu.memory_space<vmem>>
      %dma_start3A_154 = arith.constant 0 : i32
      %dma_start3A_155 = tpu.memref_slice %arg6[%mul3A_147, %dma_start3A_154] : memref<6x128xi32, #tpu.memory_space<vmem>> -> memref<1x128xi32, #tpu.memory_space<vmem>>
      %dma_start3A_156 = tpu.memref_squeeze %dma_start3A_155 : memref<1x128xi32, #tpu.memory_space<vmem>> -> memref<128xi32, #tpu.memory_space<vmem>>
      %dma_start3A_157 = arith.constant 0 : i32
      %dma_start3A_158 = arith.constant 0 : i32
      %dma_start3A_159 = tpu.memref_slice %arg2[%dma_start3A_157, %dma_start3A_158] : memref<10000x128xf32, #tpu.memory_space<hbm>> -> memref<10000x128xf32, #tpu.memory_space<hbm>>
      %dma_start3A_160 = tpu.memref_slice %arg8[%rem3A_125] : memref<2x!tpu.dma_semaphore, #tpu.memory_space<semaphore_mem>> -> memref<1x!tpu.dma_semaphore, #tpu.memory_space<semaphore_mem>>
      %dma_start3A_161 = tpu.memref_squeeze %dma_start3A_160 : memref<1x!tpu.dma_semaphore, #tpu.memory_space<semaphore_mem>> -> memref<!tpu.dma_semaphore, #tpu.memory_space<semaphore_mem>>
      tpu.enqueue_indirect_dma source(%dma_start3A_159 : memref<10000x128xf32, #tpu.memory_space<hbm>>) target(%dma_start3A_153 : memref<128x128xf32, #tpu.memory_space<vmem>>) offsets(%dma_start3A_156 : memref<128xi32, #tpu.memory_space<vmem>>) semaphore(%dma_start3A_161 : memref<!tpu.dma_semaphore, #tpu.memory_space<semaphore_mem>>)
      %mul3A_162 = arith.constant 2 : i32
      %mul3A_163 = arith.muli %rem3A_128, %mul3A_162 : i32
      %add3A_164 = arith.constant 1 : i32
      %add3A_165 = arith.addi %mul3A_163, %add3A_164 : i32
      %mul3A_166 = arith.constant 2 : i32
      %mul3A_167 = arith.muli %rem3A_125, %mul3A_166 : i32
      %add3A_168 = arith.constant 1 : i32
      %add3A_169 = arith.addi %mul3A_167, %add3A_168 : i32
      %dma_start3A_170 = arith.constant 0 : i32
      %dma_start3A_171 = arith.constant 0 : i32
      %dma_start3A_172 = tpu.memref_slice %arg5[%add3A_169, %dma_start3A_170, %dma_start3A_171] : memref<4x128x128xf32, #tpu.memory_space<vmem>> -> memref<1x128x128xf32, #tpu.memory_space<vmem>>
      %dma_start3A_173 = tpu.memref_squeeze %dma_start3A_172 : memref<1x128x128xf32, #tpu.memory_space<vmem>> -> memref<128x128xf32, #tpu.memory_space<vmem>>
      %dma_start3A_174 = arith.constant 0 : i32
      %dma_start3A_175 = tpu.memref_slice %arg6[%add3A_165, %dma_start3A_174] : memref<6x128xi32, #tpu.memory_space<vmem>> -> memref<1x128xi32, #tpu.memory_space<vmem>>
      %dma_start3A_176 = tpu.memref_squeeze %dma_start3A_175 : memref<1x128xi32, #tpu.memory_space<vmem>> -> memref<128xi32, #tpu.memory_space<vmem>>
      %dma_start3A_177 = arith.constant 0 : i32
      %dma_start3A_178 = arith.constant 0 : i32
      %dma_start3A_179 = tpu.memref_slice %arg2[%dma_start3A_177, %dma_start3A_178] : memref<10000x128xf32, #tpu.memory_space<hbm>> -> memref<10000x128xf32, #tpu.memory_space<hbm>>
      %dma_start3A_180 = tpu.memref_slice %arg8[%rem3A_125] : memref<2x!tpu.dma_semaphore, #tpu.memory_space<semaphore_mem>> -> memref<1x!tpu.dma_semaphore, #tpu.memory_space<semaphore_mem>>
      %dma_start3A_181 = tpu.memref_squeeze %dma_start3A_180 : memref<1x!tpu.dma_semaphore, #tpu.memory_space<semaphore_mem>> -> memref<!tpu.dma_semaphore, #tpu.memory_space<semaphore_mem>>
      tpu.enqueue_indirect_dma source(%dma_start3A_179 : memref<10000x128xf32, #tpu.memory_space<hbm>>) target(%dma_start3A_173 : memref<128x128xf32, #tpu.memory_space<vmem>>) offsets(%dma_start3A_176 : memref<128xi32, #tpu.memory_space<vmem>>) semaphore(%dma_start3A_181 : memref<!tpu.dma_semaphore, #tpu.memory_space<semaphore_mem>>)
      %ge3A_182 = arith.constant 1 : i32
      %ge3A_183 = arith.cmpi sge, %add3A_124, %ge3A_182 : i32
      %convert_element_type3A_184 = arith.extui %ge3A_183 : i1 to i32
      %cond3A_185 = arith.constant 0 : i32
      %cond3A_186 = arith.cmpi ne, %convert_element_type3A_184, %cond3A_185 : i32
      scf.if %cond3A_186 {
        %add3A_193 = arith.constant 2 : i32
        %add3A_194 = arith.addi %add3A_124, %add3A_193 : i32
        %rem3A_195 = arith.constant 3 : i32
        %rem3A_196 = arith.remsi %add3A_194, %rem3A_195 : i32
        %mul3A_197 = arith.constant 2 : i32
        %mul3A_198 = arith.muli %rem3A_196, %mul3A_197 : i32
        %add3A_199 = arith.constant 0 : i32
        %add3A_200 = arith.addi %mul3A_198, %add3A_199 : i32
        %mul3A_201 = arith.constant 2 : i32
        %mul3A_202 = arith.muli %sub3A_126, %mul3A_201 : i32
        %add3A_203 = arith.constant 0 : i32
        %add3A_204 = arith.addi %mul3A_202, %add3A_203 : i32
        %dma_wait3A_205 = arith.constant 0 : i32
        %dma_wait3A_206 = arith.constant 0 : i32
        %dma_wait3A_207 = tpu.memref_slice %arg5[%add3A_204, %dma_wait3A_205, %dma_wait3A_206] : memref<4x128x128xf32, #tpu.memory_space<vmem>> -> memref<1x128x128xf32, #tpu.memory_space<vmem>>
        %dma_wait3A_208 = tpu.memref_squeeze %dma_wait3A_207 : memref<1x128x128xf32, #tpu.memory_space<vmem>> -> memref<128x128xf32, #tpu.memory_space<vmem>>
        %dma_wait3A_209 = arith.constant 0 : i32
        %dma_wait3A_210 = tpu.memref_slice %arg6[%add3A_200, %dma_wait3A_209] : memref<6x128xi32, #tpu.memory_space<vmem>> -> memref<1x128xi32, #tpu.memory_space<vmem>>
        %dma_wait3A_211 = tpu.memref_squeeze %dma_wait3A_210 : memref<1x128xi32, #tpu.memory_space<vmem>> -> memref<128xi32, #tpu.memory_space<vmem>>
        %dma_wait3A_212 = arith.constant 0 : i32
        %dma_wait3A_213 = arith.constant 0 : i32
        %dma_wait3A_214 = tpu.memref_slice %arg2[%dma_wait3A_212, %dma_wait3A_213] : memref<10000x128xf32, #tpu.memory_space<hbm>> -> memref<10000x128xf32, #tpu.memory_space<hbm>>
        %dma_wait3A_215 = tpu.memref_slice %arg8[%sub3A_126] : memref<2x!tpu.dma_semaphore, #tpu.memory_space<semaphore_mem>> -> memref<1x!tpu.dma_semaphore, #tpu.memory_space<semaphore_mem>>
        %dma_wait3A_216 = tpu.memref_squeeze %dma_wait3A_215 : memref<1x!tpu.dma_semaphore, #tpu.memory_space<semaphore_mem>> -> memref<!tpu.dma_semaphore, #tpu.memory_space<semaphore_mem>>
        tpu.wait_indirect_dma semaphore(%dma_wait3A_216 : memref<!tpu.dma_semaphore, #tpu.memory_space<semaphore_mem>>) src(%dma_wait3A_214 : memref<10000x128xf32, #tpu.memory_space<hbm>>) dst(%dma_wait3A_208 : memref<128x128xf32, #tpu.memory_space<vmem>>)
        %mul3A_217 = arith.constant 2 : i32
        %mul3A_218 = arith.muli %rem3A_196, %mul3A_217 : i32
        %add3A_219 = arith.constant 1 : i32
        %add3A_220 = arith.addi %mul3A_218, %add3A_219 : i32
        %mul3A_221 = arith.constant 2 : i32
        %mul3A_222 = arith.muli %sub3A_126, %mul3A_221 : i32
        %add3A_223 = arith.constant 1 : i32
        %add3A_224 = arith.addi %mul3A_222, %add3A_223 : i32
        %dma_wait3A_225 = arith.constant 0 : i32
        %dma_wait3A_226 = arith.constant 0 : i32
        %dma_wait3A_227 = tpu.memref_slice %arg5[%add3A_224, %dma_wait3A_225, %dma_wait3A_226] : memref<4x128x128xf32, #tpu.memory_space<vmem>> -> memref<1x128x128xf32, #tpu.memory_space<vmem>>
        %dma_wait3A_228 = tpu.memref_squeeze %dma_wait3A_227 : memref<1x128x128xf32, #tpu.memory_space<vmem>> -> memref<128x128xf32, #tpu.memory_space<vmem>>
        %dma_wait3A_229 = arith.constant 0 : i32
        %dma_wait3A_230 = tpu.memref_slice %arg6[%add3A_220, %dma_wait3A_229] : memref<6x128xi32, #tpu.memory_space<vmem>> -> memref<1x128xi32, #tpu.memory_space<vmem>>
        %dma_wait3A_231 = tpu.memref_squeeze %dma_wait3A_230 : memref<1x128xi32, #tpu.memory_space<vmem>> -> memref<128xi32, #tpu.memory_space<vmem>>
        %dma_wait3A_232 = arith.constant 0 : i32
        %dma_wait3A_233 = arith.constant 0 : i32
        %dma_wait3A_234 = tpu.memref_slice %arg2[%dma_wait3A_232, %dma_wait3A_233] : memref<10000x128xf32, #tpu.memory_space<hbm>> -> memref<10000x128xf32, #tpu.memory_space<hbm>>
        %dma_wait3A_235 = tpu.memref_slice %arg8[%sub3A_126] : memref<2x!tpu.dma_semaphore, #tpu.memory_space<semaphore_mem>> -> memref<1x!tpu.dma_semaphore, #tpu.memory_space<semaphore_mem>>
        %dma_wait3A_236 = tpu.memref_squeeze %dma_wait3A_235 : memref<1x!tpu.dma_semaphore, #tpu.memory_space<semaphore_mem>> -> memref<!tpu.dma_semaphore, #tpu.memory_space<semaphore_mem>>
        tpu.wait_indirect_dma semaphore(%dma_wait3A_236 : memref<!tpu.dma_semaphore, #tpu.memory_space<semaphore_mem>>) src(%dma_wait3A_234 : memref<10000x128xf32, #tpu.memory_space<hbm>>) dst(%dma_wait3A_228 : memref<128x128xf32, #tpu.memory_space<vmem>>)
        %mul3A_237 = arith.constant 2 : i32
        %mul3A_238 = arith.muli %sub3A_126, %mul3A_237 : i32
        %sub3A_239 = arith.constant 1 : i32
        %sub3A_240 = arith.subi %add3A_124, %sub3A_239 : i32
        %mul3A_241 = arith.constant 2 : i32
        %mul3A_242 = arith.muli %sub3A_240, %mul3A_241 : i32
        %add3A_243 = arith.addi %mul3A_2, %mul3A_242 : i32
        %dma_start3A_244 = arith.constant 0 : i32
        %dma_start3A_245 = arith.constant 0 : i32
        %dma_start3A_246 = tpu.memref_slice %arg5[%mul3A_238, %dma_start3A_244, %dma_start3A_245] : memref<4x128x128xf32, #tpu.memory_space<vmem>> -> memref<2x128x128xf32, #tpu.memory_space<vmem>>
        %dma_start3A_247 = arith.constant 0 : i32
        %dma_start3A_248 = arith.constant 0 : i32
        %dma_start3A_249 = tpu.memref_slice %arg4[%add3A_243, %dma_start3A_247, %dma_start3A_248] : memref<5056x128x128xf32, #tpu.memory_space<hbm>> -> memref<2x128x128xf32, #tpu.memory_space<hbm>>
        %dma_start3A_250 = tpu.memref_slice %arg9[%sub3A_126] : memref<2x!tpu.dma_semaphore, #tpu.memory_space<semaphore_mem>> -> memref<1x!tpu.dma_semaphore, #tpu.memory_space<semaphore_mem>>
        %dma_start3A_251 = tpu.memref_squeeze %dma_start3A_250 : memref<1x!tpu.dma_semaphore, #tpu.memory_space<semaphore_mem>> -> memref<!tpu.dma_semaphore, #tpu.memory_space<semaphore_mem>>
        %dma_start3A_252 = arith.constant 0 : i32
        %dma_start3A_253 = arith.constant 0 : i32
        %dma_start3A_254 = tpu.memref_slice %arg4[%add3A_243, %dma_start3A_252, %dma_start3A_253] : memref<5056x128x128xf32, #tpu.memory_space<hbm>> -> memref<2x128x128xf32, #tpu.memory_space<hbm>>
        %dma_start3A_255 = arith.constant 0 : i32
        %dma_start3A_256 = arith.constant 0 : i32
        %dma_start3A_257 = tpu.memref_slice %arg5[%mul3A_238, %dma_start3A_255, %dma_start3A_256] : memref<4x128x128xf32, #tpu.memory_space<vmem>> -> memref<2x128x128xf32, #tpu.memory_space<vmem>>
        tpu.enqueue_dma source(%dma_start3A_257 : memref<2x128x128xf32, #tpu.memory_space<vmem>>) target(%dma_start3A_254 : memref<2x128x128xf32, #tpu.memory_space<hbm>>) target_semaphore(%dma_start3A_251 : memref<!tpu.dma_semaphore, #tpu.memory_space<semaphore_mem>>)
      } else {
      }
      %add3A_187 = arith.constant 2 : i32
      %add3A_188 = arith.addi %add3A_124, %add3A_187 : i32
      %lt3A = arith.constant 79 : i32
      %lt3A_189 = arith.cmpi slt, %add3A_188, %lt3A : i32
      %convert_element_type3A_190 = arith.extui %lt3A_189 : i1 to i32
      %cond3A_191 = arith.constant 0 : i32
      %cond3A_192 = arith.cmpi ne, %convert_element_type3A_190, %cond3A_191 : i32
      scf.if %cond3A_192 {
        %add3A_193 = arith.constant 2 : i32
        %add3A_194 = arith.addi %add3A_124, %add3A_193 : i32
        %rem3A_195 = arith.constant 3 : i32
        %rem3A_196 = arith.remsi %add3A_194, %rem3A_195 : i32
        %add3A_197 = arith.constant 2 : i32
        %add3A_198 = arith.addi %add3A_124, %add3A_197 : i32
        %mul3A_199 = arith.constant 2 : i32
        %mul3A_200 = arith.muli %add3A_198, %mul3A_199 : i32
        %add3A_201 = arith.addi %mul3A_2, %mul3A_200 : i32
        %mul3A_202 = arith.constant 2 : i32
        %mul3A_203 = arith.muli %rem3A_196, %mul3A_202 : i32
        %dma_start3A_204 = arith.constant 0 : i32
        %dma_start3A_205 = tpu.memref_slice %arg6[%mul3A_203, %dma_start3A_204] : memref<6x128xi32, #tpu.memory_space<vmem>> -> memref<2x128xi32, #tpu.memory_space<vmem>>
        %dma_start3A_206 = arith.constant 0 : i32
        %dma_start3A_207 = tpu.memref_slice %arg3[%add3A_201, %dma_start3A_206] : memref<5056x128xi32, #tpu.memory_space<hbm>> -> memref<2x128xi32, #tpu.memory_space<hbm>>
        %dma_start3A_208 = tpu.memref_slice %arg7[%rem3A_196] : memref<3x!tpu.dma_semaphore, #tpu.memory_space<semaphore_mem>> -> memref<1x!tpu.dma_semaphore, #tpu.memory_space<semaphore_mem>>
        %dma_start3A_209 = tpu.memref_squeeze %dma_start3A_208 : memref<1x!tpu.dma_semaphore, #tpu.memory_space<semaphore_mem>> -> memref<!tpu.dma_semaphore, #tpu.memory_space<semaphore_mem>>
        %dma_start3A_210 = arith.constant 0 : i32
        %dma_start3A_211 = tpu.memref_slice %arg6[%mul3A_203, %dma_start3A_210] : memref<6x128xi32, #tpu.memory_space<vmem>> -> memref<2x128xi32, #tpu.memory_space<vmem>>
        %dma_start3A_212 = arith.constant 0 : i32
        %dma_start3A_213 = tpu.memref_slice %arg3[%add3A_201, %dma_start3A_212] : memref<5056x128xi32, #tpu.memory_space<hbm>> -> memref<2x128xi32, #tpu.memory_space<hbm>>
        tpu.enqueue_dma source(%dma_start3A_213 : memref<2x128xi32, #tpu.memory_space<hbm>>) target(%dma_start3A_211 : memref<2x128xi32, #tpu.memory_space<vmem>>) target_semaphore(%dma_start3A_209 : memref<!tpu.dma_semaphore, #tpu.memory_space<semaphore_mem>>)
      } else {
      }
    }
    %scan3A_33 = arith.constant 79 : i32
    %dma_wait3A = arith.constant 0 : i32
    %dma_wait3A_34 = arith.constant 0 : i32
    %dma_wait3A_35 = arith.constant 0 : i32
    %dma_wait3A_36 = arith.constant 0 : i32
    %dma_wait3A_37 = arith.constant 0 : i32
    %dma_wait3A_38 = tpu.memref_slice %arg5[%dma_wait3A_34, %dma_wait3A_36, %dma_wait3A_37] : memref<4x128x128xf32, #tpu.memory_space<vmem>> -> memref<1x128x128xf32, #tpu.memory_space<vmem>>
    %dma_wait3A_39 = tpu.memref_squeeze %dma_wait3A_38 : memref<1x128x128xf32, #tpu.memory_space<vmem>> -> memref<128x128xf32, #tpu.memory_space<vmem>>
    %dma_wait3A_40 = arith.constant 0 : i32
    %dma_wait3A_41 = tpu.memref_slice %arg6[%dma_wait3A, %dma_wait3A_40] : memref<6x128xi32, #tpu.memory_space<vmem>> -> memref<1x128xi32, #tpu.memory_space<vmem>>
    %dma_wait3A_42 = tpu.memref_squeeze %dma_wait3A_41 : memref<1x128xi32, #tpu.memory_space<vmem>> -> memref<128xi32, #tpu.memory_space<vmem>>
    %dma_wait3A_43 = arith.constant 0 : i32
    %dma_wait3A_44 = arith.constant 0 : i32
    %dma_wait3A_45 = tpu.memref_slice %arg2[%dma_wait3A_43, %dma_wait3A_44] : memref<10000x128xf32, #tpu.memory_space<hbm>> -> memref<10000x128xf32, #tpu.memory_space<hbm>>
    %dma_wait3A_46 = tpu.memref_slice %arg8[%dma_wait3A_35] : memref<2x!tpu.dma_semaphore, #tpu.memory_space<semaphore_mem>> -> memref<1x!tpu.dma_semaphore, #tpu.memory_space<semaphore_mem>>
    %dma_wait3A_47 = tpu.memref_squeeze %dma_wait3A_46 : memref<1x!tpu.dma_semaphore, #tpu.memory_space<semaphore_mem>> -> memref<!tpu.dma_semaphore, #tpu.memory_space<semaphore_mem>>
    tpu.wait_indirect_dma semaphore(%dma_wait3A_47 : memref<!tpu.dma_semaphore, #tpu.memory_space<semaphore_mem>>) src(%dma_wait3A_45 : memref<10000x128xf32, #tpu.memory_space<hbm>>) dst(%dma_wait3A_39 : memref<128x128xf32, #tpu.memory_space<vmem>>)
    %dma_wait3A_48 = arith.constant 1 : i32
    %dma_wait3A_49 = arith.constant 1 : i32
    %dma_wait3A_50 = arith.constant 0 : i32
    %dma_wait3A_51 = arith.constant 0 : i32
    %dma_wait3A_52 = arith.constant 0 : i32
    %dma_wait3A_53 = tpu.memref_slice %arg5[%dma_wait3A_49, %dma_wait3A_51, %dma_wait3A_52] : memref<4x128x128xf32, #tpu.memory_space<vmem>> -> memref<1x128x128xf32, #tpu.memory_space<vmem>>
    %dma_wait3A_54 = tpu.memref_squeeze %dma_wait3A_53 : memref<1x128x128xf32, #tpu.memory_space<vmem>> -> memref<128x128xf32, #tpu.memory_space<vmem>>
    %dma_wait3A_55 = arith.constant 0 : i32
    %dma_wait3A_56 = tpu.memref_slice %arg6[%dma_wait3A_48, %dma_wait3A_55] : memref<6x128xi32, #tpu.memory_space<vmem>> -> memref<1x128xi32, #tpu.memory_space<vmem>>
    %dma_wait3A_57 = tpu.memref_squeeze %dma_wait3A_56 : memref<1x128xi32, #tpu.memory_space<vmem>> -> memref<128xi32, #tpu.memory_space<vmem>>
    %dma_wait3A_58 = arith.constant 0 : i32
    %dma_wait3A_59 = arith.constant 0 : i32
    %dma_wait3A_60 = tpu.memref_slice %arg2[%dma_wait3A_58, %dma_wait3A_59] : memref<10000x128xf32, #tpu.memory_space<hbm>> -> memref<10000x128xf32, #tpu.memory_space<hbm>>
    %dma_wait3A_61 = tpu.memref_slice %arg8[%dma_wait3A_50] : memref<2x!tpu.dma_semaphore, #tpu.memory_space<semaphore_mem>> -> memref<1x!tpu.dma_semaphore, #tpu.memory_space<semaphore_mem>>
    %dma_wait3A_62 = tpu.memref_squeeze %dma_wait3A_61 : memref<1x!tpu.dma_semaphore, #tpu.memory_space<semaphore_mem>> -> memref<!tpu.dma_semaphore, #tpu.memory_space<semaphore_mem>>
    tpu.wait_indirect_dma semaphore(%dma_wait3A_62 : memref<!tpu.dma_semaphore, #tpu.memory_space<semaphore_mem>>) src(%dma_wait3A_60 : memref<10000x128xf32, #tpu.memory_space<hbm>>) dst(%dma_wait3A_54 : memref<128x128xf32, #tpu.memory_space<vmem>>)
    %add3A_63 = arith.constant 156 : i32
    %add3A_64 = arith.addi %mul3A_2, %add3A_63 : i32
    %dma_start3A_65 = arith.constant 0 : i32
    %dma_start3A_66 = arith.constant 0 : i32
    %dma_start3A_67 = arith.constant 0 : i32
    %dma_start3A_68 = arith.constant 0 : i32
    %dma_start3A_69 = tpu.memref_slice %arg5[%dma_start3A_66, %dma_start3A_67, %dma_start3A_68] : memref<4x128x128xf32, #tpu.memory_space<vmem>> -> memref<2x128x128xf32, #tpu.memory_space<vmem>>
    %dma_start3A_70 = arith.constant 0 : i32
    %dma_start3A_71 = arith.constant 0 : i32
    %dma_start3A_72 = tpu.memref_slice %arg4[%add3A_64, %dma_start3A_70, %dma_start3A_71] : memref<5056x128x128xf32, #tpu.memory_space<hbm>> -> memref<2x128x128xf32, #tpu.memory_space<hbm>>
    %dma_start3A_73 = tpu.memref_slice %arg9[%dma_start3A_65] : memref<2x!tpu.dma_semaphore, #tpu.memory_space<semaphore_mem>> -> memref<1x!tpu.dma_semaphore, #tpu.memory_space<semaphore_mem>>
    %dma_start3A_74 = tpu.memref_squeeze %dma_start3A_73 : memref<1x!tpu.dma_semaphore, #tpu.memory_space<semaphore_mem>> -> memref<!tpu.dma_semaphore, #tpu.memory_space<semaphore_mem>>
    %dma_start3A_75 = arith.constant 0 : i32
    %dma_start3A_76 = arith.constant 0 : i32
    %dma_start3A_77 = tpu.memref_slice %arg4[%add3A_64, %dma_start3A_75, %dma_start3A_76] : memref<5056x128x128xf32, #tpu.memory_space<hbm>> -> memref<2x128x128xf32, #tpu.memory_space<hbm>>
    %dma_start3A_78 = arith.constant 0 : i32
    %dma_start3A_79 = arith.constant 0 : i32
    %dma_start3A_80 = arith.constant 0 : i32
    %dma_start3A_81 = tpu.memref_slice %arg5[%dma_start3A_78, %dma_start3A_79, %dma_start3A_80] : memref<4x128x128xf32, #tpu.memory_space<vmem>> -> memref<2x128x128xf32, #tpu.memory_space<vmem>>
    tpu.enqueue_dma source(%dma_start3A_81 : memref<2x128x128xf32, #tpu.memory_space<vmem>>) target(%dma_start3A_77 : memref<2x128x128xf32, #tpu.memory_space<hbm>>) target_semaphore(%dma_start3A_74 : memref<!tpu.dma_semaphore, #tpu.memory_space<semaphore_mem>>)
    %add3A_82 = arith.constant 154 : i32
    %add3A_83 = arith.addi %mul3A_2, %add3A_82 : i32
    %dma_wait3A_84 = arith.constant 1 : i32
    %dma_wait3A_85 = arith.constant 2 : i32
    %dma_wait3A_86 = arith.constant 0 : i32
    %dma_wait3A_87 = arith.constant 0 : i32
    %dma_wait3A_88 = tpu.memref_slice %arg5[%dma_wait3A_85, %dma_wait3A_86, %dma_wait3A_87] : memref<4x128x128xf32, #tpu.memory_space<vmem>> -> memref<2x128x128xf32, #tpu.memory_space<vmem>>
    %dma_wait3A_89 = arith.constant 0 : i32
    %dma_wait3A_90 = arith.constant 0 : i32
    %dma_wait3A_91 = tpu.memref_slice %arg4[%add3A_83, %dma_wait3A_89, %dma_wait3A_90] : memref<5056x128x128xf32, #tpu.memory_space<hbm>> -> memref<2x128x128xf32, #tpu.memory_space<hbm>>
    %dma_wait3A_92 = tpu.memref_slice %arg9[%dma_wait3A_84] : memref<2x!tpu.dma_semaphore, #tpu.memory_space<semaphore_mem>> -> memref<1x!tpu.dma_semaphore, #tpu.memory_space<semaphore_mem>>
    %dma_wait3A_93 = tpu.memref_squeeze %dma_wait3A_92 : memref<1x!tpu.dma_semaphore, #tpu.memory_space<semaphore_mem>> -> memref<!tpu.dma_semaphore, #tpu.memory_space<semaphore_mem>>
    %dma_wait3A_94 = arith.constant 0 : i32
    %dma_wait3A_95 = arith.constant 0 : i32
    %dma_wait3A_96 = tpu.memref_slice %arg4[%add3A_83, %dma_wait3A_94, %dma_wait3A_95] : memref<5056x128x128xf32, #tpu.memory_space<hbm>> -> memref<2x128x128xf32, #tpu.memory_space<hbm>>
    %dma_wait3A_97 = arith.constant 2 : i32
    %dma_wait3A_98 = arith.constant 0 : i32
    %dma_wait3A_99 = arith.constant 0 : i32
    %dma_wait3A_100 = tpu.memref_slice %arg5[%dma_wait3A_97, %dma_wait3A_98, %dma_wait3A_99] : memref<4x128x128xf32, #tpu.memory_space<vmem>> -> memref<2x128x128xf32, #tpu.memory_space<vmem>>
    tpu.wait_dma2 semaphore(%dma_wait3A_93 : memref<!tpu.dma_semaphore, #tpu.memory_space<semaphore_mem>>) src(%dma_wait3A_100 : memref<2x128x128xf32, #tpu.memory_space<vmem>>) dst(%dma_wait3A_96 : memref<2x128x128xf32, #tpu.memory_space<hbm>>)
    %add3A_101 = arith.constant 156 : i32
    %add3A_102 = arith.addi %mul3A_2, %add3A_101 : i32
    %dma_wait3A_103 = arith.constant 0 : i32
    %dma_wait3A_104 = arith.constant 0 : i32
    %dma_wait3A_105 = arith.constant 0 : i32
    %dma_wait3A_106 = arith.constant 0 : i32
    %dma_wait3A_107 = tpu.memref_slice %arg5[%dma_wait3A_104, %dma_wait3A_105, %dma_wait3A_106] : memref<4x128x128xf32, #tpu.memory_space<vmem>> -> memref<2x128x128xf32, #tpu.memory_space<vmem>>
    %dma_wait3A_108 = arith.constant 0 : i32
    %dma_wait3A_109 = arith.constant 0 : i32
    %dma_wait3A_110 = tpu.memref_slice %arg4[%add3A_102, %dma_wait3A_108, %dma_wait3A_109] : memref<5056x128x128xf32, #tpu.memory_space<hbm>> -> memref<2x128x128xf32, #tpu.memory_space<hbm>>
    %dma_wait3A_111 = tpu.memref_slice %arg9[%dma_wait3A_103] : memref<2x!tpu.dma_semaphore, #tpu.memory_space<semaphore_mem>> -> memref<1x!tpu.dma_semaphore, #tpu.memory_space<semaphore_mem>>
    %dma_wait3A_112 = tpu.memref_squeeze %dma_wait3A_111 : memref<1x!tpu.dma_semaphore, #tpu.memory_space<semaphore_mem>> -> memref<!tpu.dma_semaphore, #tpu.memory_space<semaphore_mem>>
    %dma_wait3A_113 = arith.constant 0 : i32
    %dma_wait3A_114 = arith.constant 0 : i32
    %dma_wait3A_115 = tpu.memref_slice %arg4[%add3A_102, %dma_wait3A_113, %dma_wait3A_114] : memref<5056x128x128xf32, #tpu.memory_space<hbm>> -> memref<2x128x128xf32, #tpu.memory_space<hbm>>
    %dma_wait3A_116 = arith.constant 0 : i32
    %dma_wait3A_117 = arith.constant 0 : i32
    %dma_wait3A_118 = arith.constant 0 : i32
    %dma_wait3A_119 = tpu.memref_slice %arg5[%dma_wait3A_116, %dma_wait3A_117, %dma_wait3A_118] : memref<4x128x128xf32, #tpu.memory_space<vmem>> -> memref<2x128x128xf32, #tpu.memory_space<vmem>>
    tpu.wait_dma2 semaphore(%dma_wait3A_112 : memref<!tpu.dma_semaphore, #tpu.memory_space<semaphore_mem>>) src(%dma_wait3A_119 : memref<2x128x128xf32, #tpu.memory_space<vmem>>) dst(%dma_wait3A_115 : memref<2x128x128xf32, #tpu.memory_space<hbm>>)
    return
  }
}

#map = affine_map<(d0, d1) -> (0, 0)>
#map1 = affine_map<(d0, d1) -> (0, 0, 0)>
module attributes {stable_mosaic.version = 14 : i64} {
  func.func @k(%arg0: i32, %arg1: i32, %arg2: memref<320000x128xf32, #tpu.memory_space<hbm>>, %arg3: memref<2500x128xi32, #tpu.memory_space<hbm>>, %arg4: memref<2x10240x128xf32, #tpu.memory_space<hbm>>, %arg5: memref<10240x128xf32, #tpu.memory_space<vmem_shared>>, %arg6: memref<256x128xf32, #tpu.memory_space<vmem>>, %arg7: memref<2x128xi32, #tpu.memory_space<vmem>>) attributes {dimension_semantics = [#tpu.dimension_semantics<core_parallel>, #tpu.dimension_semantics<subcore_parallel>], iteration_bounds = array<i64: 2, 16>, scalar_prefetch = 0 : i64, scratch_operands = 3 : i64, tpu.core_type = #tpu.core_type<sc_vector_subcore>, window_params = [{transform_indices = #map}, {transform_indices = #map}, {transform_indices = #map1}]} {
    %mul3A = arith.constant 16 : i32
    %mul3A_0 = arith.muli %arg0, %mul3A : i32
    %add3A = arith.addi %mul3A_0, %arg1 : i32
    %scan3A = arith.constant 0 : i32
    %scan3A_1 = arith.constant 128 : i32
    %scan3A_2 = arith.addi %scan3A, %scan3A_1 : i32
    %scan3A_3 = arith.constant 1 : i32
    scf.for %scan3A_20 = %scan3A to %scan3A_2 step %scan3A_3  : i32 {
      %mul3A_21 = arith.constant 1 : i32
      %mul3A_22 = arith.muli %scan3A_20, %mul3A_21 : i32
      %add3A_23 = arith.constant 0 : i32
      %add3A_24 = arith.addi %add3A_23, %mul3A_22 : i32
      %scan3A_25 = arith.constant 0 : i32
      %scan3A_26 = arith.constant 8 : i32
      %scan3A_27 = arith.addi %scan3A_25, %scan3A_26 : i32
      %scan3A_28 = arith.constant 1 : i32
      scf.for %scan3A_30 = %scan3A_25 to %scan3A_27 step %scan3A_28  : i32 {
        %mul3A_31 = arith.constant 16 : i32
        %mul3A_32 = arith.muli %scan3A_30, %mul3A_31 : i32
        %add3A_33 = arith.constant 0 : i32
        %add3A_34 = arith.addi %add3A_33, %mul3A_32 : i32
        %broadcast_in_dim3A = arith.constant 0.000000e+00 : f32
        %broadcast_in_dim3A_35 = vector.broadcast %broadcast_in_dim3A : f32 to vector<16xf32>
        %swap3A = arith.index_cast %add3A_24 : i32 to index
        %swap3A_36 = arith.index_cast %add3A_34 : i32 to index
        %swap3A_37 = tpu.vector_load %arg6[%swap3A, %swap3A_36] {strides = array<i32>} : memref<256x128xf32, #tpu.memory_space<vmem>>, vector<1x16xf32>,
        %swap3A_38 = vector.shape_cast %swap3A_37 : vector<1x16xf32> to vector<16xf32>
        %swap3A_39 = vector.shape_cast %broadcast_in_dim3A_35 : vector<16xf32> to vector<1x16xf32>
        tpu.vector_store %arg6[%swap3A, %swap3A_36], %swap3A_39 {strides = array<i32>} : memref<256x128xf32, #tpu.memory_space<vmem>>, vector<1x16xf32>,
      }
      %scan3A_29 = arith.constant 8 : i32
    }
    %scan3A_4 = arith.constant 128 : i32
    %scan3A_5 = arith.constant 0 : i32
    %scan3A_6 = arith.constant 5 : i32
    %scan3A_7 = arith.addi %scan3A_5, %scan3A_6 : i32
    %scan3A_8 = arith.constant 1 : i32
    scf.for %scan3A_20 = %scan3A_5 to %scan3A_7 step %scan3A_8  : i32 {
      %mul3A_21 = arith.constant 1 : i32
      %mul3A_22 = arith.muli %scan3A_20, %mul3A_21 : i32
      %add3A_23 = arith.constant 0 : i32
      %add3A_24 = arith.addi %add3A_23, %mul3A_22 : i32
      %mul3A_25 = arith.constant 640 : i32
      %mul3A_26 = arith.muli %arg1, %mul3A_25 : i32
      %mul3A_27 = arith.constant 128 : i32
      %mul3A_28 = arith.muli %add3A_24, %mul3A_27 : i32
      %add3A_29 = arith.addi %mul3A_26, %mul3A_28 : i32
      "tpu.region"() ({
        %run_scoped3A = tpu.sem_alloc : memref<!tpu.dma_semaphore, #tpu.memory_space<semaphore_mem>>
        %dma_start3A = arith.constant 0 : i32
        %dma_start3A_30 = arith.constant 0 : i32
        %dma_start3A_31 = tpu.memref_slice %arg6[%dma_start3A, %dma_start3A_30] : memref<256x128xf32, #tpu.memory_space<vmem>> -> memref<128x128xf32, #tpu.memory_space<vmem>>
        %dma_start3A_32 = arith.constant 0 : i32
        %dma_start3A_33 = tpu.memref_slice %arg5[%add3A_29, %dma_start3A_32] : memref<10240x128xf32, #tpu.memory_space<vmem_shared>> -> memref<128x128xf32, #tpu.memory_space<vmem_shared>>
        %dma_start3A_34 = arith.constant 0 : i32
        %dma_start3A_35 = tpu.memref_slice %arg5[%add3A_29, %dma_start3A_34] : memref<10240x128xf32, #tpu.memory_space<vmem_shared>> -> memref<128x128xf32, #tpu.memory_space<vmem_shared>>
        %dma_start3A_36 = arith.constant 0 : i32
        %dma_start3A_37 = arith.constant 0 : i32
        %dma_start3A_38 = tpu.memref_slice %arg6[%dma_start3A_36, %dma_start3A_37] : memref<256x128xf32, #tpu.memory_space<vmem>> -> memref<128x128xf32, #tpu.memory_space<vmem>>
        tpu.enqueue_dma source(%dma_start3A_38 : memref<128x128xf32, #tpu.memory_space<vmem>>) target(%dma_start3A_35 : memref<128x128xf32, #tpu.memory_space<vmem_shared>>) target_semaphore(%run_scoped3A : memref<!tpu.dma_semaphore, #tpu.memory_space<semaphore_mem>>)
        %dma_wait3A = arith.constant 0 : i32
        %dma_wait3A_39 = arith.constant 0 : i32
        %dma_wait3A_40 = tpu.memref_slice %arg6[%dma_wait3A, %dma_wait3A_39] : memref<256x128xf32, #tpu.memory_space<vmem>> -> memref<128x128xf32, #tpu.memory_space<vmem>>
        %dma_wait3A_41 = arith.constant 0 : i32
        %dma_wait3A_42 = tpu.memref_slice %arg5[%add3A_29, %dma_wait3A_41] : memref<10240x128xf32, #tpu.memory_space<vmem_shared>> -> memref<128x128xf32, #tpu.memory_space<vmem_shared>>
        %dma_wait3A_43 = arith.constant 0 : i32
        %dma_wait3A_44 = tpu.memref_slice %arg5[%add3A_29, %dma_wait3A_43] : memref<10240x128xf32, #tpu.memory_space<vmem_shared>> -> memref<128x128xf32, #tpu.memory_space<vmem_shared>>
        %dma_wait3A_45 = arith.constant 0 : i32
        %dma_wait3A_46 = arith.constant 0 : i32
        %dma_wait3A_47 = tpu.memref_slice %arg6[%dma_wait3A_45, %dma_wait3A_46] : memref<256x128xf32, #tpu.memory_space<vmem>> -> memref<128x128xf32, #tpu.memory_space<vmem>>
        tpu.wait_dma2 semaphore(%run_scoped3A : memref<!tpu.dma_semaphore, #tpu.memory_space<semaphore_mem>>) src(%dma_wait3A_47 : memref<128x128xf32, #tpu.memory_space<vmem>>) dst(%dma_wait3A_44 : memref<128x128xf32, #tpu.memory_space<vmem_shared>>)
        tpu.yield
      }) : () -> ()
    }
    %scan3A_9 = arith.constant 5 : i32
    %barrier3A = arith.constant 0 : index
    tpu.barrier barrier_id(%barrier3A)
    %scan3A_10 = arith.constant 0 : i32
    %scan3A_11 = arith.constant 40 : i32
    %scan3A_12 = arith.addi %scan3A_10, %scan3A_11 : i32
    %scan3A_13 = arith.constant 1 : i32
    scf.for %scan3A_20 = %scan3A_10 to %scan3A_12 step %scan3A_13  : i32 {
      %mul3A_21 = arith.constant 1 : i32
      %mul3A_22 = arith.muli %scan3A_20, %mul3A_21 : i32
      %add3A_23 = arith.constant 0 : i32
      %add3A_24 = arith.addi %add3A_23, %mul3A_22 : i32
      %mul3A_25 = arith.constant 32 : i32
      %mul3A_26 = arith.muli %add3A_24, %mul3A_25 : i32
      %add3A_27 = arith.addi %add3A, %mul3A_26 : i32
      %lt3A = arith.constant 1250 : i32
      %lt3A_28 = arith.cmpi slt, %add3A_27, %lt3A : i32
      %convert_element_type3A = arith.extui %lt3A_28 : i1 to i32
      %cond3A = arith.constant 0 : i32
      %cond3A_29 = arith.cmpi ne, %convert_element_type3A, %cond3A : i32
      scf.if %cond3A_29 {
        %mul3A_30 = arith.constant 256 : i32
        %mul3A_31 = arith.muli %add3A_27, %mul3A_30 : i32
        "tpu.region"() ({
          %run_scoped3A_35 = tpu.sem_alloc : memref<!tpu.dma_semaphore, #tpu.memory_space<semaphore_mem>>
          %dma_start3A = arith.constant 0 : i32
          %dma_start3A_36 = tpu.memref_slice %arg2[%mul3A_31, %dma_start3A] : memref<320000x128xf32, #tpu.memory_space<hbm>> -> memref<256x128xf32, #tpu.memory_space<hbm>>
          %dma_start3A_37 = arith.constant 0 : i32
          %dma_start3A_38 = tpu.memref_slice %arg2[%mul3A_31, %dma_start3A_37] : memref<320000x128xf32, #tpu.memory_space<hbm>> -> memref<256x128xf32, #tpu.memory_space<hbm>>
          tpu.enqueue_dma source(%dma_start3A_38 : memref<256x128xf32, #tpu.memory_space<hbm>>) target(%arg6 : memref<256x128xf32, #tpu.memory_space<vmem>>) target_semaphore(%run_scoped3A_35 : memref<!tpu.dma_semaphore, #tpu.memory_space<semaphore_mem>>)
          %dma_wait3A = arith.constant 0 : i32
          %dma_wait3A_39 = tpu.memref_slice %arg2[%mul3A_31, %dma_wait3A] : memref<320000x128xf32, #tpu.memory_space<hbm>> -> memref<256x128xf32, #tpu.memory_space<hbm>>
          %dma_wait3A_40 = arith.constant 0 : i32
          %dma_wait3A_41 = tpu.memref_slice %arg2[%mul3A_31, %dma_wait3A_40] : memref<320000x128xf32, #tpu.memory_space<hbm>> -> memref<256x128xf32, #tpu.memory_space<hbm>>
          tpu.wait_dma2 semaphore(%run_scoped3A_35 : memref<!tpu.dma_semaphore, #tpu.memory_space<semaphore_mem>>) src(%dma_wait3A_41 : memref<256x128xf32, #tpu.memory_space<hbm>>) dst(%arg6 : memref<256x128xf32, #tpu.memory_space<vmem>>)
          tpu.yield
        }) : () -> ()
        %mul3A_32 = arith.constant 2 : i32
        %mul3A_33 = arith.muli %add3A_27, %mul3A_32 : i32
        "tpu.region"() ({
          %run_scoped3A_35 = tpu.sem_alloc : memref<!tpu.dma_semaphore, #tpu.memory_space<semaphore_mem>>
          %dma_start3A = arith.constant 0 : i32
          %dma_start3A_36 = tpu.memref_slice %arg3[%mul3A_33, %dma_start3A] : memref<2500x128xi32, #tpu.memory_space<hbm>> -> memref<2x128xi32, #tpu.memory_space<hbm>>
          %dma_start3A_37 = arith.constant 0 : i32
          %dma_start3A_38 = tpu.memref_slice %arg3[%mul3A_33, %dma_start3A_37] : memref<2500x128xi32, #tpu.memory_space<hbm>> -> memref<2x128xi32, #tpu.memory_space<hbm>>
          tpu.enqueue_dma source(%dma_start3A_38 : memref<2x128xi32, #tpu.memory_space<hbm>>) target(%arg7 : memref<2x128xi32, #tpu.memory_space<vmem>>) target_semaphore(%run_scoped3A_35 : memref<!tpu.dma_semaphore, #tpu.memory_space<semaphore_mem>>)
          %dma_wait3A = arith.constant 0 : i32
          %dma_wait3A_39 = tpu.memref_slice %arg3[%mul3A_33, %dma_wait3A] : memref<2500x128xi32, #tpu.memory_space<hbm>> -> memref<2x128xi32, #tpu.memory_space<hbm>>
          %dma_wait3A_40 = arith.constant 0 : i32
          %dma_wait3A_41 = tpu.memref_slice %arg3[%mul3A_33, %dma_wait3A_40] : memref<2500x128xi32, #tpu.memory_space<hbm>> -> memref<2x128xi32, #tpu.memory_space<hbm>>
          tpu.wait_dma2 semaphore(%run_scoped3A_35 : memref<!tpu.dma_semaphore, #tpu.memory_space<semaphore_mem>>) src(%dma_wait3A_41 : memref<2x128xi32, #tpu.memory_space<hbm>>) dst(%arg7 : memref<2x128xi32, #tpu.memory_space<vmem>>)
          tpu.yield
        }) : () -> ()
        %run_scoped3A = arith.constant 0 : i32
        "tpu.region"() ({
          %run_scoped3A_35 = tpu.sem_alloc : memref<!tpu.dma_semaphore, #tpu.memory_space<semaphore_mem>>
          %dma_start3A = arith.constant 0 : i32
          %dma_start3A_36 = arith.constant 0 : i32
          %dma_start3A_37 = tpu.memref_slice %arg6[%dma_start3A, %dma_start3A_36] : memref<256x128xf32, #tpu.memory_space<vmem>> -> memref<128x128xf32, #tpu.memory_space<vmem>>
          %dma_start3A_38 = arith.constant 0 : i32
          %dma_start3A_39 = tpu.memref_slice %arg7[%run_scoped3A, %dma_start3A_38] : memref<2x128xi32, #tpu.memory_space<vmem>> -> memref<1x128xi32, #tpu.memory_space<vmem>>
          %dma_start3A_40 = tpu.memref_squeeze %dma_start3A_39 : memref<1x128xi32, #tpu.memory_space<vmem>> -> memref<128xi32, #tpu.memory_space<vmem>>
          %dma_start3A_41 = arith.constant 0 : i32
          %dma_start3A_42 = arith.constant 0 : i32
          %dma_start3A_43 = tpu.memref_slice %arg5[%dma_start3A_41, %dma_start3A_42] : memref<10240x128xf32, #tpu.memory_space<vmem_shared>> -> memref<10240x128xf32, #tpu.memory_space<vmem_shared>>
          tpu.enqueue_indirect_dma source(%dma_start3A_37 : memref<128x128xf32, #tpu.memory_space<vmem>>) target(%dma_start3A_43 : memref<10240x128xf32, #tpu.memory_space<vmem_shared>>) offsets(%dma_start3A_40 : memref<128xi32, #tpu.memory_space<vmem>>) semaphore(%run_scoped3A_35 : memref<!tpu.dma_semaphore, #tpu.memory_space<semaphore_mem>>) {add = true}
          %dma_wait3A = arith.constant 0 : i32
          %dma_wait3A_44 = arith.constant 0 : i32
          %dma_wait3A_45 = tpu.memref_slice %arg6[%dma_wait3A, %dma_wait3A_44] : memref<256x128xf32, #tpu.memory_space<vmem>> -> memref<128x128xf32, #tpu.memory_space<vmem>>
          %dma_wait3A_46 = arith.constant 0 : i32
          %dma_wait3A_47 = tpu.memref_slice %arg7[%run_scoped3A, %dma_wait3A_46] : memref<2x128xi32, #tpu.memory_space<vmem>> -> memref<1x128xi32, #tpu.memory_space<vmem>>
          %dma_wait3A_48 = tpu.memref_squeeze %dma_wait3A_47 : memref<1x128xi32, #tpu.memory_space<vmem>> -> memref<128xi32, #tpu.memory_space<vmem>>
          %dma_wait3A_49 = arith.constant 0 : i32
          %dma_wait3A_50 = arith.constant 0 : i32
          %dma_wait3A_51 = tpu.memref_slice %arg5[%dma_wait3A_49, %dma_wait3A_50] : memref<10240x128xf32, #tpu.memory_space<vmem_shared>> -> memref<10240x128xf32, #tpu.memory_space<vmem_shared>>
          tpu.wait_indirect_dma semaphore(%run_scoped3A_35 : memref<!tpu.dma_semaphore, #tpu.memory_space<semaphore_mem>>) src(%dma_wait3A_45 : memref<128x128xf32, #tpu.memory_space<vmem>>) dst(%dma_wait3A_51 : memref<10240x128xf32, #tpu.memory_space<vmem_shared>>)
          tpu.yield
        }) : () -> ()
        %run_scoped3A_34 = arith.constant 1 : i32
        "tpu.region"() ({
          %run_scoped3A_35 = tpu.sem_alloc : memref<!tpu.dma_semaphore, #tpu.memory_space<semaphore_mem>>
          %dma_start3A = arith.constant 128 : i32
          %dma_start3A_36 = arith.constant 0 : i32
          %dma_start3A_37 = tpu.memref_slice %arg6[%dma_start3A, %dma_start3A_36] : memref<256x128xf32, #tpu.memory_space<vmem>> -> memref<128x128xf32, #tpu.memory_space<vmem>>
          %dma_start3A_38 = arith.constant 0 : i32
          %dma_start3A_39 = tpu.memref_slice %arg7[%run_scoped3A_34, %dma_start3A_38] : memref<2x128xi32, #tpu.memory_space<vmem>> -> memref<1x128xi32, #tpu.memory_space<vmem>>
          %dma_start3A_40 = tpu.memref_squeeze %dma_start3A_39 : memref<1x128xi32, #tpu.memory_space<vmem>> -> memref<128xi32, #tpu.memory_space<vmem>>
          %dma_start3A_41 = arith.constant 0 : i32
          %dma_start3A_42 = arith.constant 0 : i32
          %dma_start3A_43 = tpu.memref_slice %arg5[%dma_start3A_41, %dma_start3A_42] : memref<10240x128xf32, #tpu.memory_space<vmem_shared>> -> memref<10240x128xf32, #tpu.memory_space<vmem_shared>>
          tpu.enqueue_indirect_dma source(%dma_start3A_37 : memref<128x128xf32, #tpu.memory_space<vmem>>) target(%dma_start3A_43 : memref<10240x128xf32, #tpu.memory_space<vmem_shared>>) offsets(%dma_start3A_40 : memref<128xi32, #tpu.memory_space<vmem>>) semaphore(%run_scoped3A_35 : memref<!tpu.dma_semaphore, #tpu.memory_space<semaphore_mem>>) {add = true}
          %dma_wait3A = arith.constant 128 : i32
          %dma_wait3A_44 = arith.constant 0 : i32
          %dma_wait3A_45 = tpu.memref_slice %arg6[%dma_wait3A, %dma_wait3A_44] : memref<256x128xf32, #tpu.memory_space<vmem>> -> memref<128x128xf32, #tpu.memory_space<vmem>>
          %dma_wait3A_46 = arith.constant 0 : i32
          %dma_wait3A_47 = tpu.memref_slice %arg7[%run_scoped3A_34, %dma_wait3A_46] : memref<2x128xi32, #tpu.memory_space<vmem>> -> memref<1x128xi32, #tpu.memory_space<vmem>>
          %dma_wait3A_48 = tpu.memref_squeeze %dma_wait3A_47 : memref<1x128xi32, #tpu.memory_space<vmem>> -> memref<128xi32, #tpu.memory_space<vmem>>
          %dma_wait3A_49 = arith.constant 0 : i32
          %dma_wait3A_50 = arith.constant 0 : i32
          %dma_wait3A_51 = tpu.memref_slice %arg5[%dma_wait3A_49, %dma_wait3A_50] : memref<10240x128xf32, #tpu.memory_space<vmem_shared>> -> memref<10240x128xf32, #tpu.memory_space<vmem_shared>>
          tpu.wait_indirect_dma semaphore(%run_scoped3A_35 : memref<!tpu.dma_semaphore, #tpu.memory_space<semaphore_mem>>) src(%dma_wait3A_45 : memref<128x128xf32, #tpu.memory_space<vmem>>) dst(%dma_wait3A_51 : memref<10240x128xf32, #tpu.memory_space<vmem_shared>>)
          tpu.yield
        }) : () -> ()
      } else {
      }
    }
    %scan3A_14 = arith.constant 40 : i32
    %barrier3A_15 = arith.constant 0 : index
    tpu.barrier barrier_id(%barrier3A_15)
    %mul3A_16 = arith.constant 640 : i32
    %mul3A_17 = arith.muli %arg1, %mul3A_16 : i32
    %mul3A_18 = arith.constant 640 : i32
    %mul3A_19 = arith.muli %arg1, %mul3A_18 : i32
    "tpu.region"() ({
      %run_scoped3A = tpu.sem_alloc : memref<!tpu.dma_semaphore, #tpu.memory_space<semaphore_mem>>
      %dma_start3A = arith.constant 0 : i32
      %dma_start3A_20 = tpu.memref_slice %arg4[%arg0, %mul3A_19, %dma_start3A] : memref<2x10240x128xf32, #tpu.memory_space<hbm>> -> memref<1x640x128xf32, #tpu.memory_space<hbm>>
      %dma_start3A_21 = tpu.memref_squeeze %dma_start3A_20 : memref<1x640x128xf32, #tpu.memory_space<hbm>> -> memref<640x128xf32, #tpu.memory_space<hbm>>
      %dma_start3A_22 = arith.constant 0 : i32
      %dma_start3A_23 = tpu.memref_slice %arg5[%mul3A_17, %dma_start3A_22] : memref<10240x128xf32, #tpu.memory_space<vmem_shared>> -> memref<640x128xf32, #tpu.memory_space<vmem_shared>>
      tpu.enqueue_dma source(%dma_start3A_23 : memref<640x128xf32, #tpu.memory_space<vmem_shared>>) target(%dma_start3A_21 : memref<640x128xf32, #tpu.memory_space<hbm>>) target_semaphore(%run_scoped3A : memref<!tpu.dma_semaphore, #tpu.memory_space<semaphore_mem>>)
      %dma_wait3A = arith.constant 0 : i32
      %dma_wait3A_24 = tpu.memref_slice %arg4[%arg0, %mul3A_19, %dma_wait3A] : memref<2x10240x128xf32, #tpu.memory_space<hbm>> -> memref<1x640x128xf32, #tpu.memory_space<hbm>>
      %dma_wait3A_25 = tpu.memref_squeeze %dma_wait3A_24 : memref<1x640x128xf32, #tpu.memory_space<hbm>> -> memref<640x128xf32, #tpu.memory_space<hbm>>
      %dma_wait3A_26 = arith.constant 0 : i32
      %dma_wait3A_27 = tpu.memref_slice %arg5[%mul3A_17, %dma_wait3A_26] : memref<10240x128xf32, #tpu.memory_space<vmem_shared>> -> memref<640x128xf32, #tpu.memory_space<vmem_shared>>
      tpu.wait_dma2 semaphore(%run_scoped3A : memref<!tpu.dma_semaphore, #tpu.memory_space<semaphore_mem>>) src(%dma_wait3A_27 : memref<640x128xf32, #tpu.memory_space<vmem_shared>>) dst(%dma_wait3A_25 : memref<640x128xf32, #tpu.memory_space<hbm>>)
      tpu.yield
    }) : () -> ()
    return
  }
}

#map = affine_map<(d0, d1) -> (0, 0)>
#map1 = affine_map<(d0, d1) -> (0, 0, 0)>
module attributes {stable_mosaic.version = 14 : i64} {
  func.func @k(%arg0: i32, %arg1: i32, %arg2: memref<10000x128xf32, #tpu.memory_space<hbm>>, %arg3: memref<5056x128xi32, #tpu.memory_space<hbm>>, %arg4: memref<5056x128x128xf32, #tpu.memory_space<hbm>>, %arg5: memref<4x128x128xf32, #tpu.memory_space<vmem>>, %arg6: memref<6x128xi32, #tpu.memory_space<vmem>>, %arg7: memref<3x!tpu.dma_semaphore, #tpu.memory_space<semaphore_mem>>, %arg8: memref<2x!tpu.dma_semaphore, #tpu.memory_space<semaphore_mem>>, %arg9: memref<2x!tpu.dma_semaphore, #tpu.memory_space<semaphore_mem>>) attributes {dimension_semantics = [#tpu.dimension_semantics<core_parallel>, #tpu.dimension_semantics<subcore_parallel>], iteration_bounds = array<i64: 2, 16>, scalar_prefetch = 0 : i64, scratch_operands = 5 : i64, tpu.core_type = #tpu.core_type<sc_vector_subcore>, window_params = [{transform_indices = #map}, {transform_indices = #map}, {transform_indices = #map1}]} {
    %mul3A = arith.constant 16 : i32
    %mul3A_0 = arith.muli %arg0, %mul3A : i32
    %add3A = arith.addi %mul3A_0, %arg1 : i32
    %mul3A_1 = arith.constant 158 : i32
    %mul3A_2 = arith.muli %add3A, %mul3A_1 : i32
    %dma_start3A = arith.constant 0 : i32
    %dma_start3A_3 = arith.constant 0 : i32
    %dma_start3A_4 = arith.constant 0 : i32
    %dma_start3A_5 = tpu.memref_slice %arg6[%dma_start3A_3, %dma_start3A_4] : memref<6x128xi32, #tpu.memory_space<vmem>> -> memref<2x128xi32, #tpu.memory_space<vmem>>
    %dma_start3A_6 = arith.constant 0 : i32
    %dma_start3A_7 = tpu.memref_slice %arg3[%mul3A_2, %dma_start3A_6] : memref<5056x128xi32, #tpu.memory_space<hbm>> -> memref<2x128xi32, #tpu.memory_space<hbm>>
    %dma_start3A_8 = tpu.memref_slice %arg7[%dma_start3A] : memref<3x!tpu.dma_semaphore, #tpu.memory_space<semaphore_mem>> -> memref<1x!tpu.dma_semaphore, #tpu.memory_space<semaphore_mem>>
    %dma_start3A_9 = tpu.memref_squeeze %dma_start3A_8 : memref<1x!tpu.dma_semaphore, #tpu.memory_space<semaphore_mem>> -> memref<!tpu.dma_semaphore, #tpu.memory_space<semaphore_mem>>
    %dma_start3A_10 = arith.constant 0 : i32
    %dma_start3A_11 = arith.constant 0 : i32
    %dma_start3A_12 = tpu.memref_slice %arg6[%dma_start3A_10, %dma_start3A_11] : memref<6x128xi32, #tpu.memory_space<vmem>> -> memref<2x128xi32, #tpu.memory_space<vmem>>
    %dma_start3A_13 = arith.constant 0 : i32
    %dma_start3A_14 = tpu.memref_slice %arg3[%mul3A_2, %dma_start3A_13] : memref<5056x128xi32, #tpu.memory_space<hbm>> -> memref<2x128xi32, #tpu.memory_space<hbm>>
    tpu.enqueue_dma source(%dma_start3A_14 : memref<2x128xi32, #tpu.memory_space<hbm>>) target(%dma_start3A_12 : memref<2x128xi32, #tpu.memory_space<vmem>>) target_semaphore(%dma_start3A_9 : memref<!tpu.dma_semaphore, #tpu.memory_space<semaphore_mem>>)
    %add3A_15 = arith.constant 2 : i32
    %add3A_16 = arith.addi %mul3A_2, %add3A_15 : i32
    %dma_start3A_17 = arith.constant 1 : i32
    %dma_start3A_18 = arith.constant 2 : i32
    %dma_start3A_19 = arith.constant 0 : i32
    %dma_start3A_20 = tpu.memref_slice %arg6[%dma_start3A_18, %dma_start3A_19] : memref<6x128xi32, #tpu.memory_space<vmem>> -> memref<2x128xi32, #tpu.memory_space<vmem>>
    %dma_start3A_21 = arith.constant 0 : i32
    %dma_start3A_22 = tpu.memref_slice %arg3[%add3A_16, %dma_start3A_21] : memref<5056x128xi32, #tpu.memory_space<hbm>> -> memref<2x128xi32, #tpu.memory_space<hbm>>
    %dma_start3A_23 = tpu.memref_slice %arg7[%dma_start3A_17] : memref<3x!tpu.dma_semaphore, #tpu.memory_space<semaphore_mem>> -> memref<1x!tpu.dma_semaphore, #tpu.memory_space<semaphore_mem>>
    %dma_start3A_24 = tpu.memref_squeeze %dma_start3A_23 : memref<1x!tpu.dma_semaphore, #tpu.memory_space<semaphore_mem>> -> memref<!tpu.dma_semaphore, #tpu.memory_space<semaphore_mem>>
    %dma_start3A_25 = arith.constant 2 : i32
    %dma_start3A_26 = arith.constant 0 : i32
    %dma_start3A_27 = tpu.memref_slice %arg6[%dma_start3A_25, %dma_start3A_26] : memref<6x128xi32, #tpu.memory_space<vmem>> -> memref<2x128xi32, #tpu.memory_space<vmem>>
    %dma_start3A_28 = arith.constant 0 : i32
    %dma_start3A_29 = tpu.memref_slice %arg3[%add3A_16, %dma_start3A_28] : memref<5056x128xi32, #tpu.memory_space<hbm>> -> memref<2x128xi32, #tpu.memory_space<hbm>>
    tpu.enqueue_dma source(%dma_start3A_29 : memref<2x128xi32, #tpu.memory_space<hbm>>) target(%dma_start3A_27 : memref<2x128xi32, #tpu.memory_space<vmem>>) target_semaphore(%dma_start3A_24 : memref<!tpu.dma_semaphore, #tpu.memory_space<semaphore_mem>>)
    %scan3A = arith.constant 0 : i32
    %scan3A_30 = arith.constant 79 : i32
    %scan3A_31 = arith.addi %scan3A, %scan3A_30 : i32
    %scan3A_32 = arith.constant 1 : i32
    scf.for %scan3A_120 = %scan3A to %scan3A_31 step %scan3A_32  : i32 {
      %mul3A_121 = arith.constant 1 : i32
      %mul3A_122 = arith.muli %scan3A_120, %mul3A_121 : i32
      %add3A_123 = arith.constant 0 : i32
      %add3A_124 = arith.addi %add3A_123, %mul3A_122 : i32
      %rem3A = arith.constant 2 : i32
      %rem3A_125 = arith.remsi %add3A_124, %rem3A : i32
      %sub3A = arith.constant 1 : i32
      %sub3A_126 = arith.subi %sub3A, %rem3A_125 : i32
      %rem3A_127 = arith.constant 3 : i32
      %rem3A_128 = arith.remsi %add3A_124, %rem3A_127 : i32
      %ge3A = arith.constant 2 : i32
      %ge3A_129 = arith.cmpi sge, %add3A_124, %ge3A : i32
      %convert_element_type3A = arith.extui %ge3A_129 : i1 to i32
      %cond3A = arith.constant 0 : i32
      %cond3A_130 = arith.cmpi ne, %convert_element_type3A, %cond3A : i32
      scf.if %cond3A_130 {
        %mul3A_193 = arith.constant 2 : i32
        %mul3A_194 = arith.muli %rem3A_125, %mul3A_193 : i32
        %sub3A_195 = arith.constant 2 : i32
        %sub3A_196 = arith.subi %add3A_124, %sub3A_195 : i32
        %mul3A_197 = arith.constant 2 : i32
        %mul3A_198 = arith.muli %sub3A_196, %mul3A_197 : i32
        %add3A_199 = arith.addi %mul3A_2, %mul3A_198 : i32
        %dma_wait3A_200 = arith.constant 0 : i32
        %dma_wait3A_201 = arith.constant 0 : i32
        %dma_wait3A_202 = tpu.memref_slice %arg5[%mul3A_194, %dma_wait3A_200, %dma_wait3A_201] : memref<4x128x128xf32, #tpu.memory_space<vmem>> -> memref<2x128x128xf32, #tpu.memory_space<vmem>>
        %dma_wait3A_203 = arith.constant 0 : i32
        %dma_wait3A_204 = arith.constant 0 : i32
        %dma_wait3A_205 = tpu.memref_slice %arg4[%add3A_199, %dma_wait3A_203, %dma_wait3A_204] : memref<5056x128x128xf32, #tpu.memory_space<hbm>> -> memref<2x128x128xf32, #tpu.memory_space<hbm>>
        %dma_wait3A_206 = tpu.memref_slice %arg9[%rem3A_125] : memref<2x!tpu.dma_semaphore, #tpu.memory_space<semaphore_mem>> -> memref<1x!tpu.dma_semaphore, #tpu.memory_space<semaphore_mem>>
        %dma_wait3A_207 = tpu.memref_squeeze %dma_wait3A_206 : memref<1x!tpu.dma_semaphore, #tpu.memory_space<semaphore_mem>> -> memref<!tpu.dma_semaphore, #tpu.memory_space<semaphore_mem>>
        %dma_wait3A_208 = arith.constant 0 : i32
        %dma_wait3A_209 = arith.constant 0 : i32
        %dma_wait3A_210 = tpu.memref_slice %arg4[%add3A_199, %dma_wait3A_208, %dma_wait3A_209] : memref<5056x128x128xf32, #tpu.memory_space<hbm>> -> memref<2x128x128xf32, #tpu.memory_space<hbm>>
        %dma_wait3A_211 = arith.constant 0 : i32
        %dma_wait3A_212 = arith.constant 0 : i32
        %dma_wait3A_213 = tpu.memref_slice %arg5[%mul3A_194, %dma_wait3A_211, %dma_wait3A_212] : memref<4x128x128xf32, #tpu.memory_space<vmem>> -> memref<2x128x128xf32, #tpu.memory_space<vmem>>
        tpu.wait_dma2 semaphore(%dma_wait3A_207 : memref<!tpu.dma_semaphore, #tpu.memory_space<semaphore_mem>>) src(%dma_wait3A_213 : memref<2x128x128xf32, #tpu.memory_space<vmem>>) dst(%dma_wait3A_210 : memref<2x128x128xf32, #tpu.memory_space<hbm>>)
      } else {
      }
      %mul3A_131 = arith.constant 2 : i32
      %mul3A_132 = arith.muli %add3A_124, %mul3A_131 : i32
      %add3A_133 = arith.addi %mul3A_2, %mul3A_132 : i32
      %mul3A_134 = arith.constant 2 : i32
      %mul3A_135 = arith.muli %rem3A_128, %mul3A_134 : i32
      %dma_wait3A_136 = arith.constant 0 : i32
      %dma_wait3A_137 = tpu.memref_slice %arg6[%mul3A_135, %dma_wait3A_136] : memref<6x128xi32, #tpu.memory_space<vmem>> -> memref<2x128xi32, #tpu.memory_space<vmem>>
      %dma_wait3A_138 = arith.constant 0 : i32
      %dma_wait3A_139 = tpu.memref_slice %arg3[%add3A_133, %dma_wait3A_138] : memref<5056x128xi32, #tpu.memory_space<hbm>> -> memref<2x128xi32, #tpu.memory_space<hbm>>
      %dma_wait3A_140 = tpu.memref_slice %arg7[%rem3A_128] : memref<3x!tpu.dma_semaphore, #tpu.memory_space<semaphore_mem>> -> memref<1x!tpu.dma_semaphore, #tpu.memory_space<semaphore_mem>>
      %dma_wait3A_141 = tpu.memref_squeeze %dma_wait3A_140 : memref<1x!tpu.dma_semaphore, #tpu.memory_space<semaphore_mem>> -> memref<!tpu.dma_semaphore, #tpu.memory_space<semaphore_mem>>
      %dma_wait3A_142 = arith.constant 0 : i32
      %dma_wait3A_143 = tpu.memref_slice %arg6[%mul3A_135, %dma_wait3A_142] : memref<6x128xi32, #tpu.memory_space<vmem>> -> memref<2x128xi32, #tpu.memory_space<vmem>>
      %dma_wait3A_144 = arith.constant 0 : i32
      %dma_wait3A_145 = tpu.memref_slice %arg3[%add3A_133, %dma_wait3A_144] : memref<5056x128xi32, #tpu.memory_space<hbm>> -> memref<2x128xi32, #tpu.memory_space<hbm>>
      tpu.wait_dma2 semaphore(%dma_wait3A_141 : memref<!tpu.dma_semaphore, #tpu.memory_space<semaphore_mem>>) src(%dma_wait3A_145 : memref<2x128xi32, #tpu.memory_space<hbm>>) dst(%dma_wait3A_143 : memref<2x128xi32, #tpu.memory_space<vmem>>)
      %mul3A_146 = arith.constant 2 : i32
      %mul3A_147 = arith.muli %rem3A_128, %mul3A_146 : i32
      %mul3A_148 = arith.constant 2 : i32
      %mul3A_149 = arith.muli %rem3A_125, %mul3A_148 : i32
      %dma_start3A_150 = arith.constant 0 : i32
      %dma_start3A_151 = arith.constant 0 : i32
      %dma_start3A_152 = tpu.memref_slice %arg5[%mul3A_149, %dma_start3A_150, %dma_start3A_151] : memref<4x128x128xf32, #tpu.memory_space<vmem>> -> memref<1x128x128xf32, #tpu.memory_space<vmem>>
      %dma_start3A_153 = tpu.memref_squeeze %dma_start3A_152 : memref<1x128x128xf32, #tpu.memory_space<vmem>> -> memref<128x128xf32, #tpu.memory_space<vmem>>
      %dma_start3A_154 = arith.constant 0 : i32
      %dma_start3A_155 = tpu.memref_slice %arg6[%mul3A_147, %dma_start3A_154] : memref<6x128xi32, #tpu.memory_space<vmem>> -> memref<1x128xi32, #tpu.memory_space<vmem>>
      %dma_start3A_156 = tpu.memref_squeeze %dma_start3A_155 : memref<1x128xi32, #tpu.memory_space<vmem>> -> memref<128xi32, #tpu.memory_space<vmem>>
      %dma_start3A_157 = arith.constant 0 : i32
      %dma_start3A_158 = arith.constant 0 : i32
      %dma_start3A_159 = tpu.memref_slice %arg2[%dma_start3A_157, %dma_start3A_158] : memref<10000x128xf32, #tpu.memory_space<hbm>> -> memref<10000x128xf32, #tpu.memory_space<hbm>>
      %dma_start3A_160 = tpu.memref_slice %arg8[%rem3A_125] : memref<2x!tpu.dma_semaphore, #tpu.memory_space<semaphore_mem>> -> memref<1x!tpu.dma_semaphore, #tpu.memory_space<semaphore_mem>>
      %dma_start3A_161 = tpu.memref_squeeze %dma_start3A_160 : memref<1x!tpu.dma_semaphore, #tpu.memory_space<semaphore_mem>> -> memref<!tpu.dma_semaphore, #tpu.memory_space<semaphore_mem>>
      tpu.enqueue_indirect_dma source(%dma_start3A_159 : memref<10000x128xf32, #tpu.memory_space<hbm>>) target(%dma_start3A_153 : memref<128x128xf32, #tpu.memory_space<vmem>>) offsets(%dma_start3A_156 : memref<128xi32, #tpu.memory_space<vmem>>) semaphore(%dma_start3A_161 : memref<!tpu.dma_semaphore, #tpu.memory_space<semaphore_mem>>)
      %mul3A_162 = arith.constant 2 : i32
      %mul3A_163 = arith.muli %rem3A_128, %mul3A_162 : i32
      %add3A_164 = arith.constant 1 : i32
      %add3A_165 = arith.addi %mul3A_163, %add3A_164 : i32
      %mul3A_166 = arith.constant 2 : i32
      %mul3A_167 = arith.muli %rem3A_125, %mul3A_166 : i32
      %add3A_168 = arith.constant 1 : i32
      %add3A_169 = arith.addi %mul3A_167, %add3A_168 : i32
      %dma_start3A_170 = arith.constant 0 : i32
      %dma_start3A_171 = arith.constant 0 : i32
      %dma_start3A_172 = tpu.memref_slice %arg5[%add3A_169, %dma_start3A_170, %dma_start3A_171] : memref<4x128x128xf32, #tpu.memory_space<vmem>> -> memref<1x128x128xf32, #tpu.memory_space<vmem>>
      %dma_start3A_173 = tpu.memref_squeeze %dma_start3A_172 : memref<1x128x128xf32, #tpu.memory_space<vmem>> -> memref<128x128xf32, #tpu.memory_space<vmem>>
      %dma_start3A_174 = arith.constant 0 : i32
      %dma_start3A_175 = tpu.memref_slice %arg6[%add3A_165, %dma_start3A_174] : memref<6x128xi32, #tpu.memory_space<vmem>> -> memref<1x128xi32, #tpu.memory_space<vmem>>
      %dma_start3A_176 = tpu.memref_squeeze %dma_start3A_175 : memref<1x128xi32, #tpu.memory_space<vmem>> -> memref<128xi32, #tpu.memory_space<vmem>>
      %dma_start3A_177 = arith.constant 0 : i32
      %dma_start3A_178 = arith.constant 0 : i32
      %dma_start3A_179 = tpu.memref_slice %arg2[%dma_start3A_177, %dma_start3A_178] : memref<10000x128xf32, #tpu.memory_space<hbm>> -> memref<10000x128xf32, #tpu.memory_space<hbm>>
      %dma_start3A_180 = tpu.memref_slice %arg8[%rem3A_125] : memref<2x!tpu.dma_semaphore, #tpu.memory_space<semaphore_mem>> -> memref<1x!tpu.dma_semaphore, #tpu.memory_space<semaphore_mem>>
      %dma_start3A_181 = tpu.memref_squeeze %dma_start3A_180 : memref<1x!tpu.dma_semaphore, #tpu.memory_space<semaphore_mem>> -> memref<!tpu.dma_semaphore, #tpu.memory_space<semaphore_mem>>
      tpu.enqueue_indirect_dma source(%dma_start3A_179 : memref<10000x128xf32, #tpu.memory_space<hbm>>) target(%dma_start3A_173 : memref<128x128xf32, #tpu.memory_space<vmem>>) offsets(%dma_start3A_176 : memref<128xi32, #tpu.memory_space<vmem>>) semaphore(%dma_start3A_181 : memref<!tpu.dma_semaphore, #tpu.memory_space<semaphore_mem>>)
      %ge3A_182 = arith.constant 1 : i32
      %ge3A_183 = arith.cmpi sge, %add3A_124, %ge3A_182 : i32
      %convert_element_type3A_184 = arith.extui %ge3A_183 : i1 to i32
      %cond3A_185 = arith.constant 0 : i32
      %cond3A_186 = arith.cmpi ne, %convert_element_type3A_184, %cond3A_185 : i32
      scf.if %cond3A_186 {
        %add3A_193 = arith.constant 2 : i32
        %add3A_194 = arith.addi %add3A_124, %add3A_193 : i32
        %rem3A_195 = arith.constant 3 : i32
        %rem3A_196 = arith.remsi %add3A_194, %rem3A_195 : i32
        %mul3A_197 = arith.constant 2 : i32
        %mul3A_198 = arith.muli %rem3A_196, %mul3A_197 : i32
        %add3A_199 = arith.constant 0 : i32
        %add3A_200 = arith.addi %mul3A_198, %add3A_199 : i32
        %mul3A_201 = arith.constant 2 : i32
        %mul3A_202 = arith.muli %sub3A_126, %mul3A_201 : i32
        %add3A_203 = arith.constant 0 : i32
        %add3A_204 = arith.addi %mul3A_202, %add3A_203 : i32
        %dma_wait3A_205 = arith.constant 0 : i32
        %dma_wait3A_206 = arith.constant 0 : i32
        %dma_wait3A_207 = tpu.memref_slice %arg5[%add3A_204, %dma_wait3A_205, %dma_wait3A_206] : memref<4x128x128xf32, #tpu.memory_space<vmem>> -> memref<1x128x128xf32, #tpu.memory_space<vmem>>
        %dma_wait3A_208 = tpu.memref_squeeze %dma_wait3A_207 : memref<1x128x128xf32, #tpu.memory_space<vmem>> -> memref<128x128xf32, #tpu.memory_space<vmem>>
        %dma_wait3A_209 = arith.constant 0 : i32
        %dma_wait3A_210 = tpu.memref_slice %arg6[%add3A_200, %dma_wait3A_209] : memref<6x128xi32, #tpu.memory_space<vmem>> -> memref<1x128xi32, #tpu.memory_space<vmem>>
        %dma_wait3A_211 = tpu.memref_squeeze %dma_wait3A_210 : memref<1x128xi32, #tpu.memory_space<vmem>> -> memref<128xi32, #tpu.memory_space<vmem>>
        %dma_wait3A_212 = arith.constant 0 : i32
        %dma_wait3A_213 = arith.constant 0 : i32
        %dma_wait3A_214 = tpu.memref_slice %arg2[%dma_wait3A_212, %dma_wait3A_213] : memref<10000x128xf32, #tpu.memory_space<hbm>> -> memref<10000x128xf32, #tpu.memory_space<hbm>>
        %dma_wait3A_215 = tpu.memref_slice %arg8[%sub3A_126] : memref<2x!tpu.dma_semaphore, #tpu.memory_space<semaphore_mem>> -> memref<1x!tpu.dma_semaphore, #tpu.memory_space<semaphore_mem>>
        %dma_wait3A_216 = tpu.memref_squeeze %dma_wait3A_215 : memref<1x!tpu.dma_semaphore, #tpu.memory_space<semaphore_mem>> -> memref<!tpu.dma_semaphore, #tpu.memory_space<semaphore_mem>>
        tpu.wait_indirect_dma semaphore(%dma_wait3A_216 : memref<!tpu.dma_semaphore, #tpu.memory_space<semaphore_mem>>) src(%dma_wait3A_214 : memref<10000x128xf32, #tpu.memory_space<hbm>>) dst(%dma_wait3A_208 : memref<128x128xf32, #tpu.memory_space<vmem>>)
        %mul3A_217 = arith.constant 2 : i32
        %mul3A_218 = arith.muli %rem3A_196, %mul3A_217 : i32
        %add3A_219 = arith.constant 1 : i32
        %add3A_220 = arith.addi %mul3A_218, %add3A_219 : i32
        %mul3A_221 = arith.constant 2 : i32
        %mul3A_222 = arith.muli %sub3A_126, %mul3A_221 : i32
        %add3A_223 = arith.constant 1 : i32
        %add3A_224 = arith.addi %mul3A_222, %add3A_223 : i32
        %dma_wait3A_225 = arith.constant 0 : i32
        %dma_wait3A_226 = arith.constant 0 : i32
        %dma_wait3A_227 = tpu.memref_slice %arg5[%add3A_224, %dma_wait3A_225, %dma_wait3A_226] : memref<4x128x128xf32, #tpu.memory_space<vmem>> -> memref<1x128x128xf32, #tpu.memory_space<vmem>>
        %dma_wait3A_228 = tpu.memref_squeeze %dma_wait3A_227 : memref<1x128x128xf32, #tpu.memory_space<vmem>> -> memref<128x128xf32, #tpu.memory_space<vmem>>
        %dma_wait3A_229 = arith.constant 0 : i32
        %dma_wait3A_230 = tpu.memref_slice %arg6[%add3A_220, %dma_wait3A_229] : memref<6x128xi32, #tpu.memory_space<vmem>> -> memref<1x128xi32, #tpu.memory_space<vmem>>
        %dma_wait3A_231 = tpu.memref_squeeze %dma_wait3A_230 : memref<1x128xi32, #tpu.memory_space<vmem>> -> memref<128xi32, #tpu.memory_space<vmem>>
        %dma_wait3A_232 = arith.constant 0 : i32
        %dma_wait3A_233 = arith.constant 0 : i32
        %dma_wait3A_234 = tpu.memref_slice %arg2[%dma_wait3A_232, %dma_wait3A_233] : memref<10000x128xf32, #tpu.memory_space<hbm>> -> memref<10000x128xf32, #tpu.memory_space<hbm>>
        %dma_wait3A_235 = tpu.memref_slice %arg8[%sub3A_126] : memref<2x!tpu.dma_semaphore, #tpu.memory_space<semaphore_mem>> -> memref<1x!tpu.dma_semaphore, #tpu.memory_space<semaphore_mem>>
        %dma_wait3A_236 = tpu.memref_squeeze %dma_wait3A_235 : memref<1x!tpu.dma_semaphore, #tpu.memory_space<semaphore_mem>> -> memref<!tpu.dma_semaphore, #tpu.memory_space<semaphore_mem>>
        tpu.wait_indirect_dma semaphore(%dma_wait3A_236 : memref<!tpu.dma_semaphore, #tpu.memory_space<semaphore_mem>>) src(%dma_wait3A_234 : memref<10000x128xf32, #tpu.memory_space<hbm>>) dst(%dma_wait3A_228 : memref<128x128xf32, #tpu.memory_space<vmem>>)
        %mul3A_237 = arith.constant 2 : i32
        %mul3A_238 = arith.muli %sub3A_126, %mul3A_237 : i32
        %sub3A_239 = arith.constant 1 : i32
        %sub3A_240 = arith.subi %add3A_124, %sub3A_239 : i32
        %mul3A_241 = arith.constant 2 : i32
        %mul3A_242 = arith.muli %sub3A_240, %mul3A_241 : i32
        %add3A_243 = arith.addi %mul3A_2, %mul3A_242 : i32
        %dma_start3A_244 = arith.constant 0 : i32
        %dma_start3A_245 = arith.constant 0 : i32
        %dma_start3A_246 = tpu.memref_slice %arg5[%mul3A_238, %dma_start3A_244, %dma_start3A_245] : memref<4x128x128xf32, #tpu.memory_space<vmem>> -> memref<2x128x128xf32, #tpu.memory_space<vmem>>
        %dma_start3A_247 = arith.constant 0 : i32
        %dma_start3A_248 = arith.constant 0 : i32
        %dma_start3A_249 = tpu.memref_slice %arg4[%add3A_243, %dma_start3A_247, %dma_start3A_248] : memref<5056x128x128xf32, #tpu.memory_space<hbm>> -> memref<2x128x128xf32, #tpu.memory_space<hbm>>
        %dma_start3A_250 = tpu.memref_slice %arg9[%sub3A_126] : memref<2x!tpu.dma_semaphore, #tpu.memory_space<semaphore_mem>> -> memref<1x!tpu.dma_semaphore, #tpu.memory_space<semaphore_mem>>
        %dma_start3A_251 = tpu.memref_squeeze %dma_start3A_250 : memref<1x!tpu.dma_semaphore, #tpu.memory_space<semaphore_mem>> -> memref<!tpu.dma_semaphore, #tpu.memory_space<semaphore_mem>>
        %dma_start3A_252 = arith.constant 0 : i32
        %dma_start3A_253 = arith.constant 0 : i32
        %dma_start3A_254 = tpu.memref_slice %arg4[%add3A_243, %dma_start3A_252, %dma_start3A_253] : memref<5056x128x128xf32, #tpu.memory_space<hbm>> -> memref<2x128x128xf32, #tpu.memory_space<hbm>>
        %dma_start3A_255 = arith.constant 0 : i32
        %dma_start3A_256 = arith.constant 0 : i32
        %dma_start3A_257 = tpu.memref_slice %arg5[%mul3A_238, %dma_start3A_255, %dma_start3A_256] : memref<4x128x128xf32, #tpu.memory_space<vmem>> -> memref<2x128x128xf32, #tpu.memory_space<vmem>>
        tpu.enqueue_dma source(%dma_start3A_257 : memref<2x128x128xf32, #tpu.memory_space<vmem>>) target(%dma_start3A_254 : memref<2x128x128xf32, #tpu.memory_space<hbm>>) target_semaphore(%dma_start3A_251 : memref<!tpu.dma_semaphore, #tpu.memory_space<semaphore_mem>>)
      } else {
      }
      %add3A_187 = arith.constant 2 : i32
      %add3A_188 = arith.addi %add3A_124, %add3A_187 : i32
      %lt3A = arith.constant 79 : i32
      %lt3A_189 = arith.cmpi slt, %add3A_188, %lt3A : i32
      %convert_element_type3A_190 = arith.extui %lt3A_189 : i1 to i32
      %cond3A_191 = arith.constant 0 : i32
      %cond3A_192 = arith.cmpi ne, %convert_element_type3A_190, %cond3A_191 : i32
      scf.if %cond3A_192 {
        %add3A_193 = arith.constant 2 : i32
        %add3A_194 = arith.addi %add3A_124, %add3A_193 : i32
        %rem3A_195 = arith.constant 3 : i32
        %rem3A_196 = arith.remsi %add3A_194, %rem3A_195 : i32
        %add3A_197 = arith.constant 2 : i32
        %add3A_198 = arith.addi %add3A_124, %add3A_197 : i32
        %mul3A_199 = arith.constant 2 : i32
        %mul3A_200 = arith.muli %add3A_198, %mul3A_199 : i32
        %add3A_201 = arith.addi %mul3A_2, %mul3A_200 : i32
        %mul3A_202 = arith.constant 2 : i32
        %mul3A_203 = arith.muli %rem3A_196, %mul3A_202 : i32
        %dma_start3A_204 = arith.constant 0 : i32
        %dma_start3A_205 = tpu.memref_slice %arg6[%mul3A_203, %dma_start3A_204] : memref<6x128xi32, #tpu.memory_space<vmem>> -> memref<2x128xi32, #tpu.memory_space<vmem>>
        %dma_start3A_206 = arith.constant 0 : i32
        %dma_start3A_207 = tpu.memref_slice %arg3[%add3A_201, %dma_start3A_206] : memref<5056x128xi32, #tpu.memory_space<hbm>> -> memref<2x128xi32, #tpu.memory_space<hbm>>
        %dma_start3A_208 = tpu.memref_slice %arg7[%rem3A_196] : memref<3x!tpu.dma_semaphore, #tpu.memory_space<semaphore_mem>> -> memref<1x!tpu.dma_semaphore, #tpu.memory_space<semaphore_mem>>
        %dma_start3A_209 = tpu.memref_squeeze %dma_start3A_208 : memref<1x!tpu.dma_semaphore, #tpu.memory_space<semaphore_mem>> -> memref<!tpu.dma_semaphore, #tpu.memory_space<semaphore_mem>>
        %dma_start3A_210 = arith.constant 0 : i32
        %dma_start3A_211 = tpu.memref_slice %arg6[%mul3A_203, %dma_start3A_210] : memref<6x128xi32, #tpu.memory_space<vmem>> -> memref<2x128xi32, #tpu.memory_space<vmem>>
        %dma_start3A_212 = arith.constant 0 : i32
        %dma_start3A_213 = tpu.memref_slice %arg3[%add3A_201, %dma_start3A_212] : memref<5056x128xi32, #tpu.memory_space<hbm>> -> memref<2x128xi32, #tpu.memory_space<hbm>>
        tpu.enqueue_dma source(%dma_start3A_213 : memref<2x128xi32, #tpu.memory_space<hbm>>) target(%dma_start3A_211 : memref<2x128xi32, #tpu.memory_space<vmem>>) target_semaphore(%dma_start3A_209 : memref<!tpu.dma_semaphore, #tpu.memory_space<semaphore_mem>>)
      } else {
      }
    }
    %scan3A_33 = arith.constant 79 : i32
    %dma_wait3A = arith.constant 0 : i32
    %dma_wait3A_34 = arith.constant 0 : i32
    %dma_wait3A_35 = arith.constant 0 : i32
    %dma_wait3A_36 = arith.constant 0 : i32
    %dma_wait3A_37 = arith.constant 0 : i32
    %dma_wait3A_38 = tpu.memref_slice %arg5[%dma_wait3A_34, %dma_wait3A_36, %dma_wait3A_37] : memref<4x128x128xf32, #tpu.memory_space<vmem>> -> memref<1x128x128xf32, #tpu.memory_space<vmem>>
    %dma_wait3A_39 = tpu.memref_squeeze %dma_wait3A_38 : memref<1x128x128xf32, #tpu.memory_space<vmem>> -> memref<128x128xf32, #tpu.memory_space<vmem>>
    %dma_wait3A_40 = arith.constant 0 : i32
    %dma_wait3A_41 = tpu.memref_slice %arg6[%dma_wait3A, %dma_wait3A_40] : memref<6x128xi32, #tpu.memory_space<vmem>> -> memref<1x128xi32, #tpu.memory_space<vmem>>
    %dma_wait3A_42 = tpu.memref_squeeze %dma_wait3A_41 : memref<1x128xi32, #tpu.memory_space<vmem>> -> memref<128xi32, #tpu.memory_space<vmem>>
    %dma_wait3A_43 = arith.constant 0 : i32
    %dma_wait3A_44 = arith.constant 0 : i32
    %dma_wait3A_45 = tpu.memref_slice %arg2[%dma_wait3A_43, %dma_wait3A_44] : memref<10000x128xf32, #tpu.memory_space<hbm>> -> memref<10000x128xf32, #tpu.memory_space<hbm>>
    %dma_wait3A_46 = tpu.memref_slice %arg8[%dma_wait3A_35] : memref<2x!tpu.dma_semaphore, #tpu.memory_space<semaphore_mem>> -> memref<1x!tpu.dma_semaphore, #tpu.memory_space<semaphore_mem>>
    %dma_wait3A_47 = tpu.memref_squeeze %dma_wait3A_46 : memref<1x!tpu.dma_semaphore, #tpu.memory_space<semaphore_mem>> -> memref<!tpu.dma_semaphore, #tpu.memory_space<semaphore_mem>>
    tpu.wait_indirect_dma semaphore(%dma_wait3A_47 : memref<!tpu.dma_semaphore, #tpu.memory_space<semaphore_mem>>) src(%dma_wait3A_45 : memref<10000x128xf32, #tpu.memory_space<hbm>>) dst(%dma_wait3A_39 : memref<128x128xf32, #tpu.memory_space<vmem>>)
    %dma_wait3A_48 = arith.constant 1 : i32
    %dma_wait3A_49 = arith.constant 1 : i32
    %dma_wait3A_50 = arith.constant 0 : i32
    %dma_wait3A_51 = arith.constant 0 : i32
    %dma_wait3A_52 = arith.constant 0 : i32
    %dma_wait3A_53 = tpu.memref_slice %arg5[%dma_wait3A_49, %dma_wait3A_51, %dma_wait3A_52] : memref<4x128x128xf32, #tpu.memory_space<vmem>> -> memref<1x128x128xf32, #tpu.memory_space<vmem>>
    %dma_wait3A_54 = tpu.memref_squeeze %dma_wait3A_53 : memref<1x128x128xf32, #tpu.memory_space<vmem>> -> memref<128x128xf32, #tpu.memory_space<vmem>>
    %dma_wait3A_55 = arith.constant 0 : i32
    %dma_wait3A_56 = tpu.memref_slice %arg6[%dma_wait3A_48, %dma_wait3A_55] : memref<6x128xi32, #tpu.memory_space<vmem>> -> memref<1x128xi32, #tpu.memory_space<vmem>>
    %dma_wait3A_57 = tpu.memref_squeeze %dma_wait3A_56 : memref<1x128xi32, #tpu.memory_space<vmem>> -> memref<128xi32, #tpu.memory_space<vmem>>
    %dma_wait3A_58 = arith.constant 0 : i32
    %dma_wait3A_59 = arith.constant 0 : i32
    %dma_wait3A_60 = tpu.memref_slice %arg2[%dma_wait3A_58, %dma_wait3A_59] : memref<10000x128xf32, #tpu.memory_space<hbm>> -> memref<10000x128xf32, #tpu.memory_space<hbm>>
    %dma_wait3A_61 = tpu.memref_slice %arg8[%dma_wait3A_50] : memref<2x!tpu.dma_semaphore, #tpu.memory_space<semaphore_mem>> -> memref<1x!tpu.dma_semaphore, #tpu.memory_space<semaphore_mem>>
    %dma_wait3A_62 = tpu.memref_squeeze %dma_wait3A_61 : memref<1x!tpu.dma_semaphore, #tpu.memory_space<semaphore_mem>> -> memref<!tpu.dma_semaphore, #tpu.memory_space<semaphore_mem>>
    tpu.wait_indirect_dma semaphore(%dma_wait3A_62 : memref<!tpu.dma_semaphore, #tpu.memory_space<semaphore_mem>>) src(%dma_wait3A_60 : memref<10000x128xf32, #tpu.memory_space<hbm>>) dst(%dma_wait3A_54 : memref<128x128xf32, #tpu.memory_space<vmem>>)
    %add3A_63 = arith.constant 156 : i32
    %add3A_64 = arith.addi %mul3A_2, %add3A_63 : i32
    %dma_start3A_65 = arith.constant 0 : i32
    %dma_start3A_66 = arith.constant 0 : i32
    %dma_start3A_67 = arith.constant 0 : i32
    %dma_start3A_68 = arith.constant 0 : i32
    %dma_start3A_69 = tpu.memref_slice %arg5[%dma_start3A_66, %dma_start3A_67, %dma_start3A_68] : memref<4x128x128xf32, #tpu.memory_space<vmem>> -> memref<2x128x128xf32, #tpu.memory_space<vmem>>
    %dma_start3A_70 = arith.constant 0 : i32
    %dma_start3A_71 = arith.constant 0 : i32
    %dma_start3A_72 = tpu.memref_slice %arg4[%add3A_64, %dma_start3A_70, %dma_start3A_71] : memref<5056x128x128xf32, #tpu.memory_space<hbm>> -> memref<2x128x128xf32, #tpu.memory_space<hbm>>
    %dma_start3A_73 = tpu.memref_slice %arg9[%dma_start3A_65] : memref<2x!tpu.dma_semaphore, #tpu.memory_space<semaphore_mem>> -> memref<1x!tpu.dma_semaphore, #tpu.memory_space<semaphore_mem>>
    %dma_start3A_74 = tpu.memref_squeeze %dma_start3A_73 : memref<1x!tpu.dma_semaphore, #tpu.memory_space<semaphore_mem>> -> memref<!tpu.dma_semaphore, #tpu.memory_space<semaphore_mem>>
    %dma_start3A_75 = arith.constant 0 : i32
    %dma_start3A_76 = arith.constant 0 : i32
    %dma_start3A_77 = tpu.memref_slice %arg4[%add3A_64, %dma_start3A_75, %dma_start3A_76] : memref<5056x128x128xf32, #tpu.memory_space<hbm>> -> memref<2x128x128xf32, #tpu.memory_space<hbm>>
    %dma_start3A_78 = arith.constant 0 : i32
    %dma_start3A_79 = arith.constant 0 : i32
    %dma_start3A_80 = arith.constant 0 : i32
    %dma_start3A_81 = tpu.memref_slice %arg5[%dma_start3A_78, %dma_start3A_79, %dma_start3A_80] : memref<4x128x128xf32, #tpu.memory_space<vmem>> -> memref<2x128x128xf32, #tpu.memory_space<vmem>>
    tpu.enqueue_dma source(%dma_start3A_81 : memref<2x128x128xf32, #tpu.memory_space<vmem>>) target(%dma_start3A_77 : memref<2x128x128xf32, #tpu.memory_space<hbm>>) target_semaphore(%dma_start3A_74 : memref<!tpu.dma_semaphore, #tpu.memory_space<semaphore_mem>>)
    %add3A_82 = arith.constant 154 : i32
    %add3A_83 = arith.addi %mul3A_2, %add3A_82 : i32
    %dma_wait3A_84 = arith.constant 1 : i32
    %dma_wait3A_85 = arith.constant 2 : i32
    %dma_wait3A_86 = arith.constant 0 : i32
    %dma_wait3A_87 = arith.constant 0 : i32
    %dma_wait3A_88 = tpu.memref_slice %arg5[%dma_wait3A_85, %dma_wait3A_86, %dma_wait3A_87] : memref<4x128x128xf32, #tpu.memory_space<vmem>> -> memref<2x128x128xf32, #tpu.memory_space<vmem>>
    %dma_wait3A_89 = arith.constant 0 : i32
    %dma_wait3A_90 = arith.constant 0 : i32
    %dma_wait3A_91 = tpu.memref_slice %arg4[%add3A_83, %dma_wait3A_89, %dma_wait3A_90] : memref<5056x128x128xf32, #tpu.memory_space<hbm>> -> memref<2x128x128xf32, #tpu.memory_space<hbm>>
    %dma_wait3A_92 = tpu.memref_slice %arg9[%dma_wait3A_84] : memref<2x!tpu.dma_semaphore, #tpu.memory_space<semaphore_mem>> -> memref<1x!tpu.dma_semaphore, #tpu.memory_space<semaphore_mem>>
    %dma_wait3A_93 = tpu.memref_squeeze %dma_wait3A_92 : memref<1x!tpu.dma_semaphore, #tpu.memory_space<semaphore_mem>> -> memref<!tpu.dma_semaphore, #tpu.memory_space<semaphore_mem>>
    %dma_wait3A_94 = arith.constant 0 : i32
    %dma_wait3A_95 = arith.constant 0 : i32
    %dma_wait3A_96 = tpu.memref_slice %arg4[%add3A_83, %dma_wait3A_94, %dma_wait3A_95] : memref<5056x128x128xf32, #tpu.memory_space<hbm>> -> memref<2x128x128xf32, #tpu.memory_space<hbm>>
    %dma_wait3A_97 = arith.constant 2 : i32
    %dma_wait3A_98 = arith.constant 0 : i32
    %dma_wait3A_99 = arith.constant 0 : i32
    %dma_wait3A_100 = tpu.memref_slice %arg5[%dma_wait3A_97, %dma_wait3A_98, %dma_wait3A_99] : memref<4x128x128xf32, #tpu.memory_space<vmem>> -> memref<2x128x128xf32, #tpu.memory_space<vmem>>
    tpu.wait_dma2 semaphore(%dma_wait3A_93 : memref<!tpu.dma_semaphore, #tpu.memory_space<semaphore_mem>>) src(%dma_wait3A_100 : memref<2x128x128xf32, #tpu.memory_space<vmem>>) dst(%dma_wait3A_96 : memref<2x128x128xf32, #tpu.memory_space<hbm>>)
    %add3A_101 = arith.constant 156 : i32
    %add3A_102 = arith.addi %mul3A_2, %add3A_101 : i32
    %dma_wait3A_103 = arith.constant 0 : i32
    %dma_wait3A_104 = arith.constant 0 : i32
    %dma_wait3A_105 = arith.constant 0 : i32
    %dma_wait3A_106 = arith.constant 0 : i32
    %dma_wait3A_107 = tpu.memref_slice %arg5[%dma_wait3A_104, %dma_wait3A_105, %dma_wait3A_106] : memref<4x128x128xf32, #tpu.memory_space<vmem>> -> memref<2x128x128xf32, #tpu.memory_space<vmem>>
    %dma_wait3A_108 = arith.constant 0 : i32
    %dma_wait3A_109 = arith.constant 0 : i32
    %dma_wait3A_110 = tpu.memref_slice %arg4[%add3A_102, %dma_wait3A_108, %dma_wait3A_109] : memref<5056x128x128xf32, #tpu.memory_space<hbm>> -> memref<2x128x128xf32, #tpu.memory_space<hbm>>
    %dma_wait3A_111 = tpu.memref_slice %arg9[%dma_wait3A_103] : memref<2x!tpu.dma_semaphore, #tpu.memory_space<semaphore_mem>> -> memref<1x!tpu.dma_semaphore, #tpu.memory_space<semaphore_mem>>
    %dma_wait3A_112 = tpu.memref_squeeze %dma_wait3A_111 : memref<1x!tpu.dma_semaphore, #tpu.memory_space<semaphore_mem>> -> memref<!tpu.dma_semaphore, #tpu.memory_space<semaphore_mem>>
    %dma_wait3A_113 = arith.constant 0 : i32
    %dma_wait3A_114 = arith.constant 0 : i32
    %dma_wait3A_115 = tpu.memref_slice %arg4[%add3A_102, %dma_wait3A_113, %dma_wait3A_114] : memref<5056x128x128xf32, #tpu.memory_space<hbm>> -> memref<2x128x128xf32, #tpu.memory_space<hbm>>
    %dma_wait3A_116 = arith.constant 0 : i32
    %dma_wait3A_117 = arith.constant 0 : i32
    %dma_wait3A_118 = arith.constant 0 : i32
    %dma_wait3A_119 = tpu.memref_slice %arg5[%dma_wait3A_116, %dma_wait3A_117, %dma_wait3A_118] : memref<4x128x128xf32, #tpu.memory_space<vmem>> -> memref<2x128x128xf32, #tpu.memory_space<vmem>>
    tpu.wait_dma2 semaphore(%dma_wait3A_112 : memref<!tpu.dma_semaphore, #tpu.memory_space<semaphore_mem>>) src(%dma_wait3A_119 : memref<2x128x128xf32, #tpu.memory_space<vmem>>) dst(%dma_wait3A_115 : memref<2x128x128xf32, #tpu.memory_space<hbm>>)
    return
  }
}

#map = affine_map<(d0, d1) -> (0, 0)>
#map1 = affine_map<(d0, d1) -> (0, 0, 0)>
module attributes {stable_mosaic.version = 14 : i64} {
  func.func @k(%arg0: i32, %arg1: i32, %arg2: memref<320000x128xf32, #tpu.memory_space<hbm>>, %arg3: memref<2500x128xi32, #tpu.memory_space<hbm>>, %arg4: memref<2x10240x128xf32, #tpu.memory_space<hbm>>, %arg5: memref<10240x128xf32, #tpu.memory_space<vmem_shared>>, %arg6: memref<256x128xf32, #tpu.memory_space<vmem>>, %arg7: memref<2x128xi32, #tpu.memory_space<vmem>>) attributes {dimension_semantics = [#tpu.dimension_semantics<core_parallel>, #tpu.dimension_semantics<subcore_parallel>], iteration_bounds = array<i64: 2, 16>, scalar_prefetch = 0 : i64, scratch_operands = 3 : i64, tpu.core_type = #tpu.core_type<sc_vector_subcore>, window_params = [{transform_indices = #map}, {transform_indices = #map}, {transform_indices = #map1}]} {
    %mul3A = arith.constant 16 : i32
    %mul3A_0 = arith.muli %arg0, %mul3A : i32
    %add3A = arith.addi %mul3A_0, %arg1 : i32
    %scan3A = arith.constant 0 : i32
    %scan3A_1 = arith.constant 128 : i32
    %scan3A_2 = arith.addi %scan3A, %scan3A_1 : i32
    %scan3A_3 = arith.constant 1 : i32
    scf.for %scan3A_20 = %scan3A to %scan3A_2 step %scan3A_3  : i32 {
      %mul3A_21 = arith.constant 1 : i32
      %mul3A_22 = arith.muli %scan3A_20, %mul3A_21 : i32
      %add3A_23 = arith.constant 0 : i32
      %add3A_24 = arith.addi %add3A_23, %mul3A_22 : i32
      %scan3A_25 = arith.constant 0 : i32
      %scan3A_26 = arith.constant 8 : i32
      %scan3A_27 = arith.addi %scan3A_25, %scan3A_26 : i32
      %scan3A_28 = arith.constant 1 : i32
      scf.for %scan3A_30 = %scan3A_25 to %scan3A_27 step %scan3A_28  : i32 {
        %mul3A_31 = arith.constant 16 : i32
        %mul3A_32 = arith.muli %scan3A_30, %mul3A_31 : i32
        %add3A_33 = arith.constant 0 : i32
        %add3A_34 = arith.addi %add3A_33, %mul3A_32 : i32
        %broadcast_in_dim3A = arith.constant 0.000000e+00 : f32
        %broadcast_in_dim3A_35 = vector.broadcast %broadcast_in_dim3A : f32 to vector<16xf32>
        %swap3A = arith.index_cast %add3A_24 : i32 to index
        %swap3A_36 = arith.index_cast %add3A_34 : i32 to index
        %swap3A_37 = tpu.vector_load %arg6[%swap3A, %swap3A_36] {strides = array<i32>} : memref<256x128xf32, #tpu.memory_space<vmem>>, vector<1x16xf32>,
        %swap3A_38 = vector.shape_cast %swap3A_37 : vector<1x16xf32> to vector<16xf32>
        %swap3A_39 = vector.shape_cast %broadcast_in_dim3A_35 : vector<16xf32> to vector<1x16xf32>
        tpu.vector_store %arg6[%swap3A, %swap3A_36], %swap3A_39 {strides = array<i32>} : memref<256x128xf32, #tpu.memory_space<vmem>>, vector<1x16xf32>,
      }
      %scan3A_29 = arith.constant 8 : i32
    }
    %scan3A_4 = arith.constant 128 : i32
    %scan3A_5 = arith.constant 0 : i32
    %scan3A_6 = arith.constant 5 : i32
    %scan3A_7 = arith.addi %scan3A_5, %scan3A_6 : i32
    %scan3A_8 = arith.constant 1 : i32
    scf.for %scan3A_20 = %scan3A_5 to %scan3A_7 step %scan3A_8  : i32 {
      %mul3A_21 = arith.constant 1 : i32
      %mul3A_22 = arith.muli %scan3A_20, %mul3A_21 : i32
      %add3A_23 = arith.constant 0 : i32
      %add3A_24 = arith.addi %add3A_23, %mul3A_22 : i32
      %mul3A_25 = arith.constant 640 : i32
      %mul3A_26 = arith.muli %arg1, %mul3A_25 : i32
      %mul3A_27 = arith.constant 128 : i32
      %mul3A_28 = arith.muli %add3A_24, %mul3A_27 : i32
      %add3A_29 = arith.addi %mul3A_26, %mul3A_28 : i32
      "tpu.region"() ({
        %run_scoped3A = tpu.sem_alloc : memref<!tpu.dma_semaphore, #tpu.memory_space<semaphore_mem>>
        %dma_start3A = arith.constant 0 : i32
        %dma_start3A_30 = arith.constant 0 : i32
        %dma_start3A_31 = tpu.memref_slice %arg6[%dma_start3A, %dma_start3A_30] : memref<256x128xf32, #tpu.memory_space<vmem>> -> memref<128x128xf32, #tpu.memory_space<vmem>>
        %dma_start3A_32 = arith.constant 0 : i32
        %dma_start3A_33 = tpu.memref_slice %arg5[%add3A_29, %dma_start3A_32] : memref<10240x128xf32, #tpu.memory_space<vmem_shared>> -> memref<128x128xf32, #tpu.memory_space<vmem_shared>>
        %dma_start3A_34 = arith.constant 0 : i32
        %dma_start3A_35 = tpu.memref_slice %arg5[%add3A_29, %dma_start3A_34] : memref<10240x128xf32, #tpu.memory_space<vmem_shared>> -> memref<128x128xf32, #tpu.memory_space<vmem_shared>>
        %dma_start3A_36 = arith.constant 0 : i32
        %dma_start3A_37 = arith.constant 0 : i32
        %dma_start3A_38 = tpu.memref_slice %arg6[%dma_start3A_36, %dma_start3A_37] : memref<256x128xf32, #tpu.memory_space<vmem>> -> memref<128x128xf32, #tpu.memory_space<vmem>>
        tpu.enqueue_dma source(%dma_start3A_38 : memref<128x128xf32, #tpu.memory_space<vmem>>) target(%dma_start3A_35 : memref<128x128xf32, #tpu.memory_space<vmem_shared>>) target_semaphore(%run_scoped3A : memref<!tpu.dma_semaphore, #tpu.memory_space<semaphore_mem>>)
        %dma_wait3A = arith.constant 0 : i32
        %dma_wait3A_39 = arith.constant 0 : i32
        %dma_wait3A_40 = tpu.memref_slice %arg6[%dma_wait3A, %dma_wait3A_39] : memref<256x128xf32, #tpu.memory_space<vmem>> -> memref<128x128xf32, #tpu.memory_space<vmem>>
        %dma_wait3A_41 = arith.constant 0 : i32
        %dma_wait3A_42 = tpu.memref_slice %arg5[%add3A_29, %dma_wait3A_41] : memref<10240x128xf32, #tpu.memory_space<vmem_shared>> -> memref<128x128xf32, #tpu.memory_space<vmem_shared>>
        %dma_wait3A_43 = arith.constant 0 : i32
        %dma_wait3A_44 = tpu.memref_slice %arg5[%add3A_29, %dma_wait3A_43] : memref<10240x128xf32, #tpu.memory_space<vmem_shared>> -> memref<128x128xf32, #tpu.memory_space<vmem_shared>>
        %dma_wait3A_45 = arith.constant 0 : i32
        %dma_wait3A_46 = arith.constant 0 : i32
        %dma_wait3A_47 = tpu.memref_slice %arg6[%dma_wait3A_45, %dma_wait3A_46] : memref<256x128xf32, #tpu.memory_space<vmem>> -> memref<128x128xf32, #tpu.memory_space<vmem>>
        tpu.wait_dma2 semaphore(%run_scoped3A : memref<!tpu.dma_semaphore, #tpu.memory_space<semaphore_mem>>) src(%dma_wait3A_47 : memref<128x128xf32, #tpu.memory_space<vmem>>) dst(%dma_wait3A_44 : memref<128x128xf32, #tpu.memory_space<vmem_shared>>)
        tpu.yield
      }) : () -> ()
    }
    %scan3A_9 = arith.constant 5 : i32
    %barrier3A = arith.constant 0 : index
    tpu.barrier barrier_id(%barrier3A)
    %scan3A_10 = arith.constant 0 : i32
    %scan3A_11 = arith.constant 40 : i32
    %scan3A_12 = arith.addi %scan3A_10, %scan3A_11 : i32
    %scan3A_13 = arith.constant 1 : i32
    scf.for %scan3A_20 = %scan3A_10 to %scan3A_12 step %scan3A_13  : i32 {
      %mul3A_21 = arith.constant 1 : i32
      %mul3A_22 = arith.muli %scan3A_20, %mul3A_21 : i32
      %add3A_23 = arith.constant 0 : i32
      %add3A_24 = arith.addi %add3A_23, %mul3A_22 : i32
      %mul3A_25 = arith.constant 32 : i32
      %mul3A_26 = arith.muli %add3A_24, %mul3A_25 : i32
      %add3A_27 = arith.addi %add3A, %mul3A_26 : i32
      %lt3A = arith.constant 1250 : i32
      %lt3A_28 = arith.cmpi slt, %add3A_27, %lt3A : i32
      %convert_element_type3A = arith.extui %lt3A_28 : i1 to i32
      %cond3A = arith.constant 0 : i32
      %cond3A_29 = arith.cmpi ne, %convert_element_type3A, %cond3A : i32
      scf.if %cond3A_29 {
        %mul3A_30 = arith.constant 256 : i32
        %mul3A_31 = arith.muli %add3A_27, %mul3A_30 : i32
        "tpu.region"() ({
          %run_scoped3A_35 = tpu.sem_alloc : memref<!tpu.dma_semaphore, #tpu.memory_space<semaphore_mem>>
          %dma_start3A = arith.constant 0 : i32
          %dma_start3A_36 = tpu.memref_slice %arg2[%mul3A_31, %dma_start3A] : memref<320000x128xf32, #tpu.memory_space<hbm>> -> memref<256x128xf32, #tpu.memory_space<hbm>>
          %dma_start3A_37 = arith.constant 0 : i32
          %dma_start3A_38 = tpu.memref_slice %arg2[%mul3A_31, %dma_start3A_37] : memref<320000x128xf32, #tpu.memory_space<hbm>> -> memref<256x128xf32, #tpu.memory_space<hbm>>
          tpu.enqueue_dma source(%dma_start3A_38 : memref<256x128xf32, #tpu.memory_space<hbm>>) target(%arg6 : memref<256x128xf32, #tpu.memory_space<vmem>>) target_semaphore(%run_scoped3A_35 : memref<!tpu.dma_semaphore, #tpu.memory_space<semaphore_mem>>)
          %dma_wait3A = arith.constant 0 : i32
          %dma_wait3A_39 = tpu.memref_slice %arg2[%mul3A_31, %dma_wait3A] : memref<320000x128xf32, #tpu.memory_space<hbm>> -> memref<256x128xf32, #tpu.memory_space<hbm>>
          %dma_wait3A_40 = arith.constant 0 : i32
          %dma_wait3A_41 = tpu.memref_slice %arg2[%mul3A_31, %dma_wait3A_40] : memref<320000x128xf32, #tpu.memory_space<hbm>> -> memref<256x128xf32, #tpu.memory_space<hbm>>
          tpu.wait_dma2 semaphore(%run_scoped3A_35 : memref<!tpu.dma_semaphore, #tpu.memory_space<semaphore_mem>>) src(%dma_wait3A_41 : memref<256x128xf32, #tpu.memory_space<hbm>>) dst(%arg6 : memref<256x128xf32, #tpu.memory_space<vmem>>)
          tpu.yield
        }) : () -> ()
        %mul3A_32 = arith.constant 2 : i32
        %mul3A_33 = arith.muli %add3A_27, %mul3A_32 : i32
        "tpu.region"() ({
          %run_scoped3A_35 = tpu.sem_alloc : memref<!tpu.dma_semaphore, #tpu.memory_space<semaphore_mem>>
          %dma_start3A = arith.constant 0 : i32
          %dma_start3A_36 = tpu.memref_slice %arg3[%mul3A_33, %dma_start3A] : memref<2500x128xi32, #tpu.memory_space<hbm>> -> memref<2x128xi32, #tpu.memory_space<hbm>>
          %dma_start3A_37 = arith.constant 0 : i32
          %dma_start3A_38 = tpu.memref_slice %arg3[%mul3A_33, %dma_start3A_37] : memref<2500x128xi32, #tpu.memory_space<hbm>> -> memref<2x128xi32, #tpu.memory_space<hbm>>
          tpu.enqueue_dma source(%dma_start3A_38 : memref<2x128xi32, #tpu.memory_space<hbm>>) target(%arg7 : memref<2x128xi32, #tpu.memory_space<vmem>>) target_semaphore(%run_scoped3A_35 : memref<!tpu.dma_semaphore, #tpu.memory_space<semaphore_mem>>)
          %dma_wait3A = arith.constant 0 : i32
          %dma_wait3A_39 = tpu.memref_slice %arg3[%mul3A_33, %dma_wait3A] : memref<2500x128xi32, #tpu.memory_space<hbm>> -> memref<2x128xi32, #tpu.memory_space<hbm>>
          %dma_wait3A_40 = arith.constant 0 : i32
          %dma_wait3A_41 = tpu.memref_slice %arg3[%mul3A_33, %dma_wait3A_40] : memref<2500x128xi32, #tpu.memory_space<hbm>> -> memref<2x128xi32, #tpu.memory_space<hbm>>
          tpu.wait_dma2 semaphore(%run_scoped3A_35 : memref<!tpu.dma_semaphore, #tpu.memory_space<semaphore_mem>>) src(%dma_wait3A_41 : memref<2x128xi32, #tpu.memory_space<hbm>>) dst(%arg7 : memref<2x128xi32, #tpu.memory_space<vmem>>)
          tpu.yield
        }) : () -> ()
        %run_scoped3A = arith.constant 0 : i32
        "tpu.region"() ({
          %run_scoped3A_35 = tpu.sem_alloc : memref<!tpu.dma_semaphore, #tpu.memory_space<semaphore_mem>>
          %dma_start3A = arith.constant 0 : i32
          %dma_start3A_36 = arith.constant 0 : i32
          %dma_start3A_37 = tpu.memref_slice %arg6[%dma_start3A, %dma_start3A_36] : memref<256x128xf32, #tpu.memory_space<vmem>> -> memref<128x128xf32, #tpu.memory_space<vmem>>
          %dma_start3A_38 = arith.constant 0 : i32
          %dma_start3A_39 = tpu.memref_slice %arg7[%run_scoped3A, %dma_start3A_38] : memref<2x128xi32, #tpu.memory_space<vmem>> -> memref<1x128xi32, #tpu.memory_space<vmem>>
          %dma_start3A_40 = tpu.memref_squeeze %dma_start3A_39 : memref<1x128xi32, #tpu.memory_space<vmem>> -> memref<128xi32, #tpu.memory_space<vmem>>
          %dma_start3A_41 = arith.constant 0 : i32
          %dma_start3A_42 = arith.constant 0 : i32
          %dma_start3A_43 = tpu.memref_slice %arg5[%dma_start3A_41, %dma_start3A_42] : memref<10240x128xf32, #tpu.memory_space<vmem_shared>> -> memref<10240x128xf32, #tpu.memory_space<vmem_shared>>
          tpu.enqueue_indirect_dma source(%dma_start3A_37 : memref<128x128xf32, #tpu.memory_space<vmem>>) target(%dma_start3A_43 : memref<10240x128xf32, #tpu.memory_space<vmem_shared>>) offsets(%dma_start3A_40 : memref<128xi32, #tpu.memory_space<vmem>>) semaphore(%run_scoped3A_35 : memref<!tpu.dma_semaphore, #tpu.memory_space<semaphore_mem>>) {add = true}
          %dma_wait3A = arith.constant 0 : i32
          %dma_wait3A_44 = arith.constant 0 : i32
          %dma_wait3A_45 = tpu.memref_slice %arg6[%dma_wait3A, %dma_wait3A_44] : memref<256x128xf32, #tpu.memory_space<vmem>> -> memref<128x128xf32, #tpu.memory_space<vmem>>
          %dma_wait3A_46 = arith.constant 0 : i32
          %dma_wait3A_47 = tpu.memref_slice %arg7[%run_scoped3A, %dma_wait3A_46] : memref<2x128xi32, #tpu.memory_space<vmem>> -> memref<1x128xi32, #tpu.memory_space<vmem>>
          %dma_wait3A_48 = tpu.memref_squeeze %dma_wait3A_47 : memref<1x128xi32, #tpu.memory_space<vmem>> -> memref<128xi32, #tpu.memory_space<vmem>>
          %dma_wait3A_49 = arith.constant 0 : i32
          %dma_wait3A_50 = arith.constant 0 : i32
          %dma_wait3A_51 = tpu.memref_slice %arg5[%dma_wait3A_49, %dma_wait3A_50] : memref<10240x128xf32, #tpu.memory_space<vmem_shared>> -> memref<10240x128xf32, #tpu.memory_space<vmem_shared>>
          tpu.wait_indirect_dma semaphore(%run_scoped3A_35 : memref<!tpu.dma_semaphore, #tpu.memory_space<semaphore_mem>>) src(%dma_wait3A_45 : memref<128x128xf32, #tpu.memory_space<vmem>>) dst(%dma_wait3A_51 : memref<10240x128xf32, #tpu.memory_space<vmem_shared>>)
          tpu.yield
        }) : () -> ()
        %run_scoped3A_34 = arith.constant 1 : i32
        "tpu.region"() ({
          %run_scoped3A_35 = tpu.sem_alloc : memref<!tpu.dma_semaphore, #tpu.memory_space<semaphore_mem>>
          %dma_start3A = arith.constant 128 : i32
          %dma_start3A_36 = arith.constant 0 : i32
          %dma_start3A_37 = tpu.memref_slice %arg6[%dma_start3A, %dma_start3A_36] : memref<256x128xf32, #tpu.memory_space<vmem>> -> memref<128x128xf32, #tpu.memory_space<vmem>>
          %dma_start3A_38 = arith.constant 0 : i32
          %dma_start3A_39 = tpu.memref_slice %arg7[%run_scoped3A_34, %dma_start3A_38] : memref<2x128xi32, #tpu.memory_space<vmem>> -> memref<1x128xi32, #tpu.memory_space<vmem>>
          %dma_start3A_40 = tpu.memref_squeeze %dma_start3A_39 : memref<1x128xi32, #tpu.memory_space<vmem>> -> memref<128xi32, #tpu.memory_space<vmem>>
          %dma_start3A_41 = arith.constant 0 : i32
          %dma_start3A_42 = arith.constant 0 : i32
          %dma_start3A_43 = tpu.memref_slice %arg5[%dma_start3A_41, %dma_start3A_42] : memref<10240x128xf32, #tpu.memory_space<vmem_shared>> -> memref<10240x128xf32, #tpu.memory_space<vmem_shared>>
          tpu.enqueue_indirect_dma source(%dma_start3A_37 : memref<128x128xf32, #tpu.memory_space<vmem>>) target(%dma_start3A_43 : memref<10240x128xf32, #tpu.memory_space<vmem_shared>>) offsets(%dma_start3A_40 : memref<128xi32, #tpu.memory_space<vmem>>) semaphore(%run_scoped3A_35 : memref<!tpu.dma_semaphore, #tpu.memory_space<semaphore_mem>>) {add = true}
          %dma_wait3A = arith.constant 128 : i32
          %dma_wait3A_44 = arith.constant 0 : i32
          %dma_wait3A_45 = tpu.memref_slice %arg6[%dma_wait3A, %dma_wait3A_44] : memref<256x128xf32, #tpu.memory_space<vmem>> -> memref<128x128xf32, #tpu.memory_space<vmem>>
          %dma_wait3A_46 = arith.constant 0 : i32
          %dma_wait3A_47 = tpu.memref_slice %arg7[%run_scoped3A_34, %dma_wait3A_46] : memref<2x128xi32, #tpu.memory_space<vmem>> -> memref<1x128xi32, #tpu.memory_space<vmem>>
          %dma_wait3A_48 = tpu.memref_squeeze %dma_wait3A_47 : memref<1x128xi32, #tpu.memory_space<vmem>> -> memref<128xi32, #tpu.memory_space<vmem>>
          %dma_wait3A_49 = arith.constant 0 : i32
          %dma_wait3A_50 = arith.constant 0 : i32
          %dma_wait3A_51 = tpu.memref_slice %arg5[%dma_wait3A_49, %dma_wait3A_50] : memref<10240x128xf32, #tpu.memory_space<vmem_shared>> -> memref<10240x128xf32, #tpu.memory_space<vmem_shared>>
          tpu.wait_indirect_dma semaphore(%run_scoped3A_35 : memref<!tpu.dma_semaphore, #tpu.memory_space<semaphore_mem>>) src(%dma_wait3A_45 : memref<128x128xf32, #tpu.memory_space<vmem>>) dst(%dma_wait3A_51 : memref<10240x128xf32, #tpu.memory_space<vmem_shared>>)
          tpu.yield
        }) : () -> ()
      } else {
      }
    }
    %scan3A_14 = arith.constant 40 : i32
    %barrier3A_15 = arith.constant 0 : index
    tpu.barrier barrier_id(%barrier3A_15)
    %mul3A_16 = arith.constant 640 : i32
    %mul3A_17 = arith.muli %arg1, %mul3A_16 : i32
    %mul3A_18 = arith.constant 640 : i32
    %mul3A_19 = arith.muli %arg1, %mul3A_18 : i32
    "tpu.region"() ({
      %run_scoped3A = tpu.sem_alloc : memref<!tpu.dma_semaphore, #tpu.memory_space<semaphore_mem>>
      %dma_start3A = arith.constant 0 : i32
      %dma_start3A_20 = tpu.memref_slice %arg4[%arg0, %mul3A_19, %dma_start3A] : memref<2x10240x128xf32, #tpu.memory_space<hbm>> -> memref<1x640x128xf32, #tpu.memory_space<hbm>>
      %dma_start3A_21 = tpu.memref_squeeze %dma_start3A_20 : memref<1x640x128xf32, #tpu.memory_space<hbm>> -> memref<640x128xf32, #tpu.memory_space<hbm>>
      %dma_start3A_22 = arith.constant 0 : i32
      %dma_start3A_23 = tpu.memref_slice %arg5[%mul3A_17, %dma_start3A_22] : memref<10240x128xf32, #tpu.memory_space<vmem_shared>> -> memref<640x128xf32, #tpu.memory_space<vmem_shared>>
      tpu.enqueue_dma source(%dma_start3A_23 : memref<640x128xf32, #tpu.memory_space<vmem_shared>>) target(%dma_start3A_21 : memref<640x128xf32, #tpu.memory_space<hbm>>) target_semaphore(%run_scoped3A : memref<!tpu.dma_semaphore, #tpu.memory_space<semaphore_mem>>)
      %dma_wait3A = arith.constant 0 : i32
      %dma_wait3A_24 = tpu.memref_slice %arg4[%arg0, %mul3A_19, %dma_wait3A] : memref<2x10240x128xf32, #tpu.memory_space<hbm>> -> memref<1x640x128xf32, #tpu.memory_space<hbm>>
      %dma_wait3A_25 = tpu.memref_squeeze %dma_wait3A_24 : memref<1x640x128xf32, #tpu.memory_space<hbm>> -> memref<640x128xf32, #tpu.memory_space<hbm>>
      %dma_wait3A_26 = arith.constant 0 : i32
      %dma_wait3A_27 = tpu.memref_slice %arg5[%mul3A_17, %dma_wait3A_26] : memref<10240x128xf32, #tpu.memory_space<vmem_shared>> -> memref<640x128xf32, #tpu.memory_space<vmem_shared>>
      tpu.wait_dma2 semaphore(%run_scoped3A : memref<!tpu.dma_semaphore, #tpu.memory_space<semaphore_mem>>) src(%dma_wait3A_27 : memref<640x128xf32, #tpu.memory_space<vmem_shared>>) dst(%dma_wait3A_25 : memref<640x128xf32, #tpu.memory_space<hbm>>)
      tpu.yield
    }) : () -> ()
    return
  }
}

#map = affine_map<(d0, d1) -> (0, 0)>
#map1 = affine_map<(d0, d1) -> (0, 0, 0)>
module attributes {stable_mosaic.version = 14 : i64} {
  func.func @k(%arg0: i32, %arg1: i32, %arg2: memref<10000x128xf32, #tpu.memory_space<hbm>>, %arg3: memref<5056x128xi32, #tpu.memory_space<hbm>>, %arg4: memref<5056x128x128xf32, #tpu.memory_space<hbm>>, %arg5: memref<4x128x128xf32, #tpu.memory_space<vmem>>, %arg6: memref<6x128xi32, #tpu.memory_space<vmem>>, %arg7: memref<3x!tpu.dma_semaphore, #tpu.memory_space<semaphore_mem>>, %arg8: memref<2x!tpu.dma_semaphore, #tpu.memory_space<semaphore_mem>>, %arg9: memref<2x!tpu.dma_semaphore, #tpu.memory_space<semaphore_mem>>) attributes {dimension_semantics = [#tpu.dimension_semantics<core_parallel>, #tpu.dimension_semantics<subcore_parallel>], iteration_bounds = array<i64: 2, 16>, scalar_prefetch = 0 : i64, scratch_operands = 5 : i64, tpu.core_type = #tpu.core_type<sc_vector_subcore>, window_params = [{transform_indices = #map}, {transform_indices = #map}, {transform_indices = #map1}]} {
    %mul3A = arith.constant 16 : i32
    %mul3A_0 = arith.muli %arg0, %mul3A : i32
    %add3A = arith.addi %mul3A_0, %arg1 : i32
    %mul3A_1 = arith.constant 158 : i32
    %mul3A_2 = arith.muli %add3A, %mul3A_1 : i32
    %dma_start3A = arith.constant 0 : i32
    %dma_start3A_3 = arith.constant 0 : i32
    %dma_start3A_4 = arith.constant 0 : i32
    %dma_start3A_5 = tpu.memref_slice %arg6[%dma_start3A_3, %dma_start3A_4] : memref<6x128xi32, #tpu.memory_space<vmem>> -> memref<2x128xi32, #tpu.memory_space<vmem>>
    %dma_start3A_6 = arith.constant 0 : i32
    %dma_start3A_7 = tpu.memref_slice %arg3[%mul3A_2, %dma_start3A_6] : memref<5056x128xi32, #tpu.memory_space<hbm>> -> memref<2x128xi32, #tpu.memory_space<hbm>>
    %dma_start3A_8 = tpu.memref_slice %arg7[%dma_start3A] : memref<3x!tpu.dma_semaphore, #tpu.memory_space<semaphore_mem>> -> memref<1x!tpu.dma_semaphore, #tpu.memory_space<semaphore_mem>>
    %dma_start3A_9 = tpu.memref_squeeze %dma_start3A_8 : memref<1x!tpu.dma_semaphore, #tpu.memory_space<semaphore_mem>> -> memref<!tpu.dma_semaphore, #tpu.memory_space<semaphore_mem>>
    %dma_start3A_10 = arith.constant 0 : i32
    %dma_start3A_11 = arith.constant 0 : i32
    %dma_start3A_12 = tpu.memref_slice %arg6[%dma_start3A_10, %dma_start3A_11] : memref<6x128xi32, #tpu.memory_space<vmem>> -> memref<2x128xi32, #tpu.memory_space<vmem>>
    %dma_start3A_13 = arith.constant 0 : i32
    %dma_start3A_14 = tpu.memref_slice %arg3[%mul3A_2, %dma_start3A_13] : memref<5056x128xi32, #tpu.memory_space<hbm>> -> memref<2x128xi32, #tpu.memory_space<hbm>>
    tpu.enqueue_dma source(%dma_start3A_14 : memref<2x128xi32, #tpu.memory_space<hbm>>) target(%dma_start3A_12 : memref<2x128xi32, #tpu.memory_space<vmem>>) target_semaphore(%dma_start3A_9 : memref<!tpu.dma_semaphore, #tpu.memory_space<semaphore_mem>>)
    %add3A_15 = arith.constant 2 : i32
    %add3A_16 = arith.addi %mul3A_2, %add3A_15 : i32
    %dma_start3A_17 = arith.constant 1 : i32
    %dma_start3A_18 = arith.constant 2 : i32
    %dma_start3A_19 = arith.constant 0 : i32
    %dma_start3A_20 = tpu.memref_slice %arg6[%dma_start3A_18, %dma_start3A_19] : memref<6x128xi32, #tpu.memory_space<vmem>> -> memref<2x128xi32, #tpu.memory_space<vmem>>
    %dma_start3A_21 = arith.constant 0 : i32
    %dma_start3A_22 = tpu.memref_slice %arg3[%add3A_16, %dma_start3A_21] : memref<5056x128xi32, #tpu.memory_space<hbm>> -> memref<2x128xi32, #tpu.memory_space<hbm>>
    %dma_start3A_23 = tpu.memref_slice %arg7[%dma_start3A_17] : memref<3x!tpu.dma_semaphore, #tpu.memory_space<semaphore_mem>> -> memref<1x!tpu.dma_semaphore, #tpu.memory_space<semaphore_mem>>
    %dma_start3A_24 = tpu.memref_squeeze %dma_start3A_23 : memref<1x!tpu.dma_semaphore, #tpu.memory_space<semaphore_mem>> -> memref<!tpu.dma_semaphore, #tpu.memory_space<semaphore_mem>>
    %dma_start3A_25 = arith.constant 2 : i32
    %dma_start3A_26 = arith.constant 0 : i32
    %dma_start3A_27 = tpu.memref_slice %arg6[%dma_start3A_25, %dma_start3A_26] : memref<6x128xi32, #tpu.memory_space<vmem>> -> memref<2x128xi32, #tpu.memory_space<vmem>>
    %dma_start3A_28 = arith.constant 0 : i32
    %dma_start3A_29 = tpu.memref_slice %arg3[%add3A_16, %dma_start3A_28] : memref<5056x128xi32, #tpu.memory_space<hbm>> -> memref<2x128xi32, #tpu.memory_space<hbm>>
    tpu.enqueue_dma source(%dma_start3A_29 : memref<2x128xi32, #tpu.memory_space<hbm>>) target(%dma_start3A_27 : memref<2x128xi32, #tpu.memory_space<vmem>>) target_semaphore(%dma_start3A_24 : memref<!tpu.dma_semaphore, #tpu.memory_space<semaphore_mem>>)
    %scan3A = arith.constant 0 : i32
    %scan3A_30 = arith.constant 79 : i32
    %scan3A_31 = arith.addi %scan3A, %scan3A_30 : i32
    %scan3A_32 = arith.constant 1 : i32
    scf.for %scan3A_120 = %scan3A to %scan3A_31 step %scan3A_32  : i32 {
      %mul3A_121 = arith.constant 1 : i32
      %mul3A_122 = arith.muli %scan3A_120, %mul3A_121 : i32
      %add3A_123 = arith.constant 0 : i32
      %add3A_124 = arith.addi %add3A_123, %mul3A_122 : i32
      %rem3A = arith.constant 2 : i32
      %rem3A_125 = arith.remsi %add3A_124, %rem3A : i32
      %sub3A = arith.constant 1 : i32
      %sub3A_126 = arith.subi %sub3A, %rem3A_125 : i32
      %rem3A_127 = arith.constant 3 : i32
      %rem3A_128 = arith.remsi %add3A_124, %rem3A_127 : i32
      %ge3A = arith.constant 2 : i32
      %ge3A_129 = arith.cmpi sge, %add3A_124, %ge3A : i32
      %convert_element_type3A = arith.extui %ge3A_129 : i1 to i32
      %cond3A = arith.constant 0 : i32
      %cond3A_130 = arith.cmpi ne, %convert_element_type3A, %cond3A : i32
      scf.if %cond3A_130 {
        %mul3A_193 = arith.constant 2 : i32
        %mul3A_194 = arith.muli %rem3A_125, %mul3A_193 : i32
        %sub3A_195 = arith.constant 2 : i32
        %sub3A_196 = arith.subi %add3A_124, %sub3A_195 : i32
        %mul3A_197 = arith.constant 2 : i32
        %mul3A_198 = arith.muli %sub3A_196, %mul3A_197 : i32
        %add3A_199 = arith.addi %mul3A_2, %mul3A_198 : i32
        %dma_wait3A_200 = arith.constant 0 : i32
        %dma_wait3A_201 = arith.constant 0 : i32
        %dma_wait3A_202 = tpu.memref_slice %arg5[%mul3A_194, %dma_wait3A_200, %dma_wait3A_201] : memref<4x128x128xf32, #tpu.memory_space<vmem>> -> memref<2x128x128xf32, #tpu.memory_space<vmem>>
        %dma_wait3A_203 = arith.constant 0 : i32
        %dma_wait3A_204 = arith.constant 0 : i32
        %dma_wait3A_205 = tpu.memref_slice %arg4[%add3A_199, %dma_wait3A_203, %dma_wait3A_204] : memref<5056x128x128xf32, #tpu.memory_space<hbm>> -> memref<2x128x128xf32, #tpu.memory_space<hbm>>
        %dma_wait3A_206 = tpu.memref_slice %arg9[%rem3A_125] : memref<2x!tpu.dma_semaphore, #tpu.memory_space<semaphore_mem>> -> memref<1x!tpu.dma_semaphore, #tpu.memory_space<semaphore_mem>>
        %dma_wait3A_207 = tpu.memref_squeeze %dma_wait3A_206 : memref<1x!tpu.dma_semaphore, #tpu.memory_space<semaphore_mem>> -> memref<!tpu.dma_semaphore, #tpu.memory_space<semaphore_mem>>
        %dma_wait3A_208 = arith.constant 0 : i32
        %dma_wait3A_209 = arith.constant 0 : i32
        %dma_wait3A_210 = tpu.memref_slice %arg4[%add3A_199, %dma_wait3A_208, %dma_wait3A_209] : memref<5056x128x128xf32, #tpu.memory_space<hbm>> -> memref<2x128x128xf32, #tpu.memory_space<hbm>>
        %dma_wait3A_211 = arith.constant 0 : i32
        %dma_wait3A_212 = arith.constant 0 : i32
        %dma_wait3A_213 = tpu.memref_slice %arg5[%mul3A_194, %dma_wait3A_211, %dma_wait3A_212] : memref<4x128x128xf32, #tpu.memory_space<vmem>> -> memref<2x128x128xf32, #tpu.memory_space<vmem>>
        tpu.wait_dma2 semaphore(%dma_wait3A_207 : memref<!tpu.dma_semaphore, #tpu.memory_space<semaphore_mem>>) src(%dma_wait3A_213 : memref<2x128x128xf32, #tpu.memory_space<vmem>>) dst(%dma_wait3A_210 : memref<2x128x128xf32, #tpu.memory_space<hbm>>)
      } else {
      }
      %mul3A_131 = arith.constant 2 : i32
      %mul3A_132 = arith.muli %add3A_124, %mul3A_131 : i32
      %add3A_133 = arith.addi %mul3A_2, %mul3A_132 : i32
      %mul3A_134 = arith.constant 2 : i32
      %mul3A_135 = arith.muli %rem3A_128, %mul3A_134 : i32
      %dma_wait3A_136 = arith.constant 0 : i32
      %dma_wait3A_137 = tpu.memref_slice %arg6[%mul3A_135, %dma_wait3A_136] : memref<6x128xi32, #tpu.memory_space<vmem>> -> memref<2x128xi32, #tpu.memory_space<vmem>>
      %dma_wait3A_138 = arith.constant 0 : i32
      %dma_wait3A_139 = tpu.memref_slice %arg3[%add3A_133, %dma_wait3A_138] : memref<5056x128xi32, #tpu.memory_space<hbm>> -> memref<2x128xi32, #tpu.memory_space<hbm>>
      %dma_wait3A_140 = tpu.memref_slice %arg7[%rem3A_128] : memref<3x!tpu.dma_semaphore, #tpu.memory_space<semaphore_mem>> -> memref<1x!tpu.dma_semaphore, #tpu.memory_space<semaphore_mem>>
      %dma_wait3A_141 = tpu.memref_squeeze %dma_wait3A_140 : memref<1x!tpu.dma_semaphore, #tpu.memory_space<semaphore_mem>> -> memref<!tpu.dma_semaphore, #tpu.memory_space<semaphore_mem>>
      %dma_wait3A_142 = arith.constant 0 : i32
      %dma_wait3A_143 = tpu.memref_slice %arg6[%mul3A_135, %dma_wait3A_142] : memref<6x128xi32, #tpu.memory_space<vmem>> -> memref<2x128xi32, #tpu.memory_space<vmem>>
      %dma_wait3A_144 = arith.constant 0 : i32
      %dma_wait3A_145 = tpu.memref_slice %arg3[%add3A_133, %dma_wait3A_144] : memref<5056x128xi32, #tpu.memory_space<hbm>> -> memref<2x128xi32, #tpu.memory_space<hbm>>
      tpu.wait_dma2 semaphore(%dma_wait3A_141 : memref<!tpu.dma_semaphore, #tpu.memory_space<semaphore_mem>>) src(%dma_wait3A_145 : memref<2x128xi32, #tpu.memory_space<hbm>>) dst(%dma_wait3A_143 : memref<2x128xi32, #tpu.memory_space<vmem>>)
      %mul3A_146 = arith.constant 2 : i32
      %mul3A_147 = arith.muli %rem3A_128, %mul3A_146 : i32
      %mul3A_148 = arith.constant 2 : i32
      %mul3A_149 = arith.muli %rem3A_125, %mul3A_148 : i32
      %dma_start3A_150 = arith.constant 0 : i32
      %dma_start3A_151 = arith.constant 0 : i32
      %dma_start3A_152 = tpu.memref_slice %arg5[%mul3A_149, %dma_start3A_150, %dma_start3A_151] : memref<4x128x128xf32, #tpu.memory_space<vmem>> -> memref<1x128x128xf32, #tpu.memory_space<vmem>>
      %dma_start3A_153 = tpu.memref_squeeze %dma_start3A_152 : memref<1x128x128xf32, #tpu.memory_space<vmem>> -> memref<128x128xf32, #tpu.memory_space<vmem>>
      %dma_start3A_154 = arith.constant 0 : i32
      %dma_start3A_155 = tpu.memref_slice %arg6[%mul3A_147, %dma_start3A_154] : memref<6x128xi32, #tpu.memory_space<vmem>> -> memref<1x128xi32, #tpu.memory_space<vmem>>
      %dma_start3A_156 = tpu.memref_squeeze %dma_start3A_155 : memref<1x128xi32, #tpu.memory_space<vmem>> -> memref<128xi32, #tpu.memory_space<vmem>>
      %dma_start3A_157 = arith.constant 0 : i32
      %dma_start3A_158 = arith.constant 0 : i32
      %dma_start3A_159 = tpu.memref_slice %arg2[%dma_start3A_157, %dma_start3A_158] : memref<10000x128xf32, #tpu.memory_space<hbm>> -> memref<10000x128xf32, #tpu.memory_space<hbm>>
      %dma_start3A_160 = tpu.memref_slice %arg8[%rem3A_125] : memref<2x!tpu.dma_semaphore, #tpu.memory_space<semaphore_mem>> -> memref<1x!tpu.dma_semaphore, #tpu.memory_space<semaphore_mem>>
      %dma_start3A_161 = tpu.memref_squeeze %dma_start3A_160 : memref<1x!tpu.dma_semaphore, #tpu.memory_space<semaphore_mem>> -> memref<!tpu.dma_semaphore, #tpu.memory_space<semaphore_mem>>
      tpu.enqueue_indirect_dma source(%dma_start3A_159 : memref<10000x128xf32, #tpu.memory_space<hbm>>) target(%dma_start3A_153 : memref<128x128xf32, #tpu.memory_space<vmem>>) offsets(%dma_start3A_156 : memref<128xi32, #tpu.memory_space<vmem>>) semaphore(%dma_start3A_161 : memref<!tpu.dma_semaphore, #tpu.memory_space<semaphore_mem>>)
      %mul3A_162 = arith.constant 2 : i32
      %mul3A_163 = arith.muli %rem3A_128, %mul3A_162 : i32
      %add3A_164 = arith.constant 1 : i32
      %add3A_165 = arith.addi %mul3A_163, %add3A_164 : i32
      %mul3A_166 = arith.constant 2 : i32
      %mul3A_167 = arith.muli %rem3A_125, %mul3A_166 : i32
      %add3A_168 = arith.constant 1 : i32
      %add3A_169 = arith.addi %mul3A_167, %add3A_168 : i32
      %dma_start3A_170 = arith.constant 0 : i32
      %dma_start3A_171 = arith.constant 0 : i32
      %dma_start3A_172 = tpu.memref_slice %arg5[%add3A_169, %dma_start3A_170, %dma_start3A_171] : memref<4x128x128xf32, #tpu.memory_space<vmem>> -> memref<1x128x128xf32, #tpu.memory_space<vmem>>
      %dma_start3A_173 = tpu.memref_squeeze %dma_start3A_172 : memref<1x128x128xf32, #tpu.memory_space<vmem>> -> memref<128x128xf32, #tpu.memory_space<vmem>>
      %dma_start3A_174 = arith.constant 0 : i32
      %dma_start3A_175 = tpu.memref_slice %arg6[%add3A_165, %dma_start3A_174] : memref<6x128xi32, #tpu.memory_space<vmem>> -> memref<1x128xi32, #tpu.memory_space<vmem>>
      %dma_start3A_176 = tpu.memref_squeeze %dma_start3A_175 : memref<1x128xi32, #tpu.memory_space<vmem>> -> memref<128xi32, #tpu.memory_space<vmem>>
      %dma_start3A_177 = arith.constant 0 : i32
      %dma_start3A_178 = arith.constant 0 : i32
      %dma_start3A_179 = tpu.memref_slice %arg2[%dma_start3A_177, %dma_start3A_178] : memref<10000x128xf32, #tpu.memory_space<hbm>> -> memref<10000x128xf32, #tpu.memory_space<hbm>>
      %dma_start3A_180 = tpu.memref_slice %arg8[%rem3A_125] : memref<2x!tpu.dma_semaphore, #tpu.memory_space<semaphore_mem>> -> memref<1x!tpu.dma_semaphore, #tpu.memory_space<semaphore_mem>>
      %dma_start3A_181 = tpu.memref_squeeze %dma_start3A_180 : memref<1x!tpu.dma_semaphore, #tpu.memory_space<semaphore_mem>> -> memref<!tpu.dma_semaphore, #tpu.memory_space<semaphore_mem>>
      tpu.enqueue_indirect_dma source(%dma_start3A_179 : memref<10000x128xf32, #tpu.memory_space<hbm>>) target(%dma_start3A_173 : memref<128x128xf32, #tpu.memory_space<vmem>>) offsets(%dma_start3A_176 : memref<128xi32, #tpu.memory_space<vmem>>) semaphore(%dma_start3A_181 : memref<!tpu.dma_semaphore, #tpu.memory_space<semaphore_mem>>)
      %ge3A_182 = arith.constant 1 : i32
      %ge3A_183 = arith.cmpi sge, %add3A_124, %ge3A_182 : i32
      %convert_element_type3A_184 = arith.extui %ge3A_183 : i1 to i32
      %cond3A_185 = arith.constant 0 : i32
      %cond3A_186 = arith.cmpi ne, %convert_element_type3A_184, %cond3A_185 : i32
      scf.if %cond3A_186 {
        %add3A_193 = arith.constant 2 : i32
        %add3A_194 = arith.addi %add3A_124, %add3A_193 : i32
        %rem3A_195 = arith.constant 3 : i32
        %rem3A_196 = arith.remsi %add3A_194, %rem3A_195 : i32
        %mul3A_197 = arith.constant 2 : i32
        %mul3A_198 = arith.muli %rem3A_196, %mul3A_197 : i32
        %add3A_199 = arith.constant 0 : i32
        %add3A_200 = arith.addi %mul3A_198, %add3A_199 : i32
        %mul3A_201 = arith.constant 2 : i32
        %mul3A_202 = arith.muli %sub3A_126, %mul3A_201 : i32
        %add3A_203 = arith.constant 0 : i32
        %add3A_204 = arith.addi %mul3A_202, %add3A_203 : i32
        %dma_wait3A_205 = arith.constant 0 : i32
        %dma_wait3A_206 = arith.constant 0 : i32
        %dma_wait3A_207 = tpu.memref_slice %arg5[%add3A_204, %dma_wait3A_205, %dma_wait3A_206] : memref<4x128x128xf32, #tpu.memory_space<vmem>> -> memref<1x128x128xf32, #tpu.memory_space<vmem>>
        %dma_wait3A_208 = tpu.memref_squeeze %dma_wait3A_207 : memref<1x128x128xf32, #tpu.memory_space<vmem>> -> memref<128x128xf32, #tpu.memory_space<vmem>>
        %dma_wait3A_209 = arith.constant 0 : i32
        %dma_wait3A_210 = tpu.memref_slice %arg6[%add3A_200, %dma_wait3A_209] : memref<6x128xi32, #tpu.memory_space<vmem>> -> memref<1x128xi32, #tpu.memory_space<vmem>>
        %dma_wait3A_211 = tpu.memref_squeeze %dma_wait3A_210 : memref<1x128xi32, #tpu.memory_space<vmem>> -> memref<128xi32, #tpu.memory_space<vmem>>
        %dma_wait3A_212 = arith.constant 0 : i32
        %dma_wait3A_213 = arith.constant 0 : i32
        %dma_wait3A_214 = tpu.memref_slice %arg2[%dma_wait3A_212, %dma_wait3A_213] : memref<10000x128xf32, #tpu.memory_space<hbm>> -> memref<10000x128xf32, #tpu.memory_space<hbm>>
        %dma_wait3A_215 = tpu.memref_slice %arg8[%sub3A_126] : memref<2x!tpu.dma_semaphore, #tpu.memory_space<semaphore_mem>> -> memref<1x!tpu.dma_semaphore, #tpu.memory_space<semaphore_mem>>
        %dma_wait3A_216 = tpu.memref_squeeze %dma_wait3A_215 : memref<1x!tpu.dma_semaphore, #tpu.memory_space<semaphore_mem>> -> memref<!tpu.dma_semaphore, #tpu.memory_space<semaphore_mem>>
        tpu.wait_indirect_dma semaphore(%dma_wait3A_216 : memref<!tpu.dma_semaphore, #tpu.memory_space<semaphore_mem>>) src(%dma_wait3A_214 : memref<10000x128xf32, #tpu.memory_space<hbm>>) dst(%dma_wait3A_208 : memref<128x128xf32, #tpu.memory_space<vmem>>)
        %mul3A_217 = arith.constant 2 : i32
        %mul3A_218 = arith.muli %rem3A_196, %mul3A_217 : i32
        %add3A_219 = arith.constant 1 : i32
        %add3A_220 = arith.addi %mul3A_218, %add3A_219 : i32
        %mul3A_221 = arith.constant 2 : i32
        %mul3A_222 = arith.muli %sub3A_126, %mul3A_221 : i32
        %add3A_223 = arith.constant 1 : i32
        %add3A_224 = arith.addi %mul3A_222, %add3A_223 : i32
        %dma_wait3A_225 = arith.constant 0 : i32
        %dma_wait3A_226 = arith.constant 0 : i32
        %dma_wait3A_227 = tpu.memref_slice %arg5[%add3A_224, %dma_wait3A_225, %dma_wait3A_226] : memref<4x128x128xf32, #tpu.memory_space<vmem>> -> memref<1x128x128xf32, #tpu.memory_space<vmem>>
        %dma_wait3A_228 = tpu.memref_squeeze %dma_wait3A_227 : memref<1x128x128xf32, #tpu.memory_space<vmem>> -> memref<128x128xf32, #tpu.memory_space<vmem>>
        %dma_wait3A_229 = arith.constant 0 : i32
        %dma_wait3A_230 = tpu.memref_slice %arg6[%add3A_220, %dma_wait3A_229] : memref<6x128xi32, #tpu.memory_space<vmem>> -> memref<1x128xi32, #tpu.memory_space<vmem>>
        %dma_wait3A_231 = tpu.memref_squeeze %dma_wait3A_230 : memref<1x128xi32, #tpu.memory_space<vmem>> -> memref<128xi32, #tpu.memory_space<vmem>>
        %dma_wait3A_232 = arith.constant 0 : i32
        %dma_wait3A_233 = arith.constant 0 : i32
        %dma_wait3A_234 = tpu.memref_slice %arg2[%dma_wait3A_232, %dma_wait3A_233] : memref<10000x128xf32, #tpu.memory_space<hbm>> -> memref<10000x128xf32, #tpu.memory_space<hbm>>
        %dma_wait3A_235 = tpu.memref_slice %arg8[%sub3A_126] : memref<2x!tpu.dma_semaphore, #tpu.memory_space<semaphore_mem>> -> memref<1x!tpu.dma_semaphore, #tpu.memory_space<semaphore_mem>>
        %dma_wait3A_236 = tpu.memref_squeeze %dma_wait3A_235 : memref<1x!tpu.dma_semaphore, #tpu.memory_space<semaphore_mem>> -> memref<!tpu.dma_semaphore, #tpu.memory_space<semaphore_mem>>
        tpu.wait_indirect_dma semaphore(%dma_wait3A_236 : memref<!tpu.dma_semaphore, #tpu.memory_space<semaphore_mem>>) src(%dma_wait3A_234 : memref<10000x128xf32, #tpu.memory_space<hbm>>) dst(%dma_wait3A_228 : memref<128x128xf32, #tpu.memory_space<vmem>>)
        %mul3A_237 = arith.constant 2 : i32
        %mul3A_238 = arith.muli %sub3A_126, %mul3A_237 : i32
        %sub3A_239 = arith.constant 1 : i32
        %sub3A_240 = arith.subi %add3A_124, %sub3A_239 : i32
        %mul3A_241 = arith.constant 2 : i32
        %mul3A_242 = arith.muli %sub3A_240, %mul3A_241 : i32
        %add3A_243 = arith.addi %mul3A_2, %mul3A_242 : i32
        %dma_start3A_244 = arith.constant 0 : i32
        %dma_start3A_245 = arith.constant 0 : i32
        %dma_start3A_246 = tpu.memref_slice %arg5[%mul3A_238, %dma_start3A_244, %dma_start3A_245] : memref<4x128x128xf32, #tpu.memory_space<vmem>> -> memref<2x128x128xf32, #tpu.memory_space<vmem>>
        %dma_start3A_247 = arith.constant 0 : i32
        %dma_start3A_248 = arith.constant 0 : i32
        %dma_start3A_249 = tpu.memref_slice %arg4[%add3A_243, %dma_start3A_247, %dma_start3A_248] : memref<5056x128x128xf32, #tpu.memory_space<hbm>> -> memref<2x128x128xf32, #tpu.memory_space<hbm>>
        %dma_start3A_250 = tpu.memref_slice %arg9[%sub3A_126] : memref<2x!tpu.dma_semaphore, #tpu.memory_space<semaphore_mem>> -> memref<1x!tpu.dma_semaphore, #tpu.memory_space<semaphore_mem>>
        %dma_start3A_251 = tpu.memref_squeeze %dma_start3A_250 : memref<1x!tpu.dma_semaphore, #tpu.memory_space<semaphore_mem>> -> memref<!tpu.dma_semaphore, #tpu.memory_space<semaphore_mem>>
        %dma_start3A_252 = arith.constant 0 : i32
        %dma_start3A_253 = arith.constant 0 : i32
        %dma_start3A_254 = tpu.memref_slice %arg4[%add3A_243, %dma_start3A_252, %dma_start3A_253] : memref<5056x128x128xf32, #tpu.memory_space<hbm>> -> memref<2x128x128xf32, #tpu.memory_space<hbm>>
        %dma_start3A_255 = arith.constant 0 : i32
        %dma_start3A_256 = arith.constant 0 : i32
        %dma_start3A_257 = tpu.memref_slice %arg5[%mul3A_238, %dma_start3A_255, %dma_start3A_256] : memref<4x128x128xf32, #tpu.memory_space<vmem>> -> memref<2x128x128xf32, #tpu.memory_space<vmem>>
        tpu.enqueue_dma source(%dma_start3A_257 : memref<2x128x128xf32, #tpu.memory_space<vmem>>) target(%dma_start3A_254 : memref<2x128x128xf32, #tpu.memory_space<hbm>>) target_semaphore(%dma_start3A_251 : memref<!tpu.dma_semaphore, #tpu.memory_space<semaphore_mem>>)
      } else {
      }
      %add3A_187 = arith.constant 2 : i32
      %add3A_188 = arith.addi %add3A_124, %add3A_187 : i32
      %lt3A = arith.constant 79 : i32
      %lt3A_189 = arith.cmpi slt, %add3A_188, %lt3A : i32
      %convert_element_type3A_190 = arith.extui %lt3A_189 : i1 to i32
      %cond3A_191 = arith.constant 0 : i32
      %cond3A_192 = arith.cmpi ne, %convert_element_type3A_190, %cond3A_191 : i32
      scf.if %cond3A_192 {
        %add3A_193 = arith.constant 2 : i32
        %add3A_194 = arith.addi %add3A_124, %add3A_193 : i32
        %rem3A_195 = arith.constant 3 : i32
        %rem3A_196 = arith.remsi %add3A_194, %rem3A_195 : i32
        %add3A_197 = arith.constant 2 : i32
        %add3A_198 = arith.addi %add3A_124, %add3A_197 : i32
        %mul3A_199 = arith.constant 2 : i32
        %mul3A_200 = arith.muli %add3A_198, %mul3A_199 : i32
        %add3A_201 = arith.addi %mul3A_2, %mul3A_200 : i32
        %mul3A_202 = arith.constant 2 : i32
        %mul3A_203 = arith.muli %rem3A_196, %mul3A_202 : i32
        %dma_start3A_204 = arith.constant 0 : i32
        %dma_start3A_205 = tpu.memref_slice %arg6[%mul3A_203, %dma_start3A_204] : memref<6x128xi32, #tpu.memory_space<vmem>> -> memref<2x128xi32, #tpu.memory_space<vmem>>
        %dma_start3A_206 = arith.constant 0 : i32
        %dma_start3A_207 = tpu.memref_slice %arg3[%add3A_201, %dma_start3A_206] : memref<5056x128xi32, #tpu.memory_space<hbm>> -> memref<2x128xi32, #tpu.memory_space<hbm>>
        %dma_start3A_208 = tpu.memref_slice %arg7[%rem3A_196] : memref<3x!tpu.dma_semaphore, #tpu.memory_space<semaphore_mem>> -> memref<1x!tpu.dma_semaphore, #tpu.memory_space<semaphore_mem>>
        %dma_start3A_209 = tpu.memref_squeeze %dma_start3A_208 : memref<1x!tpu.dma_semaphore, #tpu.memory_space<semaphore_mem>> -> memref<!tpu.dma_semaphore, #tpu.memory_space<semaphore_mem>>
        %dma_start3A_210 = arith.constant 0 : i32
        %dma_start3A_211 = tpu.memref_slice %arg6[%mul3A_203, %dma_start3A_210] : memref<6x128xi32, #tpu.memory_space<vmem>> -> memref<2x128xi32, #tpu.memory_space<vmem>>
        %dma_start3A_212 = arith.constant 0 : i32
        %dma_start3A_213 = tpu.memref_slice %arg3[%add3A_201, %dma_start3A_212] : memref<5056x128xi32, #tpu.memory_space<hbm>> -> memref<2x128xi32, #tpu.memory_space<hbm>>
        tpu.enqueue_dma source(%dma_start3A_213 : memref<2x128xi32, #tpu.memory_space<hbm>>) target(%dma_start3A_211 : memref<2x128xi32, #tpu.memory_space<vmem>>) target_semaphore(%dma_start3A_209 : memref<!tpu.dma_semaphore, #tpu.memory_space<semaphore_mem>>)
      } else {
      }
    }
    %scan3A_33 = arith.constant 79 : i32
    %dma_wait3A = arith.constant 0 : i32
    %dma_wait3A_34 = arith.constant 0 : i32
    %dma_wait3A_35 = arith.constant 0 : i32
    %dma_wait3A_36 = arith.constant 0 : i32
    %dma_wait3A_37 = arith.constant 0 : i32
    %dma_wait3A_38 = tpu.memref_slice %arg5[%dma_wait3A_34, %dma_wait3A_36, %dma_wait3A_37] : memref<4x128x128xf32, #tpu.memory_space<vmem>> -> memref<1x128x128xf32, #tpu.memory_space<vmem>>
    %dma_wait3A_39 = tpu.memref_squeeze %dma_wait3A_38 : memref<1x128x128xf32, #tpu.memory_space<vmem>> -> memref<128x128xf32, #tpu.memory_space<vmem>>
    %dma_wait3A_40 = arith.constant 0 : i32
    %dma_wait3A_41 = tpu.memref_slice %arg6[%dma_wait3A, %dma_wait3A_40] : memref<6x128xi32, #tpu.memory_space<vmem>> -> memref<1x128xi32, #tpu.memory_space<vmem>>
    %dma_wait3A_42 = tpu.memref_squeeze %dma_wait3A_41 : memref<1x128xi32, #tpu.memory_space<vmem>> -> memref<128xi32, #tpu.memory_space<vmem>>
    %dma_wait3A_43 = arith.constant 0 : i32
    %dma_wait3A_44 = arith.constant 0 : i32
    %dma_wait3A_45 = tpu.memref_slice %arg2[%dma_wait3A_43, %dma_wait3A_44] : memref<10000x128xf32, #tpu.memory_space<hbm>> -> memref<10000x128xf32, #tpu.memory_space<hbm>>
    %dma_wait3A_46 = tpu.memref_slice %arg8[%dma_wait3A_35] : memref<2x!tpu.dma_semaphore, #tpu.memory_space<semaphore_mem>> -> memref<1x!tpu.dma_semaphore, #tpu.memory_space<semaphore_mem>>
    %dma_wait3A_47 = tpu.memref_squeeze %dma_wait3A_46 : memref<1x!tpu.dma_semaphore, #tpu.memory_space<semaphore_mem>> -> memref<!tpu.dma_semaphore, #tpu.memory_space<semaphore_mem>>
    tpu.wait_indirect_dma semaphore(%dma_wait3A_47 : memref<!tpu.dma_semaphore, #tpu.memory_space<semaphore_mem>>) src(%dma_wait3A_45 : memref<10000x128xf32, #tpu.memory_space<hbm>>) dst(%dma_wait3A_39 : memref<128x128xf32, #tpu.memory_space<vmem>>)
    %dma_wait3A_48 = arith.constant 1 : i32
    %dma_wait3A_49 = arith.constant 1 : i32
    %dma_wait3A_50 = arith.constant 0 : i32
    %dma_wait3A_51 = arith.constant 0 : i32
    %dma_wait3A_52 = arith.constant 0 : i32
    %dma_wait3A_53 = tpu.memref_slice %arg5[%dma_wait3A_49, %dma_wait3A_51, %dma_wait3A_52] : memref<4x128x128xf32, #tpu.memory_space<vmem>> -> memref<1x128x128xf32, #tpu.memory_space<vmem>>
    %dma_wait3A_54 = tpu.memref_squeeze %dma_wait3A_53 : memref<1x128x128xf32, #tpu.memory_space<vmem>> -> memref<128x128xf32, #tpu.memory_space<vmem>>
    %dma_wait3A_55 = arith.constant 0 : i32
    %dma_wait3A_56 = tpu.memref_slice %arg6[%dma_wait3A_48, %dma_wait3A_55] : memref<6x128xi32, #tpu.memory_space<vmem>> -> memref<1x128xi32, #tpu.memory_space<vmem>>
    %dma_wait3A_57 = tpu.memref_squeeze %dma_wait3A_56 : memref<1x128xi32, #tpu.memory_space<vmem>> -> memref<128xi32, #tpu.memory_space<vmem>>
    %dma_wait3A_58 = arith.constant 0 : i32
    %dma_wait3A_59 = arith.constant 0 : i32
    %dma_wait3A_60 = tpu.memref_slice %arg2[%dma_wait3A_58, %dma_wait3A_59] : memref<10000x128xf32, #tpu.memory_space<hbm>> -> memref<10000x128xf32, #tpu.memory_space<hbm>>
    %dma_wait3A_61 = tpu.memref_slice %arg8[%dma_wait3A_50] : memref<2x!tpu.dma_semaphore, #tpu.memory_space<semaphore_mem>> -> memref<1x!tpu.dma_semaphore, #tpu.memory_space<semaphore_mem>>
    %dma_wait3A_62 = tpu.memref_squeeze %dma_wait3A_61 : memref<1x!tpu.dma_semaphore, #tpu.memory_space<semaphore_mem>> -> memref<!tpu.dma_semaphore, #tpu.memory_space<semaphore_mem>>
    tpu.wait_indirect_dma semaphore(%dma_wait3A_62 : memref<!tpu.dma_semaphore, #tpu.memory_space<semaphore_mem>>) src(%dma_wait3A_60 : memref<10000x128xf32, #tpu.memory_space<hbm>>) dst(%dma_wait3A_54 : memref<128x128xf32, #tpu.memory_space<vmem>>)
    %add3A_63 = arith.constant 156 : i32
    %add3A_64 = arith.addi %mul3A_2, %add3A_63 : i32
    %dma_start3A_65 = arith.constant 0 : i32
    %dma_start3A_66 = arith.constant 0 : i32
    %dma_start3A_67 = arith.constant 0 : i32
    %dma_start3A_68 = arith.constant 0 : i32
    %dma_start3A_69 = tpu.memref_slice %arg5[%dma_start3A_66, %dma_start3A_67, %dma_start3A_68] : memref<4x128x128xf32, #tpu.memory_space<vmem>> -> memref<2x128x128xf32, #tpu.memory_space<vmem>>
    %dma_start3A_70 = arith.constant 0 : i32
    %dma_start3A_71 = arith.constant 0 : i32
    %dma_start3A_72 = tpu.memref_slice %arg4[%add3A_64, %dma_start3A_70, %dma_start3A_71] : memref<5056x128x128xf32, #tpu.memory_space<hbm>> -> memref<2x128x128xf32, #tpu.memory_space<hbm>>
    %dma_start3A_73 = tpu.memref_slice %arg9[%dma_start3A_65] : memref<2x!tpu.dma_semaphore, #tpu.memory_space<semaphore_mem>> -> memref<1x!tpu.dma_semaphore, #tpu.memory_space<semaphore_mem>>
    %dma_start3A_74 = tpu.memref_squeeze %dma_start3A_73 : memref<1x!tpu.dma_semaphore, #tpu.memory_space<semaphore_mem>> -> memref<!tpu.dma_semaphore, #tpu.memory_space<semaphore_mem>>
    %dma_start3A_75 = arith.constant 0 : i32
    %dma_start3A_76 = arith.constant 0 : i32
    %dma_start3A_77 = tpu.memref_slice %arg4[%add3A_64, %dma_start3A_75, %dma_start3A_76] : memref<5056x128x128xf32, #tpu.memory_space<hbm>> -> memref<2x128x128xf32, #tpu.memory_space<hbm>>
    %dma_start3A_78 = arith.constant 0 : i32
    %dma_start3A_79 = arith.constant 0 : i32
    %dma_start3A_80 = arith.constant 0 : i32
    %dma_start3A_81 = tpu.memref_slice %arg5[%dma_start3A_78, %dma_start3A_79, %dma_start3A_80] : memref<4x128x128xf32, #tpu.memory_space<vmem>> -> memref<2x128x128xf32, #tpu.memory_space<vmem>>
    tpu.enqueue_dma source(%dma_start3A_81 : memref<2x128x128xf32, #tpu.memory_space<vmem>>) target(%dma_start3A_77 : memref<2x128x128xf32, #tpu.memory_space<hbm>>) target_semaphore(%dma_start3A_74 : memref<!tpu.dma_semaphore, #tpu.memory_space<semaphore_mem>>)
    %add3A_82 = arith.constant 154 : i32
    %add3A_83 = arith.addi %mul3A_2, %add3A_82 : i32
    %dma_wait3A_84 = arith.constant 1 : i32
    %dma_wait3A_85 = arith.constant 2 : i32
    %dma_wait3A_86 = arith.constant 0 : i32
    %dma_wait3A_87 = arith.constant 0 : i32
    %dma_wait3A_88 = tpu.memref_slice %arg5[%dma_wait3A_85, %dma_wait3A_86, %dma_wait3A_87] : memref<4x128x128xf32, #tpu.memory_space<vmem>> -> memref<2x128x128xf32, #tpu.memory_space<vmem>>
    %dma_wait3A_89 = arith.constant 0 : i32
    %dma_wait3A_90 = arith.constant 0 : i32
    %dma_wait3A_91 = tpu.memref_slice %arg4[%add3A_83, %dma_wait3A_89, %dma_wait3A_90] : memref<5056x128x128xf32, #tpu.memory_space<hbm>> -> memref<2x128x128xf32, #tpu.memory_space<hbm>>
    %dma_wait3A_92 = tpu.memref_slice %arg9[%dma_wait3A_84] : memref<2x!tpu.dma_semaphore, #tpu.memory_space<semaphore_mem>> -> memref<1x!tpu.dma_semaphore, #tpu.memory_space<semaphore_mem>>
    %dma_wait3A_93 = tpu.memref_squeeze %dma_wait3A_92 : memref<1x!tpu.dma_semaphore, #tpu.memory_space<semaphore_mem>> -> memref<!tpu.dma_semaphore, #tpu.memory_space<semaphore_mem>>
    %dma_wait3A_94 = arith.constant 0 : i32
    %dma_wait3A_95 = arith.constant 0 : i32
    %dma_wait3A_96 = tpu.memref_slice %arg4[%add3A_83, %dma_wait3A_94, %dma_wait3A_95] : memref<5056x128x128xf32, #tpu.memory_space<hbm>> -> memref<2x128x128xf32, #tpu.memory_space<hbm>>
    %dma_wait3A_97 = arith.constant 2 : i32
    %dma_wait3A_98 = arith.constant 0 : i32
    %dma_wait3A_99 = arith.constant 0 : i32
    %dma_wait3A_100 = tpu.memref_slice %arg5[%dma_wait3A_97, %dma_wait3A_98, %dma_wait3A_99] : memref<4x128x128xf32, #tpu.memory_space<vmem>> -> memref<2x128x128xf32, #tpu.memory_space<vmem>>
    tpu.wait_dma2 semaphore(%dma_wait3A_93 : memref<!tpu.dma_semaphore, #tpu.memory_space<semaphore_mem>>) src(%dma_wait3A_100 : memref<2x128x128xf32, #tpu.memory_space<vmem>>) dst(%dma_wait3A_96 : memref<2x128x128xf32, #tpu.memory_space<hbm>>)
    %add3A_101 = arith.constant 156 : i32
    %add3A_102 = arith.addi %mul3A_2, %add3A_101 : i32
    %dma_wait3A_103 = arith.constant 0 : i32
    %dma_wait3A_104 = arith.constant 0 : i32
    %dma_wait3A_105 = arith.constant 0 : i32
    %dma_wait3A_106 = arith.constant 0 : i32
    %dma_wait3A_107 = tpu.memref_slice %arg5[%dma_wait3A_104, %dma_wait3A_105, %dma_wait3A_106] : memref<4x128x128xf32, #tpu.memory_space<vmem>> -> memref<2x128x128xf32, #tpu.memory_space<vmem>>
    %dma_wait3A_108 = arith.constant 0 : i32
    %dma_wait3A_109 = arith.constant 0 : i32
    %dma_wait3A_110 = tpu.memref_slice %arg4[%add3A_102, %dma_wait3A_108, %dma_wait3A_109] : memref<5056x128x128xf32, #tpu.memory_space<hbm>> -> memref<2x128x128xf32, #tpu.memory_space<hbm>>
    %dma_wait3A_111 = tpu.memref_slice %arg9[%dma_wait3A_103] : memref<2x!tpu.dma_semaphore, #tpu.memory_space<semaphore_mem>> -> memref<1x!tpu.dma_semaphore, #tpu.memory_space<semaphore_mem>>
    %dma_wait3A_112 = tpu.memref_squeeze %dma_wait3A_111 : memref<1x!tpu.dma_semaphore, #tpu.memory_space<semaphore_mem>> -> memref<!tpu.dma_semaphore, #tpu.memory_space<semaphore_mem>>
    %dma_wait3A_113 = arith.constant 0 : i32
    %dma_wait3A_114 = arith.constant 0 : i32
    %dma_wait3A_115 = tpu.memref_slice %arg4[%add3A_102, %dma_wait3A_113, %dma_wait3A_114] : memref<5056x128x128xf32, #tpu.memory_space<hbm>> -> memref<2x128x128xf32, #tpu.memory_space<hbm>>
    %dma_wait3A_116 = arith.constant 0 : i32
    %dma_wait3A_117 = arith.constant 0 : i32
    %dma_wait3A_118 = arith.constant 0 : i32
    %dma_wait3A_119 = tpu.memref_slice %arg5[%dma_wait3A_116, %dma_wait3A_117, %dma_wait3A_118] : memref<4x128x128xf32, #tpu.memory_space<vmem>> -> memref<2x128x128xf32, #tpu.memory_space<vmem>>
    tpu.wait_dma2 semaphore(%dma_wait3A_112 : memref<!tpu.dma_semaphore, #tpu.memory_space<semaphore_mem>>) src(%dma_wait3A_119 : memref<2x128x128xf32, #tpu.memory_space<vmem>>) dst(%dma_wait3A_115 : memref<2x128x128xf32, #tpu.memory_space<hbm>>)
    return
  }
}

#map = affine_map<(d0, d1) -> (0, 0)>
#map1 = affine_map<(d0, d1) -> (0, 0, 0)>
module attributes {stable_mosaic.version = 14 : i64} {
  func.func @k(%arg0: i32, %arg1: i32, %arg2: memref<320000x128xf32, #tpu.memory_space<hbm>>, %arg3: memref<2500x128xi32, #tpu.memory_space<hbm>>, %arg4: memref<2x10240x128xf32, #tpu.memory_space<hbm>>, %arg5: memref<10240x128xf32, #tpu.memory_space<vmem_shared>>, %arg6: memref<256x128xf32, #tpu.memory_space<vmem>>, %arg7: memref<2x128xi32, #tpu.memory_space<vmem>>) attributes {dimension_semantics = [#tpu.dimension_semantics<core_parallel>, #tpu.dimension_semantics<subcore_parallel>], iteration_bounds = array<i64: 2, 16>, scalar_prefetch = 0 : i64, scratch_operands = 3 : i64, tpu.core_type = #tpu.core_type<sc_vector_subcore>, window_params = [{transform_indices = #map}, {transform_indices = #map}, {transform_indices = #map1}]} {
    %mul3A = arith.constant 16 : i32
    %mul3A_0 = arith.muli %arg0, %mul3A : i32
    %add3A = arith.addi %mul3A_0, %arg1 : i32
    %scan3A = arith.constant 0 : i32
    %scan3A_1 = arith.constant 128 : i32
    %scan3A_2 = arith.addi %scan3A, %scan3A_1 : i32
    %scan3A_3 = arith.constant 1 : i32
    scf.for %scan3A_20 = %scan3A to %scan3A_2 step %scan3A_3  : i32 {
      %mul3A_21 = arith.constant 1 : i32
      %mul3A_22 = arith.muli %scan3A_20, %mul3A_21 : i32
      %add3A_23 = arith.constant 0 : i32
      %add3A_24 = arith.addi %add3A_23, %mul3A_22 : i32
      %scan3A_25 = arith.constant 0 : i32
      %scan3A_26 = arith.constant 8 : i32
      %scan3A_27 = arith.addi %scan3A_25, %scan3A_26 : i32
      %scan3A_28 = arith.constant 1 : i32
      scf.for %scan3A_30 = %scan3A_25 to %scan3A_27 step %scan3A_28  : i32 {
        %mul3A_31 = arith.constant 16 : i32
        %mul3A_32 = arith.muli %scan3A_30, %mul3A_31 : i32
        %add3A_33 = arith.constant 0 : i32
        %add3A_34 = arith.addi %add3A_33, %mul3A_32 : i32
        %broadcast_in_dim3A = arith.constant 0.000000e+00 : f32
        %broadcast_in_dim3A_35 = vector.broadcast %broadcast_in_dim3A : f32 to vector<16xf32>
        %swap3A = arith.index_cast %add3A_24 : i32 to index
        %swap3A_36 = arith.index_cast %add3A_34 : i32 to index
        %swap3A_37 = tpu.vector_load %arg6[%swap3A, %swap3A_36] {strides = array<i32>} : memref<256x128xf32, #tpu.memory_space<vmem>>, vector<1x16xf32>,
        %swap3A_38 = vector.shape_cast %swap3A_37 : vector<1x16xf32> to vector<16xf32>
        %swap3A_39 = vector.shape_cast %broadcast_in_dim3A_35 : vector<16xf32> to vector<1x16xf32>
        tpu.vector_store %arg6[%swap3A, %swap3A_36], %swap3A_39 {strides = array<i32>} : memref<256x128xf32, #tpu.memory_space<vmem>>, vector<1x16xf32>,
      }
      %scan3A_29 = arith.constant 8 : i32
    }
    %scan3A_4 = arith.constant 128 : i32
    %scan3A_5 = arith.constant 0 : i32
    %scan3A_6 = arith.constant 5 : i32
    %scan3A_7 = arith.addi %scan3A_5, %scan3A_6 : i32
    %scan3A_8 = arith.constant 1 : i32
    scf.for %scan3A_20 = %scan3A_5 to %scan3A_7 step %scan3A_8  : i32 {
      %mul3A_21 = arith.constant 1 : i32
      %mul3A_22 = arith.muli %scan3A_20, %mul3A_21 : i32
      %add3A_23 = arith.constant 0 : i32
      %add3A_24 = arith.addi %add3A_23, %mul3A_22 : i32
      %mul3A_25 = arith.constant 640 : i32
      %mul3A_26 = arith.muli %arg1, %mul3A_25 : i32
      %mul3A_27 = arith.constant 128 : i32
      %mul3A_28 = arith.muli %add3A_24, %mul3A_27 : i32
      %add3A_29 = arith.addi %mul3A_26, %mul3A_28 : i32
      "tpu.region"() ({
        %run_scoped3A = tpu.sem_alloc : memref<!tpu.dma_semaphore, #tpu.memory_space<semaphore_mem>>
        %dma_start3A = arith.constant 0 : i32
        %dma_start3A_30 = arith.constant 0 : i32
        %dma_start3A_31 = tpu.memref_slice %arg6[%dma_start3A, %dma_start3A_30] : memref<256x128xf32, #tpu.memory_space<vmem>> -> memref<128x128xf32, #tpu.memory_space<vmem>>
        %dma_start3A_32 = arith.constant 0 : i32
        %dma_start3A_33 = tpu.memref_slice %arg5[%add3A_29, %dma_start3A_32] : memref<10240x128xf32, #tpu.memory_space<vmem_shared>> -> memref<128x128xf32, #tpu.memory_space<vmem_shared>>
        %dma_start3A_34 = arith.constant 0 : i32
        %dma_start3A_35 = tpu.memref_slice %arg5[%add3A_29, %dma_start3A_34] : memref<10240x128xf32, #tpu.memory_space<vmem_shared>> -> memref<128x128xf32, #tpu.memory_space<vmem_shared>>
        %dma_start3A_36 = arith.constant 0 : i32
        %dma_start3A_37 = arith.constant 0 : i32
        %dma_start3A_38 = tpu.memref_slice %arg6[%dma_start3A_36, %dma_start3A_37] : memref<256x128xf32, #tpu.memory_space<vmem>> -> memref<128x128xf32, #tpu.memory_space<vmem>>
        tpu.enqueue_dma source(%dma_start3A_38 : memref<128x128xf32, #tpu.memory_space<vmem>>) target(%dma_start3A_35 : memref<128x128xf32, #tpu.memory_space<vmem_shared>>) target_semaphore(%run_scoped3A : memref<!tpu.dma_semaphore, #tpu.memory_space<semaphore_mem>>)
        %dma_wait3A = arith.constant 0 : i32
        %dma_wait3A_39 = arith.constant 0 : i32
        %dma_wait3A_40 = tpu.memref_slice %arg6[%dma_wait3A, %dma_wait3A_39] : memref<256x128xf32, #tpu.memory_space<vmem>> -> memref<128x128xf32, #tpu.memory_space<vmem>>
        %dma_wait3A_41 = arith.constant 0 : i32
        %dma_wait3A_42 = tpu.memref_slice %arg5[%add3A_29, %dma_wait3A_41] : memref<10240x128xf32, #tpu.memory_space<vmem_shared>> -> memref<128x128xf32, #tpu.memory_space<vmem_shared>>
        %dma_wait3A_43 = arith.constant 0 : i32
        %dma_wait3A_44 = tpu.memref_slice %arg5[%add3A_29, %dma_wait3A_43] : memref<10240x128xf32, #tpu.memory_space<vmem_shared>> -> memref<128x128xf32, #tpu.memory_space<vmem_shared>>
        %dma_wait3A_45 = arith.constant 0 : i32
        %dma_wait3A_46 = arith.constant 0 : i32
        %dma_wait3A_47 = tpu.memref_slice %arg6[%dma_wait3A_45, %dma_wait3A_46] : memref<256x128xf32, #tpu.memory_space<vmem>> -> memref<128x128xf32, #tpu.memory_space<vmem>>
        tpu.wait_dma2 semaphore(%run_scoped3A : memref<!tpu.dma_semaphore, #tpu.memory_space<semaphore_mem>>) src(%dma_wait3A_47 : memref<128x128xf32, #tpu.memory_space<vmem>>) dst(%dma_wait3A_44 : memref<128x128xf32, #tpu.memory_space<vmem_shared>>)
        tpu.yield
      }) : () -> ()
    }
    %scan3A_9 = arith.constant 5 : i32
    %barrier3A = arith.constant 0 : index
    tpu.barrier barrier_id(%barrier3A)
    %scan3A_10 = arith.constant 0 : i32
    %scan3A_11 = arith.constant 40 : i32
    %scan3A_12 = arith.addi %scan3A_10, %scan3A_11 : i32
    %scan3A_13 = arith.constant 1 : i32
    scf.for %scan3A_20 = %scan3A_10 to %scan3A_12 step %scan3A_13  : i32 {
      %mul3A_21 = arith.constant 1 : i32
      %mul3A_22 = arith.muli %scan3A_20, %mul3A_21 : i32
      %add3A_23 = arith.constant 0 : i32
      %add3A_24 = arith.addi %add3A_23, %mul3A_22 : i32
      %mul3A_25 = arith.constant 32 : i32
      %mul3A_26 = arith.muli %add3A_24, %mul3A_25 : i32
      %add3A_27 = arith.addi %add3A, %mul3A_26 : i32
      %lt3A = arith.constant 1250 : i32
      %lt3A_28 = arith.cmpi slt, %add3A_27, %lt3A : i32
      %convert_element_type3A = arith.extui %lt3A_28 : i1 to i32
      %cond3A = arith.constant 0 : i32
      %cond3A_29 = arith.cmpi ne, %convert_element_type3A, %cond3A : i32
      scf.if %cond3A_29 {
        %mul3A_30 = arith.constant 256 : i32
        %mul3A_31 = arith.muli %add3A_27, %mul3A_30 : i32
        "tpu.region"() ({
          %run_scoped3A_35 = tpu.sem_alloc : memref<!tpu.dma_semaphore, #tpu.memory_space<semaphore_mem>>
          %dma_start3A = arith.constant 0 : i32
          %dma_start3A_36 = tpu.memref_slice %arg2[%mul3A_31, %dma_start3A] : memref<320000x128xf32, #tpu.memory_space<hbm>> -> memref<256x128xf32, #tpu.memory_space<hbm>>
          %dma_start3A_37 = arith.constant 0 : i32
          %dma_start3A_38 = tpu.memref_slice %arg2[%mul3A_31, %dma_start3A_37] : memref<320000x128xf32, #tpu.memory_space<hbm>> -> memref<256x128xf32, #tpu.memory_space<hbm>>
          tpu.enqueue_dma source(%dma_start3A_38 : memref<256x128xf32, #tpu.memory_space<hbm>>) target(%arg6 : memref<256x128xf32, #tpu.memory_space<vmem>>) target_semaphore(%run_scoped3A_35 : memref<!tpu.dma_semaphore, #tpu.memory_space<semaphore_mem>>)
          %dma_wait3A = arith.constant 0 : i32
          %dma_wait3A_39 = tpu.memref_slice %arg2[%mul3A_31, %dma_wait3A] : memref<320000x128xf32, #tpu.memory_space<hbm>> -> memref<256x128xf32, #tpu.memory_space<hbm>>
          %dma_wait3A_40 = arith.constant 0 : i32
          %dma_wait3A_41 = tpu.memref_slice %arg2[%mul3A_31, %dma_wait3A_40] : memref<320000x128xf32, #tpu.memory_space<hbm>> -> memref<256x128xf32, #tpu.memory_space<hbm>>
          tpu.wait_dma2 semaphore(%run_scoped3A_35 : memref<!tpu.dma_semaphore, #tpu.memory_space<semaphore_mem>>) src(%dma_wait3A_41 : memref<256x128xf32, #tpu.memory_space<hbm>>) dst(%arg6 : memref<256x128xf32, #tpu.memory_space<vmem>>)
          tpu.yield
        }) : () -> ()
        %mul3A_32 = arith.constant 2 : i32
        %mul3A_33 = arith.muli %add3A_27, %mul3A_32 : i32
        "tpu.region"() ({
          %run_scoped3A_35 = tpu.sem_alloc : memref<!tpu.dma_semaphore, #tpu.memory_space<semaphore_mem>>
          %dma_start3A = arith.constant 0 : i32
          %dma_start3A_36 = tpu.memref_slice %arg3[%mul3A_33, %dma_start3A] : memref<2500x128xi32, #tpu.memory_space<hbm>> -> memref<2x128xi32, #tpu.memory_space<hbm>>
          %dma_start3A_37 = arith.constant 0 : i32
          %dma_start3A_38 = tpu.memref_slice %arg3[%mul3A_33, %dma_start3A_37] : memref<2500x128xi32, #tpu.memory_space<hbm>> -> memref<2x128xi32, #tpu.memory_space<hbm>>
          tpu.enqueue_dma source(%dma_start3A_38 : memref<2x128xi32, #tpu.memory_space<hbm>>) target(%arg7 : memref<2x128xi32, #tpu.memory_space<vmem>>) target_semaphore(%run_scoped3A_35 : memref<!tpu.dma_semaphore, #tpu.memory_space<semaphore_mem>>)
          %dma_wait3A = arith.constant 0 : i32
          %dma_wait3A_39 = tpu.memref_slice %arg3[%mul3A_33, %dma_wait3A] : memref<2500x128xi32, #tpu.memory_space<hbm>> -> memref<2x128xi32, #tpu.memory_space<hbm>>
          %dma_wait3A_40 = arith.constant 0 : i32
          %dma_wait3A_41 = tpu.memref_slice %arg3[%mul3A_33, %dma_wait3A_40] : memref<2500x128xi32, #tpu.memory_space<hbm>> -> memref<2x128xi32, #tpu.memory_space<hbm>>
          tpu.wait_dma2 semaphore(%run_scoped3A_35 : memref<!tpu.dma_semaphore, #tpu.memory_space<semaphore_mem>>) src(%dma_wait3A_41 : memref<2x128xi32, #tpu.memory_space<hbm>>) dst(%arg7 : memref<2x128xi32, #tpu.memory_space<vmem>>)
          tpu.yield
        }) : () -> ()
        %run_scoped3A = arith.constant 0 : i32
        "tpu.region"() ({
          %run_scoped3A_35 = tpu.sem_alloc : memref<!tpu.dma_semaphore, #tpu.memory_space<semaphore_mem>>
          %dma_start3A = arith.constant 0 : i32
          %dma_start3A_36 = arith.constant 0 : i32
          %dma_start3A_37 = tpu.memref_slice %arg6[%dma_start3A, %dma_start3A_36] : memref<256x128xf32, #tpu.memory_space<vmem>> -> memref<128x128xf32, #tpu.memory_space<vmem>>
          %dma_start3A_38 = arith.constant 0 : i32
          %dma_start3A_39 = tpu.memref_slice %arg7[%run_scoped3A, %dma_start3A_38] : memref<2x128xi32, #tpu.memory_space<vmem>> -> memref<1x128xi32, #tpu.memory_space<vmem>>
          %dma_start3A_40 = tpu.memref_squeeze %dma_start3A_39 : memref<1x128xi32, #tpu.memory_space<vmem>> -> memref<128xi32, #tpu.memory_space<vmem>>
          %dma_start3A_41 = arith.constant 0 : i32
          %dma_start3A_42 = arith.constant 0 : i32
          %dma_start3A_43 = tpu.memref_slice %arg5[%dma_start3A_41, %dma_start3A_42] : memref<10240x128xf32, #tpu.memory_space<vmem_shared>> -> memref<10240x128xf32, #tpu.memory_space<vmem_shared>>
          tpu.enqueue_indirect_dma source(%dma_start3A_37 : memref<128x128xf32, #tpu.memory_space<vmem>>) target(%dma_start3A_43 : memref<10240x128xf32, #tpu.memory_space<vmem_shared>>) offsets(%dma_start3A_40 : memref<128xi32, #tpu.memory_space<vmem>>) semaphore(%run_scoped3A_35 : memref<!tpu.dma_semaphore, #tpu.memory_space<semaphore_mem>>) {add = true}
          %dma_wait3A = arith.constant 0 : i32
          %dma_wait3A_44 = arith.constant 0 : i32
          %dma_wait3A_45 = tpu.memref_slice %arg6[%dma_wait3A, %dma_wait3A_44] : memref<256x128xf32, #tpu.memory_space<vmem>> -> memref<128x128xf32, #tpu.memory_space<vmem>>
          %dma_wait3A_46 = arith.constant 0 : i32
          %dma_wait3A_47 = tpu.memref_slice %arg7[%run_scoped3A, %dma_wait3A_46] : memref<2x128xi32, #tpu.memory_space<vmem>> -> memref<1x128xi32, #tpu.memory_space<vmem>>
          %dma_wait3A_48 = tpu.memref_squeeze %dma_wait3A_47 : memref<1x128xi32, #tpu.memory_space<vmem>> -> memref<128xi32, #tpu.memory_space<vmem>>
          %dma_wait3A_49 = arith.constant 0 : i32
          %dma_wait3A_50 = arith.constant 0 : i32
          %dma_wait3A_51 = tpu.memref_slice %arg5[%dma_wait3A_49, %dma_wait3A_50] : memref<10240x128xf32, #tpu.memory_space<vmem_shared>> -> memref<10240x128xf32, #tpu.memory_space<vmem_shared>>
          tpu.wait_indirect_dma semaphore(%run_scoped3A_35 : memref<!tpu.dma_semaphore, #tpu.memory_space<semaphore_mem>>) src(%dma_wait3A_45 : memref<128x128xf32, #tpu.memory_space<vmem>>) dst(%dma_wait3A_51 : memref<10240x128xf32, #tpu.memory_space<vmem_shared>>)
          tpu.yield
        }) : () -> ()
        %run_scoped3A_34 = arith.constant 1 : i32
        "tpu.region"() ({
          %run_scoped3A_35 = tpu.sem_alloc : memref<!tpu.dma_semaphore, #tpu.memory_space<semaphore_mem>>
          %dma_start3A = arith.constant 128 : i32
          %dma_start3A_36 = arith.constant 0 : i32
          %dma_start3A_37 = tpu.memref_slice %arg6[%dma_start3A, %dma_start3A_36] : memref<256x128xf32, #tpu.memory_space<vmem>> -> memref<128x128xf32, #tpu.memory_space<vmem>>
          %dma_start3A_38 = arith.constant 0 : i32
          %dma_start3A_39 = tpu.memref_slice %arg7[%run_scoped3A_34, %dma_start3A_38] : memref<2x128xi32, #tpu.memory_space<vmem>> -> memref<1x128xi32, #tpu.memory_space<vmem>>
          %dma_start3A_40 = tpu.memref_squeeze %dma_start3A_39 : memref<1x128xi32, #tpu.memory_space<vmem>> -> memref<128xi32, #tpu.memory_space<vmem>>
          %dma_start3A_41 = arith.constant 0 : i32
          %dma_start3A_42 = arith.constant 0 : i32
          %dma_start3A_43 = tpu.memref_slice %arg5[%dma_start3A_41, %dma_start3A_42] : memref<10240x128xf32, #tpu.memory_space<vmem_shared>> -> memref<10240x128xf32, #tpu.memory_space<vmem_shared>>
          tpu.enqueue_indirect_dma source(%dma_start3A_37 : memref<128x128xf32, #tpu.memory_space<vmem>>) target(%dma_start3A_43 : memref<10240x128xf32, #tpu.memory_space<vmem_shared>>) offsets(%dma_start3A_40 : memref<128xi32, #tpu.memory_space<vmem>>) semaphore(%run_scoped3A_35 : memref<!tpu.dma_semaphore, #tpu.memory_space<semaphore_mem>>) {add = true}
          %dma_wait3A = arith.constant 128 : i32
          %dma_wait3A_44 = arith.constant 0 : i32
          %dma_wait3A_45 = tpu.memref_slice %arg6[%dma_wait3A, %dma_wait3A_44] : memref<256x128xf32, #tpu.memory_space<vmem>> -> memref<128x128xf32, #tpu.memory_space<vmem>>
          %dma_wait3A_46 = arith.constant 0 : i32
          %dma_wait3A_47 = tpu.memref_slice %arg7[%run_scoped3A_34, %dma_wait3A_46] : memref<2x128xi32, #tpu.memory_space<vmem>> -> memref<1x128xi32, #tpu.memory_space<vmem>>
          %dma_wait3A_48 = tpu.memref_squeeze %dma_wait3A_47 : memref<1x128xi32, #tpu.memory_space<vmem>> -> memref<128xi32, #tpu.memory_space<vmem>>
          %dma_wait3A_49 = arith.constant 0 : i32
          %dma_wait3A_50 = arith.constant 0 : i32
          %dma_wait3A_51 = tpu.memref_slice %arg5[%dma_wait3A_49, %dma_wait3A_50] : memref<10240x128xf32, #tpu.memory_space<vmem_shared>> -> memref<10240x128xf32, #tpu.memory_space<vmem_shared>>
          tpu.wait_indirect_dma semaphore(%run_scoped3A_35 : memref<!tpu.dma_semaphore, #tpu.memory_space<semaphore_mem>>) src(%dma_wait3A_45 : memref<128x128xf32, #tpu.memory_space<vmem>>) dst(%dma_wait3A_51 : memref<10240x128xf32, #tpu.memory_space<vmem_shared>>)
          tpu.yield
        }) : () -> ()
      } else {
      }
    }
    %scan3A_14 = arith.constant 40 : i32
    %barrier3A_15 = arith.constant 0 : index
    tpu.barrier barrier_id(%barrier3A_15)
    %mul3A_16 = arith.constant 640 : i32
    %mul3A_17 = arith.muli %arg1, %mul3A_16 : i32
    %mul3A_18 = arith.constant 640 : i32
    %mul3A_19 = arith.muli %arg1, %mul3A_18 : i32
    "tpu.region"() ({
      %run_scoped3A = tpu.sem_alloc : memref<!tpu.dma_semaphore, #tpu.memory_space<semaphore_mem>>
      %dma_start3A = arith.constant 0 : i32
      %dma_start3A_20 = tpu.memref_slice %arg4[%arg0, %mul3A_19, %dma_start3A] : memref<2x10240x128xf32, #tpu.memory_space<hbm>> -> memref<1x640x128xf32, #tpu.memory_space<hbm>>
      %dma_start3A_21 = tpu.memref_squeeze %dma_start3A_20 : memref<1x640x128xf32, #tpu.memory_space<hbm>> -> memref<640x128xf32, #tpu.memory_space<hbm>>
      %dma_start3A_22 = arith.constant 0 : i32
      %dma_start3A_23 = tpu.memref_slice %arg5[%mul3A_17, %dma_start3A_22] : memref<10240x128xf32, #tpu.memory_space<vmem_shared>> -> memref<640x128xf32, #tpu.memory_space<vmem_shared>>
      tpu.enqueue_dma source(%dma_start3A_23 : memref<640x128xf32, #tpu.memory_space<vmem_shared>>) target(%dma_start3A_21 : memref<640x128xf32, #tpu.memory_space<hbm>>) target_semaphore(%run_scoped3A : memref<!tpu.dma_semaphore, #tpu.memory_space<semaphore_mem>>)
      %dma_wait3A = arith.constant 0 : i32
      %dma_wait3A_24 = tpu.memref_slice %arg4[%arg0, %mul3A_19, %dma_wait3A] : memref<2x10240x128xf32, #tpu.memory_space<hbm>> -> memref<1x640x128xf32, #tpu.memory_space<hbm>>
      %dma_wait3A_25 = tpu.memref_squeeze %dma_wait3A_24 : memref<1x640x128xf32, #tpu.memory_space<hbm>> -> memref<640x128xf32, #tpu.memory_space<hbm>>
      %dma_wait3A_26 = arith.constant 0 : i32
      %dma_wait3A_27 = tpu.memref_slice %arg5[%mul3A_17, %dma_wait3A_26] : memref<10240x128xf32, #tpu.memory_space<vmem_shared>> -> memref<640x128xf32, #tpu.memory_space<vmem_shared>>
      tpu.wait_dma2 semaphore(%run_scoped3A : memref<!tpu.dma_semaphore, #tpu.memory_space<semaphore_mem>>) src(%dma_wait3A_27 : memref<640x128xf32, #tpu.memory_space<vmem_shared>>) dst(%dma_wait3A_25 : memref<640x128xf32, #tpu.memory_space<hbm>>)
      tpu.yield
    }) : () -> ()
    return
  }
}

#map = affine_map<(d0, d1) -> (0, 0)>
#map1 = affine_map<(d0, d1) -> (0, 0, 0)>
module attributes {stable_mosaic.version = 14 : i64} {
  func.func @k(%arg0: i32, %arg1: i32, %arg2: memref<10000x128xf32, #tpu.memory_space<hbm>>, %arg3: memref<5056x128xi32, #tpu.memory_space<hbm>>, %arg4: memref<5056x128x128xf32, #tpu.memory_space<hbm>>, %arg5: memref<4x128x128xf32, #tpu.memory_space<vmem>>, %arg6: memref<6x128xi32, #tpu.memory_space<vmem>>, %arg7: memref<3x!tpu.dma_semaphore, #tpu.memory_space<semaphore_mem>>, %arg8: memref<2x!tpu.dma_semaphore, #tpu.memory_space<semaphore_mem>>, %arg9: memref<2x!tpu.dma_semaphore, #tpu.memory_space<semaphore_mem>>) attributes {dimension_semantics = [#tpu.dimension_semantics<core_parallel>, #tpu.dimension_semantics<subcore_parallel>], iteration_bounds = array<i64: 2, 16>, scalar_prefetch = 0 : i64, scratch_operands = 5 : i64, tpu.core_type = #tpu.core_type<sc_vector_subcore>, window_params = [{transform_indices = #map}, {transform_indices = #map}, {transform_indices = #map1}]} {
    %mul3A = arith.constant 16 : i32
    %mul3A_0 = arith.muli %arg0, %mul3A : i32
    %add3A = arith.addi %mul3A_0, %arg1 : i32
    %mul3A_1 = arith.constant 158 : i32
    %mul3A_2 = arith.muli %add3A, %mul3A_1 : i32
    %dma_start3A = arith.constant 0 : i32
    %dma_start3A_3 = arith.constant 0 : i32
    %dma_start3A_4 = arith.constant 0 : i32
    %dma_start3A_5 = tpu.memref_slice %arg6[%dma_start3A_3, %dma_start3A_4] : memref<6x128xi32, #tpu.memory_space<vmem>> -> memref<2x128xi32, #tpu.memory_space<vmem>>
    %dma_start3A_6 = arith.constant 0 : i32
    %dma_start3A_7 = tpu.memref_slice %arg3[%mul3A_2, %dma_start3A_6] : memref<5056x128xi32, #tpu.memory_space<hbm>> -> memref<2x128xi32, #tpu.memory_space<hbm>>
    %dma_start3A_8 = tpu.memref_slice %arg7[%dma_start3A] : memref<3x!tpu.dma_semaphore, #tpu.memory_space<semaphore_mem>> -> memref<1x!tpu.dma_semaphore, #tpu.memory_space<semaphore_mem>>
    %dma_start3A_9 = tpu.memref_squeeze %dma_start3A_8 : memref<1x!tpu.dma_semaphore, #tpu.memory_space<semaphore_mem>> -> memref<!tpu.dma_semaphore, #tpu.memory_space<semaphore_mem>>
    %dma_start3A_10 = arith.constant 0 : i32
    %dma_start3A_11 = arith.constant 0 : i32
    %dma_start3A_12 = tpu.memref_slice %arg6[%dma_start3A_10, %dma_start3A_11] : memref<6x128xi32, #tpu.memory_space<vmem>> -> memref<2x128xi32, #tpu.memory_space<vmem>>
    %dma_start3A_13 = arith.constant 0 : i32
    %dma_start3A_14 = tpu.memref_slice %arg3[%mul3A_2, %dma_start3A_13] : memref<5056x128xi32, #tpu.memory_space<hbm>> -> memref<2x128xi32, #tpu.memory_space<hbm>>
    tpu.enqueue_dma source(%dma_start3A_14 : memref<2x128xi32, #tpu.memory_space<hbm>>) target(%dma_start3A_12 : memref<2x128xi32, #tpu.memory_space<vmem>>) target_semaphore(%dma_start3A_9 : memref<!tpu.dma_semaphore, #tpu.memory_space<semaphore_mem>>)
    %add3A_15 = arith.constant 2 : i32
    %add3A_16 = arith.addi %mul3A_2, %add3A_15 : i32
    %dma_start3A_17 = arith.constant 1 : i32
    %dma_start3A_18 = arith.constant 2 : i32
    %dma_start3A_19 = arith.constant 0 : i32
    %dma_start3A_20 = tpu.memref_slice %arg6[%dma_start3A_18, %dma_start3A_19] : memref<6x128xi32, #tpu.memory_space<vmem>> -> memref<2x128xi32, #tpu.memory_space<vmem>>
    %dma_start3A_21 = arith.constant 0 : i32
    %dma_start3A_22 = tpu.memref_slice %arg3[%add3A_16, %dma_start3A_21] : memref<5056x128xi32, #tpu.memory_space<hbm>> -> memref<2x128xi32, #tpu.memory_space<hbm>>
    %dma_start3A_23 = tpu.memref_slice %arg7[%dma_start3A_17] : memref<3x!tpu.dma_semaphore, #tpu.memory_space<semaphore_mem>> -> memref<1x!tpu.dma_semaphore, #tpu.memory_space<semaphore_mem>>
    %dma_start3A_24 = tpu.memref_squeeze %dma_start3A_23 : memref<1x!tpu.dma_semaphore, #tpu.memory_space<semaphore_mem>> -> memref<!tpu.dma_semaphore, #tpu.memory_space<semaphore_mem>>
    %dma_start3A_25 = arith.constant 2 : i32
    %dma_start3A_26 = arith.constant 0 : i32
    %dma_start3A_27 = tpu.memref_slice %arg6[%dma_start3A_25, %dma_start3A_26] : memref<6x128xi32, #tpu.memory_space<vmem>> -> memref<2x128xi32, #tpu.memory_space<vmem>>
    %dma_start3A_28 = arith.constant 0 : i32
    %dma_start3A_29 = tpu.memref_slice %arg3[%add3A_16, %dma_start3A_28] : memref<5056x128xi32, #tpu.memory_space<hbm>> -> memref<2x128xi32, #tpu.memory_space<hbm>>
    tpu.enqueue_dma source(%dma_start3A_29 : memref<2x128xi32, #tpu.memory_space<hbm>>) target(%dma_start3A_27 : memref<2x128xi32, #tpu.memory_space<vmem>>) target_semaphore(%dma_start3A_24 : memref<!tpu.dma_semaphore, #tpu.memory_space<semaphore_mem>>)
    %scan3A = arith.constant 0 : i32
    %scan3A_30 = arith.constant 79 : i32
    %scan3A_31 = arith.addi %scan3A, %scan3A_30 : i32
    %scan3A_32 = arith.constant 1 : i32
    scf.for %scan3A_120 = %scan3A to %scan3A_31 step %scan3A_32  : i32 {
      %mul3A_121 = arith.constant 1 : i32
      %mul3A_122 = arith.muli %scan3A_120, %mul3A_121 : i32
      %add3A_123 = arith.constant 0 : i32
      %add3A_124 = arith.addi %add3A_123, %mul3A_122 : i32
      %rem3A = arith.constant 2 : i32
      %rem3A_125 = arith.remsi %add3A_124, %rem3A : i32
      %sub3A = arith.constant 1 : i32
      %sub3A_126 = arith.subi %sub3A, %rem3A_125 : i32
      %rem3A_127 = arith.constant 3 : i32
      %rem3A_128 = arith.remsi %add3A_124, %rem3A_127 : i32
      %ge3A = arith.constant 2 : i32
      %ge3A_129 = arith.cmpi sge, %add3A_124, %ge3A : i32
      %convert_element_type3A = arith.extui %ge3A_129 : i1 to i32
      %cond3A = arith.constant 0 : i32
      %cond3A_130 = arith.cmpi ne, %convert_element_type3A, %cond3A : i32
      scf.if %cond3A_130 {
        %mul3A_193 = arith.constant 2 : i32
        %mul3A_194 = arith.muli %rem3A_125, %mul3A_193 : i32
        %sub3A_195 = arith.constant 2 : i32
        %sub3A_196 = arith.subi %add3A_124, %sub3A_195 : i32
        %mul3A_197 = arith.constant 2 : i32
        %mul3A_198 = arith.muli %sub3A_196, %mul3A_197 : i32
        %add3A_199 = arith.addi %mul3A_2, %mul3A_198 : i32
        %dma_wait3A_200 = arith.constant 0 : i32
        %dma_wait3A_201 = arith.constant 0 : i32
        %dma_wait3A_202 = tpu.memref_slice %arg5[%mul3A_194, %dma_wait3A_200, %dma_wait3A_201] : memref<4x128x128xf32, #tpu.memory_space<vmem>> -> memref<2x128x128xf32, #tpu.memory_space<vmem>>
        %dma_wait3A_203 = arith.constant 0 : i32
        %dma_wait3A_204 = arith.constant 0 : i32
        %dma_wait3A_205 = tpu.memref_slice %arg4[%add3A_199, %dma_wait3A_203, %dma_wait3A_204] : memref<5056x128x128xf32, #tpu.memory_space<hbm>> -> memref<2x128x128xf32, #tpu.memory_space<hbm>>
        %dma_wait3A_206 = tpu.memref_slice %arg9[%rem3A_125] : memref<2x!tpu.dma_semaphore, #tpu.memory_space<semaphore_mem>> -> memref<1x!tpu.dma_semaphore, #tpu.memory_space<semaphore_mem>>
        %dma_wait3A_207 = tpu.memref_squeeze %dma_wait3A_206 : memref<1x!tpu.dma_semaphore, #tpu.memory_space<semaphore_mem>> -> memref<!tpu.dma_semaphore, #tpu.memory_space<semaphore_mem>>
        %dma_wait3A_208 = arith.constant 0 : i32
        %dma_wait3A_209 = arith.constant 0 : i32
        %dma_wait3A_210 = tpu.memref_slice %arg4[%add3A_199, %dma_wait3A_208, %dma_wait3A_209] : memref<5056x128x128xf32, #tpu.memory_space<hbm>> -> memref<2x128x128xf32, #tpu.memory_space<hbm>>
        %dma_wait3A_211 = arith.constant 0 : i32
        %dma_wait3A_212 = arith.constant 0 : i32
        %dma_wait3A_213 = tpu.memref_slice %arg5[%mul3A_194, %dma_wait3A_211, %dma_wait3A_212] : memref<4x128x128xf32, #tpu.memory_space<vmem>> -> memref<2x128x128xf32, #tpu.memory_space<vmem>>
        tpu.wait_dma2 semaphore(%dma_wait3A_207 : memref<!tpu.dma_semaphore, #tpu.memory_space<semaphore_mem>>) src(%dma_wait3A_213 : memref<2x128x128xf32, #tpu.memory_space<vmem>>) dst(%dma_wait3A_210 : memref<2x128x128xf32, #tpu.memory_space<hbm>>)
      } else {
      }
      %mul3A_131 = arith.constant 2 : i32
      %mul3A_132 = arith.muli %add3A_124, %mul3A_131 : i32
      %add3A_133 = arith.addi %mul3A_2, %mul3A_132 : i32
      %mul3A_134 = arith.constant 2 : i32
      %mul3A_135 = arith.muli %rem3A_128, %mul3A_134 : i32
      %dma_wait3A_136 = arith.constant 0 : i32
      %dma_wait3A_137 = tpu.memref_slice %arg6[%mul3A_135, %dma_wait3A_136] : memref<6x128xi32, #tpu.memory_space<vmem>> -> memref<2x128xi32, #tpu.memory_space<vmem>>
      %dma_wait3A_138 = arith.constant 0 : i32
      %dma_wait3A_139 = tpu.memref_slice %arg3[%add3A_133, %dma_wait3A_138] : memref<5056x128xi32, #tpu.memory_space<hbm>> -> memref<2x128xi32, #tpu.memory_space<hbm>>
      %dma_wait3A_140 = tpu.memref_slice %arg7[%rem3A_128] : memref<3x!tpu.dma_semaphore, #tpu.memory_space<semaphore_mem>> -> memref<1x!tpu.dma_semaphore, #tpu.memory_space<semaphore_mem>>
      %dma_wait3A_141 = tpu.memref_squeeze %dma_wait3A_140 : memref<1x!tpu.dma_semaphore, #tpu.memory_space<semaphore_mem>> -> memref<!tpu.dma_semaphore, #tpu.memory_space<semaphore_mem>>
      %dma_wait3A_142 = arith.constant 0 : i32
      %dma_wait3A_143 = tpu.memref_slice %arg6[%mul3A_135, %dma_wait3A_142] : memref<6x128xi32, #tpu.memory_space<vmem>> -> memref<2x128xi32, #tpu.memory_space<vmem>>
      %dma_wait3A_144 = arith.constant 0 : i32
      %dma_wait3A_145 = tpu.memref_slice %arg3[%add3A_133, %dma_wait3A_144] : memref<5056x128xi32, #tpu.memory_space<hbm>> -> memref<2x128xi32, #tpu.memory_space<hbm>>
      tpu.wait_dma2 semaphore(%dma_wait3A_141 : memref<!tpu.dma_semaphore, #tpu.memory_space<semaphore_mem>>) src(%dma_wait3A_145 : memref<2x128xi32, #tpu.memory_space<hbm>>) dst(%dma_wait3A_143 : memref<2x128xi32, #tpu.memory_space<vmem>>)
      %mul3A_146 = arith.constant 2 : i32
      %mul3A_147 = arith.muli %rem3A_128, %mul3A_146 : i32
      %mul3A_148 = arith.constant 2 : i32
      %mul3A_149 = arith.muli %rem3A_125, %mul3A_148 : i32
      %dma_start3A_150 = arith.constant 0 : i32
      %dma_start3A_151 = arith.constant 0 : i32
      %dma_start3A_152 = tpu.memref_slice %arg5[%mul3A_149, %dma_start3A_150, %dma_start3A_151] : memref<4x128x128xf32, #tpu.memory_space<vmem>> -> memref<1x128x128xf32, #tpu.memory_space<vmem>>
      %dma_start3A_153 = tpu.memref_squeeze %dma_start3A_152 : memref<1x128x128xf32, #tpu.memory_space<vmem>> -> memref<128x128xf32, #tpu.memory_space<vmem>>
      %dma_start3A_154 = arith.constant 0 : i32
      %dma_start3A_155 = tpu.memref_slice %arg6[%mul3A_147, %dma_start3A_154] : memref<6x128xi32, #tpu.memory_space<vmem>> -> memref<1x128xi32, #tpu.memory_space<vmem>>
      %dma_start3A_156 = tpu.memref_squeeze %dma_start3A_155 : memref<1x128xi32, #tpu.memory_space<vmem>> -> memref<128xi32, #tpu.memory_space<vmem>>
      %dma_start3A_157 = arith.constant 0 : i32
      %dma_start3A_158 = arith.constant 0 : i32
      %dma_start3A_159 = tpu.memref_slice %arg2[%dma_start3A_157, %dma_start3A_158] : memref<10000x128xf32, #tpu.memory_space<hbm>> -> memref<10000x128xf32, #tpu.memory_space<hbm>>
      %dma_start3A_160 = tpu.memref_slice %arg8[%rem3A_125] : memref<2x!tpu.dma_semaphore, #tpu.memory_space<semaphore_mem>> -> memref<1x!tpu.dma_semaphore, #tpu.memory_space<semaphore_mem>>
      %dma_start3A_161 = tpu.memref_squeeze %dma_start3A_160 : memref<1x!tpu.dma_semaphore, #tpu.memory_space<semaphore_mem>> -> memref<!tpu.dma_semaphore, #tpu.memory_space<semaphore_mem>>
      tpu.enqueue_indirect_dma source(%dma_start3A_159 : memref<10000x128xf32, #tpu.memory_space<hbm>>) target(%dma_start3A_153 : memref<128x128xf32, #tpu.memory_space<vmem>>) offsets(%dma_start3A_156 : memref<128xi32, #tpu.memory_space<vmem>>) semaphore(%dma_start3A_161 : memref<!tpu.dma_semaphore, #tpu.memory_space<semaphore_mem>>)
      %mul3A_162 = arith.constant 2 : i32
      %mul3A_163 = arith.muli %rem3A_128, %mul3A_162 : i32
      %add3A_164 = arith.constant 1 : i32
      %add3A_165 = arith.addi %mul3A_163, %add3A_164 : i32
      %mul3A_166 = arith.constant 2 : i32
      %mul3A_167 = arith.muli %rem3A_125, %mul3A_166 : i32
      %add3A_168 = arith.constant 1 : i32
      %add3A_169 = arith.addi %mul3A_167, %add3A_168 : i32
      %dma_start3A_170 = arith.constant 0 : i32
      %dma_start3A_171 = arith.constant 0 : i32
      %dma_start3A_172 = tpu.memref_slice %arg5[%add3A_169, %dma_start3A_170, %dma_start3A_171] : memref<4x128x128xf32, #tpu.memory_space<vmem>> -> memref<1x128x128xf32, #tpu.memory_space<vmem>>
      %dma_start3A_173 = tpu.memref_squeeze %dma_start3A_172 : memref<1x128x128xf32, #tpu.memory_space<vmem>> -> memref<128x128xf32, #tpu.memory_space<vmem>>
      %dma_start3A_174 = arith.constant 0 : i32
      %dma_start3A_175 = tpu.memref_slice %arg6[%add3A_165, %dma_start3A_174] : memref<6x128xi32, #tpu.memory_space<vmem>> -> memref<1x128xi32, #tpu.memory_space<vmem>>
      %dma_start3A_176 = tpu.memref_squeeze %dma_start3A_175 : memref<1x128xi32, #tpu.memory_space<vmem>> -> memref<128xi32, #tpu.memory_space<vmem>>
      %dma_start3A_177 = arith.constant 0 : i32
      %dma_start3A_178 = arith.constant 0 : i32
      %dma_start3A_179 = tpu.memref_slice %arg2[%dma_start3A_177, %dma_start3A_178] : memref<10000x128xf32, #tpu.memory_space<hbm>> -> memref<10000x128xf32, #tpu.memory_space<hbm>>
      %dma_start3A_180 = tpu.memref_slice %arg8[%rem3A_125] : memref<2x!tpu.dma_semaphore, #tpu.memory_space<semaphore_mem>> -> memref<1x!tpu.dma_semaphore, #tpu.memory_space<semaphore_mem>>
      %dma_start3A_181 = tpu.memref_squeeze %dma_start3A_180 : memref<1x!tpu.dma_semaphore, #tpu.memory_space<semaphore_mem>> -> memref<!tpu.dma_semaphore, #tpu.memory_space<semaphore_mem>>
      tpu.enqueue_indirect_dma source(%dma_start3A_179 : memref<10000x128xf32, #tpu.memory_space<hbm>>) target(%dma_start3A_173 : memref<128x128xf32, #tpu.memory_space<vmem>>) offsets(%dma_start3A_176 : memref<128xi32, #tpu.memory_space<vmem>>) semaphore(%dma_start3A_181 : memref<!tpu.dma_semaphore, #tpu.memory_space<semaphore_mem>>)
      %ge3A_182 = arith.constant 1 : i32
      %ge3A_183 = arith.cmpi sge, %add3A_124, %ge3A_182 : i32
      %convert_element_type3A_184 = arith.extui %ge3A_183 : i1 to i32
      %cond3A_185 = arith.constant 0 : i32
      %cond3A_186 = arith.cmpi ne, %convert_element_type3A_184, %cond3A_185 : i32
      scf.if %cond3A_186 {
        %add3A_193 = arith.constant 2 : i32
        %add3A_194 = arith.addi %add3A_124, %add3A_193 : i32
        %rem3A_195 = arith.constant 3 : i32
        %rem3A_196 = arith.remsi %add3A_194, %rem3A_195 : i32
        %mul3A_197 = arith.constant 2 : i32
        %mul3A_198 = arith.muli %rem3A_196, %mul3A_197 : i32
        %add3A_199 = arith.constant 0 : i32
        %add3A_200 = arith.addi %mul3A_198, %add3A_199 : i32
        %mul3A_201 = arith.constant 2 : i32
        %mul3A_202 = arith.muli %sub3A_126, %mul3A_201 : i32
        %add3A_203 = arith.constant 0 : i32
        %add3A_204 = arith.addi %mul3A_202, %add3A_203 : i32
        %dma_wait3A_205 = arith.constant 0 : i32
        %dma_wait3A_206 = arith.constant 0 : i32
        %dma_wait3A_207 = tpu.memref_slice %arg5[%add3A_204, %dma_wait3A_205, %dma_wait3A_206] : memref<4x128x128xf32, #tpu.memory_space<vmem>> -> memref<1x128x128xf32, #tpu.memory_space<vmem>>
        %dma_wait3A_208 = tpu.memref_squeeze %dma_wait3A_207 : memref<1x128x128xf32, #tpu.memory_space<vmem>> -> memref<128x128xf32, #tpu.memory_space<vmem>>
        %dma_wait3A_209 = arith.constant 0 : i32
        %dma_wait3A_210 = tpu.memref_slice %arg6[%add3A_200, %dma_wait3A_209] : memref<6x128xi32, #tpu.memory_space<vmem>> -> memref<1x128xi32, #tpu.memory_space<vmem>>
        %dma_wait3A_211 = tpu.memref_squeeze %dma_wait3A_210 : memref<1x128xi32, #tpu.memory_space<vmem>> -> memref<128xi32, #tpu.memory_space<vmem>>
        %dma_wait3A_212 = arith.constant 0 : i32
        %dma_wait3A_213 = arith.constant 0 : i32
        %dma_wait3A_214 = tpu.memref_slice %arg2[%dma_wait3A_212, %dma_wait3A_213] : memref<10000x128xf32, #tpu.memory_space<hbm>> -> memref<10000x128xf32, #tpu.memory_space<hbm>>
        %dma_wait3A_215 = tpu.memref_slice %arg8[%sub3A_126] : memref<2x!tpu.dma_semaphore, #tpu.memory_space<semaphore_mem>> -> memref<1x!tpu.dma_semaphore, #tpu.memory_space<semaphore_mem>>
        %dma_wait3A_216 = tpu.memref_squeeze %dma_wait3A_215 : memref<1x!tpu.dma_semaphore, #tpu.memory_space<semaphore_mem>> -> memref<!tpu.dma_semaphore, #tpu.memory_space<semaphore_mem>>
        tpu.wait_indirect_dma semaphore(%dma_wait3A_216 : memref<!tpu.dma_semaphore, #tpu.memory_space<semaphore_mem>>) src(%dma_wait3A_214 : memref<10000x128xf32, #tpu.memory_space<hbm>>) dst(%dma_wait3A_208 : memref<128x128xf32, #tpu.memory_space<vmem>>)
        %mul3A_217 = arith.constant 2 : i32
        %mul3A_218 = arith.muli %rem3A_196, %mul3A_217 : i32
        %add3A_219 = arith.constant 1 : i32
        %add3A_220 = arith.addi %mul3A_218, %add3A_219 : i32
        %mul3A_221 = arith.constant 2 : i32
        %mul3A_222 = arith.muli %sub3A_126, %mul3A_221 : i32
        %add3A_223 = arith.constant 1 : i32
        %add3A_224 = arith.addi %mul3A_222, %add3A_223 : i32
        %dma_wait3A_225 = arith.constant 0 : i32
        %dma_wait3A_226 = arith.constant 0 : i32
        %dma_wait3A_227 = tpu.memref_slice %arg5[%add3A_224, %dma_wait3A_225, %dma_wait3A_226] : memref<4x128x128xf32, #tpu.memory_space<vmem>> -> memref<1x128x128xf32, #tpu.memory_space<vmem>>
        %dma_wait3A_228 = tpu.memref_squeeze %dma_wait3A_227 : memref<1x128x128xf32, #tpu.memory_space<vmem>> -> memref<128x128xf32, #tpu.memory_space<vmem>>
        %dma_wait3A_229 = arith.constant 0 : i32
        %dma_wait3A_230 = tpu.memref_slice %arg6[%add3A_220, %dma_wait3A_229] : memref<6x128xi32, #tpu.memory_space<vmem>> -> memref<1x128xi32, #tpu.memory_space<vmem>>
        %dma_wait3A_231 = tpu.memref_squeeze %dma_wait3A_230 : memref<1x128xi32, #tpu.memory_space<vmem>> -> memref<128xi32, #tpu.memory_space<vmem>>
        %dma_wait3A_232 = arith.constant 0 : i32
        %dma_wait3A_233 = arith.constant 0 : i32
        %dma_wait3A_234 = tpu.memref_slice %arg2[%dma_wait3A_232, %dma_wait3A_233] : memref<10000x128xf32, #tpu.memory_space<hbm>> -> memref<10000x128xf32, #tpu.memory_space<hbm>>
        %dma_wait3A_235 = tpu.memref_slice %arg8[%sub3A_126] : memref<2x!tpu.dma_semaphore, #tpu.memory_space<semaphore_mem>> -> memref<1x!tpu.dma_semaphore, #tpu.memory_space<semaphore_mem>>
        %dma_wait3A_236 = tpu.memref_squeeze %dma_wait3A_235 : memref<1x!tpu.dma_semaphore, #tpu.memory_space<semaphore_mem>> -> memref<!tpu.dma_semaphore, #tpu.memory_space<semaphore_mem>>
        tpu.wait_indirect_dma semaphore(%dma_wait3A_236 : memref<!tpu.dma_semaphore, #tpu.memory_space<semaphore_mem>>) src(%dma_wait3A_234 : memref<10000x128xf32, #tpu.memory_space<hbm>>) dst(%dma_wait3A_228 : memref<128x128xf32, #tpu.memory_space<vmem>>)
        %mul3A_237 = arith.constant 2 : i32
        %mul3A_238 = arith.muli %sub3A_126, %mul3A_237 : i32
        %sub3A_239 = arith.constant 1 : i32
        %sub3A_240 = arith.subi %add3A_124, %sub3A_239 : i32
        %mul3A_241 = arith.constant 2 : i32
        %mul3A_242 = arith.muli %sub3A_240, %mul3A_241 : i32
        %add3A_243 = arith.addi %mul3A_2, %mul3A_242 : i32
        %dma_start3A_244 = arith.constant 0 : i32
        %dma_start3A_245 = arith.constant 0 : i32
        %dma_start3A_246 = tpu.memref_slice %arg5[%mul3A_238, %dma_start3A_244, %dma_start3A_245] : memref<4x128x128xf32, #tpu.memory_space<vmem>> -> memref<2x128x128xf32, #tpu.memory_space<vmem>>
        %dma_start3A_247 = arith.constant 0 : i32
        %dma_start3A_248 = arith.constant 0 : i32
        %dma_start3A_249 = tpu.memref_slice %arg4[%add3A_243, %dma_start3A_247, %dma_start3A_248] : memref<5056x128x128xf32, #tpu.memory_space<hbm>> -> memref<2x128x128xf32, #tpu.memory_space<hbm>>
        %dma_start3A_250 = tpu.memref_slice %arg9[%sub3A_126] : memref<2x!tpu.dma_semaphore, #tpu.memory_space<semaphore_mem>> -> memref<1x!tpu.dma_semaphore, #tpu.memory_space<semaphore_mem>>
        %dma_start3A_251 = tpu.memref_squeeze %dma_start3A_250 : memref<1x!tpu.dma_semaphore, #tpu.memory_space<semaphore_mem>> -> memref<!tpu.dma_semaphore, #tpu.memory_space<semaphore_mem>>
        %dma_start3A_252 = arith.constant 0 : i32
        %dma_start3A_253 = arith.constant 0 : i32
        %dma_start3A_254 = tpu.memref_slice %arg4[%add3A_243, %dma_start3A_252, %dma_start3A_253] : memref<5056x128x128xf32, #tpu.memory_space<hbm>> -> memref<2x128x128xf32, #tpu.memory_space<hbm>>
        %dma_start3A_255 = arith.constant 0 : i32
        %dma_start3A_256 = arith.constant 0 : i32
        %dma_start3A_257 = tpu.memref_slice %arg5[%mul3A_238, %dma_start3A_255, %dma_start3A_256] : memref<4x128x128xf32, #tpu.memory_space<vmem>> -> memref<2x128x128xf32, #tpu.memory_space<vmem>>
        tpu.enqueue_dma source(%dma_start3A_257 : memref<2x128x128xf32, #tpu.memory_space<vmem>>) target(%dma_start3A_254 : memref<2x128x128xf32, #tpu.memory_space<hbm>>) target_semaphore(%dma_start3A_251 : memref<!tpu.dma_semaphore, #tpu.memory_space<semaphore_mem>>)
      } else {
      }
      %add3A_187 = arith.constant 2 : i32
      %add3A_188 = arith.addi %add3A_124, %add3A_187 : i32
      %lt3A = arith.constant 79 : i32
      %lt3A_189 = arith.cmpi slt, %add3A_188, %lt3A : i32
      %convert_element_type3A_190 = arith.extui %lt3A_189 : i1 to i32
      %cond3A_191 = arith.constant 0 : i32
      %cond3A_192 = arith.cmpi ne, %convert_element_type3A_190, %cond3A_191 : i32
      scf.if %cond3A_192 {
        %add3A_193 = arith.constant 2 : i32
        %add3A_194 = arith.addi %add3A_124, %add3A_193 : i32
        %rem3A_195 = arith.constant 3 : i32
        %rem3A_196 = arith.remsi %add3A_194, %rem3A_195 : i32
        %add3A_197 = arith.constant 2 : i32
        %add3A_198 = arith.addi %add3A_124, %add3A_197 : i32
        %mul3A_199 = arith.constant 2 : i32
        %mul3A_200 = arith.muli %add3A_198, %mul3A_199 : i32
        %add3A_201 = arith.addi %mul3A_2, %mul3A_200 : i32
        %mul3A_202 = arith.constant 2 : i32
        %mul3A_203 = arith.muli %rem3A_196, %mul3A_202 : i32
        %dma_start3A_204 = arith.constant 0 : i32
        %dma_start3A_205 = tpu.memref_slice %arg6[%mul3A_203, %dma_start3A_204] : memref<6x128xi32, #tpu.memory_space<vmem>> -> memref<2x128xi32, #tpu.memory_space<vmem>>
        %dma_start3A_206 = arith.constant 0 : i32
        %dma_start3A_207 = tpu.memref_slice %arg3[%add3A_201, %dma_start3A_206] : memref<5056x128xi32, #tpu.memory_space<hbm>> -> memref<2x128xi32, #tpu.memory_space<hbm>>
        %dma_start3A_208 = tpu.memref_slice %arg7[%rem3A_196] : memref<3x!tpu.dma_semaphore, #tpu.memory_space<semaphore_mem>> -> memref<1x!tpu.dma_semaphore, #tpu.memory_space<semaphore_mem>>
        %dma_start3A_209 = tpu.memref_squeeze %dma_start3A_208 : memref<1x!tpu.dma_semaphore, #tpu.memory_space<semaphore_mem>> -> memref<!tpu.dma_semaphore, #tpu.memory_space<semaphore_mem>>
        %dma_start3A_210 = arith.constant 0 : i32
        %dma_start3A_211 = tpu.memref_slice %arg6[%mul3A_203, %dma_start3A_210] : memref<6x128xi32, #tpu.memory_space<vmem>> -> memref<2x128xi32, #tpu.memory_space<vmem>>
        %dma_start3A_212 = arith.constant 0 : i32
        %dma_start3A_213 = tpu.memref_slice %arg3[%add3A_201, %dma_start3A_212] : memref<5056x128xi32, #tpu.memory_space<hbm>> -> memref<2x128xi32, #tpu.memory_space<hbm>>
        tpu.enqueue_dma source(%dma_start3A_213 : memref<2x128xi32, #tpu.memory_space<hbm>>) target(%dma_start3A_211 : memref<2x128xi32, #tpu.memory_space<vmem>>) target_semaphore(%dma_start3A_209 : memref<!tpu.dma_semaphore, #tpu.memory_space<semaphore_mem>>)
      } else {
      }
    }
    %scan3A_33 = arith.constant 79 : i32
    %dma_wait3A = arith.constant 0 : i32
    %dma_wait3A_34 = arith.constant 0 : i32
    %dma_wait3A_35 = arith.constant 0 : i32
    %dma_wait3A_36 = arith.constant 0 : i32
    %dma_wait3A_37 = arith.constant 0 : i32
    %dma_wait3A_38 = tpu.memref_slice %arg5[%dma_wait3A_34, %dma_wait3A_36, %dma_wait3A_37] : memref<4x128x128xf32, #tpu.memory_space<vmem>> -> memref<1x128x128xf32, #tpu.memory_space<vmem>>
    %dma_wait3A_39 = tpu.memref_squeeze %dma_wait3A_38 : memref<1x128x128xf32, #tpu.memory_space<vmem>> -> memref<128x128xf32, #tpu.memory_space<vmem>>
    %dma_wait3A_40 = arith.constant 0 : i32
    %dma_wait3A_41 = tpu.memref_slice %arg6[%dma_wait3A, %dma_wait3A_40] : memref<6x128xi32, #tpu.memory_space<vmem>> -> memref<1x128xi32, #tpu.memory_space<vmem>>
    %dma_wait3A_42 = tpu.memref_squeeze %dma_wait3A_41 : memref<1x128xi32, #tpu.memory_space<vmem>> -> memref<128xi32, #tpu.memory_space<vmem>>
    %dma_wait3A_43 = arith.constant 0 : i32
    %dma_wait3A_44 = arith.constant 0 : i32
    %dma_wait3A_45 = tpu.memref_slice %arg2[%dma_wait3A_43, %dma_wait3A_44] : memref<10000x128xf32, #tpu.memory_space<hbm>> -> memref<10000x128xf32, #tpu.memory_space<hbm>>
    %dma_wait3A_46 = tpu.memref_slice %arg8[%dma_wait3A_35] : memref<2x!tpu.dma_semaphore, #tpu.memory_space<semaphore_mem>> -> memref<1x!tpu.dma_semaphore, #tpu.memory_space<semaphore_mem>>
    %dma_wait3A_47 = tpu.memref_squeeze %dma_wait3A_46 : memref<1x!tpu.dma_semaphore, #tpu.memory_space<semaphore_mem>> -> memref<!tpu.dma_semaphore, #tpu.memory_space<semaphore_mem>>
    tpu.wait_indirect_dma semaphore(%dma_wait3A_47 : memref<!tpu.dma_semaphore, #tpu.memory_space<semaphore_mem>>) src(%dma_wait3A_45 : memref<10000x128xf32, #tpu.memory_space<hbm>>) dst(%dma_wait3A_39 : memref<128x128xf32, #tpu.memory_space<vmem>>)
    %dma_wait3A_48 = arith.constant 1 : i32
    %dma_wait3A_49 = arith.constant 1 : i32
    %dma_wait3A_50 = arith.constant 0 : i32
    %dma_wait3A_51 = arith.constant 0 : i32
    %dma_wait3A_52 = arith.constant 0 : i32
    %dma_wait3A_53 = tpu.memref_slice %arg5[%dma_wait3A_49, %dma_wait3A_51, %dma_wait3A_52] : memref<4x128x128xf32, #tpu.memory_space<vmem>> -> memref<1x128x128xf32, #tpu.memory_space<vmem>>
    %dma_wait3A_54 = tpu.memref_squeeze %dma_wait3A_53 : memref<1x128x128xf32, #tpu.memory_space<vmem>> -> memref<128x128xf32, #tpu.memory_space<vmem>>
    %dma_wait3A_55 = arith.constant 0 : i32
    %dma_wait3A_56 = tpu.memref_slice %arg6[%dma_wait3A_48, %dma_wait3A_55] : memref<6x128xi32, #tpu.memory_space<vmem>> -> memref<1x128xi32, #tpu.memory_space<vmem>>
    %dma_wait3A_57 = tpu.memref_squeeze %dma_wait3A_56 : memref<1x128xi32, #tpu.memory_space<vmem>> -> memref<128xi32, #tpu.memory_space<vmem>>
    %dma_wait3A_58 = arith.constant 0 : i32
    %dma_wait3A_59 = arith.constant 0 : i32
    %dma_wait3A_60 = tpu.memref_slice %arg2[%dma_wait3A_58, %dma_wait3A_59] : memref<10000x128xf32, #tpu.memory_space<hbm>> -> memref<10000x128xf32, #tpu.memory_space<hbm>>
    %dma_wait3A_61 = tpu.memref_slice %arg8[%dma_wait3A_50] : memref<2x!tpu.dma_semaphore, #tpu.memory_space<semaphore_mem>> -> memref<1x!tpu.dma_semaphore, #tpu.memory_space<semaphore_mem>>
    %dma_wait3A_62 = tpu.memref_squeeze %dma_wait3A_61 : memref<1x!tpu.dma_semaphore, #tpu.memory_space<semaphore_mem>> -> memref<!tpu.dma_semaphore, #tpu.memory_space<semaphore_mem>>
    tpu.wait_indirect_dma semaphore(%dma_wait3A_62 : memref<!tpu.dma_semaphore, #tpu.memory_space<semaphore_mem>>) src(%dma_wait3A_60 : memref<10000x128xf32, #tpu.memory_space<hbm>>) dst(%dma_wait3A_54 : memref<128x128xf32, #tpu.memory_space<vmem>>)
    %add3A_63 = arith.constant 156 : i32
    %add3A_64 = arith.addi %mul3A_2, %add3A_63 : i32
    %dma_start3A_65 = arith.constant 0 : i32
    %dma_start3A_66 = arith.constant 0 : i32
    %dma_start3A_67 = arith.constant 0 : i32
    %dma_start3A_68 = arith.constant 0 : i32
    %dma_start3A_69 = tpu.memref_slice %arg5[%dma_start3A_66, %dma_start3A_67, %dma_start3A_68] : memref<4x128x128xf32, #tpu.memory_space<vmem>> -> memref<2x128x128xf32, #tpu.memory_space<vmem>>
    %dma_start3A_70 = arith.constant 0 : i32
    %dma_start3A_71 = arith.constant 0 : i32
    %dma_start3A_72 = tpu.memref_slice %arg4[%add3A_64, %dma_start3A_70, %dma_start3A_71] : memref<5056x128x128xf32, #tpu.memory_space<hbm>> -> memref<2x128x128xf32, #tpu.memory_space<hbm>>
    %dma_start3A_73 = tpu.memref_slice %arg9[%dma_start3A_65] : memref<2x!tpu.dma_semaphore, #tpu.memory_space<semaphore_mem>> -> memref<1x!tpu.dma_semaphore, #tpu.memory_space<semaphore_mem>>
    %dma_start3A_74 = tpu.memref_squeeze %dma_start3A_73 : memref<1x!tpu.dma_semaphore, #tpu.memory_space<semaphore_mem>> -> memref<!tpu.dma_semaphore, #tpu.memory_space<semaphore_mem>>
    %dma_start3A_75 = arith.constant 0 : i32
    %dma_start3A_76 = arith.constant 0 : i32
    %dma_start3A_77 = tpu.memref_slice %arg4[%add3A_64, %dma_start3A_75, %dma_start3A_76] : memref<5056x128x128xf32, #tpu.memory_space<hbm>> -> memref<2x128x128xf32, #tpu.memory_space<hbm>>
    %dma_start3A_78 = arith.constant 0 : i32
    %dma_start3A_79 = arith.constant 0 : i32
    %dma_start3A_80 = arith.constant 0 : i32
    %dma_start3A_81 = tpu.memref_slice %arg5[%dma_start3A_78, %dma_start3A_79, %dma_start3A_80] : memref<4x128x128xf32, #tpu.memory_space<vmem>> -> memref<2x128x128xf32, #tpu.memory_space<vmem>>
    tpu.enqueue_dma source(%dma_start3A_81 : memref<2x128x128xf32, #tpu.memory_space<vmem>>) target(%dma_start3A_77 : memref<2x128x128xf32, #tpu.memory_space<hbm>>) target_semaphore(%dma_start3A_74 : memref<!tpu.dma_semaphore, #tpu.memory_space<semaphore_mem>>)
    %add3A_82 = arith.constant 154 : i32
    %add3A_83 = arith.addi %mul3A_2, %add3A_82 : i32
    %dma_wait3A_84 = arith.constant 1 : i32
    %dma_wait3A_85 = arith.constant 2 : i32
    %dma_wait3A_86 = arith.constant 0 : i32
    %dma_wait3A_87 = arith.constant 0 : i32
    %dma_wait3A_88 = tpu.memref_slice %arg5[%dma_wait3A_85, %dma_wait3A_86, %dma_wait3A_87] : memref<4x128x128xf32, #tpu.memory_space<vmem>> -> memref<2x128x128xf32, #tpu.memory_space<vmem>>
    %dma_wait3A_89 = arith.constant 0 : i32
    %dma_wait3A_90 = arith.constant 0 : i32
    %dma_wait3A_91 = tpu.memref_slice %arg4[%add3A_83, %dma_wait3A_89, %dma_wait3A_90] : memref<5056x128x128xf32, #tpu.memory_space<hbm>> -> memref<2x128x128xf32, #tpu.memory_space<hbm>>
    %dma_wait3A_92 = tpu.memref_slice %arg9[%dma_wait3A_84] : memref<2x!tpu.dma_semaphore, #tpu.memory_space<semaphore_mem>> -> memref<1x!tpu.dma_semaphore, #tpu.memory_space<semaphore_mem>>
    %dma_wait3A_93 = tpu.memref_squeeze %dma_wait3A_92 : memref<1x!tpu.dma_semaphore, #tpu.memory_space<semaphore_mem>> -> memref<!tpu.dma_semaphore, #tpu.memory_space<semaphore_mem>>
    %dma_wait3A_94 = arith.constant 0 : i32
    %dma_wait3A_95 = arith.constant 0 : i32
    %dma_wait3A_96 = tpu.memref_slice %arg4[%add3A_83, %dma_wait3A_94, %dma_wait3A_95] : memref<5056x128x128xf32, #tpu.memory_space<hbm>> -> memref<2x128x128xf32, #tpu.memory_space<hbm>>
    %dma_wait3A_97 = arith.constant 2 : i32
    %dma_wait3A_98 = arith.constant 0 : i32
    %dma_wait3A_99 = arith.constant 0 : i32
    %dma_wait3A_100 = tpu.memref_slice %arg5[%dma_wait3A_97, %dma_wait3A_98, %dma_wait3A_99] : memref<4x128x128xf32, #tpu.memory_space<vmem>> -> memref<2x128x128xf32, #tpu.memory_space<vmem>>
    tpu.wait_dma2 semaphore(%dma_wait3A_93 : memref<!tpu.dma_semaphore, #tpu.memory_space<semaphore_mem>>) src(%dma_wait3A_100 : memref<2x128x128xf32, #tpu.memory_space<vmem>>) dst(%dma_wait3A_96 : memref<2x128x128xf32, #tpu.memory_space<hbm>>)
    %add3A_101 = arith.constant 156 : i32
    %add3A_102 = arith.addi %mul3A_2, %add3A_101 : i32
    %dma_wait3A_103 = arith.constant 0 : i32
    %dma_wait3A_104 = arith.constant 0 : i32
    %dma_wait3A_105 = arith.constant 0 : i32
    %dma_wait3A_106 = arith.constant 0 : i32
    %dma_wait3A_107 = tpu.memref_slice %arg5[%dma_wait3A_104, %dma_wait3A_105, %dma_wait3A_106] : memref<4x128x128xf32, #tpu.memory_space<vmem>> -> memref<2x128x128xf32, #tpu.memory_space<vmem>>
    %dma_wait3A_108 = arith.constant 0 : i32
    %dma_wait3A_109 = arith.constant 0 : i32
    %dma_wait3A_110 = tpu.memref_slice %arg4[%add3A_102, %dma_wait3A_108, %dma_wait3A_109] : memref<5056x128x128xf32, #tpu.memory_space<hbm>> -> memref<2x128x128xf32, #tpu.memory_space<hbm>>
    %dma_wait3A_111 = tpu.memref_slice %arg9[%dma_wait3A_103] : memref<2x!tpu.dma_semaphore, #tpu.memory_space<semaphore_mem>> -> memref<1x!tpu.dma_semaphore, #tpu.memory_space<semaphore_mem>>
    %dma_wait3A_112 = tpu.memref_squeeze %dma_wait3A_111 : memref<1x!tpu.dma_semaphore, #tpu.memory_space<semaphore_mem>> -> memref<!tpu.dma_semaphore, #tpu.memory_space<semaphore_mem>>
    %dma_wait3A_113 = arith.constant 0 : i32
    %dma_wait3A_114 = arith.constant 0 : i32
    %dma_wait3A_115 = tpu.memref_slice %arg4[%add3A_102, %dma_wait3A_113, %dma_wait3A_114] : memref<5056x128x128xf32, #tpu.memory_space<hbm>> -> memref<2x128x128xf32, #tpu.memory_space<hbm>>
    %dma_wait3A_116 = arith.constant 0 : i32
    %dma_wait3A_117 = arith.constant 0 : i32
    %dma_wait3A_118 = arith.constant 0 : i32
    %dma_wait3A_119 = tpu.memref_slice %arg5[%dma_wait3A_116, %dma_wait3A_117, %dma_wait3A_118] : memref<4x128x128xf32, #tpu.memory_space<vmem>> -> memref<2x128x128xf32, #tpu.memory_space<vmem>>
    tpu.wait_dma2 semaphore(%dma_wait3A_112 : memref<!tpu.dma_semaphore, #tpu.memory_space<semaphore_mem>>) src(%dma_wait3A_119 : memref<2x128x128xf32, #tpu.memory_space<vmem>>) dst(%dma_wait3A_115 : memref<2x128x128xf32, #tpu.memory_space<hbm>>)
    return
  }
}

#map = affine_map<(d0, d1) -> (0, 0)>
#map1 = affine_map<(d0, d1) -> (0, 0, 0)>
module attributes {stable_mosaic.version = 14 : i64} {
  func.func @k(%arg0: i32, %arg1: i32, %arg2: memref<320000x128xf32, #tpu.memory_space<hbm>>, %arg3: memref<2500x128xi32, #tpu.memory_space<hbm>>, %arg4: memref<2x10240x128xf32, #tpu.memory_space<hbm>>, %arg5: memref<10240x128xf32, #tpu.memory_space<vmem_shared>>, %arg6: memref<256x128xf32, #tpu.memory_space<vmem>>, %arg7: memref<2x128xi32, #tpu.memory_space<vmem>>) attributes {dimension_semantics = [#tpu.dimension_semantics<core_parallel>, #tpu.dimension_semantics<subcore_parallel>], iteration_bounds = array<i64: 2, 16>, scalar_prefetch = 0 : i64, scratch_operands = 3 : i64, tpu.core_type = #tpu.core_type<sc_vector_subcore>, window_params = [{transform_indices = #map}, {transform_indices = #map}, {transform_indices = #map1}]} {
    %mul3A = arith.constant 16 : i32
    %mul3A_0 = arith.muli %arg0, %mul3A : i32
    %add3A = arith.addi %mul3A_0, %arg1 : i32
    %scan3A = arith.constant 0 : i32
    %scan3A_1 = arith.constant 128 : i32
    %scan3A_2 = arith.addi %scan3A, %scan3A_1 : i32
    %scan3A_3 = arith.constant 1 : i32
    scf.for %scan3A_20 = %scan3A to %scan3A_2 step %scan3A_3  : i32 {
      %mul3A_21 = arith.constant 1 : i32
      %mul3A_22 = arith.muli %scan3A_20, %mul3A_21 : i32
      %add3A_23 = arith.constant 0 : i32
      %add3A_24 = arith.addi %add3A_23, %mul3A_22 : i32
      %scan3A_25 = arith.constant 0 : i32
      %scan3A_26 = arith.constant 8 : i32
      %scan3A_27 = arith.addi %scan3A_25, %scan3A_26 : i32
      %scan3A_28 = arith.constant 1 : i32
      scf.for %scan3A_30 = %scan3A_25 to %scan3A_27 step %scan3A_28  : i32 {
        %mul3A_31 = arith.constant 16 : i32
        %mul3A_32 = arith.muli %scan3A_30, %mul3A_31 : i32
        %add3A_33 = arith.constant 0 : i32
        %add3A_34 = arith.addi %add3A_33, %mul3A_32 : i32
        %broadcast_in_dim3A = arith.constant 0.000000e+00 : f32
        %broadcast_in_dim3A_35 = vector.broadcast %broadcast_in_dim3A : f32 to vector<16xf32>
        %swap3A = arith.index_cast %add3A_24 : i32 to index
        %swap3A_36 = arith.index_cast %add3A_34 : i32 to index
        %swap3A_37 = tpu.vector_load %arg6[%swap3A, %swap3A_36] {strides = array<i32>} : memref<256x128xf32, #tpu.memory_space<vmem>>, vector<1x16xf32>,
        %swap3A_38 = vector.shape_cast %swap3A_37 : vector<1x16xf32> to vector<16xf32>
        %swap3A_39 = vector.shape_cast %broadcast_in_dim3A_35 : vector<16xf32> to vector<1x16xf32>
        tpu.vector_store %arg6[%swap3A, %swap3A_36], %swap3A_39 {strides = array<i32>} : memref<256x128xf32, #tpu.memory_space<vmem>>, vector<1x16xf32>,
      }
      %scan3A_29 = arith.constant 8 : i32
    }
    %scan3A_4 = arith.constant 128 : i32
    %scan3A_5 = arith.constant 0 : i32
    %scan3A_6 = arith.constant 5 : i32
    %scan3A_7 = arith.addi %scan3A_5, %scan3A_6 : i32
    %scan3A_8 = arith.constant 1 : i32
    scf.for %scan3A_20 = %scan3A_5 to %scan3A_7 step %scan3A_8  : i32 {
      %mul3A_21 = arith.constant 1 : i32
      %mul3A_22 = arith.muli %scan3A_20, %mul3A_21 : i32
      %add3A_23 = arith.constant 0 : i32
      %add3A_24 = arith.addi %add3A_23, %mul3A_22 : i32
      %mul3A_25 = arith.constant 640 : i32
      %mul3A_26 = arith.muli %arg1, %mul3A_25 : i32
      %mul3A_27 = arith.constant 128 : i32
      %mul3A_28 = arith.muli %add3A_24, %mul3A_27 : i32
      %add3A_29 = arith.addi %mul3A_26, %mul3A_28 : i32
      "tpu.region"() ({
        %run_scoped3A = tpu.sem_alloc : memref<!tpu.dma_semaphore, #tpu.memory_space<semaphore_mem>>
        %dma_start3A = arith.constant 0 : i32
        %dma_start3A_30 = arith.constant 0 : i32
        %dma_start3A_31 = tpu.memref_slice %arg6[%dma_start3A, %dma_start3A_30] : memref<256x128xf32, #tpu.memory_space<vmem>> -> memref<128x128xf32, #tpu.memory_space<vmem>>
        %dma_start3A_32 = arith.constant 0 : i32
        %dma_start3A_33 = tpu.memref_slice %arg5[%add3A_29, %dma_start3A_32] : memref<10240x128xf32, #tpu.memory_space<vmem_shared>> -> memref<128x128xf32, #tpu.memory_space<vmem_shared>>
        %dma_start3A_34 = arith.constant 0 : i32
        %dma_start3A_35 = tpu.memref_slice %arg5[%add3A_29, %dma_start3A_34] : memref<10240x128xf32, #tpu.memory_space<vmem_shared>> -> memref<128x128xf32, #tpu.memory_space<vmem_shared>>
        %dma_start3A_36 = arith.constant 0 : i32
        %dma_start3A_37 = arith.constant 0 : i32
        %dma_start3A_38 = tpu.memref_slice %arg6[%dma_start3A_36, %dma_start3A_37] : memref<256x128xf32, #tpu.memory_space<vmem>> -> memref<128x128xf32, #tpu.memory_space<vmem>>
        tpu.enqueue_dma source(%dma_start3A_38 : memref<128x128xf32, #tpu.memory_space<vmem>>) target(%dma_start3A_35 : memref<128x128xf32, #tpu.memory_space<vmem_shared>>) target_semaphore(%run_scoped3A : memref<!tpu.dma_semaphore, #tpu.memory_space<semaphore_mem>>)
        %dma_wait3A = arith.constant 0 : i32
        %dma_wait3A_39 = arith.constant 0 : i32
        %dma_wait3A_40 = tpu.memref_slice %arg6[%dma_wait3A, %dma_wait3A_39] : memref<256x128xf32, #tpu.memory_space<vmem>> -> memref<128x128xf32, #tpu.memory_space<vmem>>
        %dma_wait3A_41 = arith.constant 0 : i32
        %dma_wait3A_42 = tpu.memref_slice %arg5[%add3A_29, %dma_wait3A_41] : memref<10240x128xf32, #tpu.memory_space<vmem_shared>> -> memref<128x128xf32, #tpu.memory_space<vmem_shared>>
        %dma_wait3A_43 = arith.constant 0 : i32
        %dma_wait3A_44 = tpu.memref_slice %arg5[%add3A_29, %dma_wait3A_43] : memref<10240x128xf32, #tpu.memory_space<vmem_shared>> -> memref<128x128xf32, #tpu.memory_space<vmem_shared>>
        %dma_wait3A_45 = arith.constant 0 : i32
        %dma_wait3A_46 = arith.constant 0 : i32
        %dma_wait3A_47 = tpu.memref_slice %arg6[%dma_wait3A_45, %dma_wait3A_46] : memref<256x128xf32, #tpu.memory_space<vmem>> -> memref<128x128xf32, #tpu.memory_space<vmem>>
        tpu.wait_dma2 semaphore(%run_scoped3A : memref<!tpu.dma_semaphore, #tpu.memory_space<semaphore_mem>>) src(%dma_wait3A_47 : memref<128x128xf32, #tpu.memory_space<vmem>>) dst(%dma_wait3A_44 : memref<128x128xf32, #tpu.memory_space<vmem_shared>>)
        tpu.yield
      }) : () -> ()
    }
    %scan3A_9 = arith.constant 5 : i32
    %barrier3A = arith.constant 0 : index
    tpu.barrier barrier_id(%barrier3A)
    %scan3A_10 = arith.constant 0 : i32
    %scan3A_11 = arith.constant 40 : i32
    %scan3A_12 = arith.addi %scan3A_10, %scan3A_11 : i32
    %scan3A_13 = arith.constant 1 : i32
    scf.for %scan3A_20 = %scan3A_10 to %scan3A_12 step %scan3A_13  : i32 {
      %mul3A_21 = arith.constant 1 : i32
      %mul3A_22 = arith.muli %scan3A_20, %mul3A_21 : i32
      %add3A_23 = arith.constant 0 : i32
      %add3A_24 = arith.addi %add3A_23, %mul3A_22 : i32
      %mul3A_25 = arith.constant 32 : i32
      %mul3A_26 = arith.muli %add3A_24, %mul3A_25 : i32
      %add3A_27 = arith.addi %add3A, %mul3A_26 : i32
      %lt3A = arith.constant 1250 : i32
      %lt3A_28 = arith.cmpi slt, %add3A_27, %lt3A : i32
      %convert_element_type3A = arith.extui %lt3A_28 : i1 to i32
      %cond3A = arith.constant 0 : i32
      %cond3A_29 = arith.cmpi ne, %convert_element_type3A, %cond3A : i32
      scf.if %cond3A_29 {
        %mul3A_30 = arith.constant 256 : i32
        %mul3A_31 = arith.muli %add3A_27, %mul3A_30 : i32
        "tpu.region"() ({
          %run_scoped3A_35 = tpu.sem_alloc : memref<!tpu.dma_semaphore, #tpu.memory_space<semaphore_mem>>
          %dma_start3A = arith.constant 0 : i32
          %dma_start3A_36 = tpu.memref_slice %arg2[%mul3A_31, %dma_start3A] : memref<320000x128xf32, #tpu.memory_space<hbm>> -> memref<256x128xf32, #tpu.memory_space<hbm>>
          %dma_start3A_37 = arith.constant 0 : i32
          %dma_start3A_38 = tpu.memref_slice %arg2[%mul3A_31, %dma_start3A_37] : memref<320000x128xf32, #tpu.memory_space<hbm>> -> memref<256x128xf32, #tpu.memory_space<hbm>>
          tpu.enqueue_dma source(%dma_start3A_38 : memref<256x128xf32, #tpu.memory_space<hbm>>) target(%arg6 : memref<256x128xf32, #tpu.memory_space<vmem>>) target_semaphore(%run_scoped3A_35 : memref<!tpu.dma_semaphore, #tpu.memory_space<semaphore_mem>>)
          %dma_wait3A = arith.constant 0 : i32
          %dma_wait3A_39 = tpu.memref_slice %arg2[%mul3A_31, %dma_wait3A] : memref<320000x128xf32, #tpu.memory_space<hbm>> -> memref<256x128xf32, #tpu.memory_space<hbm>>
          %dma_wait3A_40 = arith.constant 0 : i32
          %dma_wait3A_41 = tpu.memref_slice %arg2[%mul3A_31, %dma_wait3A_40] : memref<320000x128xf32, #tpu.memory_space<hbm>> -> memref<256x128xf32, #tpu.memory_space<hbm>>
          tpu.wait_dma2 semaphore(%run_scoped3A_35 : memref<!tpu.dma_semaphore, #tpu.memory_space<semaphore_mem>>) src(%dma_wait3A_41 : memref<256x128xf32, #tpu.memory_space<hbm>>) dst(%arg6 : memref<256x128xf32, #tpu.memory_space<vmem>>)
          tpu.yield
        }) : () -> ()
        %mul3A_32 = arith.constant 2 : i32
        %mul3A_33 = arith.muli %add3A_27, %mul3A_32 : i32
        "tpu.region"() ({
          %run_scoped3A_35 = tpu.sem_alloc : memref<!tpu.dma_semaphore, #tpu.memory_space<semaphore_mem>>
          %dma_start3A = arith.constant 0 : i32
          %dma_start3A_36 = tpu.memref_slice %arg3[%mul3A_33, %dma_start3A] : memref<2500x128xi32, #tpu.memory_space<hbm>> -> memref<2x128xi32, #tpu.memory_space<hbm>>
          %dma_start3A_37 = arith.constant 0 : i32
          %dma_start3A_38 = tpu.memref_slice %arg3[%mul3A_33, %dma_start3A_37] : memref<2500x128xi32, #tpu.memory_space<hbm>> -> memref<2x128xi32, #tpu.memory_space<hbm>>
          tpu.enqueue_dma source(%dma_start3A_38 : memref<2x128xi32, #tpu.memory_space<hbm>>) target(%arg7 : memref<2x128xi32, #tpu.memory_space<vmem>>) target_semaphore(%run_scoped3A_35 : memref<!tpu.dma_semaphore, #tpu.memory_space<semaphore_mem>>)
          %dma_wait3A = arith.constant 0 : i32
          %dma_wait3A_39 = tpu.memref_slice %arg3[%mul3A_33, %dma_wait3A] : memref<2500x128xi32, #tpu.memory_space<hbm>> -> memref<2x128xi32, #tpu.memory_space<hbm>>
          %dma_wait3A_40 = arith.constant 0 : i32
          %dma_wait3A_41 = tpu.memref_slice %arg3[%mul3A_33, %dma_wait3A_40] : memref<2500x128xi32, #tpu.memory_space<hbm>> -> memref<2x128xi32, #tpu.memory_space<hbm>>
          tpu.wait_dma2 semaphore(%run_scoped3A_35 : memref<!tpu.dma_semaphore, #tpu.memory_space<semaphore_mem>>) src(%dma_wait3A_41 : memref<2x128xi32, #tpu.memory_space<hbm>>) dst(%arg7 : memref<2x128xi32, #tpu.memory_space<vmem>>)
          tpu.yield
        }) : () -> ()
        %run_scoped3A = arith.constant 0 : i32
        "tpu.region"() ({
          %run_scoped3A_35 = tpu.sem_alloc : memref<!tpu.dma_semaphore, #tpu.memory_space<semaphore_mem>>
          %dma_start3A = arith.constant 0 : i32
          %dma_start3A_36 = arith.constant 0 : i32
          %dma_start3A_37 = tpu.memref_slice %arg6[%dma_start3A, %dma_start3A_36] : memref<256x128xf32, #tpu.memory_space<vmem>> -> memref<128x128xf32, #tpu.memory_space<vmem>>
          %dma_start3A_38 = arith.constant 0 : i32
          %dma_start3A_39 = tpu.memref_slice %arg7[%run_scoped3A, %dma_start3A_38] : memref<2x128xi32, #tpu.memory_space<vmem>> -> memref<1x128xi32, #tpu.memory_space<vmem>>
          %dma_start3A_40 = tpu.memref_squeeze %dma_start3A_39 : memref<1x128xi32, #tpu.memory_space<vmem>> -> memref<128xi32, #tpu.memory_space<vmem>>
          %dma_start3A_41 = arith.constant 0 : i32
          %dma_start3A_42 = arith.constant 0 : i32
          %dma_start3A_43 = tpu.memref_slice %arg5[%dma_start3A_41, %dma_start3A_42] : memref<10240x128xf32, #tpu.memory_space<vmem_shared>> -> memref<10240x128xf32, #tpu.memory_space<vmem_shared>>
          tpu.enqueue_indirect_dma source(%dma_start3A_37 : memref<128x128xf32, #tpu.memory_space<vmem>>) target(%dma_start3A_43 : memref<10240x128xf32, #tpu.memory_space<vmem_shared>>) offsets(%dma_start3A_40 : memref<128xi32, #tpu.memory_space<vmem>>) semaphore(%run_scoped3A_35 : memref<!tpu.dma_semaphore, #tpu.memory_space<semaphore_mem>>) {add = true}
          %dma_wait3A = arith.constant 0 : i32
          %dma_wait3A_44 = arith.constant 0 : i32
          %dma_wait3A_45 = tpu.memref_slice %arg6[%dma_wait3A, %dma_wait3A_44] : memref<256x128xf32, #tpu.memory_space<vmem>> -> memref<128x128xf32, #tpu.memory_space<vmem>>
          %dma_wait3A_46 = arith.constant 0 : i32
          %dma_wait3A_47 = tpu.memref_slice %arg7[%run_scoped3A, %dma_wait3A_46] : memref<2x128xi32, #tpu.memory_space<vmem>> -> memref<1x128xi32, #tpu.memory_space<vmem>>
          %dma_wait3A_48 = tpu.memref_squeeze %dma_wait3A_47 : memref<1x128xi32, #tpu.memory_space<vmem>> -> memref<128xi32, #tpu.memory_space<vmem>>
          %dma_wait3A_49 = arith.constant 0 : i32
          %dma_wait3A_50 = arith.constant 0 : i32
          %dma_wait3A_51 = tpu.memref_slice %arg5[%dma_wait3A_49, %dma_wait3A_50] : memref<10240x128xf32, #tpu.memory_space<vmem_shared>> -> memref<10240x128xf32, #tpu.memory_space<vmem_shared>>
          tpu.wait_indirect_dma semaphore(%run_scoped3A_35 : memref<!tpu.dma_semaphore, #tpu.memory_space<semaphore_mem>>) src(%dma_wait3A_45 : memref<128x128xf32, #tpu.memory_space<vmem>>) dst(%dma_wait3A_51 : memref<10240x128xf32, #tpu.memory_space<vmem_shared>>)
          tpu.yield
        }) : () -> ()
        %run_scoped3A_34 = arith.constant 1 : i32
        "tpu.region"() ({
          %run_scoped3A_35 = tpu.sem_alloc : memref<!tpu.dma_semaphore, #tpu.memory_space<semaphore_mem>>
          %dma_start3A = arith.constant 128 : i32
          %dma_start3A_36 = arith.constant 0 : i32
          %dma_start3A_37 = tpu.memref_slice %arg6[%dma_start3A, %dma_start3A_36] : memref<256x128xf32, #tpu.memory_space<vmem>> -> memref<128x128xf32, #tpu.memory_space<vmem>>
          %dma_start3A_38 = arith.constant 0 : i32
          %dma_start3A_39 = tpu.memref_slice %arg7[%run_scoped3A_34, %dma_start3A_38] : memref<2x128xi32, #tpu.memory_space<vmem>> -> memref<1x128xi32, #tpu.memory_space<vmem>>
          %dma_start3A_40 = tpu.memref_squeeze %dma_start3A_39 : memref<1x128xi32, #tpu.memory_space<vmem>> -> memref<128xi32, #tpu.memory_space<vmem>>
          %dma_start3A_41 = arith.constant 0 : i32
          %dma_start3A_42 = arith.constant 0 : i32
          %dma_start3A_43 = tpu.memref_slice %arg5[%dma_start3A_41, %dma_start3A_42] : memref<10240x128xf32, #tpu.memory_space<vmem_shared>> -> memref<10240x128xf32, #tpu.memory_space<vmem_shared>>
          tpu.enqueue_indirect_dma source(%dma_start3A_37 : memref<128x128xf32, #tpu.memory_space<vmem>>) target(%dma_start3A_43 : memref<10240x128xf32, #tpu.memory_space<vmem_shared>>) offsets(%dma_start3A_40 : memref<128xi32, #tpu.memory_space<vmem>>) semaphore(%run_scoped3A_35 : memref<!tpu.dma_semaphore, #tpu.memory_space<semaphore_mem>>) {add = true}
          %dma_wait3A = arith.constant 128 : i32
          %dma_wait3A_44 = arith.constant 0 : i32
          %dma_wait3A_45 = tpu.memref_slice %arg6[%dma_wait3A, %dma_wait3A_44] : memref<256x128xf32, #tpu.memory_space<vmem>> -> memref<128x128xf32, #tpu.memory_space<vmem>>
          %dma_wait3A_46 = arith.constant 0 : i32
          %dma_wait3A_47 = tpu.memref_slice %arg7[%run_scoped3A_34, %dma_wait3A_46] : memref<2x128xi32, #tpu.memory_space<vmem>> -> memref<1x128xi32, #tpu.memory_space<vmem>>
          %dma_wait3A_48 = tpu.memref_squeeze %dma_wait3A_47 : memref<1x128xi32, #tpu.memory_space<vmem>> -> memref<128xi32, #tpu.memory_space<vmem>>
          %dma_wait3A_49 = arith.constant 0 : i32
          %dma_wait3A_50 = arith.constant 0 : i32
          %dma_wait3A_51 = tpu.memref_slice %arg5[%dma_wait3A_49, %dma_wait3A_50] : memref<10240x128xf32, #tpu.memory_space<vmem_shared>> -> memref<10240x128xf32, #tpu.memory_space<vmem_shared>>
          tpu.wait_indirect_dma semaphore(%run_scoped3A_35 : memref<!tpu.dma_semaphore, #tpu.memory_space<semaphore_mem>>) src(%dma_wait3A_45 : memref<128x128xf32, #tpu.memory_space<vmem>>) dst(%dma_wait3A_51 : memref<10240x128xf32, #tpu.memory_space<vmem_shared>>)
          tpu.yield
        }) : () -> ()
      } else {
      }
    }
    %scan3A_14 = arith.constant 40 : i32
    %barrier3A_15 = arith.constant 0 : index
    tpu.barrier barrier_id(%barrier3A_15)
    %mul3A_16 = arith.constant 640 : i32
    %mul3A_17 = arith.muli %arg1, %mul3A_16 : i32
    %mul3A_18 = arith.constant 640 : i32
    %mul3A_19 = arith.muli %arg1, %mul3A_18 : i32
    "tpu.region"() ({
      %run_scoped3A = tpu.sem_alloc : memref<!tpu.dma_semaphore, #tpu.memory_space<semaphore_mem>>
      %dma_start3A = arith.constant 0 : i32
      %dma_start3A_20 = tpu.memref_slice %arg4[%arg0, %mul3A_19, %dma_start3A] : memref<2x10240x128xf32, #tpu.memory_space<hbm>> -> memref<1x640x128xf32, #tpu.memory_space<hbm>>
      %dma_start3A_21 = tpu.memref_squeeze %dma_start3A_20 : memref<1x640x128xf32, #tpu.memory_space<hbm>> -> memref<640x128xf32, #tpu.memory_space<hbm>>
      %dma_start3A_22 = arith.constant 0 : i32
      %dma_start3A_23 = tpu.memref_slice %arg5[%mul3A_17, %dma_start3A_22] : memref<10240x128xf32, #tpu.memory_space<vmem_shared>> -> memref<640x128xf32, #tpu.memory_space<vmem_shared>>
      tpu.enqueue_dma source(%dma_start3A_23 : memref<640x128xf32, #tpu.memory_space<vmem_shared>>) target(%dma_start3A_21 : memref<640x128xf32, #tpu.memory_space<hbm>>) target_semaphore(%run_scoped3A : memref<!tpu.dma_semaphore, #tpu.memory_space<semaphore_mem>>)
      %dma_wait3A = arith.constant 0 : i32
      %dma_wait3A_24 = tpu.memref_slice %arg4[%arg0, %mul3A_19, %dma_wait3A] : memref<2x10240x128xf32, #tpu.memory_space<hbm>> -> memref<1x640x128xf32, #tpu.memory_space<hbm>>
      %dma_wait3A_25 = tpu.memref_squeeze %dma_wait3A_24 : memref<1x640x128xf32, #tpu.memory_space<hbm>> -> memref<640x128xf32, #tpu.memory_space<hbm>>
      %dma_wait3A_26 = arith.constant 0 : i32
      %dma_wait3A_27 = tpu.memref_slice %arg5[%mul3A_17, %dma_wait3A_26] : memref<10240x128xf32, #tpu.memory_space<vmem_shared>> -> memref<640x128xf32, #tpu.memory_space<vmem_shared>>
      tpu.wait_dma2 semaphore(%run_scoped3A : memref<!tpu.dma_semaphore, #tpu.memory_space<semaphore_mem>>) src(%dma_wait3A_27 : memref<640x128xf32, #tpu.memory_space<vmem_shared>>) dst(%dma_wait3A_25 : memref<640x128xf32, #tpu.memory_space<hbm>>)
      tpu.yield
    }) : () -> ()
    return
  }
}

module attributes {stable_mosaic.version = 14 : i64} {
  func.func @_embed_body(%arg0: memref<10000x92xf32, #tpu.memory_space<vmem>>, %arg1: memref<92x128xf32, #tpu.memory_space<vmem>>, %arg2: memref<1x128xf32, #tpu.memory_space<vmem>>, %arg3: memref<10000x128xf32, #tpu.memory_space<vmem>>) attributes {dimension_semantics = [], scalar_prefetch = 0 : i64, scratch_operands = 0 : i64, tpu.core_type = #tpu.core_type<tc>} {
    %get3A = arith.constant 0 : index
    %get3A_0 = arith.constant 0 : index
    %get3A_1 = vector.load %arg0[%get3A, %get3A_0] : memref<10000x92xf32, #tpu.memory_space<vmem>>, vector<10000x92xf32>
    %get3A_2 = arith.constant 0 : index
    %get3A_3 = arith.constant 0 : index
    %get3A_4 = vector.load %arg1[%get3A_2, %get3A_3] : memref<92x128xf32, #tpu.memory_space<vmem>>, vector<92x128xf32>
    %dot_general3A = arith.constant dense<0.000000e+00> : vector<10000x128xf32>
    %dot_general3A_5 = tpu.matmul %get3A_1, %get3A_4, %dot_general3A {dimension_numbers = #tpu.dot_dimension_numbers<[1], [0], [0], [1], [0, 0, 1, 1], [], []>, transpose_lhs_hint = false} : vector<10000x92xf32>, vector<92x128xf32>, vector<10000x128xf32> -> vector<10000x128xf32>
    %get3A_6 = arith.constant 0 : index
    %get3A_7 = arith.constant 0 : index
    %get3A_8 = vector.load %arg2[%get3A_6, %get3A_7] : memref<1x128xf32, #tpu.memory_space<vmem>>, vector<1x128xf32>
    %add3A = vector.broadcast %get3A_8 : vector<1x128xf32> to vector<10000x128xf32>
    %add3A_9 = arith.addf %dot_general3A_5, %add3A : vector<10000x128xf32>
    %max3A = arith.constant 0.000000e+00 : f32
    %max3A_10 = vector.broadcast %max3A : f32 to vector<10000x128xf32>
    %max3A_11 = arith.maximumf %add3A_9, %max3A_10 : vector<10000x128xf32>
    %swap3A = arith.constant 0 : index
    %swap3A_12 = arith.constant 0 : index
    %swap3A_13 = vector.load %arg3[%swap3A, %swap3A_12] : memref<10000x128xf32, #tpu.memory_space<vmem>>, vector<10000x128xf32>
    tpu.vector_store %arg3[%swap3A, %swap3A_12], %max3A_11 {strides = array<i32>} : memref<10000x128xf32, #tpu.memory_space<vmem>>, vector<10000x128xf32>,
    return
  }
}

module attributes {stable_mosaic.version = 14 : i64} {
  func.func @_msg_body(%arg0: i32, %arg1: memref<2000x128xf32, #tpu.memory_space<vmem>>, %arg2: memref<2000x128xf32, #tpu.memory_space<vmem>>, %arg3: memref<2000x50xf32, #tpu.memory_space<vmem>>, %arg4: memref<50x128xf32, #tpu.memory_space<vmem>>, %arg5: memref<1x128xf32, #tpu.memory_space<vmem>>, %arg6: memref<384x128xf32, #tpu.memory_space<vmem>>, %arg7: memref<1x128xf32, #tpu.memory_space<vmem>>, %arg8: memref<384x128xf32, #tpu.memory_space<vmem>>, %arg9: memref<1x128xf32, #tpu.memory_space<vmem>>, %arg10: memref<2000x128xf32, #tpu.memory_space<vmem>>) attributes {dimension_semantics = [#tpu.dimension_semantics<arbitrary>], iteration_bounds = array<i64: 160>, scalar_prefetch = 0 : i64, scratch_operands = 0 : i64, tpu.core_type = #tpu.core_type<tc>, window_params = [{transform_indices = @transform_0, window_bounds = array<i64: 2000, 128>}, {transform_indices = @transform_1, window_bounds = array<i64: 2000, 128>}, {transform_indices = @transform_2, window_bounds = array<i64: 2000, 50>}, {pipeline_mode = #tpu.pipeline_mode<synchronous>, transform_indices = @transform_3, window_bounds = array<i64: 50, 128>}, {pipeline_mode = #tpu.pipeline_mode<synchronous>, transform_indices = @transform_4, window_bounds = array<i64: 1, 128>}, {pipeline_mode = #tpu.pipeline_mode<synchronous>, transform_indices = @transform_5, window_bounds = array<i64: 384, 128>}, {pipeline_mode = #tpu.pipeline_mode<synchronous>, transform_indices = @transform_6, window_bounds = array<i64: 1, 128>}, {pipeline_mode = #tpu.pipeline_mode<synchronous>, transform_indices = @transform_7, window_bounds = array<i64: 384, 128>}, {pipeline_mode = #tpu.pipeline_mode<synchronous>, transform_indices = @transform_8, window_bounds = array<i64: 1, 128>}, {transform_indices = @transform_9, window_bounds = array<i64: 2000, 128>}]} {
    %get3A = arith.constant 0 : index
    %get3A_0 = arith.constant 0 : index
    %get3A_1 = vector.load %arg3[%get3A, %get3A_0] : memref<2000x50xf32, #tpu.memory_space<vmem>>, vector<2000x50xf32>
    %get3A_2 = arith.constant 0 : index
    %get3A_3 = arith.constant 0 : index
    %get3A_4 = vector.load %arg4[%get3A_2, %get3A_3] : memref<50x128xf32, #tpu.memory_space<vmem>>, vector<50x128xf32>
    %dot_general3A = arith.constant dense<0.000000e+00> : vector<2000x128xf32>
    %dot_general3A_5 = tpu.matmul %get3A_1, %get3A_4, %dot_general3A {dimension_numbers = #tpu.dot_dimension_numbers<[1], [0], [0], [1], [0, 0, 1, 1], [], []>, transpose_lhs_hint = false} : vector<2000x50xf32>, vector<50x128xf32>, vector<2000x128xf32> -> vector<2000x128xf32>
    %get3A_6 = arith.constant 0 : index
    %get3A_7 = arith.constant 0 : index
    %get3A_8 = vector.load %arg5[%get3A_6, %get3A_7] : memref<1x128xf32, #tpu.memory_space<vmem>>, vector<1x128xf32>
    %add3A = vector.broadcast %get3A_8 : vector<1x128xf32> to vector<2000x128xf32>
    %add3A_9 = arith.addf %dot_general3A_5, %add3A : vector<2000x128xf32>
    %max3A = arith.constant 0.000000e+00 : f32
    %max3A_10 = vector.broadcast %max3A : f32 to vector<2000x128xf32>
    %max3A_11 = arith.maximumf %add3A_9, %max3A_10 : vector<2000x128xf32>
    %get3A_12 = arith.constant 0 : index
    %get3A_13 = arith.constant 0 : index
    %get3A_14 = vector.load %arg1[%get3A_12, %get3A_13] : memref<2000x128xf32, #tpu.memory_space<vmem>>, vector<2000x128xf32>
    %get3A_15 = arith.constant 0 : index
    %get3A_16 = arith.constant 0 : index
    %get3A_17 = vector.load %arg2[%get3A_15, %get3A_16] : memref<2000x128xf32, #tpu.memory_space<vmem>>, vector<2000x128xf32>
    %get3A_18 = arith.constant 0 : index
    %get3A_19 = arith.constant 0 : index
    %get3A_20 = vector.load %arg6[%get3A_18, %get3A_19] : memref<384x128xf32, #tpu.memory_space<vmem>>, vector<384x128xf32>
    %get3A_21 = arith.constant 0 : index
    %get3A_22 = arith.constant 0 : index
    %get3A_23 = vector.load %arg8[%get3A_21, %get3A_22] : memref<384x128xf32, #tpu.memory_space<vmem>>, vector<384x128xf32>
    %slice3A = vector.extract_strided_slice %get3A_20 {offsets = [0, 0], sizes = [128, 128], strides = [1, 1]} : vector<384x128xf32> to vector<128x128xf32>
    %dot_general3A_24 = arith.constant dense<0.000000e+00> : vector<2000x128xf32>
    %dot_general3A_25 = tpu.matmul %get3A_14, %slice3A, %dot_general3A_24 {dimension_numbers = #tpu.dot_dimension_numbers<[1], [0], [0], [1], [0, 0, 1, 1], [], []>, transpose_lhs_hint = false} : vector<2000x128xf32>, vector<128x128xf32>, vector<2000x128xf32> -> vector<2000x128xf32>
    %slice3A_26 = vector.extract_strided_slice %get3A_20 {offsets = [128, 0], sizes = [128, 128], strides = [1, 1]} : vector<384x128xf32> to vector<128x128xf32>
    %dot_general3A_27 = arith.constant dense<0.000000e+00> : vector<2000x128xf32>
    %dot_general3A_28 = tpu.matmul %get3A_17, %slice3A_26, %dot_general3A_27 {dimension_numbers = #tpu.dot_dimension_numbers<[1], [0], [0], [1], [0, 0, 1, 1], [], []>, transpose_lhs_hint = false} : vector<2000x128xf32>, vector<128x128xf32>, vector<2000x128xf32> -> vector<2000x128xf32>
    %add3A_29 = arith.addf %dot_general3A_25, %dot_general3A_28 : vector<2000x128xf32>
    %slice3A_30 = vector.extract_strided_slice %get3A_20 {offsets = [256, 0], sizes = [128, 128], strides = [1, 1]} : vector<384x128xf32> to vector<128x128xf32>
    %dot_general3A_31 = arith.constant dense<0.000000e+00> : vector<2000x128xf32>
    %dot_general3A_32 = tpu.matmul %max3A_11, %slice3A_30, %dot_general3A_31 {dimension_numbers = #tpu.dot_dimension_numbers<[1], [0], [0], [1], [0, 0, 1, 1], [], []>, transpose_lhs_hint = false} : vector<2000x128xf32>, vector<128x128xf32>, vector<2000x128xf32> -> vector<2000x128xf32>
    %add3A_33 = arith.addf %add3A_29, %dot_general3A_32 : vector<2000x128xf32>
    %get3A_34 = arith.constant 0 : index
    %get3A_35 = arith.constant 0 : index
    %get3A_36 = vector.load %arg7[%get3A_34, %get3A_35] : memref<1x128xf32, #tpu.memory_space<vmem>>, vector<1x128xf32>
    %add3A_37 = vector.broadcast %get3A_36 : vector<1x128xf32> to vector<2000x128xf32>
    %add3A_38 = arith.addf %add3A_33, %add3A_37 : vector<2000x128xf32>
    %slice3A_39 = vector.extract_strided_slice %get3A_23 {offsets = [0, 0], sizes = [128, 128], strides = [1, 1]} : vector<384x128xf32> to vector<128x128xf32>
    %dot_general3A_40 = arith.constant dense<0.000000e+00> : vector<2000x128xf32>
    %dot_general3A_41 = tpu.matmul %get3A_14, %slice3A_39, %dot_general3A_40 {dimension_numbers = #tpu.dot_dimension_numbers<[1], [0], [0], [1], [0, 0, 1, 1], [], []>, transpose_lhs_hint = false} : vector<2000x128xf32>, vector<128x128xf32>, vector<2000x128xf32> -> vector<2000x128xf32>
    %slice3A_42 = vector.extract_strided_slice %get3A_23 {offsets = [128, 0], sizes = [128, 128], strides = [1, 1]} : vector<384x128xf32> to vector<128x128xf32>
    %dot_general3A_43 = arith.constant dense<0.000000e+00> : vector<2000x128xf32>
    %dot_general3A_44 = tpu.matmul %get3A_17, %slice3A_42, %dot_general3A_43 {dimension_numbers = #tpu.dot_dimension_numbers<[1], [0], [0], [1], [0, 0, 1, 1], [], []>, transpose_lhs_hint = false} : vector<2000x128xf32>, vector<128x128xf32>, vector<2000x128xf32> -> vector<2000x128xf32>
    %add3A_45 = arith.addf %dot_general3A_41, %dot_general3A_44 : vector<2000x128xf32>
    %slice3A_46 = vector.extract_strided_slice %get3A_23 {offsets = [256, 0], sizes = [128, 128], strides = [1, 1]} : vector<384x128xf32> to vector<128x128xf32>
    %dot_general3A_47 = arith.constant dense<0.000000e+00> : vector<2000x128xf32>
    %dot_general3A_48 = tpu.matmul %max3A_11, %slice3A_46, %dot_general3A_47 {dimension_numbers = #tpu.dot_dimension_numbers<[1], [0], [0], [1], [0, 0, 1, 1], [], []>, transpose_lhs_hint = false} : vector<2000x128xf32>, vector<128x128xf32>, vector<2000x128xf32> -> vector<2000x128xf32>
    %add3A_49 = arith.addf %add3A_45, %dot_general3A_48 : vector<2000x128xf32>
    %get3A_50 = arith.constant 0 : index
    %get3A_51 = arith.constant 0 : index
    %get3A_52 = vector.load %arg9[%get3A_50, %get3A_51] : memref<1x128xf32, #tpu.memory_space<vmem>>, vector<1x128xf32>
    %add3A_53 = vector.broadcast %get3A_52 : vector<1x128xf32> to vector<2000x128xf32>
    %add3A_54 = arith.addf %add3A_49, %add3A_53 : vector<2000x128xf32>
    %logistic3A = arith.negf %add3A_38 : vector<2000x128xf32>
    %logistic3A_55 = math.exp %logistic3A : vector<2000x128xf32>
    %logistic3A_56 = arith.constant 1.000000e+00 : f32
    %logistic3A_57 = vector.broadcast %logistic3A_56 : f32 to vector<2000x128xf32>
    %logistic3A_58 = arith.addf %logistic3A_57, %logistic3A_55 : vector<2000x128xf32>
    %logistic3A_59 = arith.divf %logistic3A_57, %logistic3A_58 : vector<2000x128xf32>
    %custom_jvp_call3A = arith.constant 0.000000e+00 : f32
    %max3A_60 = vector.broadcast %custom_jvp_call3A : f32 to vector<2000x128xf32>
    %max3A_61 = arith.maximumf %add3A_54, %max3A_60 : vector<2000x128xf32>
    %sub3A = vector.broadcast %custom_jvp_call3A : f32 to vector<2000x128xf32>
    %sub3A_62 = arith.subf %add3A_54, %sub3A : vector<2000x128xf32>
    %ne3A = arith.cmpf one, %sub3A_62, %sub3A_62 : vector<2000x128xf32>
    %add3A_63 = vector.broadcast %custom_jvp_call3A : f32 to vector<2000x128xf32>
    %add3A_64 = arith.addf %add3A_54, %add3A_63 : vector<2000x128xf32>
    %abs3A = math.absf %sub3A_62 : vector<2000x128xf32>
    %neg3A = arith.constant 0.000000e+00 : f32
    %neg3A_65 = vector.broadcast %neg3A : f32 to vector<2000x128xf32>
    %neg3A_66 = arith.subf %neg3A_65, %abs3A : vector<2000x128xf32>
    %exp3A = math.exp %neg3A_66 : vector<2000x128xf32>
    %log1p3A = math.log1p %exp3A : vector<2000x128xf32>
    %add3A_67 = arith.addf %max3A_61, %log1p3A : vector<2000x128xf32>
    %select_n3A = arith.select %ne3A, %add3A_64, %add3A_67 : vector<2000x128xi1>, vector<2000x128xf32>
    %mul3A = arith.mulf %logistic3A_59, %select_n3A : vector<2000x128xf32>
    %swap3A = arith.constant 0 : index
    %swap3A_68 = arith.constant 0 : index
    %swap3A_69 = vector.load %arg10[%swap3A, %swap3A_68] : memref<2000x128xf32, #tpu.memory_space<vmem>>, vector<2000x128xf32>
    tpu.vector_store %arg10[%swap3A, %swap3A_68], %mul3A {strides = array<i32>} : memref<2000x128xf32, #tpu.memory_space<vmem>>, vector<2000x128xf32>,
    return
  }
  func.func @transform_0(%arg0: i32) -> (i32, i32) {
    %c0_i32 = arith.constant 0 : i32
    %c0_i32_0 = arith.constant 0 : i32
    return %arg0, %c0_i32 : i32, i32
  }
  func.func @transform_1(%arg0: i32) -> (i32, i32) {
    %add3A = arith.constant 160 : i32
    %add3A_0 = arith.addi %arg0, %add3A : i32
    %c0_i32 = arith.constant 0 : i32
    %c0_i32_1 = arith.constant 0 : i32
    return %add3A_0, %c0_i32 : i32, i32
  }
  func.func @transform_2(%arg0: i32) -> (i32, i32) {
    %c0_i32 = arith.constant 0 : i32
    %c0_i32_0 = arith.constant 0 : i32
    return %arg0, %c0_i32 : i32, i32
  }
  func.func @transform_3(%arg0: i32) -> (i32, i32) {
    %c0_i32 = arith.constant 0 : i32
    %c0_i32_0 = arith.constant 0 : i32
    %c0_i32_1 = arith.constant 0 : i32
    return %c0_i32, %c0_i32_0 : i32, i32
  }
  func.func @transform_4(%arg0: i32) -> (i32, i32) {
    %c0_i32 = arith.constant 0 : i32
    %c0_i32_0 = arith.constant 0 : i32
    %c0_i32_1 = arith.constant 0 : i32
    return %c0_i32, %c0_i32_0 : i32, i32
  }
  func.func @transform_5(%arg0: i32) -> (i32, i32) {
    %c0_i32 = arith.constant 0 : i32
    %c0_i32_0 = arith.constant 0 : i32
    %c0_i32_1 = arith.constant 0 : i32
    return %c0_i32, %c0_i32_0 : i32, i32
  }
  func.func @transform_6(%arg0: i32) -> (i32, i32) {
    %c0_i32 = arith.constant 0 : i32
    %c0_i32_0 = arith.constant 0 : i32
    %c0_i32_1 = arith.constant 0 : i32
    return %c0_i32, %c0_i32_0 : i32, i32
  }
  func.func @transform_7(%arg0: i32) -> (i32, i32) {
    %c0_i32 = arith.constant 0 : i32
    %c0_i32_0 = arith.constant 0 : i32
    %c0_i32_1 = arith.constant 0 : i32
    return %c0_i32, %c0_i32_0 : i32, i32
  }
  func.func @transform_8(%arg0: i32) -> (i32, i32) {
    %c0_i32 = arith.constant 0 : i32
    %c0_i32_0 = arith.constant 0 : i32
    %c0_i32_1 = arith.constant 0 : i32
    return %c0_i32, %c0_i32_0 : i32, i32
  }
  func.func @transform_9(%arg0: i32) -> (i32, i32) {
    %c0_i32 = arith.constant 0 : i32
    %c0_i32_0 = arith.constant 0 : i32
    return %arg0, %c0_i32 : i32, i32
  }
}

module attributes {stable_mosaic.version = 14 : i64} {
  func.func @_node_body(%arg0: memref<2x10240x128xf32, #tpu.memory_space<vmem>>, %arg1: memref<10000x128xf32, #tpu.memory_space<vmem>>, %arg2: memref<1x128xf32, #tpu.memory_space<vmem>>, %arg3: memref<1x128xf32, #tpu.memory_space<vmem>>, %arg4: memref<10000x1xi32, #tpu.memory_space<vmem>>, %arg5: memref<10000x128xf32, #tpu.memory_space<vmem>>, %arg6: memref<64x128xf32, #tpu.memory_space<vmem>>) attributes {dimension_semantics = [], scalar_prefetch = 0 : i64, scratch_operands = 0 : i64, tpu.core_type = #tpu.core_type<tc>} {
    %get3A = arith.constant 0 : index
    %get3A_0 = arith.constant 0 : index
    %get3A_1 = arith.constant 0 : index
    %get3A_2 = vector.load %arg0[%get3A, %get3A_0, %get3A_1] : memref<2x10240x128xf32, #tpu.memory_space<vmem>>, vector<1x10240x128xf32>
    %get3A_3 = vector.shape_cast %get3A_2 : vector<1x10240x128xf32> to vector<10240x128xf32>
    %get3A_4 = arith.constant 1 : index
    %get3A_5 = arith.constant 0 : index
    %get3A_6 = arith.constant 0 : index
    %get3A_7 = vector.load %arg0[%get3A_4, %get3A_5, %get3A_6] : memref<2x10240x128xf32, #tpu.memory_space<vmem>>, vector<1x10240x128xf32>
    %get3A_8 = vector.shape_cast %get3A_7 : vector<1x10240x128xf32> to vector<10240x128xf32>
    %add3A = arith.addf %get3A_3, %get3A_8 : vector<10240x128xf32>
    %slice3A = vector.extract_strided_slice %add3A {offsets = [0, 0], sizes = [10000, 128], strides = [1, 1]} : vector<10240x128xf32> to vector<10000x128xf32>
    %reduce_sum3A = arith.constant dense<0.000000e+00> : vector<128xf32>
    %reduce_sum3A_9 = vector.multi_reduction <add>, %slice3A, %reduce_sum3A [0] : vector<10000x128xf32> to vector<128xf32>
    %broadcast_in_dim3A = vector.shape_cast %reduce_sum3A_9 : vector<128xf32> to vector<1x128xf32>
    %div3A = arith.constant 1.000000e+04 : f32
    %div3A_10 = vector.broadcast %div3A : f32 to vector<1x128xf32>
    %div3A_11 = arith.divf %broadcast_in_dim3A, %div3A_10 : vector<1x128xf32>
    %sub3A = vector.broadcast %div3A_11 : vector<1x128xf32> to vector<10000x128xf32>
    %sub3A_12 = arith.subf %slice3A, %sub3A : vector<10000x128xf32>
    %square3A = arith.mulf %sub3A_12, %sub3A_12 : vector<10000x128xf32>
    %reduce_sum3A_13 = arith.constant dense<0.000000e+00> : vector<128xf32>
    %reduce_sum3A_14 = vector.multi_reduction <add>, %square3A, %reduce_sum3A_13 [0] : vector<10000x128xf32> to vector<128xf32>
    %broadcast_in_dim3A_15 = vector.shape_cast %reduce_sum3A_14 : vector<128xf32> to vector<1x128xf32>
    %div3A_16 = arith.constant 1.000000e+04 : f32
    %div3A_17 = vector.broadcast %div3A_16 : f32 to vector<1x128xf32>
    %div3A_18 = arith.divf %broadcast_in_dim3A_15, %div3A_17 : vector<1x128xf32>
    %sub3A_19 = vector.broadcast %div3A_11 : vector<1x128xf32> to vector<10000x128xf32>
    %sub3A_20 = arith.subf %slice3A, %sub3A_19 : vector<10000x128xf32>
    %add3A_21 = arith.constant 9.99999974E-6 : f32
    %add3A_22 = vector.broadcast %add3A_21 : f32 to vector<1x128xf32>
    %add3A_23 = arith.addf %div3A_18, %add3A_22 : vector<1x128xf32>
    %sqrt3A = math.sqrt %add3A_23 : vector<1x128xf32>
    %div3A_24 = vector.broadcast %sqrt3A : vector<1x128xf32> to vector<10000x128xf32>
    %div3A_25 = arith.divf %sub3A_20, %div3A_24 : vector<10000x128xf32>
    %get3A_26 = arith.constant 0 : index
    %get3A_27 = arith.constant 0 : index
    %get3A_28 = vector.load %arg2[%get3A_26, %get3A_27] : memref<1x128xf32, #tpu.memory_space<vmem>>, vector<1x128xf32>
    %mul3A = vector.broadcast %get3A_28 : vector<1x128xf32> to vector<10000x128xf32>
    %mul3A_29 = arith.mulf %div3A_25, %mul3A : vector<10000x128xf32>
    %get3A_30 = arith.constant 0 : index
    %get3A_31 = arith.constant 0 : index
    %get3A_32 = vector.load %arg3[%get3A_30, %get3A_31] : memref<1x128xf32, #tpu.memory_space<vmem>>, vector<1x128xf32>
    %add3A_33 = vector.broadcast %get3A_32 : vector<1x128xf32> to vector<10000x128xf32>
    %add3A_34 = arith.addf %mul3A_29, %add3A_33 : vector<10000x128xf32>
    %get3A_35 = arith.constant 0 : index
    %get3A_36 = arith.constant 0 : index
    %get3A_37 = vector.load %arg1[%get3A_35, %get3A_36] : memref<10000x128xf32, #tpu.memory_space<vmem>>, vector<10000x128xf32>
    %add3A_38 = arith.addf %get3A_37, %add3A_34 : vector<10000x128xf32>
    %custom_jvp_call3A = arith.constant 0.000000e+00 : f32
    %max3A = vector.broadcast %custom_jvp_call3A : f32 to vector<10000x128xf32>
    %max3A_39 = arith.maximumf %add3A_38, %max3A : vector<10000x128xf32>
    %sub3A_40 = vector.broadcast %custom_jvp_call3A : f32 to vector<10000x128xf32>
    %sub3A_41 = arith.subf %add3A_38, %sub3A_40 : vector<10000x128xf32>
    %ne3A = arith.cmpf one, %sub3A_41, %sub3A_41 : vector<10000x128xf32>
    %add3A_42 = vector.broadcast %custom_jvp_call3A : f32 to vector<10000x128xf32>
    %add3A_43 = arith.addf %add3A_38, %add3A_42 : vector<10000x128xf32>
    %abs3A = math.absf %sub3A_41 : vector<10000x128xf32>
    %neg3A = arith.constant 0.000000e+00 : f32
    %neg3A_44 = vector.broadcast %neg3A : f32 to vector<10000x128xf32>
    %neg3A_45 = arith.subf %neg3A_44, %abs3A : vector<10000x128xf32>
    %exp3A = math.exp %neg3A_45 : vector<10000x128xf32>
    %log1p3A = math.log1p %exp3A : vector<10000x128xf32>
    %add3A_46 = arith.addf %max3A_39, %log1p3A : vector<10000x128xf32>
    %select_n3A = arith.select %ne3A, %add3A_43, %add3A_46 : vector<10000x128xi1>, vector<10000x128xf32>
    %swap3A = arith.constant 0 : index
    %swap3A_47 = arith.constant 0 : index
    %swap3A_48 = vector.load %arg5[%swap3A, %swap3A_47] : memref<10000x128xf32, #tpu.memory_space<vmem>>, vector<10000x128xf32>
    tpu.vector_store %arg5[%swap3A, %swap3A_47], %select_n3A {strides = array<i32>} : memref<10000x128xf32, #tpu.memory_space<vmem>>, vector<10000x128xf32>,
    %iota3A = tpu.iota {dimensions = array<i32: 1>} : vector<10000x64xi32>
    %get3A_49 = arith.constant 0 : index
    %get3A_50 = arith.constant 0 : index
    %get3A_51 = vector.load %arg4[%get3A_49, %get3A_50] : memref<10000x1xi32, #tpu.memory_space<vmem>>, vector<10000x1xi32>
    %eq3A = vector.broadcast %get3A_51 : vector<10000x1xi32> to vector<10000x64xi32>
    %eq3A_52 = arith.cmpi eq, %eq3A, %iota3A : vector<10000x64xi32>
    %convert_element_type3A = arith.extui %eq3A_52 : vector<10000x64xi1> to vector<10000x64xi32>
    %convert_element_type3A_53 = arith.sitofp %convert_element_type3A : vector<10000x64xi32> to vector<10000x64xf32>
    %convert_element_type3A_54 = arith.truncf %convert_element_type3A_53 : vector<10000x64xf32> to vector<10000x64xbf16>
    %convert_element_type3A_55 = arith.truncf %select_n3A : vector<10000x128xf32> to vector<10000x128xbf16>
    %convert_element_type3A_56 = arith.extf %convert_element_type3A_55 : vector<10000x128xbf16> to vector<10000x128xf32>
    %sub3A_57 = arith.subf %select_n3A, %convert_element_type3A_56 : vector<10000x128xf32>
    %convert_element_type3A_58 = arith.truncf %sub3A_57 : vector<10000x128xf32> to vector<10000x128xbf16>
    %dot_general3A = arith.constant dense<0.000000e+00> : vector<64x128xf32>
    %dot_general3A_59 = tpu.matmul %convert_element_type3A_54, %convert_element_type3A_55, %dot_general3A {dimension_numbers = #tpu.dot_dimension_numbers<[0], [0], [1], [1], [0, 1, 1, 1], [], []>, transpose_lhs_hint = false} : vector<10000x64xbf16>, vector<10000x128xbf16>, vector<64x128xf32> -> vector<64x128xf32>
    %dot_general3A_60 = arith.constant dense<0.000000e+00> : vector<64x128xf32>
    %dot_general3A_61 = tpu.matmul %convert_element_type3A_54, %convert_element_type3A_58, %dot_general3A_60 {dimension_numbers = #tpu.dot_dimension_numbers<[0], [0], [1], [1], [0, 1, 1, 1], [], []>, transpose_lhs_hint = false} : vector<10000x64xbf16>, vector<10000x128xbf16>, vector<64x128xf32> -> vector<64x128xf32>
    %add3A_62 = arith.addf %dot_general3A_59, %dot_general3A_61 : vector<64x128xf32>
    %swap3A_63 = arith.constant 0 : index
    %swap3A_64 = arith.constant 0 : index
    %swap3A_65 = vector.load %arg6[%swap3A_63, %swap3A_64] : memref<64x128xf32, #tpu.memory_space<vmem>>, vector<64x128xf32>
    tpu.vector_store %arg6[%swap3A_63, %swap3A_64], %add3A_62 {strides = array<i32>} : memref<64x128xf32, #tpu.memory_space<vmem>>, vector<64x128xf32>,
    return
  }
}

module attributes {stable_mosaic.version = 14 : i64} {
  func.func @_node_body(%arg0: memref<2x10240x128xf32, #tpu.memory_space<vmem>>, %arg1: memref<10000x128xf32, #tpu.memory_space<vmem>>, %arg2: memref<1x128xf32, #tpu.memory_space<vmem>>, %arg3: memref<1x128xf32, #tpu.memory_space<vmem>>, %arg4: memref<10000x1xi32, #tpu.memory_space<vmem>>, %arg5: memref<10000x128xf32, #tpu.memory_space<vmem>>, %arg6: memref<64x128xf32, #tpu.memory_space<vmem>>) attributes {dimension_semantics = [], scalar_prefetch = 0 : i64, scratch_operands = 0 : i64, tpu.core_type = #tpu.core_type<tc>} {
    %get3A = arith.constant 0 : index
    %get3A_0 = arith.constant 0 : index
    %get3A_1 = arith.constant 0 : index
    %get3A_2 = vector.load %arg0[%get3A, %get3A_0, %get3A_1] : memref<2x10240x128xf32, #tpu.memory_space<vmem>>, vector<1x10240x128xf32>
    %get3A_3 = vector.shape_cast %get3A_2 : vector<1x10240x128xf32> to vector<10240x128xf32>
    %get3A_4 = arith.constant 1 : index
    %get3A_5 = arith.constant 0 : index
    %get3A_6 = arith.constant 0 : index
    %get3A_7 = vector.load %arg0[%get3A_4, %get3A_5, %get3A_6] : memref<2x10240x128xf32, #tpu.memory_space<vmem>>, vector<1x10240x128xf32>
    %get3A_8 = vector.shape_cast %get3A_7 : vector<1x10240x128xf32> to vector<10240x128xf32>
    %add3A = arith.addf %get3A_3, %get3A_8 : vector<10240x128xf32>
    %slice3A = vector.extract_strided_slice %add3A {offsets = [0, 0], sizes = [10000, 128], strides = [1, 1]} : vector<10240x128xf32> to vector<10000x128xf32>
    %reduce_sum3A = arith.constant dense<0.000000e+00> : vector<128xf32>
    %reduce_sum3A_9 = vector.multi_reduction <add>, %slice3A, %reduce_sum3A [0] : vector<10000x128xf32> to vector<128xf32>
    %broadcast_in_dim3A = vector.shape_cast %reduce_sum3A_9 : vector<128xf32> to vector<1x128xf32>
    %div3A = arith.constant 1.000000e+04 : f32
    %div3A_10 = vector.broadcast %div3A : f32 to vector<1x128xf32>
    %div3A_11 = arith.divf %broadcast_in_dim3A, %div3A_10 : vector<1x128xf32>
    %sub3A = vector.broadcast %div3A_11 : vector<1x128xf32> to vector<10000x128xf32>
    %sub3A_12 = arith.subf %slice3A, %sub3A : vector<10000x128xf32>
    %square3A = arith.mulf %sub3A_12, %sub3A_12 : vector<10000x128xf32>
    %reduce_sum3A_13 = arith.constant dense<0.000000e+00> : vector<128xf32>
    %reduce_sum3A_14 = vector.multi_reduction <add>, %square3A, %reduce_sum3A_13 [0] : vector<10000x128xf32> to vector<128xf32>
    %broadcast_in_dim3A_15 = vector.shape_cast %reduce_sum3A_14 : vector<128xf32> to vector<1x128xf32>
    %div3A_16 = arith.constant 1.000000e+04 : f32
    %div3A_17 = vector.broadcast %div3A_16 : f32 to vector<1x128xf32>
    %div3A_18 = arith.divf %broadcast_in_dim3A_15, %div3A_17 : vector<1x128xf32>
    %sub3A_19 = vector.broadcast %div3A_11 : vector<1x128xf32> to vector<10000x128xf32>
    %sub3A_20 = arith.subf %slice3A, %sub3A_19 : vector<10000x128xf32>
    %add3A_21 = arith.constant 9.99999974E-6 : f32
    %add3A_22 = vector.broadcast %add3A_21 : f32 to vector<1x128xf32>
    %add3A_23 = arith.addf %div3A_18, %add3A_22 : vector<1x128xf32>
    %sqrt3A = math.sqrt %add3A_23 : vector<1x128xf32>
    %div3A_24 = vector.broadcast %sqrt3A : vector<1x128xf32> to vector<10000x128xf32>
    %div3A_25 = arith.divf %sub3A_20, %div3A_24 : vector<10000x128xf32>
    %get3A_26 = arith.constant 0 : index
    %get3A_27 = arith.constant 0 : index
    %get3A_28 = vector.load %arg2[%get3A_26, %get3A_27] : memref<1x128xf32, #tpu.memory_space<vmem>>, vector<1x128xf32>
    %mul3A = vector.broadcast %get3A_28 : vector<1x128xf32> to vector<10000x128xf32>
    %mul3A_29 = arith.mulf %div3A_25, %mul3A : vector<10000x128xf32>
    %get3A_30 = arith.constant 0 : index
    %get3A_31 = arith.constant 0 : index
    %get3A_32 = vector.load %arg3[%get3A_30, %get3A_31] : memref<1x128xf32, #tpu.memory_space<vmem>>, vector<1x128xf32>
    %add3A_33 = vector.broadcast %get3A_32 : vector<1x128xf32> to vector<10000x128xf32>
    %add3A_34 = arith.addf %mul3A_29, %add3A_33 : vector<10000x128xf32>
    %get3A_35 = arith.constant 0 : index
    %get3A_36 = arith.constant 0 : index
    %get3A_37 = vector.load %arg1[%get3A_35, %get3A_36] : memref<10000x128xf32, #tpu.memory_space<vmem>>, vector<10000x128xf32>
    %add3A_38 = arith.addf %get3A_37, %add3A_34 : vector<10000x128xf32>
    %custom_jvp_call3A = arith.constant 0.000000e+00 : f32
    %max3A = vector.broadcast %custom_jvp_call3A : f32 to vector<10000x128xf32>
    %max3A_39 = arith.maximumf %add3A_38, %max3A : vector<10000x128xf32>
    %sub3A_40 = vector.broadcast %custom_jvp_call3A : f32 to vector<10000x128xf32>
    %sub3A_41 = arith.subf %add3A_38, %sub3A_40 : vector<10000x128xf32>
    %ne3A = arith.cmpf one, %sub3A_41, %sub3A_41 : vector<10000x128xf32>
    %add3A_42 = vector.broadcast %custom_jvp_call3A : f32 to vector<10000x128xf32>
    %add3A_43 = arith.addf %add3A_38, %add3A_42 : vector<10000x128xf32>
    %abs3A = math.absf %sub3A_41 : vector<10000x128xf32>
    %neg3A = arith.constant 0.000000e+00 : f32
    %neg3A_44 = vector.broadcast %neg3A : f32 to vector<10000x128xf32>
    %neg3A_45 = arith.subf %neg3A_44, %abs3A : vector<10000x128xf32>
    %exp3A = math.exp %neg3A_45 : vector<10000x128xf32>
    %log1p3A = math.log1p %exp3A : vector<10000x128xf32>
    %add3A_46 = arith.addf %max3A_39, %log1p3A : vector<10000x128xf32>
    %select_n3A = arith.select %ne3A, %add3A_43, %add3A_46 : vector<10000x128xi1>, vector<10000x128xf32>
    %swap3A = arith.constant 0 : index
    %swap3A_47 = arith.constant 0 : index
    %swap3A_48 = vector.load %arg5[%swap3A, %swap3A_47] : memref<10000x128xf32, #tpu.memory_space<vmem>>, vector<10000x128xf32>
    tpu.vector_store %arg5[%swap3A, %swap3A_47], %select_n3A {strides = array<i32>} : memref<10000x128xf32, #tpu.memory_space<vmem>>, vector<10000x128xf32>,
    %iota3A = tpu.iota {dimensions = array<i32: 1>} : vector<10000x64xi32>
    %get3A_49 = arith.constant 0 : index
    %get3A_50 = arith.constant 0 : index
    %get3A_51 = vector.load %arg4[%get3A_49, %get3A_50] : memref<10000x1xi32, #tpu.memory_space<vmem>>, vector<10000x1xi32>
    %eq3A = vector.broadcast %get3A_51 : vector<10000x1xi32> to vector<10000x64xi32>
    %eq3A_52 = arith.cmpi eq, %eq3A, %iota3A : vector<10000x64xi32>
    %convert_element_type3A = arith.extui %eq3A_52 : vector<10000x64xi1> to vector<10000x64xi32>
    %convert_element_type3A_53 = arith.sitofp %convert_element_type3A : vector<10000x64xi32> to vector<10000x64xf32>
    %convert_element_type3A_54 = arith.truncf %convert_element_type3A_53 : vector<10000x64xf32> to vector<10000x64xbf16>
    %convert_element_type3A_55 = arith.truncf %select_n3A : vector<10000x128xf32> to vector<10000x128xbf16>
    %convert_element_type3A_56 = arith.extf %convert_element_type3A_55 : vector<10000x128xbf16> to vector<10000x128xf32>
    %sub3A_57 = arith.subf %select_n3A, %convert_element_type3A_56 : vector<10000x128xf32>
    %convert_element_type3A_58 = arith.truncf %sub3A_57 : vector<10000x128xf32> to vector<10000x128xbf16>
    %dot_general3A = arith.constant dense<0.000000e+00> : vector<64x128xf32>
    %dot_general3A_59 = tpu.matmul %convert_element_type3A_54, %convert_element_type3A_55, %dot_general3A {dimension_numbers = #tpu.dot_dimension_numbers<[0], [0], [1], [1], [0, 1, 1, 1], [], []>, transpose_lhs_hint = false} : vector<10000x64xbf16>, vector<10000x128xbf16>, vector<64x128xf32> -> vector<64x128xf32>
    %dot_general3A_60 = arith.constant dense<0.000000e+00> : vector<64x128xf32>
    %dot_general3A_61 = tpu.matmul %convert_element_type3A_54, %convert_element_type3A_58, %dot_general3A_60 {dimension_numbers = #tpu.dot_dimension_numbers<[0], [0], [1], [1], [0, 1, 1, 1], [], []>, transpose_lhs_hint = false} : vector<10000x64xbf16>, vector<10000x128xbf16>, vector<64x128xf32> -> vector<64x128xf32>
    %add3A_62 = arith.addf %dot_general3A_59, %dot_general3A_61 : vector<64x128xf32>
    %swap3A_63 = arith.constant 0 : index
    %swap3A_64 = arith.constant 0 : index
    %swap3A_65 = vector.load %arg6[%swap3A_63, %swap3A_64] : memref<64x128xf32, #tpu.memory_space<vmem>>, vector<64x128xf32>
    tpu.vector_store %arg6[%swap3A_63, %swap3A_64], %add3A_62 {strides = array<i32>} : memref<64x128xf32, #tpu.memory_space<vmem>>, vector<64x128xf32>,
    return
  }
}

module attributes {stable_mosaic.version = 14 : i64} {
  func.func @_readout_body(%arg0: memref<5x64x128xf32, #tpu.memory_space<vmem>>, %arg1: memref<5x128x128xf32, #tpu.memory_space<vmem>>, %arg2: memref<5x128xf32, #tpu.memory_space<vmem>>, %arg3: memref<128x64xf32, #tpu.memory_space<vmem>>, %arg4: memref<1x64xf32, #tpu.memory_space<vmem>>, %arg5: memref<64x32xf32, #tpu.memory_space<vmem>>, %arg6: memref<1x32xf32, #tpu.memory_space<vmem>>, %arg7: memref<32x16xf32, #tpu.memory_space<vmem>>, %arg8: memref<1x16xf32, #tpu.memory_space<vmem>>, %arg9: memref<16x1xf32, #tpu.memory_space<vmem>>, %arg10: memref<1x1xf32, #tpu.memory_space<vmem>>, %arg11: memref<64x1xf32, #tpu.memory_space<vmem>>) attributes {dimension_semantics = [], scalar_prefetch = 0 : i64, scratch_operands = 0 : i64, tpu.core_type = #tpu.core_type<tc>} {
    %get3A = arith.constant 0 : index
    %get3A_0 = arith.constant 0 : index
    %get3A_1 = arith.constant 0 : index
    %get3A_2 = vector.load %arg0[%get3A, %get3A_0, %get3A_1] : memref<5x64x128xf32, #tpu.memory_space<vmem>>, vector<5x64x128xf32>
    %get3A_3 = arith.constant 0 : index
    %get3A_4 = arith.constant 0 : index
    %get3A_5 = arith.constant 0 : index
    %get3A_6 = vector.load %arg1[%get3A_3, %get3A_4, %get3A_5] : memref<5x128x128xf32, #tpu.memory_space<vmem>>, vector<5x128x128xf32>
    %get3A_7 = arith.constant 0 : index
    %get3A_8 = arith.constant 0 : index
    %get3A_9 = vector.load %arg2[%get3A_7, %get3A_8] : memref<5x128xf32, #tpu.memory_space<vmem>>, vector<5x128xf32>
    %broadcast_in_dim3A = arith.constant 0.000000e+00 : f32
    %broadcast_in_dim3A_10 = vector.broadcast %broadcast_in_dim3A : f32 to vector<64x128xf32>
    %slice3A = vector.extract_strided_slice %get3A_2 {offsets = [0, 0, 0], sizes = [1, 64, 128], strides = [1, 1, 1]} : vector<5x64x128xf32> to vector<1x64x128xf32>
    %squeeze3A = vector.shape_cast %slice3A : vector<1x64x128xf32> to vector<64x128xf32>
    %slice3A_11 = vector.extract_strided_slice %get3A_6 {offsets = [0, 0, 0], sizes = [1, 128, 128], strides = [1, 1, 1]} : vector<5x128x128xf32> to vector<1x128x128xf32>
    %squeeze3A_12 = vector.shape_cast %slice3A_11 : vector<1x128x128xf32> to vector<128x128xf32>
    %dot_general3A = arith.constant dense<0.000000e+00> : vector<64x128xf32>
    %dot_general3A_13 = tpu.matmul %squeeze3A, %squeeze3A_12, %dot_general3A {dimension_numbers = #tpu.dot_dimension_numbers<[1], [0], [0], [1], [0, 0, 1, 1], [], []>, transpose_lhs_hint = false} : vector<64x128xf32>, vector<128x128xf32>, vector<64x128xf32> -> vector<64x128xf32>
    %add3A = arith.addf %broadcast_in_dim3A_10, %dot_general3A_13 : vector<64x128xf32>
    %slice3A_14 = vector.extract_strided_slice %get3A_9 {offsets = [0, 0], sizes = [1, 128], strides = [1, 1]} : vector<5x128xf32> to vector<1x128xf32>
    %add3A_15 = vector.broadcast %slice3A_14 : vector<1x128xf32> to vector<64x128xf32>
    %add3A_16 = arith.addf %add3A, %add3A_15 : vector<64x128xf32>
    %slice3A_17 = vector.extract_strided_slice %get3A_2 {offsets = [1, 0, 0], sizes = [1, 64, 128], strides = [1, 1, 1]} : vector<5x64x128xf32> to vector<1x64x128xf32>
    %squeeze3A_18 = vector.shape_cast %slice3A_17 : vector<1x64x128xf32> to vector<64x128xf32>
    %slice3A_19 = vector.extract_strided_slice %get3A_6 {offsets = [1, 0, 0], sizes = [1, 128, 128], strides = [1, 1, 1]} : vector<5x128x128xf32> to vector<1x128x128xf32>
    %squeeze3A_20 = vector.shape_cast %slice3A_19 : vector<1x128x128xf32> to vector<128x128xf32>
    %dot_general3A_21 = arith.constant dense<0.000000e+00> : vector<64x128xf32>
    %dot_general3A_22 = tpu.matmul %squeeze3A_18, %squeeze3A_20, %dot_general3A_21 {dimension_numbers = #tpu.dot_dimension_numbers<[1], [0], [0], [1], [0, 0, 1, 1], [], []>, transpose_lhs_hint = false} : vector<64x128xf32>, vector<128x128xf32>, vector<64x128xf32> -> vector<64x128xf32>
    %add3A_23 = arith.addf %add3A_16, %dot_general3A_22 : vector<64x128xf32>
    %slice3A_24 = vector.extract_strided_slice %get3A_9 {offsets = [1, 0], sizes = [1, 128], strides = [1, 1]} : vector<5x128xf32> to vector<1x128xf32>
    %add3A_25 = vector.broadcast %slice3A_24 : vector<1x128xf32> to vector<64x128xf32>
    %add3A_26 = arith.addf %add3A_23, %add3A_25 : vector<64x128xf32>
    %slice3A_27 = vector.extract_strided_slice %get3A_2 {offsets = [2, 0, 0], sizes = [1, 64, 128], strides = [1, 1, 1]} : vector<5x64x128xf32> to vector<1x64x128xf32>
    %squeeze3A_28 = vector.shape_cast %slice3A_27 : vector<1x64x128xf32> to vector<64x128xf32>
    %slice3A_29 = vector.extract_strided_slice %get3A_6 {offsets = [2, 0, 0], sizes = [1, 128, 128], strides = [1, 1, 1]} : vector<5x128x128xf32> to vector<1x128x128xf32>
    %squeeze3A_30 = vector.shape_cast %slice3A_29 : vector<1x128x128xf32> to vector<128x128xf32>
    %dot_general3A_31 = arith.constant dense<0.000000e+00> : vector<64x128xf32>
    %dot_general3A_32 = tpu.matmul %squeeze3A_28, %squeeze3A_30, %dot_general3A_31 {dimension_numbers = #tpu.dot_dimension_numbers<[1], [0], [0], [1], [0, 0, 1, 1], [], []>, transpose_lhs_hint = false} : vector<64x128xf32>, vector<128x128xf32>, vector<64x128xf32> -> vector<64x128xf32>
    %add3A_33 = arith.addf %add3A_26, %dot_general3A_32 : vector<64x128xf32>
    %slice3A_34 = vector.extract_strided_slice %get3A_9 {offsets = [2, 0], sizes = [1, 128], strides = [1, 1]} : vector<5x128xf32> to vector<1x128xf32>
    %add3A_35 = vector.broadcast %slice3A_34 : vector<1x128xf32> to vector<64x128xf32>
    %add3A_36 = arith.addf %add3A_33, %add3A_35 : vector<64x128xf32>
    %slice3A_37 = vector.extract_strided_slice %get3A_2 {offsets = [3, 0, 0], sizes = [1, 64, 128], strides = [1, 1, 1]} : vector<5x64x128xf32> to vector<1x64x128xf32>
    %squeeze3A_38 = vector.shape_cast %slice3A_37 : vector<1x64x128xf32> to vector<64x128xf32>
    %slice3A_39 = vector.extract_strided_slice %get3A_6 {offsets = [3, 0, 0], sizes = [1, 128, 128], strides = [1, 1, 1]} : vector<5x128x128xf32> to vector<1x128x128xf32>
    %squeeze3A_40 = vector.shape_cast %slice3A_39 : vector<1x128x128xf32> to vector<128x128xf32>
    %dot_general3A_41 = arith.constant dense<0.000000e+00> : vector<64x128xf32>
    %dot_general3A_42 = tpu.matmul %squeeze3A_38, %squeeze3A_40, %dot_general3A_41 {dimension_numbers = #tpu.dot_dimension_numbers<[1], [0], [0], [1], [0, 0, 1, 1], [], []>, transpose_lhs_hint = false} : vector<64x128xf32>, vector<128x128xf32>, vector<64x128xf32> -> vector<64x128xf32>
    %add3A_43 = arith.addf %add3A_36, %dot_general3A_42 : vector<64x128xf32>
    %slice3A_44 = vector.extract_strided_slice %get3A_9 {offsets = [3, 0], sizes = [1, 128], strides = [1, 1]} : vector<5x128xf32> to vector<1x128xf32>
    %add3A_45 = vector.broadcast %slice3A_44 : vector<1x128xf32> to vector<64x128xf32>
    %add3A_46 = arith.addf %add3A_43, %add3A_45 : vector<64x128xf32>
    %slice3A_47 = vector.extract_strided_slice %get3A_2 {offsets = [4, 0, 0], sizes = [1, 64, 128], strides = [1, 1, 1]} : vector<5x64x128xf32> to vector<1x64x128xf32>
    %squeeze3A_48 = vector.shape_cast %slice3A_47 : vector<1x64x128xf32> to vector<64x128xf32>
    %slice3A_49 = vector.extract_strided_slice %get3A_6 {offsets = [4, 0, 0], sizes = [1, 128, 128], strides = [1, 1, 1]} : vector<5x128x128xf32> to vector<1x128x128xf32>
    %squeeze3A_50 = vector.shape_cast %slice3A_49 : vector<1x128x128xf32> to vector<128x128xf32>
    %dot_general3A_51 = arith.constant dense<0.000000e+00> : vector<64x128xf32>
    %dot_general3A_52 = tpu.matmul %squeeze3A_48, %squeeze3A_50, %dot_general3A_51 {dimension_numbers = #tpu.dot_dimension_numbers<[1], [0], [0], [1], [0, 0, 1, 1], [], []>, transpose_lhs_hint = false} : vector<64x128xf32>, vector<128x128xf32>, vector<64x128xf32> -> vector<64x128xf32>
    %add3A_53 = arith.addf %add3A_46, %dot_general3A_52 : vector<64x128xf32>
    %slice3A_54 = vector.extract_strided_slice %get3A_9 {offsets = [4, 0], sizes = [1, 128], strides = [1, 1]} : vector<5x128xf32> to vector<1x128xf32>
    %add3A_55 = vector.broadcast %slice3A_54 : vector<1x128xf32> to vector<64x128xf32>
    %add3A_56 = arith.addf %add3A_53, %add3A_55 : vector<64x128xf32>
    %get3A_57 = arith.constant 0 : index
    %get3A_58 = arith.constant 0 : index
    %get3A_59 = vector.load %arg3[%get3A_57, %get3A_58] : memref<128x64xf32, #tpu.memory_space<vmem>>, vector<128x64xf32>
    %dot_general3A_60 = arith.constant dense<0.000000e+00> : vector<64x64xf32>
    %dot_general3A_61 = tpu.matmul %add3A_56, %get3A_59, %dot_general3A_60 {dimension_numbers = #tpu.dot_dimension_numbers<[1], [0], [0], [1], [0, 0, 1, 1], [], []>, transpose_lhs_hint = false} : vector<64x128xf32>, vector<128x64xf32>, vector<64x64xf32> -> vector<64x64xf32>
    %get3A_62 = arith.constant 0 : index
    %get3A_63 = arith.constant 0 : index
    %get3A_64 = vector.load %arg4[%get3A_62, %get3A_63] : memref<1x64xf32, #tpu.memory_space<vmem>>, vector<1x64xf32>
    %add3A_65 = vector.broadcast %get3A_64 : vector<1x64xf32> to vector<64x64xf32>
    %add3A_66 = arith.addf %dot_general3A_61, %add3A_65 : vector<64x64xf32>
    %max3A = arith.constant 0.000000e+00 : f32
    %max3A_67 = vector.broadcast %max3A : f32 to vector<64x64xf32>
    %max3A_68 = arith.maximumf %add3A_66, %max3A_67 : vector<64x64xf32>
    %get3A_69 = arith.constant 0 : index
    %get3A_70 = arith.constant 0 : index
    %get3A_71 = vector.load %arg5[%get3A_69, %get3A_70] : memref<64x32xf32, #tpu.memory_space<vmem>>, vector<64x32xf32>
    %dot_general3A_72 = arith.constant dense<0.000000e+00> : vector<64x32xf32>
    %dot_general3A_73 = tpu.matmul %max3A_68, %get3A_71, %dot_general3A_72 {dimension_numbers = #tpu.dot_dimension_numbers<[1], [0], [0], [1], [0, 0, 1, 1], [], []>, transpose_lhs_hint = false} : vector<64x64xf32>, vector<64x32xf32>, vector<64x32xf32> -> vector<64x32xf32>
    %get3A_74 = arith.constant 0 : index
    %get3A_75 = arith.constant 0 : index
    %get3A_76 = vector.load %arg6[%get3A_74, %get3A_75] : memref<1x32xf32, #tpu.memory_space<vmem>>, vector<1x32xf32>
    %add3A_77 = vector.broadcast %get3A_76 : vector<1x32xf32> to vector<64x32xf32>
    %add3A_78 = arith.addf %dot_general3A_73, %add3A_77 : vector<64x32xf32>
    %max3A_79 = arith.constant 0.000000e+00 : f32
    %max3A_80 = vector.broadcast %max3A_79 : f32 to vector<64x32xf32>
    %max3A_81 = arith.maximumf %add3A_78, %max3A_80 : vector<64x32xf32>
    %get3A_82 = arith.constant 0 : index
    %get3A_83 = arith.constant 0 : index
    %get3A_84 = vector.load %arg7[%get3A_82, %get3A_83] : memref<32x16xf32, #tpu.memory_space<vmem>>, vector<32x16xf32>
    %dot_general3A_85 = arith.constant dense<0.000000e+00> : vector<64x16xf32>
    %dot_general3A_86 = tpu.matmul %max3A_81, %get3A_84, %dot_general3A_85 {dimension_numbers = #tpu.dot_dimension_numbers<[1], [0], [0], [1], [0, 0, 1, 1], [], []>, transpose_lhs_hint = false} : vector<64x32xf32>, vector<32x16xf32>, vector<64x16xf32> -> vector<64x16xf32>
    %get3A_87 = arith.constant 0 : index
    %get3A_88 = arith.constant 0 : index
    %get3A_89 = vector.load %arg8[%get3A_87, %get3A_88] : memref<1x16xf32, #tpu.memory_space<vmem>>, vector<1x16xf32>
    %add3A_90 = vector.broadcast %get3A_89 : vector<1x16xf32> to vector<64x16xf32>
    %add3A_91 = arith.addf %dot_general3A_86, %add3A_90 : vector<64x16xf32>
    %max3A_92 = arith.constant 0.000000e+00 : f32
    %max3A_93 = vector.broadcast %max3A_92 : f32 to vector<64x16xf32>
    %max3A_94 = arith.maximumf %add3A_91, %max3A_93 : vector<64x16xf32>
    %get3A_95 = arith.constant 0 : index
    %get3A_96 = arith.constant 0 : index
    %get3A_97 = vector.load %arg9[%get3A_95, %get3A_96] : memref<16x1xf32, #tpu.memory_space<vmem>>, vector<16x1xf32>
    %dot_general3A_98 = arith.constant dense<0.000000e+00> : vector<64x1xf32>
    %dot_general3A_99 = tpu.matmul %max3A_94, %get3A_97, %dot_general3A_98 {dimension_numbers = #tpu.dot_dimension_numbers<[1], [0], [0], [1], [0, 0, 1, 1], [], []>, transpose_lhs_hint = false} : vector<64x16xf32>, vector<16x1xf32>, vector<64x1xf32> -> vector<64x1xf32>
    %get3A_100 = arith.constant 0 : index
    %get3A_101 = arith.constant 0 : index
    %get3A_102 = vector.load %arg10[%get3A_100, %get3A_101] : memref<1x1xf32, #tpu.memory_space<vmem>>, vector<1x1xf32>
    %add3A_103 = vector.broadcast %get3A_102 : vector<1x1xf32> to vector<64x1xf32>
    %add3A_104 = arith.addf %dot_general3A_99, %add3A_103 : vector<64x1xf32>
    %max3A_105 = arith.constant 0.000000e+00 : f32
    %max3A_106 = vector.broadcast %max3A_105 : f32 to vector<64x1xf32>
    %max3A_107 = arith.maximumf %add3A_104, %max3A_106 : vector<64x1xf32>
    %swap3A = arith.constant 0 : index
    %swap3A_108 = arith.constant 0 : index
    %swap3A_109 = vector.load %arg11[%swap3A, %swap3A_108] : memref<64x1xf32, #tpu.memory_space<vmem>>, vector<64x1xf32>
    tpu.vector_store %arg11[%swap3A, %swap3A_108], %max3A_107 {strides = array<i32>} : memref<64x1xf32, #tpu.memory_space<vmem>>, vector<64x1xf32>,
    return
  }
}

</mosaic_0001>

<sc_bundles>
// kernel: kernel.25.cloned.1.call-start
scs
__scs_entry_jumppad:
0x0: {  	(pc) =	sbr.rel $0x88, $3  }
0x1: {  	(tag) =	ssettag $0x0;
	lr =	simm.s32 $0x1  }
0x2: {  	[smem:$0x3F88] =	sst lr;
	_ =	strace $0xD0000000  }
0x3: {  	_ = 	snop  }
0x4: {  	_ = 	snop  }
0x5: {  	_ = 	snop  }
0x6: {  	_ = 	snop  }
0x7: {  	_ = 	snop  }
__scs_overlays_trampoline_lowered:
0x8: {  	[smem:$0x3F97] =	sst s0  }
0x9: {  	[smem:$0x3F98] =	sst s1  }
0xa: {  	[smem:$0x3F99] =	sst s2  }
0xb: {  	[smem:$0x3F9A] =	sst s3  }
0xc: {  	[smem:$0x3F9B] =	sst s4  }
0xd: {  	[smem:$0x3F9C] =	sst s5  }
0xe: {  	[smem:$0x3F9D] =	sst s6  }
0xf: {  	[smem:$0x3F9E] =	sst s7  }
0x10: {  	[smem:$0x3F9F] =	sst s8  }
0x11: {  	[smem:$0x3FA0] =	sst s9;
	s0 =	simm.s32 @!p0 $0x0  }
0x12: {  	s1 =	sld [smem:$0x3F86];
	s0 =	simm.s32 @p0 $0x1  }
0x13: {  	[smem:$0x3FA1] =	sst s0;
	s0 =	simm.s32 @!p1 $0x0  }
0x14: {  	s2 =	sld [smem:$0x3F85];
	s0 =	simm.s32 @p1 $0x1  }
0x15: {  	[smem:$0x3FA2] =	sst s0;
	s0 =	simm.s32 @!p2 $0x0  }
0x16: {  	s3 =	sld [smem:$0x3FDB];
	s0 =	simm.s32 @p2 $0x1  }
0x17: {  	s4 =	simm.s32 $0x1BF5;
	[smem:$0x3FA4] =	sst s0  }
0x18: {  	s0 =	sld [smem:$0x3F87];
	_ =	swait.ge [sflag:s4], $0x0  }
0x19: {  	s7 =	sld [smem:$0x3F88]  }
0x1a: {  	s8 =	sadd.s32 $0xFFFFE003, lr  }
0x1b: {  	s9 =	sadd.s32 $0xFFFFFEF7, lr;
	s5 =	simm.s32 $0xFFFFFFFF;
	p2 =	slt.u32 s8, $0xFFFFF086  }
0x1c: {  	p1 =	slt.u32 s9, $0xF7A;
	s5 =	simm.s32 @!p2 $0x0  }
0x1d: {  	s5 =	simm.s32 @p1 $0x1;
	p0 =	seq.s32 s7, s2  }
0x1e: {  	s7 =	smul.u32 @!p0 $0xF7A, s2;
	p2 =	seq.s32 @!p0 s5, $0x0  }
0x1f: {  	s9 =	smul.u32 $0xF7A, s1;
	s8 =	simm.s32 @!p0 $0x1BF5;
	p2 =	por !p2, p0  }
0x20: {  	[sflag:s8] =	ssyncset.s32 @!p0 $0xFFFFF086;
	s6 =	sadd.s32 @!p0 s3, s7;
	s7 =	simm.s32 @!p0 $0x108  }
0x21: {  	s3 =	sadd.s32 s3, s9;
	s6 =	sadd.s32 @!p0 $0x88, s6;
	s7 =	simm.s32 @p2 $0x1082  }
0x22: {  	[simem:s7], [sflag:s8] =	dma.local @!p0 [hbm:s6], $0xF7A  }
0x23: {  	s9 =	sor.u32 $0xD0000000, s2;
	s6 =	simm.s32 $0x108;
	_ =	swait.ge @!p0 [sflag:s8], $0x0  }
0x24: {  	s3 =	sadd.s32 $0x88, s3;
	s6 =	simm.s32 @!p1 $0x1082;
	[sflag:s4] =	ssyncset.s32 $0xFFFFF086  }
0x25: {  	[simem:s6], [sflag:s4] =	dma.local [hbm:s3], $0xF7A  }
0x26: {  	[smem:$0x3F88] =	sst s1;
	(tag) =	ssettag s2;
	_ =	strace s9  }
0x27: {  	s1 =	sld [smem:$0x3F98]  }
0x28: {  	s2 =	sld [smem:$0x3F99]  }
0x29: {  	s4 =	sld [smem:$0x3F9B]  }
0x2a: {  	p0 =	seq.s32 s5, $0x0;
	s5 =	sld [smem:$0x3F9C]  }
0x2b: {  	s6 =	sld [smem:$0x3F9D]  }
0x2c: {  	s7 =	sld [smem:$0x3F9E]  }
0x2d: {  	s3 =	simm.s32 $0x108;
	s8 =	sld [smem:$0x3F9F]  }
0x2e: {  	s3 =	simm.s32 @!p0 $0x1082;
	s9 =	sld [smem:$0x3FA0]  }
0x2f: {  	lr =	sadd.s32 s0, s3;
	s0 =	sld [smem:$0x3F97]  }
0x30: {  	s3 =	sld [smem:$0x3F9A]  }
0x31: {  	[smem:$0x3FA3] =	sst s10  }
0x32: {  	s10 =	sld [smem:$0x3FA1];
	_ =	sdelay $0x3  }
0x33: {  	p0 =	seq.s32 s10, $0x1;
	s10 =	sld [smem:$0x3FA3];
	_ =	sdelay $0x3  }
0x34: {  	[smem:$0x3FA3] =	sst s10  }
0x35: {  	s10 =	sld [smem:$0x3FA2];
	_ =	sdelay $0x3  }
0x36: {  	p1 =	seq.s32 s10, $0x1;
	s10 =	sld [smem:$0x3FA3];
	_ =	sdelay $0x3  }
0x37: {  	[smem:$0x3FA3] =	sst s10  }
0x38: {  	s10 =	sld [smem:$0x3FA4]  }
0x39: {  	_ = 	snop;
	(pc) =	sbr.ind lr, $3  }
0x3a: {  	_ = 	snop  }
0x3b: {  	_ = 	snop  }
0x3c: {  	p2 =	seq.s32 s10, $0x1;
	s10 =	sld [smem:$0x3FA3]  }
0x3d: {  	_ =	shalt  }
0x3e: {  	_ =	shalt  }
0x3f: {  	_ =	shalt  }
0x40: {  	_ =	shalt  }
0x41: {  	_ =	shalt  }
0x42: {  	_ =	shalt  }
0x43: {  	_ =	shalt  }
0x44: {  	_ =	shalt  }
0x45: {  	_ =	shalt  }
0x46: {  	_ =	shalt  }
0x47: {  	_ =	shalt  }
0x48: {  	_ =	shalt  }
0x49: {  	_ =	shalt  }
0x4a: {  	_ =	shalt  }
0x4b: {  	_ =	shalt  }
0x4c: {  	_ =	shalt  }
0x4d: {  	_ =	shalt  }
0x4e: {  	_ =	shalt  }
0x4f: {  	_ =	shalt  }
0x50: {  	_ =	shalt  }
0x51: {  	_ =	shalt  }
0x52: {  	_ =	shalt  }
0x53: {  	_ =	shalt  }
0x54: {  	_ =	shalt  }
0x55: {  	_ =	shalt  }
0x56: {  	_ =	shalt  }
0x57: {  	_ =	shalt  }
0x58: {  	_ =	shalt  }
0x59: {  	_ =	shalt  }
0x5a: {  	_ =	shalt  }
0x5b: {  	_ =	shalt  }
0x5c: {  	_ =	shalt  }
0x5d: {  	_ =	shalt  }
0x5e: {  	_ =	shalt  }
0x5f: {  	_ =	shalt  }
0x60: {  	_ =	shalt  }
0x61: {  	_ =	shalt  }
0x62: {  	_ =	shalt  }
0x63: {  	_ =	shalt  }
0x64: {  	_ =	shalt  }
0x65: {  	_ =	shalt  }
0x66: {  	_ =	shalt  }
0x67: {  	_ =	shalt  }
0x68: {  	_ =	shalt  }
0x69: {  	_ =	shalt  }
0x6a: {  	_ =	shalt  }
0x6b: {  	_ =	shalt  }
0x6c: {  	_ =	shalt  }
0x6d: {  	_ =	shalt  }
0x6e: {  	_ =	shalt  }
0x6f: {  	_ =	shalt  }
0x70: {  	_ =	shalt  }
0x71: {  	_ =	shalt  }
0x72: {  	_ =	shalt  }
0x73: {  	_ =	shalt  }
0x74: {  	_ =	shalt  }
0x75: {  	_ =	shalt  }
0x76: {  	_ =	shalt  }
0x77: {  	_ =	shalt  }
0x78: {  	_ =	shalt  }
0x79: {  	_ =	shalt  }
0x7a: {  	_ =	shalt  }
0x7b: {  	_ =	shalt  }
0x7c: {  	_ =	shalt  }
0x7d: {  	_ =	shalt  }
0x7e: {  	_ =	shalt  }
0x7f: {  	_ =	shalt  }
0x80: {  	_ =	shalt  }
0x81: {  	_ =	shalt  }
0x82: {  	_ =	shalt  }
0x83: {  	_ =	shalt  }
0x84: {  	_ =	shalt  }
0x85: {  	_ =	shalt  }
0x86: {  	_ =	shalt  }
0x87: {  	_ =	shalt  }
.Lfunc_end0:
.L_simem_size_0:
called_computation_lowered:
.L_overlay_start_0:
0x88: {  	s2 =	sld [smem:$0x3FD9]  }
0x89: {  	s3 =	sld [smem:$0x3FFE];
	_ =	sdelay $0x1  }
0x8a: {  	s1 =	srdreg.scid  }
0x8b: {  	s0 =	sand.u32 $0x1, s1  }
0x8c: {  	s16 =	sshll.u32 s0, $0xA;
	s2 =	sadd.s32 s3, s2  }
0x8d: {  	s2 =	sadd.s32 s2, s16  }
0x8e: {  	[smem:$0x3FAF] =	sst s2  }
0x8f: {  	_ = 	snop  }
0x90: {  	(tm) =	ssettm $0x1  }
0x91: {  	s17 =	sld [smem:$0x3FFB];
	_ =	sdelay $0x3  }
0x92: {  	_ =	strace s17  }
0x93: {  	s2 =	sld [smem:$0x3FFC];
	_ =	sdelay $0x3  }
0x94: {  	_ =	strace s2  }
0x95: {  	s2 =	sld [smem:$0x3FFD];
	_ =	sdelay $0x3  }
0x96: {  	_ =	strace s2  }
0x97: {  	_ =	strace $0x8FFFFFFF  }
0x98: {  	s18 =	sld [smem:$0x3FDB];
	_ =	sdelay $0x1  }
0x99: {  	s19 =	simm.s32 $_scs_section_size  }
0x9a: {  	s4 =	simm.s32 $_size__tile_overlayer_lowered;
	s5 =	simm.s32 $_tile_overlayer_lowered  }
0x9b: {  	s22 =	simm.s32 $0x1BFF;
	s21 =	sshll.u32 s5, $0x1;
	s2 =	sadd.s32 s19, s18  }
0x9c: {  	s6 =	simm.s32 $0x0;
	s20 =	sshll.u32 s4, $0x1;
	s4 =	sadd.s32 s21, s2  }
0x9d: {  	[timem:s6], [sflag:s22] =	dma.local [hbm:s4], s20  }
0x9e: {  	_ =	swait.ge [sflag:s22], s20  }
0x9f: {  	s3 =	ssub.s32 $0x0, s20;
	[sflag:s22] =	ssyncset.done $0x0  }
0xa0: {  	[sflag:s22] =	ssyncadd.s32 s3;
	_ =	sdelay $0x1  }
0xa1: {  	s23 =	simm.s32 $0x1B8B  }
0xa2: {  	_ =	swait.ge [sflag:s23], $0x1  }
0xa3: {  	[sflag:s23] =	ssyncset.done $0x0  }
0xa4: {  	s25 =	simm.s32 $0x1B8E;
	s24 =	sld [smem:$0x3FFE];
	[sflag:s23] =	ssyncadd.s32 $0xFFFFFFFF  }
0xa5: {  	s26 =	simm.s32 $execute0_lowered;
	[smem:$0x3FD2] =	sst s25  }
0xa6: {  	s4 =	sshll.u32 s26, $0x1;
	_ =	strace $0x80000046;
	[dreg:$0x1] =	wrdreg $0xFFFFFFFF  }
0xa7: {  	s28 =	simm.s32 $_size_execute0_lowered;
	s2 =	sadd.s32 s2, s4;
	[dreg:$0x0] =	wrdreg $0x0  }
0xa8: {  	s4 =	sshll.u32 s28, $0x1;
	[dreg:$0x2] =	wrdreg s2  }
0xa9: {  	[dreg:$0x3] =	wrdreg s4  }
0xaa: {  	[dreg:$0x4] =	wrdreg $0xC0  }
0xab: {  	_ =	task [dreg:s6], $0x5FFFF  }
0xac: {  	[dreg:$0x1] =	wrdreg $0xFFFFFFFF  }
0xad: {  	[dreg:$0x0] =	wrdreg $0x60  }
0xae: {  	[dreg:$0x2] =	wrdreg s24  }
0xaf: {  	[dreg:$0x3] =	wrdreg $0x9  }
0xb0: {  	_ =	task.clear_ibuf [dreg:s6], $0x4FFFF;
	_ =	strace $0x90000046  }
0xb1: {  	s29 =	simm.s32 $0x9;
	_ =	strace $0x80000048  }
0xb2: {  	_ =	swait.ge [sflag:s29], $0x1  }
0xb3: {  	[sflag:s29] =	ssyncadd.s32 $0xFFFFFFFF  }
0xb4: {  	_ =	strace $0x90000048  }
0xb5: {  	_ =	sfence  }
0xb6: {  	s30 =	sld [smem:$0x0];
	_ =	sdelay $0x2  }
0xb7: {  	s31 =	sshll.u32 s1, $0xD;
	s1 =	sshrl.u32 s1, $0x2  }
0xb8: {  	s3 =	sand.u32 $0x4000, s31;
	s1 =	sadd.s32 s1, s30  }
0xb9: {  	s0 =	sor.u32 s3, s0;
	s1 =	sshll.u32 s1, $0x11  }
0xba: {  	s0 =	sor.u32 s1, s0  }
0xbb: {  	s0 =	sadd.s32 $0x8F2B, s0  }
0xbc: {  	[sflag:s0] =	ssyncadd.remote.s32 $0x1  }
0xbd: {  	_ =	sfence.sel $0xFFFF  }
0xbe: {  	[dreg:$0x0] =	wrdreg $0xFFFFFFFF;
	(pc) =	sbr.abs _section_cstart, $3  }
0xbf: {  	[dreg:$0x1] =	wrdreg $0xFFFFFFFF  }
0xc0: {  	_ =	task.clear_ibuf [dreg:s6], $0x2FFFF;
	_ =	strace $0x9FFFFFFF  }
0xc1: {  	(tm) =	ssettm $0x7FFFFFFF  }
tec
execute0_lowered:
.L_overlay_start_1:
0x0: {  	(tag) =	ssettag $0x1  }
0x1: {  	s0 =	srdreg.scid;
	s4 =	rddreg [dreg:$0x0]  }
0x2: {  	s2 =	simm.s32 $0x0;
	s15 =	simm.s32 $0x7;
	s6 =	sand.u32 $0x1, s0  }
0x3: {  	s16 =	simm.s32 $0x6;
	s0 =	stileid.u32;
	s12 =	smul.u32 $0x4F0000, s6  }
0x4: {  	s17 =	simm.s32 $0x0;
	[smem:$0x7FF] =	sst s2;
	s13 =	smul.u32 $0x4F000, s0  }
0x5: {  	s3 =	sadd.s32 $0x20C00, s4;
	s1 =	sshll.u32 s6, $0x4;
	s26 =	smul.u32 $0x9E00, s6  }
0x6: {  	s9 =	sadd.s32 $0xD000, s4;
	s14 =	smul.u32 $0x9E0, s0;
	s5 =	sor.u32 s0, s1  }
0x7: {  	s4 =	sadd.s32 $0x47E00, s4;
	s11 =	ssub.s32 $0x2, s6;
	s7 =	smul.u32 $0x4F00, s5  }
0x8: {  	s1 =	rddreg [dreg:$0x1];
	s24 =	sshrl.u32 s11, $0x1;
	s8 =	smul.u32 $0x300, s5  }
0x9: {  	_ =	strace $0x80000047;
	s23 =	smul.u32 $0x278000, s5;
	s11 =	ssub.s32 s11, s24  }
0xa: {  	s30 =	sadd.s32 s13, s12;
	s12 =	simm.s32 $0x10100;
	s13 =	simm.s32 $0x80  }
0xb: {  	s10 =	sand.u32 $0xFFC00, s7;
	s8 =	sand.u32 $0x300, s8;
	s7 =	sshrl.u32 s7, $0x3  }
0xc: {  	s25 =	sshrl.u32 s23, $0x3;
	s8 =	sor.u32 s8, s10;
	s28 =	sadd.s32 s9, s7  }
0xd: {  	s29 =	sadd.s32 s4, s25;
	s8 =	sshrl.u32 s8, $0x3;
	s6 =	sadd.s32 $0x20, s28  }
0xe: {  	s7 =	sadd.s32 $0x4E000, s29;
	s5 =	sadd.s32 s9, s8;
	s9 =	sadd.s32 s26, s9  }
0xf: {  	s8 =	smax.u32 s11, $0x1;
	s11 =	simm.s32 $0x10000;
	s31 =	sadd.s32 s14, s9  }
0x10: {  	s9 =	sadd.s32 $0x1FFFF000, s30;
	s14 =	simm.s32 $0x4;
	s10 =	sadd.s32 $0x40, s31  }
.LBB2_1:
0x11: {  	[tilespmem:s11], [sflag:$0x1] =	stream.linear.gather [hbm4b:s5+s2], $0x100, $0x38;
	[tilespmem:$0x10400] =	vst v63  }
0x12: {  	s18 =	smov.u32 s10;
	s19 =	smov.u32 s9;
	s20 =	simm.s32 $0x0  }
0x13: {  	[tilespmem:s12], [sflag:$0x2] =	stream.linear.gather [hbm4b:s6+s2], $0x100, $0x38;
	[tilespmem:$0x10400] =	vst v63  }
.LBB2_2:
0x14: {  	s21 =	smul.u32 $0xAB, s20;
	_ =	sdelay $0x1  }
0x15: {  	s21 =	sshrl.u32 s21, $0x9  }
0x16: {  	s21 =	sand.u32 $0x7F, s21  }
0x17: {  	s22 =	sand.u32 $0x1, s20;
	p0 =	slt.u32 s20, $0x2;
	s21 =	smul.u32 $0x3, s21  }
0x18: {  	s23 =	sor.u32 @!p0 $0x6, s22  }
0x19: {  	_ =	swait.ge @!p0 [sflag:s23], $0x8000;
	s21 =	ssub.s32 s20, s21  }
0x1a: {  	[sflag:s23] =	ssyncset.done @!p0 $0x0;
	s21 =	sand.u32 $0xFF, s21  }
0x1b: {  	[sflag:s23] =	ssyncadd.s32 @!p0 $0xFFFF8000;
	s30 =	sadd.s32 $0x1, s21  }
0x1c: {  	_ =	swait.ge [sflag:s30], $0x100  }
0x1d: {  	s31 =	sshll.u32 s22, $0xF;
	s21 =	sshll.u32 s21, $0x8;
	[sflag:s30] =	ssyncset.done $0x0  }
0x1e: {  	s25 =	sor.u32 $0x4, s22;
	s24 =	sor.u32 $0x10000, s21;
	[sflag:s30] =	ssyncadd.s32 $0xFFFFFF00  }
0x1f: {  	[tilespmem:s31], [sflag:s25] =	stream.indirect.gather [hbm4b:s3+s13], $0x80, s24, s13, $0xb8;
	[tilespmem:$0x10400] =	vst v63  }
0x20: {  	s23 =	sor.u32 $0x4000, s31;
	s21 =	sor.u32 $0x10080, s21  }
0x21: {  	[tilespmem:s23], [sflag:s25] =	stream.indirect.gather [hbm4b:s3+s13], $0x80, s21, s13, $0xb8;
	[tilespmem:$0x10400] =	vst v63  }
0x22: {  	p0 =	seq.s32 s20, $0x0;
	s21 =	sxor.u32 $0x1, s22  }
0x23: {  	s22 =	sor.u32 @!p0 $0x4, s21  }
0x24: {  	_ =	swait.ge @!p0 [sflag:s22], $0x4000  }
0x25: {  	[sflag:s22] =	ssyncset.done @!p0 $0x0  }
0x26: {  	[sflag:s22] =	ssyncadd.s32 @!p0 $0xFFFFC000  }
0x27: {  	p1 =	sgt.u32 @!p0 s20, $0x4C;
	s23 =	sand.u32 @!p0 $0x1FFFF000, s19;
	_ =	swait.ge @!p0 [sflag:s22], $0x4000  }
0x28: {  	s24 =	simm.s32 @!p0 $0x0;
	s23 =	sadd.s32 @!p0 s4, s23;
	[sflag:s22] =	ssyncset.done @!p0 $0x0  }
0x29: {  	[sflag:s22] =	ssyncadd.s32 @!p0 $0xFFFFC000;
	s22 =	sshll.u32 @!p0 s21, $0xF;
	s21 =	sor.u32 @!p0 $0x6, s21  }
0x2a: {  	[hbm4b:s23+s24] =	stream.linear.scatter @!p0 [tilespmem:s22], [sflag:s21], $0x8000, $0x38;
	[tilespmem:$0x10400] =	vst v63  }
0x2b: {  	p0 =	por p0, !p1  }
0x2c: {  	s21 =	sadd.s32 @p0 $0x2, s20  }
0x2d: {  	s22 =	smul.u32 @p0 $0xAB, s21;
	_ =	sdelay $0x1  }
0x2e: {  	s22 =	sshrl.u32 @p0 s22, $0x9  }
0x2f: {  	s22 =	sand.u32 @p0 $0x7F, s22  }
0x30: {  	s22 =	smul.u32 @p0 $0x3, s22;
	_ =	sdelay $0x1  }
0x31: {  	s21 =	ssub.s32 @p0 s21, s22  }
0x32: {  	s21 =	sand.u32 @p0 $0xFF, s21  }
0x33: {  	s22 =	sshll.u32 @p0 s21, $0x8  }
0x34: {  	s20 =	sadd.s32 $0x1, s20;
	s21 =	sadd.s32 @p0 $0x1, s21;
	s22 =	sor.u32 @p0 $0x10000, s22  }
0x35: {  	[tilespmem:s22], [sflag:s21] =	stream.linear.gather @p0 [hbm4b:s18+s2], $0x100, $0x38;
	[tilespmem:$0x10400] =	vst v63  }
0x36: {  	p0 =	sne.s32 s20, $0x4F  }
.Ltmp0:
0x37: {  	_ = 	snop;
	(pc) =	sbr.rel @p0 .LBB2_2-.Ltmp0, $2  }
0x38: {  	_ =	sdelay $0x2  }
0x39: {  	s19 =	sadd.s32 $0x1000, s19;
	s18 =	sadd.s32 $0x20, s18  }
0x3a: {  	_ =	swait.ge [sflag:s14], $0x4000  }
0x3b: {  	[sflag:s14] =	ssyncset.done $0x0  }
0x3c: {  	[sflag:s14] =	ssyncadd.s32 $0xFFFFC000  }
0x3d: {  	_ =	swait.ge [sflag:s14], $0x4000  }
0x3e: {  	[sflag:s14] =	ssyncset.done $0x0  }
0x3f: {  	s17 =	sadd.s32 $0x1, s17;
	[sflag:s14] =	ssyncadd.s32 $0xFFFFC000  }
0x40: {  	[hbm4b:s7+s2] =	stream.linear.scatter [tilespmem:s2], [sflag:$0x6], $0x8000, $0x38;
	[tilespmem:$0x10400] =	vst v63  }
0x41: {  	p0 =	sne.s32 s17, s8;
	_ =	swait.ge [sflag:s15], $0x8000  }
.Ltmp1:
0x42: {  	[sflag:s15] =	ssyncset.done $0x0;
	(pc) =	sbr.rel @p0 .LBB2_1-.Ltmp1, $4  }
0x43: {  	[sflag:s15] =	ssyncadd.s32 $0xFFFF8000  }
0x44: {  	_ =	swait.ge [sflag:s16], $0x8000  }
0x45: {  	[sflag:s16] =	ssyncset.done $0x0  }
0x46: {  	[sflag:s16] =	ssyncadd.s32 $0xFFFF8000  }
0x47: {  	_ =	sfence.sel $0x180000  }
0x48: {  	[bflag:$0x0] =	sbarrier.arrive $0xFFFF  }
0x49: {  	p0 =	sne.s32 s0, $0x0;
	_ =	strace $0x90000047  }
0x4a: {  	s0 =	sadd.s32 @!p0 $0x100000, s1;
	[bflag:$0x2] =	sbarrier.arrive $0xFFFF  }
0x4b: {  	[sflag:s0] =	ssyncadd.tile.s32 @!p0 $0x1;
	_ =	shalt  }
.Lfunc_end2:
_tile_overlayer_lowered:
.L_overlay_start_2:
0x4c: {  	(tag) =	ssettag $0x2  }
0x4d: {  	s0 =	rddreg [dreg:$0x0];
	s2 =	stileid.u32  }
0x4e: {  	s1 =	rddreg [dreg:$0x1];
	p0 =	sne.s32 s2, $0x0  }
0x4f: {  	s3 =	rddreg [dreg:$0x2];
	[bflag:$0x3] =	sbarrier.arrive $0xFFFF;
	s2 =	simm.s32 @!p0 $0x1C08  }
0x50: {  	[timem:s3], [sflag:s2] =	dma.local @!p0 [hbm:s0], s1  }
0x51: {  	s0 =	simm.s32 @!p0 $0x8  }
0x52: {  	_ =	swait.ge @!p0 [sflag:s0], s1  }
0x53: {  	s1 =	ssub.s32 @!p0 $0x0, s1;
	[sflag:s0] =	ssyncset.done @!p0 $0x0  }
0x54: {  	[sflag:s0] =	ssyncadd.s32 @!p0 s1  }
0x55: {  	[bflag:$0x3] =	sbarrier.arrive $0xFFFF  }
0x56: {  	_ =	shalt  }

// kernel: kernel.28.cloned.1.call-start
scs
__scs_entry_jumppad:
0x0: {  	(pc) =	sbr.rel $0x88, $3  }
0x1: {  	(tag) =	ssettag $0x0;
	lr =	simm.s32 $0x1  }
0x2: {  	[smem:$0x3F88] =	sst lr;
	_ =	strace $0xD0000000  }
0x3: {  	_ = 	snop  }
0x4: {  	_ = 	snop  }
0x5: {  	_ = 	snop  }
0x6: {  	_ = 	snop  }
0x7: {  	_ = 	snop  }
__scs_overlays_trampoline_lowered:
0x8: {  	[smem:$0x3F97] =	sst s0  }
0x9: {  	[smem:$0x3F98] =	sst s1  }
0xa: {  	[smem:$0x3F99] =	sst s2  }
0xb: {  	[smem:$0x3F9A] =	sst s3  }
0xc: {  	[smem:$0x3F9B] =	sst s4  }
0xd: {  	[smem:$0x3F9C] =	sst s5  }
0xe: {  	[smem:$0x3F9D] =	sst s6  }
0xf: {  	[smem:$0x3F9E] =	sst s7  }
0x10: {  	[smem:$0x3F9F] =	sst s8  }
0x11: {  	[smem:$0x3FA0] =	sst s9;
	s0 =	simm.s32 @!p0 $0x0  }
0x12: {  	s1 =	sld [smem:$0x3F86];
	s0 =	simm.s32 @p0 $0x1  }
0x13: {  	[smem:$0x3FA1] =	sst s0;
	s0 =	simm.s32 @!p1 $0x0  }
0x14: {  	s2 =	sld [smem:$0x3F85];
	s0 =	simm.s32 @p1 $0x1  }
0x15: {  	[smem:$0x3FA2] =	sst s0;
	s0 =	simm.s32 @!p2 $0x0  }
0x16: {  	s3 =	sld [smem:$0x3FDB];
	s0 =	simm.s32 @p2 $0x1  }
0x17: {  	s4 =	simm.s32 $0x1BF5;
	[smem:$0x3FA4] =	sst s0  }
0x18: {  	s0 =	sld [smem:$0x3F87];
	_ =	swait.ge [sflag:s4], $0x0  }
0x19: {  	s7 =	sld [smem:$0x3F88]  }
0x1a: {  	s8 =	sadd.s32 $0xFFFFE003, lr  }
0x1b: {  	s9 =	sadd.s32 $0xFFFFFEF7, lr;
	s5 =	simm.s32 $0xFFFFFFFF;
	p2 =	slt.u32 s8, $0xFFFFF086  }
0x1c: {  	p1 =	slt.u32 s9, $0xF7A;
	s5 =	simm.s32 @!p2 $0x0  }
0x1d: {  	s5 =	simm.s32 @p1 $0x1;
	p0 =	seq.s32 s7, s2  }
0x1e: {  	s7 =	smul.u32 @!p0 $0xF7A, s2;
	p2 =	seq.s32 @!p0 s5, $0x0  }
0x1f: {  	s9 =	smul.u32 $0xF7A, s1;
	s8 =	simm.s32 @!p0 $0x1BF5;
	p2 =	por !p2, p0  }
0x20: {  	[sflag:s8] =	ssyncset.s32 @!p0 $0xFFFFF086;
	s6 =	sadd.s32 @!p0 s3, s7;
	s7 =	simm.s32 @!p0 $0x108  }
0x21: {  	s3 =	sadd.s32 s3, s9;
	s6 =	sadd.s32 @!p0 $0x88, s6;
	s7 =	simm.s32 @p2 $0x1082  }
0x22: {  	[simem:s7], [sflag:s8] =	dma.local @!p0 [hbm:s6], $0xF7A  }
0x23: {  	s9 =	sor.u32 $0xD0000000, s2;
	s6 =	simm.s32 $0x108;
	_ =	swait.ge @!p0 [sflag:s8], $0x0  }
0x24: {  	s3 =	sadd.s32 $0x88, s3;
	s6 =	simm.s32 @!p1 $0x1082;
	[sflag:s4] =	ssyncset.s32 $0xFFFFF086  }
0x25: {  	[simem:s6], [sflag:s4] =	dma.local [hbm:s3], $0xF7A  }
0x26: {  	[smem:$0x3F88] =	sst s1;
	(tag) =	ssettag s2;
	_ =	strace s9  }
0x27: {  	s1 =	sld [smem:$0x3F98]  }
0x28: {  	s2 =	sld [smem:$0x3F99]  }
0x29: {  	s4 =	sld [smem:$0x3F9B]  }
0x2a: {  	p0 =	seq.s32 s5, $0x0;
	s5 =	sld [smem:$0x3F9C]  }
0x2b: {  	s6 =	sld [smem:$0x3F9D]  }
0x2c: {  	s7 =	sld [smem:$0x3F9E]  }
0x2d: {  	s3 =	simm.s32 $0x108;
	s8 =	sld [smem:$0x3F9F]  }
0x2e: {  	s3 =	simm.s32 @!p0 $0x1082;
	s9 =	sld [smem:$0x3FA0]  }
0x2f: {  	lr =	sadd.s32 s0, s3;
	s0 =	sld [smem:$0x3F97]  }
0x30: {  	s3 =	sld [smem:$0x3F9A]  }
0x31: {  	[smem:$0x3FA3] =	sst s10  }
0x32: {  	s10 =	sld [smem:$0x3FA1];
	_ =	sdelay $0x3  }
0x33: {  	p0 =	seq.s32 s10, $0x1;
	s10 =	sld [smem:$0x3FA3];
	_ =	sdelay $0x3  }
0x34: {  	[smem:$0x3FA3] =	sst s10  }
0x35: {  	s10 =	sld [smem:$0x3FA2];
	_ =	sdelay $0x3  }
0x36: {  	p1 =	seq.s32 s10, $0x1;
	s10 =	sld [smem:$0x3FA3];
	_ =	sdelay $0x3  }
0x37: {  	[smem:$0x3FA3] =	sst s10  }
0x38: {  	s10 =	sld [smem:$0x3FA4]  }
0x39: {  	_ = 	snop;
	(pc) =	sbr.ind lr, $3  }
0x3a: {  	_ = 	snop  }
0x3b: {  	_ = 	snop  }
0x3c: {  	p2 =	seq.s32 s10, $0x1;
	s10 =	sld [smem:$0x3FA3]  }
0x3d: {  	_ =	shalt  }
0x3e: {  	_ =	shalt  }
0x3f: {  	_ =	shalt  }
0x40: {  	_ =	shalt  }
0x41: {  	_ =	shalt  }
0x42: {  	_ =	shalt  }
0x43: {  	_ =	shalt  }
0x44: {  	_ =	shalt  }
0x45: {  	_ =	shalt  }
0x46: {  	_ =	shalt  }
0x47: {  	_ =	shalt  }
0x48: {  	_ =	shalt  }
0x49: {  	_ =	shalt  }
0x4a: {  	_ =	shalt  }
0x4b: {  	_ =	shalt  }
0x4c: {  	_ =	shalt  }
0x4d: {  	_ =	shalt  }
0x4e: {  	_ =	shalt  }
0x4f: {  	_ =	shalt  }
0x50: {  	_ =	shalt  }
0x51: {  	_ =	shalt  }
0x52: {  	_ =	shalt  }
0x53: {  	_ =	shalt  }
0x54: {  	_ =	shalt  }
0x55: {  	_ =	shalt  }
0x56: {  	_ =	shalt  }
0x57: {  	_ =	shalt  }
0x58: {  	_ =	shalt  }
0x59: {  	_ =	shalt  }
0x5a: {  	_ =	shalt  }
0x5b: {  	_ =	shalt  }
0x5c: {  	_ =	shalt  }
0x5d: {  	_ =	shalt  }
0x5e: {  	_ =	shalt  }
0x5f: {  	_ =	shalt  }
0x60: {  	_ =	shalt  }
0x61: {  	_ =	shalt  }
0x62: {  	_ =	shalt  }
0x63: {  	_ =	shalt  }
0x64: {  	_ =	shalt  }
0x65: {  	_ =	shalt  }
0x66: {  	_ =	shalt  }
0x67: {  	_ =	shalt  }
0x68: {  	_ =	shalt  }
0x69: {  	_ =	shalt  }
0x6a: {  	_ =	shalt  }
0x6b: {  	_ =	shalt  }
0x6c: {  	_ =	shalt  }
0x6d: {  	_ =	shalt  }
0x6e: {  	_ =	shalt  }
0x6f: {  	_ =	shalt  }
0x70: {  	_ =	shalt  }
0x71: {  	_ =	shalt  }
0x72: {  	_ =	shalt  }
0x73: {  	_ =	shalt  }
0x74: {  	_ =	shalt  }
0x75: {  	_ =	shalt  }
0x76: {  	_ =	shalt  }
0x77: {  	_ =	shalt  }
0x78: {  	_ =	shalt  }
0x79: {  	_ =	shalt  }
0x7a: {  	_ =	shalt  }
0x7b: {  	_ =	shalt  }
0x7c: {  	_ =	shalt  }
0x7d: {  	_ =	shalt  }
0x7e: {  	_ =	shalt  }
0x7f: {  	_ =	shalt  }
0x80: {  	_ =	shalt  }
0x81: {  	_ =	shalt  }
0x82: {  	_ =	shalt  }
0x83: {  	_ =	shalt  }
0x84: {  	_ =	shalt  }
0x85: {  	_ =	shalt  }
0x86: {  	_ =	shalt  }
0x87: {  	_ =	shalt  }
.Lfunc_end0:
.L_simem_size_0:
called_computation.1_lowered:
.L_overlay_start_0:
0x88: {  	s2 =	sld [smem:$0x3FD9]  }
0x89: {  	s3 =	sld [smem:$0x3FFE];
	_ =	sdelay $0x1  }
0x8a: {  	s1 =	srdreg.scid  }
0x8b: {  	s0 =	sand.u32 $0x1, s1  }
0x8c: {  	s17 =	sshll.u32 s0, $0xA;
	s2 =	sadd.s32 s3, s2  }
0x8d: {  	s2 =	sadd.s32 s2, s17  }
0x8e: {  	[smem:$0x3FAF] =	sst s2  }
0x8f: {  	_ = 	snop  }
0x90: {  	s2 =	sld [smem:$0x3FC7];
	(tm) =	ssettm $0x1  }
0x91: {  	s18 =	sld [smem:$0x3FFB];
	_ =	sdelay $0x3  }
0x92: {  	_ =	strace s18  }
0x93: {  	s3 =	sld [smem:$0x3FFC];
	_ =	sdelay $0x3  }
0x94: {  	_ =	strace s3  }
0x95: {  	s3 =	sld [smem:$0x3FFD];
	_ =	sdelay $0x3  }
0x96: {  	_ =	strace s3  }
0x97: {  	_ =	strace $0x8FFFFFFF  }
0x98: {  	s19 =	sld [smem:$0x3FDB];
	_ =	sdelay $0x1  }
0x99: {  	s4 =	simm.s32 $_scs_section_size  }
0x9a: {  	s5 =	simm.s32 $_size__tile_overlayer_lowered;
	s6 =	simm.s32 $_tile_overlayer_lowered  }
0x9b: {  	s22 =	simm.s32 $0x1BFF;
	s21 =	sshll.u32 s6, $0x1;
	s3 =	sadd.s32 s4, s19  }
0x9c: {  	s7 =	simm.s32 $0x0;
	s20 =	sshll.u32 s5, $0x1;
	s5 =	sadd.s32 s21, s3  }
0x9d: {  	[timem:s7], [sflag:s22] =	dma.local [hbm:s5], s20  }
0x9e: {  	_ =	swait.ge [sflag:s22], s20  }
0x9f: {  	s4 =	ssub.s32 $0x0, s20;
	[sflag:s22] =	ssyncset.done $0x0  }
0xa0: {  	[sflag:s22] =	ssyncadd.s32 s4;
	_ =	sdelay $0x1  }
0xa1: {  	s23 =	simm.s32 $0x1B8B  }
0xa2: {  	_ =	swait.ge [sflag:s23], $0x1  }
0xa3: {  	[sflag:s23] =	ssyncset.done $0x0  }
0xa4: {  	s25 =	simm.s32 $0x1B8E;
	s24 =	sld [smem:$0x3FFE];
	[sflag:s23] =	ssyncadd.s32 $0xFFFFFFFF  }
0xa5: {  	s26 =	simm.s32 $execute0_lowered;
	[smem:$0x3FD2] =	sst s25  }
0xa6: {  	s5 =	sshll.u32 s26, $0x1;
	_ =	strace $0x80000049;
	[dreg:$0x1] =	wrdreg $0xFFFFFFFF  }
0xa7: {  	s28 =	simm.s32 $_size_execute0_lowered;
	s3 =	sadd.s32 s3, s5;
	[dreg:$0x0] =	wrdreg $0x0  }
0xa8: {  	s5 =	sshll.u32 s28, $0x1;
	[dreg:$0x2] =	wrdreg s3  }
0xa9: {  	[dreg:$0x3] =	wrdreg s5  }
0xaa: {  	[dreg:$0x4] =	wrdreg $0xC0  }
0xab: {  	_ =	task [dreg:s7], $0x5FFFF  }
0xac: {  	[dreg:$0x1] =	wrdreg $0xFFFFFFFF  }
0xad: {  	[dreg:$0x0] =	wrdreg $0x60  }
0xae: {  	[dreg:$0x2] =	wrdreg s24  }
0xaf: {  	[dreg:$0x3] =	wrdreg s2  }
0xb0: {  	[dreg:$0x4] =	wrdreg $0x0  }
0xb1: {  	[dreg:$0x5] =	wrdreg $0x9  }
0xb2: {  	_ =	task.clear_ibuf [dreg:s7], $0x6FFFF;
	_ =	strace $0x90000049  }
0xb3: {  	s29 =	simm.s32 $0x9;
	_ =	strace $0x8000004B  }
0xb4: {  	_ =	swait.ge [sflag:s29], $0x1  }
0xb5: {  	[sflag:s29] =	ssyncadd.s32 $0xFFFFFFFF  }
0xb6: {  	_ =	strace $0x9000004B  }
0xb7: {  	_ =	sfence  }
0xb8: {  	s30 =	sld [smem:$0x0];
	_ =	sdelay $0x2  }
0xb9: {  	s31 =	sshll.u32 s1, $0xD;
	s1 =	sshrl.u32 s1, $0x2  }
0xba: {  	s3 =	sand.u32 $0x4000, s31;
	s1 =	sadd.s32 s1, s30  }
0xbb: {  	s0 =	sor.u32 s3, s0;
	s1 =	sshll.u32 s1, $0x11  }
0xbc: {  	s0 =	sor.u32 s1, s0  }
0xbd: {  	s0 =	sadd.s32 $0x8F2B, s0  }
0xbe: {  	[sflag:s0] =	ssyncadd.remote.s32 $0x1  }
0xbf: {  	_ =	sfence.sel $0xFFFF  }
0xc0: {  	[dreg:$0x0] =	wrdreg $0xFFFFFFFF;
	(pc) =	sbr.abs _section_cstart, $3  }
0xc1: {  	[dreg:$0x1] =	wrdreg $0xFFFFFFFF  }
0xc2: {  	_ =	task.clear_ibuf [dreg:s7], $0x2FFFF;
	_ =	strace $0x9FFFFFFF  }
0xc3: {  	(tm) =	ssettm $0x7FFFFFFF  }
tec
execute0_lowered:
.L_overlay_start_1:
0x0: {  	(tag) =	ssettag $0x1  }
0x1: {  	s4 =	rddreg [dreg:$0x0]  }
0x2: {  	s10 =	rddreg [dreg:$0x1]  }
0x3: {  	s1 =	rddreg [dreg:$0x2];
	s6 =	srdreg.scid  }
0x4: {  	s0 =	rddreg [dreg:$0x3];
	s3 =	simm.s32 $0x0;
	s2 =	stileid.u32  }
0x5: {  	s5 =	sand.u32 $0x1, s6;
	[smem:$0x7FF] =	sst s3;
	s8 =	smul.u32 $0x14000, s2  }
0x6: {  	s11 =	smul.u32 $0x50000, s2;
	s28 =	sshll.u32 s2, $0x5;
	s29 =	sshll.u32 s6, $0x9  }
0x7: {  	s30 =	sshll.u32 s2, $0xC;
	s7 =	smul.u32 $0x140000, s5;
	_ =	strace $0x8000004A  }
0x8: {  	s9 =	sshll.u32 s5, $0x10;
	s24 =	ssub.s32 $0x2, s5;
	s13 =	sshll.u32 s5, $0x4  }
0x9: {  	s14 =	sand.u32 $0x60, s28;
	s12 =	sadd.s32 s9, s4;
	s25 =	sshrl.u32 s24, $0x1  }
0xa: {  	s26 =	sshrl.u32 s11, $0x2;
	s9 =	sor.u32 s28, s29;
	s13 =	sor.u32 s13, s2  }
0xb: {  	s7 =	sadd.s32 s8, s7;
	s8 =	ssub.s32 s24, s25;
	s15 =	sand.u32 $0x380, s9  }
0xc: {  	s11 =	sadd.s32 s30, s12;
	s7 =	sshrl.u32 s7, $0x3;
	s6 =	smax.u32 s8, $0x1  }
0xd: {  	s31 =	sadd.s32 s15, s10;
	s11 =	sadd.s32 $0xF16C00, s11;
	s15 =	simm.s32 $0x1  }
0xe: {  	s7 =	sadd.s32 s7, s4;
	s4 =	sadd.s32 s26, s1;
	s12 =	sadd.s32 s14, s31  }
0xf: {  	s14 =	simm.s32 $0x14000;
	s5 =	sadd.s32 $0x47E00, s7;
	s7 =	sadd.s32 $0x4000, s4  }
0x10: {  	v0 =	vimm.f32 $0.0e+00;
	s8 =	sadd.s32 $0x8000, s4;
	s9 =	sadd.s32 $0xC000, s4;
	s10 =	sadd.s32 $0x10000, s4  }
.LBB2_1:
0x11: {  	s16 =	simm.s32 $0x0;
	s17 =	simm.s32 $0x200  }
.LBB2_2:
0x12: {  	p0 =	sne.s32 s17, $0xFE00;
	[tilespmem:s16+$0x14070] =	vst v0  }
0x13: {  	[tilespmem:s16+$0x14000] =	vst v0  }
0x14: {  	[tilespmem:s16+$0x14010] =	vst v0  }
.Ltmp0:
0x15: {  	[tilespmem:s16+$0x14020] =	vst v0;
	(pc) =	sbr.rel @p0 .LBB2_2-.Ltmp0, $4  }
0x16: {  	[tilespmem:s16+$0x14030] =	vst v0  }
0x17: {  	[tilespmem:s16+$0x14040] =	vst v0  }
0x18: {  	[tilespmem:s16+$0x14050] =	vst v0  }
0x19: {  	[tilespmem:s16+$0x14060] =	vst v0;
	s16 =	sshra.s32 s17, $0x2;
	s17 =	sadd.s32 $0x200, s17  }
0x1a: {  	[tilespmem:s16+$0x14070] =	vst v0  }
0x1b: {  	[tilespmem:s16+$0x14000] =	vst v0  }
0x1c: {  	[tilespmem:s16+$0x14010] =	vst v0  }
0x1d: {  	[tilespmem:s16+$0x14020] =	vst v0  }
0x1e: {  	[tilespmem:s16+$0x14030] =	vst v0  }
0x1f: {  	[tilespmem:s16+$0x14040] =	vst v0  }
0x20: {  	[tilespmem:s16+$0x14050] =	vst v0  }
0x21: {  	[tilespmem:s16+$0x14060] =	vst v0  }
0x22: {  	[spmem:s4] =	stream.linear.scatter [tilespmem:s14], [sflag:$0x1], $0x4000, $0x38;
	[tilespmem:$0x1C100] =	vst v63  }
0x23: {  	_ =	swait.ge [sflag:s15], $0x4000  }
0x24: {  	[sflag:s15] =	ssyncset.done $0x0  }
0x25: {  	[sflag:s15] =	ssyncadd.s32 $0xFFFFC000  }
0x26: {  	[spmem:s7] =	stream.linear.scatter [tilespmem:s14], [sflag:$0x1], $0x4000, $0x38;
	[tilespmem:$0x1C100] =	vst v63  }
0x27: {  	_ =	swait.ge [sflag:s15], $0x4000  }
0x28: {  	[sflag:s15] =	ssyncset.done $0x0  }
0x29: {  	[sflag:s15] =	ssyncadd.s32 $0xFFFFC000  }
0x2a: {  	[spmem:s8] =	stream.linear.scatter [tilespmem:s14], [sflag:$0x1], $0x4000, $0x38;
	[tilespmem:$0x1C100] =	vst v63  }
0x2b: {  	_ =	swait.ge [sflag:s15], $0x4000  }
0x2c: {  	[sflag:s15] =	ssyncset.done $0x0  }
0x2d: {  	[sflag:s15] =	ssyncadd.s32 $0xFFFFC000  }
0x2e: {  	[spmem:s9] =	stream.linear.scatter [tilespmem:s14], [sflag:$0x1], $0x4000, $0x38;
	[tilespmem:$0x1C100] =	vst v63  }
0x2f: {  	_ =	swait.ge [sflag:s15], $0x4000  }
0x30: {  	[sflag:s15] =	ssyncset.done $0x0  }
0x31: {  	[sflag:s15] =	ssyncadd.s32 $0xFFFFC000  }
0x32: {  	[spmem:s10] =	stream.linear.scatter [tilespmem:s14], [sflag:$0x1], $0x4000, $0x38;
	[tilespmem:$0x1C100] =	vst v63  }
0x33: {  	s30 =	sadd.s32 $0x0, s13;
	_ =	swait.ge [sflag:s15], $0x4000  }
0x34: {  	p0 =	sgt.u32 s30, $0x4E1;
	[sflag:s15] =	ssyncset.done $0x0  }
0x35: {  	s16 =	simm.s32 @!p0 $0x0;
	[sflag:s15] =	ssyncadd.s32 $0xFFFFC000  }
0x36: {  	s17 =	simm.s32 @!p0 $0x14000;
	s18 =	simm.s32 @!p0 $0x2;
	[bflag:$0x0] =	sbarrier.arrive $0xFFFF  }
0x37: {  	[tilespmem:s17], [sflag:$0x2] =	stream.linear.gather @!p0 [hbm4b:s11+s16], $0x8000, $0x38;
	[tilespmem:$0x1C100] =	vst v63  }
0x38: {  	_ =	swait.ge @!p0 [sflag:s18], $0x8000;
	p0 =	por p0, p0  }
0x39: {  	[sflag:s18] =	ssyncset.done @!p0 $0x0  }
0x3a: {  	s19 =	simm.s32 @!p0 $0x1C000;
	[sflag:s18] =	ssyncadd.s32 @!p0 $0xFFFF8000  }
0x3b: {  	[tilespmem:s19], [sflag:$0x2] =	stream.linear.gather @!p0 [hbm4b:s12+s16], $0x100, $0x38;
	[tilespmem:$0x1C100] =	vst v63  }
0x3c: {  	_ =	swait.ge @!p0 [sflag:s18], $0x100  }
0x3d: {  	[sflag:s18] =	ssyncset.done @!p0 $0x0  }
0x3e: {  	s16 =	simm.s32 @!p0 $0x80;
	[sflag:s18] =	ssyncadd.s32 @!p0 $0xFFFFFF00  }
0x3f: {  	[spmem:s1] =	stream.indirect.scatter.add.f32 @!p0 [tilespmem:s17], [sflag:$0x2], $0x80, s19, s16, $0xb8;
	[tilespmem:$0x1C100] =	vst v63  }
0x40: {  	_ =	swait.ge @!p0 [sflag:s18], $0x4000  }
0x41: {  	s31 =	sadd.s32 $0x20, s13;
	[sflag:s18] =	ssyncset.done @!p0 $0x0  }
0x42: {  	s19 =	simm.s32 @!p0 $0x18000;
	[sflag:s18] =	ssyncadd.s32 @!p0 $0xFFFFC000;
	s18 =	simm.s32 @!p0 $0x1C080  }
0x43: {  	[spmem:s1] =	stream.indirect.scatter.add.f32 @!p0 [tilespmem:s19], [sflag:$0x1], $0x80, s18, s16, $0xb8;
	[tilespmem:$0x1C100] =	vst v63  }
0x44: {  	p2 =	sgt.u32 s31, $0x4E1;
	s17 =	simm.s32 $0x40;
	s19 =	simm.s32 @!p0 $0x1  }
0x45: {  	s16 =	sadd.s32 $0x400, s12;
	s18 =	sadd.s32 $0x20000, s11;
	_ =	swait.ge @!p0 [sflag:s19], $0x4000  }
.LBB2_4:
0x46: {  	s20 =	simm.s32 @!p2 $0x0  }
0x47: {  	s21 =	simm.s32 @!p2 $0x14000;
	[sflag:s19] =	ssyncset.done @!p0 $0x0;
	s22 =	smov.u32 s17  }
0x48: {  	s17 =	sadd.s32 $0x20, s17;
	s23 =	simm.s32 @!p2 $0x2;
	[sflag:s19] =	ssyncadd.s32 @!p0 $0xFFFFC000  }
0x49: {  	[tilespmem:s21], [sflag:$0x2] =	stream.linear.gather @!p2 [hbm4b:s18+s20], $0x8000, $0x38;
	[tilespmem:$0x1C100] =	vst v63  }
0x4a: {  	p1 =	sne.s32 s17, $0x500;
	p0 =	por p2, p2;
	_ =	swait.ge @!p2 [sflag:s23], $0x8000  }
0x4b: {  	[sflag:s23] =	ssyncset.done @!p0 $0x0  }
0x4c: {  	s19 =	simm.s32 @!p0 $0x1C000;
	[sflag:s23] =	ssyncadd.s32 @!p0 $0xFFFF8000  }
0x4d: {  	[tilespmem:s19], [sflag:$0x2] =	stream.linear.gather @!p0 [hbm4b:s16+s20], $0x100, $0x38;
	[tilespmem:$0x1C100] =	vst v63  }
0x4e: {  	_ =	swait.ge @!p0 [sflag:s23], $0x100  }
0x4f: {  	[sflag:s23] =	ssyncset.done @!p0 $0x0  }
0x50: {  	s20 =	simm.s32 @!p0 $0x80;
	[sflag:s23] =	ssyncadd.s32 @!p0 $0xFFFFFF00  }
0x51: {  	[spmem:s1] =	stream.indirect.scatter.add.f32 @!p0 [tilespmem:s21], [sflag:$0x2], $0x80, s19, s20, $0xb8;
	[tilespmem:$0x1C100] =	vst v63  }
.Ltmp1:
0x52: {  	s16 =	sadd.s32 $0x400, s16;
	_ =	swait.ge @!p0 [sflag:s23], $0x4000;
	(pc) =	sbr.rel @p1 .LBB2_4-.Ltmp1, $4  }
0x53: {  	s21 =	sadd.s32 s22, s13;
	s19 =	simm.s32 @!p0 $0x1;
	[sflag:s23] =	ssyncset.done @!p0 $0x0  }
0x54: {  	s22 =	simm.s32 @!p0 $0x1C080;
	[sflag:s23] =	ssyncadd.s32 @!p0 $0xFFFFC000;
	s23 =	simm.s32 @!p0 $0x18000  }
0x55: {  	[spmem:s1] =	stream.indirect.scatter.add.f32 @!p0 [tilespmem:s23], [sflag:$0x1], $0x80, s22, s20, $0xb8;
	[tilespmem:$0x1C100] =	vst v63  }
0x56: {  	s18 =	sadd.s32 $0x20000, s18;
	p2 =	sgt.u32 s21, $0x4E1;
	_ =	swait.ge @!p0 [sflag:s19], $0x4000  }
0x57: {  	s17 =	simm.s32 @!p2 $0x0;
	[sflag:s19] =	ssyncset.done @!p0 $0x0  }
0x58: {  	s20 =	simm.s32 @!p2 $0x14000;
	s21 =	simm.s32 @!p2 $0x2;
	[sflag:s19] =	ssyncadd.s32 @!p0 $0xFFFFC000  }
0x59: {  	[tilespmem:s20], [sflag:$0x2] =	stream.linear.gather @!p2 [hbm4b:s18+s17], $0x8000, $0x38;
	[tilespmem:$0x1C100] =	vst v63  }
0x5a: {  	p0 =	por p2, p2;
	_ =	swait.ge @!p2 [sflag:s21], $0x8000  }
0x5b: {  	[sflag:s21] =	ssyncset.done @!p0 $0x0  }
0x5c: {  	s18 =	simm.s32 @!p0 $0x1C000;
	[sflag:s21] =	ssyncadd.s32 @!p0 $0xFFFF8000  }
0x5d: {  	[tilespmem:s18], [sflag:$0x2] =	stream.linear.gather @!p0 [hbm4b:s16+s17], $0x100, $0x38;
	[tilespmem:$0x1C100] =	vst v63  }
0x5e: {  	_ =	swait.ge @!p0 [sflag:s21], $0x100  }
0x5f: {  	[sflag:s21] =	ssyncset.done @!p0 $0x0  }
0x60: {  	s16 =	simm.s32 @!p0 $0x80;
	[sflag:s21] =	ssyncadd.s32 @!p0 $0xFFFFFF00  }
0x61: {  	[spmem:s1] =	stream.indirect.scatter.add.f32 @!p0 [tilespmem:s20], [sflag:$0x2], $0x80, s18, s16, $0xb8;
	[tilespmem:$0x1C100] =	vst v63  }
0x62: {  	_ =	swait.ge @!p0 [sflag:s21], $0x4000  }
0x63: {  	s19 =	simm.s32 @!p0 $0x18000;
	[sflag:s21] =	ssyncset.done @!p0 $0x0  }
0x64: {  	s17 =	simm.s32 @!p0 $0x1;
	s18 =	simm.s32 @!p0 $0x1C080;
	[sflag:s21] =	ssyncadd.s32 @!p0 $0xFFFFC000  }
0x65: {  	[spmem:s1] =	stream.indirect.scatter.add.f32 @!p0 [tilespmem:s19], [sflag:$0x1], $0x80, s18, s16, $0xb8;
	[tilespmem:$0x1C100] =	vst v63  }
0x66: {  	_ =	swait.ge @!p0 [sflag:s17], $0x4000  }
0x67: {  	s30 =	sshll.u32 s2, $0x6;
	s3 =	sadd.s32 $0x1, s3;
	[sflag:s17] =	ssyncset.done @!p0 $0x0  }
0x68: {  	s31 =	sshrl.u32 s4, $0x3;
	[sflag:s17] =	ssyncadd.s32 @!p0 $0xFFFFC000;
	p0 =	sne.s32 s3, s6  }
.Ltmp2:
0x69: {  	s16 =	sor.u32 $0x1C01, s30;
	[bflag:$0x0] =	sbarrier.arrive $0xFFFF;
	(pc) =	sbr.rel @p0 .LBB2_1-.Ltmp2, $4  }
0x6a: {  	[hbm:s5], [sflag:s16] =	dma.local [spmem:s31], $0x2800  }
0x6b: {  	_ =	swait.ge [sflag:s15], $0x2800  }
0x6c: {  	[sflag:s15] =	ssyncset.done $0x0  }
0x6d: {  	[sflag:s15] =	ssyncadd.s32 $0xFFFFD800  }
0x6e: {  	_ =	sfence.sel $0x180000  }
0x6f: {  	[bflag:$0x0] =	sbarrier.arrive $0xFFFF  }
0x70: {  	p0 =	sne.s32 s2, $0x0;
	_ =	strace $0x9000004A  }
0x71: {  	s0 =	sadd.s32 @!p0 $0x100000, s0;
	[bflag:$0x2] =	sbarrier.arrive $0xFFFF  }
0x72: {  	[sflag:s0] =	ssyncadd.tile.s32 @!p0 $0x1;
	_ =	shalt  }
.Lfunc_end2:
_tile_overlayer_lowered:
.L_overlay_start_2:
0x73: {  	(tag) =	ssettag $0x2  }
0x74: {  	s0 =	rddreg [dreg:$0x0];
	s2 =	stileid.u32  }
0x75: {  	s1 =	rddreg [dreg:$0x1];
	p0 =	sne.s32 s2, $0x0  }
0x76: {  	s3 =	rddreg [dreg:$0x2];
	[bflag:$0x3] =	sbarrier.arrive $0xFFFF;
	s2 =	simm.s32 @!p0 $0x1C01  }
0x77: {  	[timem:s3], [sflag:s2] =	dma.local @!p0 [hbm:s0], s1  }
0x78: {  	s0 =	simm.s32 @!p0 $0x1  }
0x79: {  	_ =	swait.ge @!p0 [sflag:s0], s1  }
0x7a: {  	s1 =	ssub.s32 @!p0 $0x0, s1;
	[sflag:s0] =	ssyncset.done @!p0 $0x0  }
0x7b: {  	[sflag:s0] =	ssyncadd.s32 @!p0 s1  }
0x7c: {  	[bflag:$0x3] =	sbarrier.arrive $0xFFFF  }
0x7d: {  	_ =	shalt  }

// kernel: kernel.31.cloned.1.call-start
scs
__scs_entry_jumppad:
0x0: {  	(pc) =	sbr.rel $0x88, $3  }
0x1: {  	(tag) =	ssettag $0x0;
	lr =	simm.s32 $0x1  }
0x2: {  	[smem:$0x3F88] =	sst lr;
	_ =	strace $0xD0000000  }
0x3: {  	_ = 	snop  }
0x4: {  	_ = 	snop  }
0x5: {  	_ = 	snop  }
0x6: {  	_ = 	snop  }
0x7: {  	_ = 	snop  }
__scs_overlays_trampoline_lowered:
0x8: {  	[smem:$0x3F97] =	sst s0  }
0x9: {  	[smem:$0x3F98] =	sst s1  }
0xa: {  	[smem:$0x3F99] =	sst s2  }
0xb: {  	[smem:$0x3F9A] =	sst s3  }
0xc: {  	[smem:$0x3F9B] =	sst s4  }
0xd: {  	[smem:$0x3F9C] =	sst s5  }
0xe: {  	[smem:$0x3F9D] =	sst s6  }
0xf: {  	[smem:$0x3F9E] =	sst s7  }
0x10: {  	[smem:$0x3F9F] =	sst s8  }
0x11: {  	[smem:$0x3FA0] =	sst s9;
	s0 =	simm.s32 @!p0 $0x0  }
0x12: {  	s1 =	sld [smem:$0x3F86];
	s0 =	simm.s32 @p0 $0x1  }
0x13: {  	[smem:$0x3FA1] =	sst s0;
	s0 =	simm.s32 @!p1 $0x0  }
0x14: {  	s2 =	sld [smem:$0x3F85];
	s0 =	simm.s32 @p1 $0x1  }
0x15: {  	[smem:$0x3FA2] =	sst s0;
	s0 =	simm.s32 @!p2 $0x0  }
0x16: {  	s3 =	sld [smem:$0x3FDB];
	s0 =	simm.s32 @p2 $0x1  }
0x17: {  	s4 =	simm.s32 $0x1BF5;
	[smem:$0x3FA4] =	sst s0  }
0x18: {  	s0 =	sld [smem:$0x3F87];
	_ =	swait.ge [sflag:s4], $0x0  }
0x19: {  	s7 =	sld [smem:$0x3F88]  }
0x1a: {  	s8 =	sadd.s32 $0xFFFFE003, lr  }
0x1b: {  	s9 =	sadd.s32 $0xFFFFFEF7, lr;
	s5 =	simm.s32 $0xFFFFFFFF;
	p2 =	slt.u32 s8, $0xFFFFF086  }
0x1c: {  	p1 =	slt.u32 s9, $0xF7A;
	s5 =	simm.s32 @!p2 $0x0  }
0x1d: {  	s5 =	simm.s32 @p1 $0x1;
	p0 =	seq.s32 s7, s2  }
0x1e: {  	s7 =	smul.u32 @!p0 $0xF7A, s2;
	p2 =	seq.s32 @!p0 s5, $0x0  }
0x1f: {  	s9 =	smul.u32 $0xF7A, s1;
	s8 =	simm.s32 @!p0 $0x1BF5;
	p2 =	por !p2, p0  }
0x20: {  	[sflag:s8] =	ssyncset.s32 @!p0 $0xFFFFF086;
	s6 =	sadd.s32 @!p0 s3, s7;
	s7 =	simm.s32 @!p0 $0x108  }
0x21: {  	s3 =	sadd.s32 s3, s9;
	s6 =	sadd.s32 @!p0 $0x88, s6;
	s7 =	simm.s32 @p2 $0x1082  }
0x22: {  	[simem:s7], [sflag:s8] =	dma.local @!p0 [hbm:s6], $0xF7A  }
0x23: {  	s9 =	sor.u32 $0xD0000000, s2;
	s6 =	simm.s32 $0x108;
	_ =	swait.ge @!p0 [sflag:s8], $0x0  }
0x24: {  	s3 =	sadd.s32 $0x88, s3;
	s6 =	simm.s32 @!p1 $0x1082;
	[sflag:s4] =	ssyncset.s32 $0xFFFFF086  }
0x25: {  	[simem:s6], [sflag:s4] =	dma.local [hbm:s3], $0xF7A  }
0x26: {  	[smem:$0x3F88] =	sst s1;
	(tag) =	ssettag s2;
	_ =	strace s9  }
0x27: {  	s1 =	sld [smem:$0x3F98]  }
0x28: {  	s2 =	sld [smem:$0x3F99]  }
0x29: {  	s4 =	sld [smem:$0x3F9B]  }
0x2a: {  	p0 =	seq.s32 s5, $0x0;
	s5 =	sld [smem:$0x3F9C]  }
0x2b: {  	s6 =	sld [smem:$0x3F9D]  }
0x2c: {  	s7 =	sld [smem:$0x3F9E]  }
0x2d: {  	s3 =	simm.s32 $0x108;
	s8 =	sld [smem:$0x3F9F]  }
0x2e: {  	s3 =	simm.s32 @!p0 $0x1082;
	s9 =	sld [smem:$0x3FA0]  }
0x2f: {  	lr =	sadd.s32 s0, s3;
	s0 =	sld [smem:$0x3F97]  }
0x30: {  	s3 =	sld [smem:$0x3F9A]  }
0x31: {  	[smem:$0x3FA3] =	sst s10  }
0x32: {  	s10 =	sld [smem:$0x3FA1];
	_ =	sdelay $0x3  }
0x33: {  	p0 =	seq.s32 s10, $0x1;
	s10 =	sld [smem:$0x3FA3];
	_ =	sdelay $0x3  }
0x34: {  	[smem:$0x3FA3] =	sst s10  }
0x35: {  	s10 =	sld [smem:$0x3FA2];
	_ =	sdelay $0x3  }
0x36: {  	p1 =	seq.s32 s10, $0x1;
	s10 =	sld [smem:$0x3FA3];
	_ =	sdelay $0x3  }
0x37: {  	[smem:$0x3FA3] =	sst s10  }
0x38: {  	s10 =	sld [smem:$0x3FA4]  }
0x39: {  	_ = 	snop;
	(pc) =	sbr.ind lr, $3  }
0x3a: {  	_ = 	snop  }
0x3b: {  	_ = 	snop  }
0x3c: {  	p2 =	seq.s32 s10, $0x1;
	s10 =	sld [smem:$0x3FA3]  }
0x3d: {  	_ =	shalt  }
0x3e: {  	_ =	shalt  }
0x3f: {  	_ =	shalt  }
0x40: {  	_ =	shalt  }
0x41: {  	_ =	shalt  }
0x42: {  	_ =	shalt  }
0x43: {  	_ =	shalt  }
0x44: {  	_ =	shalt  }
0x45: {  	_ =	shalt  }
0x46: {  	_ =	shalt  }
0x47: {  	_ =	shalt  }
0x48: {  	_ =	shalt  }
0x49: {  	_ =	shalt  }
0x4a: {  	_ =	shalt  }
0x4b: {  	_ =	shalt  }
0x4c: {  	_ =	shalt  }
0x4d: {  	_ =	shalt  }
0x4e: {  	_ =	shalt  }
0x4f: {  	_ =	shalt  }
0x50: {  	_ =	shalt  }
0x51: {  	_ =	shalt  }
0x52: {  	_ =	shalt  }
0x53: {  	_ =	shalt  }
0x54: {  	_ =	shalt  }
0x55: {  	_ =	shalt  }
0x56: {  	_ =	shalt  }
0x57: {  	_ =	shalt  }
0x58: {  	_ =	shalt  }
0x59: {  	_ =	shalt  }
0x5a: {  	_ =	shalt  }
0x5b: {  	_ =	shalt  }
0x5c: {  	_ =	shalt  }
0x5d: {  	_ =	shalt  }
0x5e: {  	_ =	shalt  }
0x5f: {  	_ =	shalt  }
0x60: {  	_ =	shalt  }
0x61: {  	_ =	shalt  }
0x62: {  	_ =	shalt  }
0x63: {  	_ =	shalt  }
0x64: {  	_ =	shalt  }
0x65: {  	_ =	shalt  }
0x66: {  	_ =	shalt  }
0x67: {  	_ =	shalt  }
0x68: {  	_ =	shalt  }
0x69: {  	_ =	shalt  }
0x6a: {  	_ =	shalt  }
0x6b: {  	_ =	shalt  }
0x6c: {  	_ =	shalt  }
0x6d: {  	_ =	shalt  }
0x6e: {  	_ =	shalt  }
0x6f: {  	_ =	shalt  }
0x70: {  	_ =	shalt  }
0x71: {  	_ =	shalt  }
0x72: {  	_ =	shalt  }
0x73: {  	_ =	shalt  }
0x74: {  	_ =	shalt  }
0x75: {  	_ =	shalt  }
0x76: {  	_ =	shalt  }
0x77: {  	_ =	shalt  }
0x78: {  	_ =	shalt  }
0x79: {  	_ =	shalt  }
0x7a: {  	_ =	shalt  }
0x7b: {  	_ =	shalt  }
0x7c: {  	_ =	shalt  }
0x7d: {  	_ =	shalt  }
0x7e: {  	_ =	shalt  }
0x7f: {  	_ =	shalt  }
0x80: {  	_ =	shalt  }
0x81: {  	_ =	shalt  }
0x82: {  	_ =	shalt  }
0x83: {  	_ =	shalt  }
0x84: {  	_ =	shalt  }
0x85: {  	_ =	shalt  }
0x86: {  	_ =	shalt  }
0x87: {  	_ =	shalt  }
.Lfunc_end0:
.L_simem_size_0:
called_computation.2_lowered:
.L_overlay_start_0:
0x88: {  	s2 =	sld [smem:$0x3FD9]  }
0x89: {  	s3 =	sld [smem:$0x3FFE];
	_ =	sdelay $0x1  }
0x8a: {  	s1 =	srdreg.scid  }
0x8b: {  	s0 =	sand.u32 $0x1, s1  }
0x8c: {  	s16 =	sshll.u32 s0, $0xA;
	s2 =	sadd.s32 s3, s2  }
0x8d: {  	s2 =	sadd.s32 s2, s16  }
0x8e: {  	[smem:$0x3FAF] =	sst s2  }
0x8f: {  	_ = 	snop  }
0x90: {  	(tm) =	ssettm $0x1  }
0x91: {  	s17 =	sld [smem:$0x3FFB];
	_ =	sdelay $0x3  }
0x92: {  	_ =	strace s17  }
0x93: {  	s2 =	sld [smem:$0x3FFC];
	_ =	sdelay $0x3  }
0x94: {  	_ =	strace s2  }
0x95: {  	s2 =	sld [smem:$0x3FFD];
	_ =	sdelay $0x3  }
0x96: {  	_ =	strace s2  }
0x97: {  	_ =	strace $0x8FFFFFFF  }
0x98: {  	s18 =	sld [smem:$0x3FDB];
	_ =	sdelay $0x1  }
0x99: {  	s19 =	simm.s32 $_scs_section_size  }
0x9a: {  	s4 =	simm.s32 $_size__tile_overlayer_lowered;
	s5 =	simm.s32 $_tile_overlayer_lowered  }
0x9b: {  	s22 =	simm.s32 $0x1BFF;
	s21 =	sshll.u32 s5, $0x1;
	s2 =	sadd.s32 s19, s18  }
0x9c: {  	s6 =	simm.s32 $0x0;
	s20 =	sshll.u32 s4, $0x1;
	s4 =	sadd.s32 s21, s2  }
0x9d: {  	[timem:s6], [sflag:s22] =	dma.local [hbm:s4], s20  }
0x9e: {  	_ =	swait.ge [sflag:s22], s20  }
0x9f: {  	s3 =	ssub.s32 $0x0, s20;
	[sflag:s22] =	ssyncset.done $0x0  }
0xa0: {  	[sflag:s22] =	ssyncadd.s32 s3;
	_ =	sdelay $0x1  }
0xa1: {  	s23 =	simm.s32 $0x1B8B  }
0xa2: {  	_ =	swait.ge [sflag:s23], $0x1  }
0xa3: {  	[sflag:s23] =	ssyncset.done $0x0  }
0xa4: {  	s25 =	simm.s32 $0x1B8E;
	s24 =	sld [smem:$0x3FFE];
	[sflag:s23] =	ssyncadd.s32 $0xFFFFFFFF  }
0xa5: {  	s26 =	simm.s32 $execute0_lowered;
	[smem:$0x3FD2] =	sst s25  }
0xa6: {  	s4 =	sshll.u32 s26, $0x1;
	_ =	strace $0x8000004C;
	[dreg:$0x1] =	wrdreg $0xFFFFFFFF  }
0xa7: {  	s28 =	simm.s32 $_size_execute0_lowered;
	s2 =	sadd.s32 s2, s4;
	[dreg:$0x0] =	wrdreg $0x0  }
0xa8: {  	s4 =	sshll.u32 s28, $0x1;
	[dreg:$0x2] =	wrdreg s2  }
0xa9: {  	[dreg:$0x3] =	wrdreg s4  }
0xaa: {  	[dreg:$0x4] =	wrdreg $0xC0  }
0xab: {  	_ =	task [dreg:s6], $0x5FFFF  }
0xac: {  	[dreg:$0x1] =	wrdreg $0xFFFFFFFF  }
0xad: {  	[dreg:$0x0] =	wrdreg $0x60  }
0xae: {  	[dreg:$0x2] =	wrdreg s24  }
0xaf: {  	[dreg:$0x3] =	wrdreg $0x9  }
0xb0: {  	_ =	task.clear_ibuf [dreg:s6], $0x4FFFF;
	_ =	strace $0x9000004C  }
0xb1: {  	s29 =	simm.s32 $0x9;
	_ =	strace $0x8000004E  }
0xb2: {  	_ =	swait.ge [sflag:s29], $0x1  }
0xb3: {  	[sflag:s29] =	ssyncadd.s32 $0xFFFFFFFF  }
0xb4: {  	_ =	strace $0x9000004E  }
0xb5: {  	_ =	sfence  }
0xb6: {  	s30 =	sld [smem:$0x0];
	_ =	sdelay $0x2  }
0xb7: {  	s31 =	sshll.u32 s1, $0xD;
	s1 =	sshrl.u32 s1, $0x2  }
0xb8: {  	s3 =	sand.u32 $0x4000, s31;
	s1 =	sadd.s32 s1, s30  }
0xb9: {  	s0 =	sor.u32 s3, s0;
	s1 =	sshll.u32 s1, $0x11  }
0xba: {  	s0 =	sor.u32 s1, s0  }
0xbb: {  	s0 =	sadd.s32 $0x8F2B, s0  }
0xbc: {  	[sflag:s0] =	ssyncadd.remote.s32 $0x1  }
0xbd: {  	_ =	sfence.sel $0xFFFF  }
0xbe: {  	[dreg:$0x0] =	wrdreg $0xFFFFFFFF;
	(pc) =	sbr.abs _section_cstart, $3  }
0xbf: {  	[dreg:$0x1] =	wrdreg $0xFFFFFFFF  }
0xc0: {  	_ =	task.clear_ibuf [dreg:s6], $0x2FFFF;
	_ =	strace $0x9FFFFFFF  }
0xc1: {  	(tm) =	ssettm $0x7FFFFFFF  }
tec
execute0_lowered:
.L_overlay_start_1:
0x0: {  	(tag) =	ssettag $0x1  }
0x1: {  	s0 =	srdreg.scid;
	s4 =	rddreg [dreg:$0x0]  }
0x2: {  	s2 =	simm.s32 $0x0;
	s15 =	simm.s32 $0x7;
	s6 =	sand.u32 $0x1, s0  }
0x3: {  	s16 =	simm.s32 $0x6;
	s0 =	stileid.u32;
	s12 =	smul.u32 $0x4F0000, s6  }
0x4: {  	s17 =	simm.s32 $0x0;
	[smem:$0x7FF] =	sst s2;
	s13 =	smul.u32 $0x4F000, s0  }
0x5: {  	s3 =	sadd.s32 $0x20C00, s4;
	s1 =	sshll.u32 s6, $0x4;
	s26 =	smul.u32 $0x9E00, s6  }
0x6: {  	s9 =	sadd.s32 $0xD000, s4;
	s14 =	smul.u32 $0x9E0, s0;
	s5 =	sor.u32 s0, s1  }
0x7: {  	s4 =	sadd.s32 $0xF16C00, s4;
	s11 =	ssub.s32 $0x2, s6;
	s7 =	smul.u32 $0x4F00, s5  }
0x8: {  	s1 =	rddreg [dreg:$0x1];
	s24 =	sshrl.u32 s11, $0x1;
	s8 =	smul.u32 $0x300, s5  }
0x9: {  	_ =	strace $0x8000004D;
	s23 =	smul.u32 $0x278000, s5;
	s11 =	ssub.s32 s11, s24  }
0xa: {  	s30 =	sadd.s32 s13, s12;
	s12 =	simm.s32 $0x10100;
	s13 =	simm.s32 $0x80  }
0xb: {  	s10 =	sand.u32 $0xFFC00, s7;
	s8 =	sand.u32 $0x300, s8;
	s7 =	sshrl.u32 s7, $0x3  }
0xc: {  	s25 =	sshrl.u32 s23, $0x3;
	s8 =	sor.u32 s8, s10;
	s28 =	sadd.s32 s9, s7  }
0xd: {  	s29 =	sadd.s32 s4, s25;
	s8 =	sshrl.u32 s8, $0x3;
	s6 =	sadd.s32 $0x20, s28  }
0xe: {  	s7 =	sadd.s32 $0x4E000, s29;
	s5 =	sadd.s32 s9, s8;
	s9 =	sadd.s32 s26, s9  }
0xf: {  	s8 =	smax.u32 s11, $0x1;
	s11 =	simm.s32 $0x10000;
	s31 =	sadd.s32 s14, s9  }
0x10: {  	s9 =	sadd.s32 $0x1FFFF000, s30;
	s14 =	simm.s32 $0x4;
	s10 =	sadd.s32 $0x40, s31  }
.LBB2_1:
0x11: {  	[tilespmem:s11], [sflag:$0x1] =	stream.linear.gather [hbm4b:s5+s2], $0x100, $0x38;
	[tilespmem:$0x10400] =	vst v63  }
0x12: {  	s18 =	smov.u32 s10;
	s19 =	smov.u32 s9;
	s20 =	simm.s32 $0x0  }
0x13: {  	[tilespmem:s12], [sflag:$0x2] =	stream.linear.gather [hbm4b:s6+s2], $0x100, $0x38;
	[tilespmem:$0x10400] =	vst v63  }
.LBB2_2:
0x14: {  	s21 =	smul.u32 $0xAB, s20;
	_ =	sdelay $0x1  }
0x15: {  	s21 =	sshrl.u32 s21, $0x9  }
0x16: {  	s21 =	sand.u32 $0x7F, s21  }
0x17: {  	s22 =	sand.u32 $0x1, s20;
	p0 =	slt.u32 s20, $0x2;
	s21 =	smul.u32 $0x3, s21  }
0x18: {  	s23 =	sor.u32 @!p0 $0x6, s22  }
0x19: {  	_ =	swait.ge @!p0 [sflag:s23], $0x8000;
	s21 =	ssub.s32 s20, s21  }
0x1a: {  	[sflag:s23] =	ssyncset.done @!p0 $0x0;
	s21 =	sand.u32 $0xFF, s21  }
0x1b: {  	[sflag:s23] =	ssyncadd.s32 @!p0 $0xFFFF8000;
	s30 =	sadd.s32 $0x1, s21  }
0x1c: {  	_ =	swait.ge [sflag:s30], $0x100  }
0x1d: {  	s31 =	sshll.u32 s22, $0xF;
	s21 =	sshll.u32 s21, $0x8;
	[sflag:s30] =	ssyncset.done $0x0  }
0x1e: {  	s25 =	sor.u32 $0x4, s22;
	s24 =	sor.u32 $0x10000, s21;
	[sflag:s30] =	ssyncadd.s32 $0xFFFFFF00  }
0x1f: {  	[tilespmem:s31], [sflag:s25] =	stream.indirect.gather [hbm4b:s3+s13], $0x80, s24, s13, $0xb8;
	[tilespmem:$0x10400] =	vst v63  }
0x20: {  	s23 =	sor.u32 $0x4000, s31;
	s21 =	sor.u32 $0x10080, s21  }
0x21: {  	[tilespmem:s23], [sflag:s25] =	stream.indirect.gather [hbm4b:s3+s13], $0x80, s21, s13, $0xb8;
	[tilespmem:$0x10400] =	vst v63  }
0x22: {  	p0 =	seq.s32 s20, $0x0;
	s21 =	sxor.u32 $0x1, s22  }
0x23: {  	s22 =	sor.u32 @!p0 $0x4, s21  }
0x24: {  	_ =	swait.ge @!p0 [sflag:s22], $0x4000  }
0x25: {  	[sflag:s22] =	ssyncset.done @!p0 $0x0  }
0x26: {  	[sflag:s22] =	ssyncadd.s32 @!p0 $0xFFFFC000  }
0x27: {  	p1 =	sgt.u32 @!p0 s20, $0x4C;
	s23 =	sand.u32 @!p0 $0x1FFFF000, s19;
	_ =	swait.ge @!p0 [sflag:s22], $0x4000  }
0x28: {  	s24 =	simm.s32 @!p0 $0x0;
	s23 =	sadd.s32 @!p0 s4, s23;
	[sflag:s22] =	ssyncset.done @!p0 $0x0  }
0x29: {  	[sflag:s22] =	ssyncadd.s32 @!p0 $0xFFFFC000;
	s22 =	sshll.u32 @!p0 s21, $0xF;
	s21 =	sor.u32 @!p0 $0x6, s21  }
0x2a: {  	[hbm4b:s23+s24] =	stream.linear.scatter @!p0 [tilespmem:s22], [sflag:s21], $0x8000, $0x38;
	[tilespmem:$0x10400] =	vst v63  }
0x2b: {  	p0 =	por p0, !p1  }
0x2c: {  	s21 =	sadd.s32 @p0 $0x2, s20  }
0x2d: {  	s22 =	smul.u32 @p0 $0xAB, s21;
	_ =	sdelay $0x1  }
0x2e: {  	s22 =	sshrl.u32 @p0 s22, $0x9  }
0x2f: {  	s22 =	sand.u32 @p0 $0x7F, s22  }
0x30: {  	s22 =	smul.u32 @p0 $0x3, s22;
	_ =	sdelay $0x1  }
0x31: {  	s21 =	ssub.s32 @p0 s21, s22  }
0x32: {  	s21 =	sand.u32 @p0 $0xFF, s21  }
0x33: {  	s22 =	sshll.u32 @p0 s21, $0x8  }
0x34: {  	s20 =	sadd.s32 $0x1, s20;
	s21 =	sadd.s32 @p0 $0x1, s21;
	s22 =	sor.u32 @p0 $0x10000, s22  }
0x35: {  	[tilespmem:s22], [sflag:s21] =	stream.linear.gather @p0 [hbm4b:s18+s2], $0x100, $0x38;
	[tilespmem:$0x10400] =	vst v63  }
0x36: {  	p0 =	sne.s32 s20, $0x4F  }
.Ltmp0:
0x37: {  	_ = 	snop;
	(pc) =	sbr.rel @p0 .LBB2_2-.Ltmp0, $2  }
0x38: {  	_ =	sdelay $0x2  }
0x39: {  	s19 =	sadd.s32 $0x1000, s19;
	s18 =	sadd.s32 $0x20, s18  }
0x3a: {  	_ =	swait.ge [sflag:s14], $0x4000  }
0x3b: {  	[sflag:s14] =	ssyncset.done $0x0  }
0x3c: {  	[sflag:s14] =	ssyncadd.s32 $0xFFFFC000  }
0x3d: {  	_ =	swait.ge [sflag:s14], $0x4000  }
0x3e: {  	[sflag:s14] =	ssyncset.done $0x0  }
0x3f: {  	s17 =	sadd.s32 $0x1, s17;
	[sflag:s14] =	ssyncadd.s32 $0xFFFFC000  }
0x40: {  	[hbm4b:s7+s2] =	stream.linear.scatter [tilespmem:s2], [sflag:$0x6], $0x8000, $0x38;
	[tilespmem:$0x10400] =	vst v63  }
0x41: {  	p0 =	sne.s32 s17, s8;
	_ =	swait.ge [sflag:s15], $0x8000  }
.Ltmp1:
0x42: {  	[sflag:s15] =	ssyncset.done $0x0;
	(pc) =	sbr.rel @p0 .LBB2_1-.Ltmp1, $4  }
0x43: {  	[sflag:s15] =	ssyncadd.s32 $0xFFFF8000  }
0x44: {  	_ =	swait.ge [sflag:s16], $0x8000  }
0x45: {  	[sflag:s16] =	ssyncset.done $0x0  }
0x46: {  	[sflag:s16] =	ssyncadd.s32 $0xFFFF8000  }
0x47: {  	_ =	sfence.sel $0x180000  }
0x48: {  	[bflag:$0x0] =	sbarrier.arrive $0xFFFF  }
0x49: {  	p0 =	sne.s32 s0, $0x0;
	_ =	strace $0x9000004D  }
0x4a: {  	s0 =	sadd.s32 @!p0 $0x100000, s1;
	[bflag:$0x2] =	sbarrier.arrive $0xFFFF  }
0x4b: {  	[sflag:s0] =	ssyncadd.tile.s32 @!p0 $0x1;
	_ =	shalt  }
.Lfunc_end2:
_tile_overlayer_lowered:
.L_overlay_start_2:
0x4c: {  	(tag) =	ssettag $0x2  }
0x4d: {  	s0 =	rddreg [dreg:$0x0];
	s2 =	stileid.u32  }
0x4e: {  	s1 =	rddreg [dreg:$0x1];
	p0 =	sne.s32 s2, $0x0  }
0x4f: {  	s3 =	rddreg [dreg:$0x2];
	[bflag:$0x3] =	sbarrier.arrive $0xFFFF;
	s2 =	simm.s32 @!p0 $0x1C08  }
0x50: {  	[timem:s3], [sflag:s2] =	dma.local @!p0 [hbm:s0], s1  }
0x51: {  	s0 =	simm.s32 @!p0 $0x8  }
0x52: {  	_ =	swait.ge @!p0 [sflag:s0], s1  }
0x53: {  	s1 =	ssub.s32 @!p0 $0x0, s1;
	[sflag:s0] =	ssyncset.done @!p0 $0x0  }
0x54: {  	[sflag:s0] =	ssyncadd.s32 @!p0 s1  }
0x55: {  	[bflag:$0x3] =	sbarrier.arrive $0xFFFF  }
0x56: {  	_ =	shalt  }

// kernel: kernel.34.cloned.1.call-start
scs
__scs_entry_jumppad:
0x0: {  	(pc) =	sbr.rel $0x88, $3  }
0x1: {  	(tag) =	ssettag $0x0;
	lr =	simm.s32 $0x1  }
0x2: {  	[smem:$0x3F88] =	sst lr;
	_ =	strace $0xD0000000  }
0x3: {  	_ = 	snop  }
0x4: {  	_ = 	snop  }
0x5: {  	_ = 	snop  }
0x6: {  	_ = 	snop  }
0x7: {  	_ = 	snop  }
__scs_overlays_trampoline_lowered:
0x8: {  	[smem:$0x3F97] =	sst s0  }
0x9: {  	[smem:$0x3F98] =	sst s1  }
0xa: {  	[smem:$0x3F99] =	sst s2  }
0xb: {  	[smem:$0x3F9A] =	sst s3  }
0xc: {  	[smem:$0x3F9B] =	sst s4  }
0xd: {  	[smem:$0x3F9C] =	sst s5  }
0xe: {  	[smem:$0x3F9D] =	sst s6  }
0xf: {  	[smem:$0x3F9E] =	sst s7  }
0x10: {  	[smem:$0x3F9F] =	sst s8  }
0x11: {  	[smem:$0x3FA0] =	sst s9;
	s0 =	simm.s32 @!p0 $0x0  }
0x12: {  	s1 =	sld [smem:$0x3F86];
	s0 =	simm.s32 @p0 $0x1  }
0x13: {  	[smem:$0x3FA1] =	sst s0;
	s0 =	simm.s32 @!p1 $0x0  }
0x14: {  	s2 =	sld [smem:$0x3F85];
	s0 =	simm.s32 @p1 $0x1  }
0x15: {  	[smem:$0x3FA2] =	sst s0;
	s0 =	simm.s32 @!p2 $0x0  }
0x16: {  	s3 =	sld [smem:$0x3FDB];
	s0 =	simm.s32 @p2 $0x1  }
0x17: {  	s4 =	simm.s32 $0x1BF5;
	[smem:$0x3FA4] =	sst s0  }
0x18: {  	s0 =	sld [smem:$0x3F87];
	_ =	swait.ge [sflag:s4], $0x0  }
0x19: {  	s7 =	sld [smem:$0x3F88]  }
0x1a: {  	s8 =	sadd.s32 $0xFFFFE003, lr  }
0x1b: {  	s9 =	sadd.s32 $0xFFFFFEF7, lr;
	s5 =	simm.s32 $0xFFFFFFFF;
	p2 =	slt.u32 s8, $0xFFFFF086  }
0x1c: {  	p1 =	slt.u32 s9, $0xF7A;
	s5 =	simm.s32 @!p2 $0x0  }
0x1d: {  	s5 =	simm.s32 @p1 $0x1;
	p0 =	seq.s32 s7, s2  }
0x1e: {  	s7 =	smul.u32 @!p0 $0xF7A, s2;
	p2 =	seq.s32 @!p0 s5, $0x0  }
0x1f: {  	s9 =	smul.u32 $0xF7A, s1;
	s8 =	simm.s32 @!p0 $0x1BF5;
	p2 =	por !p2, p0  }
0x20: {  	[sflag:s8] =	ssyncset.s32 @!p0 $0xFFFFF086;
	s6 =	sadd.s32 @!p0 s3, s7;
	s7 =	simm.s32 @!p0 $0x108  }
0x21: {  	s3 =	sadd.s32 s3, s9;
	s6 =	sadd.s32 @!p0 $0x88, s6;
	s7 =	simm.s32 @p2 $0x1082  }
0x22: {  	[simem:s7], [sflag:s8] =	dma.local @!p0 [hbm:s6], $0xF7A  }
0x23: {  	s9 =	sor.u32 $0xD0000000, s2;
	s6 =	simm.s32 $0x108;
	_ =	swait.ge @!p0 [sflag:s8], $0x0  }
0x24: {  	s3 =	sadd.s32 $0x88, s3;
	s6 =	simm.s32 @!p1 $0x1082;
	[sflag:s4] =	ssyncset.s32 $0xFFFFF086  }
0x25: {  	[simem:s6], [sflag:s4] =	dma.local [hbm:s3], $0xF7A  }
0x26: {  	[smem:$0x3F88] =	sst s1;
	(tag) =	ssettag s2;
	_ =	strace s9  }
0x27: {  	s1 =	sld [smem:$0x3F98]  }
0x28: {  	s2 =	sld [smem:$0x3F99]  }
0x29: {  	s4 =	sld [smem:$0x3F9B]  }
0x2a: {  	p0 =	seq.s32 s5, $0x0;
	s5 =	sld [smem:$0x3F9C]  }
0x2b: {  	s6 =	sld [smem:$0x3F9D]  }
0x2c: {  	s7 =	sld [smem:$0x3F9E]  }
0x2d: {  	s3 =	simm.s32 $0x108;
	s8 =	sld [smem:$0x3F9F]  }
0x2e: {  	s3 =	simm.s32 @!p0 $0x1082;
	s9 =	sld [smem:$0x3FA0]  }
0x2f: {  	lr =	sadd.s32 s0, s3;
	s0 =	sld [smem:$0x3F97]  }
0x30: {  	s3 =	sld [smem:$0x3F9A]  }
0x31: {  	[smem:$0x3FA3] =	sst s10  }
0x32: {  	s10 =	sld [smem:$0x3FA1];
	_ =	sdelay $0x3  }
0x33: {  	p0 =	seq.s32 s10, $0x1;
	s10 =	sld [smem:$0x3FA3];
	_ =	sdelay $0x3  }
0x34: {  	[smem:$0x3FA3] =	sst s10  }
0x35: {  	s10 =	sld [smem:$0x3FA2];
	_ =	sdelay $0x3  }
0x36: {  	p1 =	seq.s32 s10, $0x1;
	s10 =	sld [smem:$0x3FA3];
	_ =	sdelay $0x3  }
0x37: {  	[smem:$0x3FA3] =	sst s10  }
0x38: {  	s10 =	sld [smem:$0x3FA4]  }
0x39: {  	_ = 	snop;
	(pc) =	sbr.ind lr, $3  }
0x3a: {  	_ = 	snop  }
0x3b: {  	_ = 	snop  }
0x3c: {  	p2 =	seq.s32 s10, $0x1;
	s10 =	sld [smem:$0x3FA3]  }
0x3d: {  	_ =	shalt  }
0x3e: {  	_ =	shalt  }
0x3f: {  	_ =	shalt  }
0x40: {  	_ =	shalt  }
0x41: {  	_ =	shalt  }
0x42: {  	_ =	shalt  }
0x43: {  	_ =	shalt  }
0x44: {  	_ =	shalt  }
0x45: {  	_ =	shalt  }
0x46: {  	_ =	shalt  }
0x47: {  	_ =	shalt  }
0x48: {  	_ =	shalt  }
0x49: {  	_ =	shalt  }
0x4a: {  	_ =	shalt  }
0x4b: {  	_ =	shalt  }
0x4c: {  	_ =	shalt  }
0x4d: {  	_ =	shalt  }
0x4e: {  	_ =	shalt  }
0x4f: {  	_ =	shalt  }
0x50: {  	_ =	shalt  }
0x51: {  	_ =	shalt  }
0x52: {  	_ =	shalt  }
0x53: {  	_ =	shalt  }
0x54: {  	_ =	shalt  }
0x55: {  	_ =	shalt  }
0x56: {  	_ =	shalt  }
0x57: {  	_ =	shalt  }
0x58: {  	_ =	shalt  }
0x59: {  	_ =	shalt  }
0x5a: {  	_ =	shalt  }
0x5b: {  	_ =	shalt  }
0x5c: {  	_ =	shalt  }
0x5d: {  	_ =	shalt  }
0x5e: {  	_ =	shalt  }
0x5f: {  	_ =	shalt  }
0x60: {  	_ =	shalt  }
0x61: {  	_ =	shalt  }
0x62: {  	_ =	shalt  }
0x63: {  	_ =	shalt  }
0x64: {  	_ =	shalt  }
0x65: {  	_ =	shalt  }
0x66: {  	_ =	shalt  }
0x67: {  	_ =	shalt  }
0x68: {  	_ =	shalt  }
0x69: {  	_ =	shalt  }
0x6a: {  	_ =	shalt  }
0x6b: {  	_ =	shalt  }
0x6c: {  	_ =	shalt  }
0x6d: {  	_ =	shalt  }
0x6e: {  	_ =	shalt  }
0x6f: {  	_ =	shalt  }
0x70: {  	_ =	shalt  }
0x71: {  	_ =	shalt  }
0x72: {  	_ =	shalt  }
0x73: {  	_ =	shalt  }
0x74: {  	_ =	shalt  }
0x75: {  	_ =	shalt  }
0x76: {  	_ =	shalt  }
0x77: {  	_ =	shalt  }
0x78: {  	_ =	shalt  }
0x79: {  	_ =	shalt  }
0x7a: {  	_ =	shalt  }
0x7b: {  	_ =	shalt  }
0x7c: {  	_ =	shalt  }
0x7d: {  	_ =	shalt  }
0x7e: {  	_ =	shalt  }
0x7f: {  	_ =	shalt  }
0x80: {  	_ =	shalt  }
0x81: {  	_ =	shalt  }
0x82: {  	_ =	shalt  }
0x83: {  	_ =	shalt  }
0x84: {  	_ =	shalt  }
0x85: {  	_ =	shalt  }
0x86: {  	_ =	shalt  }
0x87: {  	_ =	shalt  }
.Lfunc_end0:
.L_simem_size_0:
called_computation.3_lowered:
.L_overlay_start_0:
0x88: {  	s2 =	sld [smem:$0x3FD9]  }
0x89: {  	s3 =	sld [smem:$0x3FFE];
	_ =	sdelay $0x1  }
0x8a: {  	s1 =	srdreg.scid  }
0x8b: {  	s0 =	sand.u32 $0x1, s1  }
0x8c: {  	s17 =	sshll.u32 s0, $0xA;
	s2 =	sadd.s32 s3, s2  }
0x8d: {  	s2 =	sadd.s32 s2, s17  }
0x8e: {  	[smem:$0x3FAF] =	sst s2  }
0x8f: {  	_ = 	snop  }
0x90: {  	s2 =	sld [smem:$0x3FC7];
	(tm) =	ssettm $0x1  }
0x91: {  	s18 =	sld [smem:$0x3FFB];
	_ =	sdelay $0x3  }
0x92: {  	_ =	strace s18  }
0x93: {  	s3 =	sld [smem:$0x3FFC];
	_ =	sdelay $0x3  }
0x94: {  	_ =	strace s3  }
0x95: {  	s3 =	sld [smem:$0x3FFD];
	_ =	sdelay $0x3  }
0x96: {  	_ =	strace s3  }
0x97: {  	_ =	strace $0x8FFFFFFF  }
0x98: {  	s19 =	sld [smem:$0x3FDB];
	_ =	sdelay $0x1  }
0x99: {  	s4 =	simm.s32 $_scs_section_size  }
0x9a: {  	s5 =	simm.s32 $_size__tile_overlayer_lowered;
	s6 =	simm.s32 $_tile_overlayer_lowered  }
0x9b: {  	s22 =	simm.s32 $0x1BFF;
	s21 =	sshll.u32 s6, $0x1;
	s3 =	sadd.s32 s4, s19  }
0x9c: {  	s7 =	simm.s32 $0x0;
	s20 =	sshll.u32 s5, $0x1;
	s5 =	sadd.s32 s21, s3  }
0x9d: {  	[timem:s7], [sflag:s22] =	dma.local [hbm:s5], s20  }
0x9e: {  	_ =	swait.ge [sflag:s22], s20  }
0x9f: {  	s4 =	ssub.s32 $0x0, s20;
	[sflag:s22] =	ssyncset.done $0x0  }
0xa0: {  	[sflag:s22] =	ssyncadd.s32 s4;
	_ =	sdelay $0x1  }
0xa1: {  	s23 =	simm.s32 $0x1B8B  }
0xa2: {  	_ =	swait.ge [sflag:s23], $0x1  }
0xa3: {  	[sflag:s23] =	ssyncset.done $0x0  }
0xa4: {  	s25 =	simm.s32 $0x1B8E;
	s24 =	sld [smem:$0x3FFE];
	[sflag:s23] =	ssyncadd.s32 $0xFFFFFFFF  }
0xa5: {  	s26 =	simm.s32 $execute0_lowered;
	[smem:$0x3FD2] =	sst s25  }
0xa6: {  	s5 =	sshll.u32 s26, $0x1;
	_ =	strace $0x8000004F;
	[dreg:$0x1] =	wrdreg $0xFFFFFFFF  }
0xa7: {  	s28 =	simm.s32 $_size_execute0_lowered;
	s3 =	sadd.s32 s3, s5;
	[dreg:$0x0] =	wrdreg $0x0  }
0xa8: {  	s5 =	sshll.u32 s28, $0x1;
	[dreg:$0x2] =	wrdreg s3  }
0xa9: {  	[dreg:$0x3] =	wrdreg s5  }
0xaa: {  	[dreg:$0x4] =	wrdreg $0xC0  }
0xab: {  	_ =	task [dreg:s7], $0x5FFFF  }
0xac: {  	[dreg:$0x1] =	wrdreg $0xFFFFFFFF  }
0xad: {  	[dreg:$0x0] =	wrdreg $0x60  }
0xae: {  	[dreg:$0x2] =	wrdreg s24  }
0xaf: {  	[dreg:$0x3] =	wrdreg s2  }
0xb0: {  	[dreg:$0x4] =	wrdreg $0x0  }
0xb1: {  	[dreg:$0x5] =	wrdreg $0x9  }
0xb2: {  	_ =	task.clear_ibuf [dreg:s7], $0x6FFFF;
	_ =	strace $0x9000004F  }
0xb3: {  	s29 =	simm.s32 $0x9;
	_ =	strace $0x80000051  }
0xb4: {  	_ =	swait.ge [sflag:s29], $0x1  }
0xb5: {  	[sflag:s29] =	ssyncadd.s32 $0xFFFFFFFF  }
0xb6: {  	_ =	strace $0x90000051  }
0xb7: {  	_ =	sfence  }
0xb8: {  	s30 =	sld [smem:$0x0];
	_ =	sdelay $0x2  }
0xb9: {  	s31 =	sshll.u32 s1, $0xD;
	s1 =	sshrl.u32 s1, $0x2  }
0xba: {  	s3 =	sand.u32 $0x4000, s31;
	s1 =	sadd.s32 s1, s30  }
0xbb: {  	s0 =	sor.u32 s3, s0;
	s1 =	sshll.u32 s1, $0x11  }
0xbc: {  	s0 =	sor.u32 s1, s0  }
0xbd: {  	s0 =	sadd.s32 $0x8F2B, s0  }
0xbe: {  	[sflag:s0] =	ssyncadd.remote.s32 $0x1  }
0xbf: {  	_ =	sfence.sel $0xFFFF  }
0xc0: {  	[dreg:$0x0] =	wrdreg $0xFFFFFFFF;
	(pc) =	sbr.abs _section_cstart, $3  }
0xc1: {  	[dreg:$0x1] =	wrdreg $0xFFFFFFFF  }
0xc2: {  	_ =	task.clear_ibuf [dreg:s7], $0x2FFFF;
	_ =	strace $0x9FFFFFFF  }
0xc3: {  	(tm) =	ssettm $0x7FFFFFFF  }
tec
execute0_lowered:
.L_overlay_start_1:
0x0: {  	(tag) =	ssettag $0x1  }
0x1: {  	s4 =	rddreg [dreg:$0x0]  }
0x2: {  	s10 =	rddreg [dreg:$0x1]  }
0x3: {  	s1 =	rddreg [dreg:$0x2];
	s6 =	srdreg.scid  }
0x4: {  	s0 =	rddreg [dreg:$0x3];
	s3 =	simm.s32 $0x0;
	s2 =	stileid.u32  }
0x5: {  	s5 =	sand.u32 $0x1, s6;
	[smem:$0x7FF] =	sst s3;
	s8 =	smul.u32 $0x14000, s2  }
0x6: {  	s11 =	smul.u32 $0x50000, s2;
	s28 =	sshll.u32 s2, $0x5;
	s29 =	sshll.u32 s6, $0x9  }
0x7: {  	s30 =	sshll.u32 s2, $0xC;
	s7 =	smul.u32 $0x140000, s5;
	_ =	strace $0x80000050  }
0x8: {  	s9 =	sshll.u32 s5, $0x10;
	s24 =	ssub.s32 $0x2, s5;
	s13 =	sshll.u32 s5, $0x4  }
0x9: {  	s14 =	sand.u32 $0x60, s28;
	s12 =	sadd.s32 s9, s4;
	s25 =	sshrl.u32 s24, $0x1  }
0xa: {  	s26 =	sshrl.u32 s11, $0x2;
	s9 =	sor.u32 s28, s29;
	s13 =	sor.u32 s13, s2  }
0xb: {  	s7 =	sadd.s32 s8, s7;
	s8 =	ssub.s32 s24, s25;
	s15 =	sand.u32 $0x380, s9  }
0xc: {  	s11 =	sadd.s32 s30, s12;
	s7 =	sshrl.u32 s7, $0x3;
	s6 =	smax.u32 s8, $0x1  }
0xd: {  	s31 =	sadd.s32 s15, s10;
	s11 =	sadd.s32 $0xC0000, s11;
	s15 =	simm.s32 $0x1  }
0xe: {  	s7 =	sadd.s32 s7, s4;
	s4 =	sadd.s32 s26, s1;
	s12 =	sadd.s32 s14, s31  }
0xf: {  	s14 =	simm.s32 $0x14000;
	s5 =	sadd.s32 $0x5A2000, s7;
	s7 =	sadd.s32 $0x4000, s4  }
0x10: {  	v0 =	vimm.f32 $0.0e+00;
	s8 =	sadd.s32 $0x8000, s4;
	s9 =	sadd.s32 $0xC000, s4;
	s10 =	sadd.s32 $0x10000, s4  }
.LBB2_1:
0x11: {  	s16 =	simm.s32 $0x0;
	s17 =	simm.s32 $0x200  }
.LBB2_2:
0x12: {  	p0 =	sne.s32 s17, $0xFE00;
	[tilespmem:s16+$0x14070] =	vst v0  }
0x13: {  	[tilespmem:s16+$0x14000] =	vst v0  }
0x14: {  	[tilespmem:s16+$0x14010] =	vst v0  }
.Ltmp0:
0x15: {  	[tilespmem:s16+$0x14020] =	vst v0;
	(pc) =	sbr.rel @p0 .LBB2_2-.Ltmp0, $4  }
0x16: {  	[tilespmem:s16+$0x14030] =	vst v0  }
0x17: {  	[tilespmem:s16+$0x14040] =	vst v0  }
0x18: {  	[tilespmem:s16+$0x14050] =	vst v0  }
0x19: {  	[tilespmem:s16+$0x14060] =	vst v0;
	s16 =	sshra.s32 s17, $0x2;
	s17 =	sadd.s32 $0x200, s17  }
0x1a: {  	[tilespmem:s16+$0x14070] =	vst v0  }
0x1b: {  	[tilespmem:s16+$0x14000] =	vst v0  }
0x1c: {  	[tilespmem:s16+$0x14010] =	vst v0  }
0x1d: {  	[tilespmem:s16+$0x14020] =	vst v0  }
0x1e: {  	[tilespmem:s16+$0x14030] =	vst v0  }
0x1f: {  	[tilespmem:s16+$0x14040] =	vst v0  }
0x20: {  	[tilespmem:s16+$0x14050] =	vst v0  }
0x21: {  	[tilespmem:s16+$0x14060] =	vst v0  }
0x22: {  	[spmem:s4] =	stream.linear.scatter [tilespmem:s14], [sflag:$0x1], $0x4000, $0x38;
	[tilespmem:$0x1C100] =	vst v63  }
0x23: {  	_ =	swait.ge [sflag:s15], $0x4000  }
0x24: {  	[sflag:s15] =	ssyncset.done $0x0  }
0x25: {  	[sflag:s15] =	ssyncadd.s32 $0xFFFFC000  }
0x26: {  	[spmem:s7] =	stream.linear.scatter [tilespmem:s14], [sflag:$0x1], $0x4000, $0x38;
	[tilespmem:$0x1C100] =	vst v63  }
0x27: {  	_ =	swait.ge [sflag:s15], $0x4000  }
0x28: {  	[sflag:s15] =	ssyncset.done $0x0  }
0x29: {  	[sflag:s15] =	ssyncadd.s32 $0xFFFFC000  }
0x2a: {  	[spmem:s8] =	stream.linear.scatter [tilespmem:s14], [sflag:$0x1], $0x4000, $0x38;
	[tilespmem:$0x1C100] =	vst v63  }
0x2b: {  	_ =	swait.ge [sflag:s15], $0x4000  }
0x2c: {  	[sflag:s15] =	ssyncset.done $0x0  }
0x2d: {  	[sflag:s15] =	ssyncadd.s32 $0xFFFFC000  }
0x2e: {  	[spmem:s9] =	stream.linear.scatter [tilespmem:s14], [sflag:$0x1], $0x4000, $0x38;
	[tilespmem:$0x1C100] =	vst v63  }
0x2f: {  	_ =	swait.ge [sflag:s15], $0x4000  }
0x30: {  	[sflag:s15] =	ssyncset.done $0x0  }
0x31: {  	[sflag:s15] =	ssyncadd.s32 $0xFFFFC000  }
0x32: {  	[spmem:s10] =	stream.linear.scatter [tilespmem:s14], [sflag:$0x1], $0x4000, $0x38;
	[tilespmem:$0x1C100] =	vst v63  }
0x33: {  	s30 =	sadd.s32 $0x0, s13;
	_ =	swait.ge [sflag:s15], $0x4000  }
0x34: {  	p0 =	sgt.u32 s30, $0x4E1;
	[sflag:s15] =	ssyncset.done $0x0  }
0x35: {  	s16 =	simm.s32 @!p0 $0x0;
	[sflag:s15] =	ssyncadd.s32 $0xFFFFC000  }
0x36: {  	s17 =	simm.s32 @!p0 $0x14000;
	s18 =	simm.s32 @!p0 $0x2;
	[bflag:$0x0] =	sbarrier.arrive $0xFFFF  }
0x37: {  	[tilespmem:s17], [sflag:$0x2] =	stream.linear.gather @!p0 [hbm4b:s11+s16], $0x8000, $0x38;
	[tilespmem:$0x1C100] =	vst v63  }
0x38: {  	_ =	swait.ge @!p0 [sflag:s18], $0x8000;
	p0 =	por p0, p0  }
0x39: {  	[sflag:s18] =	ssyncset.done @!p0 $0x0  }
0x3a: {  	s19 =	simm.s32 @!p0 $0x1C000;
	[sflag:s18] =	ssyncadd.s32 @!p0 $0xFFFF8000  }
0x3b: {  	[tilespmem:s19], [sflag:$0x2] =	stream.linear.gather @!p0 [hbm4b:s12+s16], $0x100, $0x38;
	[tilespmem:$0x1C100] =	vst v63  }
0x3c: {  	_ =	swait.ge @!p0 [sflag:s18], $0x100  }
0x3d: {  	[sflag:s18] =	ssyncset.done @!p0 $0x0  }
0x3e: {  	s16 =	simm.s32 @!p0 $0x80;
	[sflag:s18] =	ssyncadd.s32 @!p0 $0xFFFFFF00  }
0x3f: {  	[spmem:s1] =	stream.indirect.scatter.add.f32 @!p0 [tilespmem:s17], [sflag:$0x2], $0x80, s19, s16, $0xb8;
	[tilespmem:$0x1C100] =	vst v63  }
0x40: {  	_ =	swait.ge @!p0 [sflag:s18], $0x4000  }
0x41: {  	s31 =	sadd.s32 $0x20, s13;
	[sflag:s18] =	ssyncset.done @!p0 $0x0  }
0x42: {  	s19 =	simm.s32 @!p0 $0x18000;
	[sflag:s18] =	ssyncadd.s32 @!p0 $0xFFFFC000;
	s18 =	simm.s32 @!p0 $0x1C080  }
0x43: {  	[spmem:s1] =	stream.indirect.scatter.add.f32 @!p0 [tilespmem:s19], [sflag:$0x1], $0x80, s18, s16, $0xb8;
	[tilespmem:$0x1C100] =	vst v63  }
0x44: {  	p2 =	sgt.u32 s31, $0x4E1;
	s17 =	simm.s32 $0x40;
	s19 =	simm.s32 @!p0 $0x1  }
0x45: {  	s16 =	sadd.s32 $0x400, s12;
	s18 =	sadd.s32 $0x20000, s11;
	_ =	swait.ge @!p0 [sflag:s19], $0x4000  }
.LBB2_4:
0x46: {  	s20 =	simm.s32 @!p2 $0x0  }
0x47: {  	s21 =	simm.s32 @!p2 $0x14000;
	[sflag:s19] =	ssyncset.done @!p0 $0x0;
	s22 =	smov.u32 s17  }
0x48: {  	s17 =	sadd.s32 $0x20, s17;
	s23 =	simm.s32 @!p2 $0x2;
	[sflag:s19] =	ssyncadd.s32 @!p0 $0xFFFFC000  }
0x49: {  	[tilespmem:s21], [sflag:$0x2] =	stream.linear.gather @!p2 [hbm4b:s18+s20], $0x8000, $0x38;
	[tilespmem:$0x1C100] =	vst v63  }
0x4a: {  	p1 =	sne.s32 s17, $0x500;
	p0 =	por p2, p2;
	_ =	swait.ge @!p2 [sflag:s23], $0x8000  }
0x4b: {  	[sflag:s23] =	ssyncset.done @!p0 $0x0  }
0x4c: {  	s19 =	simm.s32 @!p0 $0x1C000;
	[sflag:s23] =	ssyncadd.s32 @!p0 $0xFFFF8000  }
0x4d: {  	[tilespmem:s19], [sflag:$0x2] =	stream.linear.gather @!p0 [hbm4b:s16+s20], $0x100, $0x38;
	[tilespmem:$0x1C100] =	vst v63  }
0x4e: {  	_ =	swait.ge @!p0 [sflag:s23], $0x100  }
0x4f: {  	[sflag:s23] =	ssyncset.done @!p0 $0x0  }
0x50: {  	s20 =	simm.s32 @!p0 $0x80;
	[sflag:s23] =	ssyncadd.s32 @!p0 $0xFFFFFF00  }
0x51: {  	[spmem:s1] =	stream.indirect.scatter.add.f32 @!p0 [tilespmem:s21], [sflag:$0x2], $0x80, s19, s20, $0xb8;
	[tilespmem:$0x1C100] =	vst v63  }
.Ltmp1:
0x52: {  	s16 =	sadd.s32 $0x400, s16;
	_ =	swait.ge @!p0 [sflag:s23], $0x4000;
	(pc) =	sbr.rel @p1 .LBB2_4-.Ltmp1, $4  }
0x53: {  	s21 =	sadd.s32 s22, s13;
	s19 =	simm.s32 @!p0 $0x1;
	[sflag:s23] =	ssyncset.done @!p0 $0x0  }
0x54: {  	s22 =	simm.s32 @!p0 $0x1C080;
	[sflag:s23] =	ssyncadd.s32 @!p0 $0xFFFFC000;
	s23 =	simm.s32 @!p0 $0x18000  }
0x55: {  	[spmem:s1] =	stream.indirect.scatter.add.f32 @!p0 [tilespmem:s23], [sflag:$0x1], $0x80, s22, s20, $0xb8;
	[tilespmem:$0x1C100] =	vst v63  }
0x56: {  	s18 =	sadd.s32 $0x20000, s18;
	p2 =	sgt.u32 s21, $0x4E1;
	_ =	swait.ge @!p0 [sflag:s19], $0x4000  }
0x57: {  	s17 =	simm.s32 @!p2 $0x0;
	[sflag:s19] =	ssyncset.done @!p0 $0x0  }
0x58: {  	s20 =	simm.s32 @!p2 $0x14000;
	s21 =	simm.s32 @!p2 $0x2;
	[sflag:s19] =	ssyncadd.s32 @!p0 $0xFFFFC000  }
0x59: {  	[tilespmem:s20], [sflag:$0x2] =	stream.linear.gather @!p2 [hbm4b:s18+s17], $0x8000, $0x38;
	[tilespmem:$0x1C100] =	vst v63  }
0x5a: {  	p0 =	por p2, p2;
	_ =	swait.ge @!p2 [sflag:s21], $0x8000  }
0x5b: {  	[sflag:s21] =	ssyncset.done @!p0 $0x0  }
0x5c: {  	s18 =	simm.s32 @!p0 $0x1C000;
	[sflag:s21] =	ssyncadd.s32 @!p0 $0xFFFF8000  }
0x5d: {  	[tilespmem:s18], [sflag:$0x2] =	stream.linear.gather @!p0 [hbm4b:s16+s17], $0x100, $0x38;
	[tilespmem:$0x1C100] =	vst v63  }
0x5e: {  	_ =	swait.ge @!p0 [sflag:s21], $0x100  }
0x5f: {  	[sflag:s21] =	ssyncset.done @!p0 $0x0  }
0x60: {  	s16 =	simm.s32 @!p0 $0x80;
	[sflag:s21] =	ssyncadd.s32 @!p0 $0xFFFFFF00  }
0x61: {  	[spmem:s1] =	stream.indirect.scatter.add.f32 @!p0 [tilespmem:s20], [sflag:$0x2], $0x80, s18, s16, $0xb8;
	[tilespmem:$0x1C100] =	vst v63  }
0x62: {  	_ =	swait.ge @!p0 [sflag:s21], $0x4000  }
0x63: {  	s19 =	simm.s32 @!p0 $0x18000;
	[sflag:s21] =	ssyncset.done @!p0 $0x0  }
0x64: {  	s17 =	simm.s32 @!p0 $0x1;
	s18 =	simm.s32 @!p0 $0x1C080;
	[sflag:s21] =	ssyncadd.s32 @!p0 $0xFFFFC000  }
0x65: {  	[spmem:s1] =	stream.indirect.scatter.add.f32 @!p0 [tilespmem:s19], [sflag:$0x1], $0x80, s18, s16, $0xb8;
	[tilespmem:$0x1C100] =	vst v63  }
0x66: {  	_ =	swait.ge @!p0 [sflag:s17], $0x4000  }
0x67: {  	s30 =	sshll.u32 s2, $0x6;
	s3 =	sadd.s32 $0x1, s3;
	[sflag:s17] =	ssyncset.done @!p0 $0x0  }
0x68: {  	s31 =	sshrl.u32 s4, $0x3;
	[sflag:s17] =	ssyncadd.s32 @!p0 $0xFFFFC000;
	p0 =	sne.s32 s3, s6  }
.Ltmp2:
0x69: {  	s16 =	sor.u32 $0x1C01, s30;
	[bflag:$0x0] =	sbarrier.arrive $0xFFFF;
	(pc) =	sbr.rel @p0 .LBB2_1-.Ltmp2, $4  }
0x6a: {  	[hbm:s5], [sflag:s16] =	dma.local [spmem:s31], $0x2800  }
0x6b: {  	_ =	swait.ge [sflag:s15], $0x2800  }
0x6c: {  	[sflag:s15] =	ssyncset.done $0x0  }
0x6d: {  	[sflag:s15] =	ssyncadd.s32 $0xFFFFD800  }
0x6e: {  	_ =	sfence.sel $0x180000  }
0x6f: {  	[bflag:$0x0] =	sbarrier.arrive $0xFFFF  }
0x70: {  	p0 =	sne.s32 s2, $0x0;
	_ =	strace $0x90000050  }
0x71: {  	s0 =	sadd.s32 @!p0 $0x100000, s0;
	[bflag:$0x2] =	sbarrier.arrive $0xFFFF  }
0x72: {  	[sflag:s0] =	ssyncadd.tile.s32 @!p0 $0x1;
	_ =	shalt  }
.Lfunc_end2:
_tile_overlayer_lowered:
.L_overlay_start_2:
0x73: {  	(tag) =	ssettag $0x2  }
0x74: {  	s0 =	rddreg [dreg:$0x0];
	s2 =	stileid.u32  }
0x75: {  	s1 =	rddreg [dreg:$0x1];
	p0 =	sne.s32 s2, $0x0  }
0x76: {  	s3 =	rddreg [dreg:$0x2];
	[bflag:$0x3] =	sbarrier.arrive $0xFFFF;
	s2 =	simm.s32 @!p0 $0x1C01  }
0x77: {  	[timem:s3], [sflag:s2] =	dma.local @!p0 [hbm:s0], s1  }
0x78: {  	s0 =	simm.s32 @!p0 $0x1  }
0x79: {  	_ =	swait.ge @!p0 [sflag:s0], s1  }
0x7a: {  	s1 =	ssub.s32 @!p0 $0x0, s1;
	[sflag:s0] =	ssyncset.done @!p0 $0x0  }
0x7b: {  	[sflag:s0] =	ssyncadd.s32 @!p0 s1  }
0x7c: {  	[bflag:$0x3] =	sbarrier.arrive $0xFFFF  }
0x7d: {  	_ =	shalt  }

// kernel: kernel.37.cloned.1.call-start
scs
__scs_entry_jumppad:
0x0: {  	(pc) =	sbr.rel $0x88, $3  }
0x1: {  	(tag) =	ssettag $0x0;
	lr =	simm.s32 $0x1  }
0x2: {  	[smem:$0x3F88] =	sst lr;
	_ =	strace $0xD0000000  }
0x3: {  	_ = 	snop  }
0x4: {  	_ = 	snop  }
0x5: {  	_ = 	snop  }
0x6: {  	_ = 	snop  }
0x7: {  	_ = 	snop  }
__scs_overlays_trampoline_lowered:
0x8: {  	[smem:$0x3F97] =	sst s0  }
0x9: {  	[smem:$0x3F98] =	sst s1  }
0xa: {  	[smem:$0x3F99] =	sst s2  }
0xb: {  	[smem:$0x3F9A] =	sst s3  }
0xc: {  	[smem:$0x3F9B] =	sst s4  }
0xd: {  	[smem:$0x3F9C] =	sst s5  }
0xe: {  	[smem:$0x3F9D] =	sst s6  }
0xf: {  	[smem:$0x3F9E] =	sst s7  }
0x10: {  	[smem:$0x3F9F] =	sst s8  }
0x11: {  	[smem:$0x3FA0] =	sst s9;
	s0 =	simm.s32 @!p0 $0x0  }
0x12: {  	s1 =	sld [smem:$0x3F86];
	s0 =	simm.s32 @p0 $0x1  }
0x13: {  	[smem:$0x3FA1] =	sst s0;
	s0 =	simm.s32 @!p1 $0x0  }
0x14: {  	s2 =	sld [smem:$0x3F85];
	s0 =	simm.s32 @p1 $0x1  }
0x15: {  	[smem:$0x3FA2] =	sst s0;
	s0 =	simm.s32 @!p2 $0x0  }
0x16: {  	s3 =	sld [smem:$0x3FDB];
	s0 =	simm.s32 @p2 $0x1  }
0x17: {  	s4 =	simm.s32 $0x1BF5;
	[smem:$0x3FA4] =	sst s0  }
0x18: {  	s0 =	sld [smem:$0x3F87];
	_ =	swait.ge [sflag:s4], $0x0  }
0x19: {  	s7 =	sld [smem:$0x3F88]  }
0x1a: {  	s8 =	sadd.s32 $0xFFFFE003, lr  }
0x1b: {  	s9 =	sadd.s32 $0xFFFFFEF7, lr;
	s5 =	simm.s32 $0xFFFFFFFF;
	p2 =	slt.u32 s8, $0xFFFFF086  }
0x1c: {  	p1 =	slt.u32 s9, $0xF7A;
	s5 =	simm.s32 @!p2 $0x0  }
0x1d: {  	s5 =	simm.s32 @p1 $0x1;
	p0 =	seq.s32 s7, s2  }
0x1e: {  	s7 =	smul.u32 @!p0 $0xF7A, s2;
	p2 =	seq.s32 @!p0 s5, $0x0  }
0x1f: {  	s9 =	smul.u32 $0xF7A, s1;
	s8 =	simm.s32 @!p0 $0x1BF5;
	p2 =	por !p2, p0  }
0x20: {  	[sflag:s8] =	ssyncset.s32 @!p0 $0xFFFFF086;
	s6 =	sadd.s32 @!p0 s3, s7;
	s7 =	simm.s32 @!p0 $0x108  }
0x21: {  	s3 =	sadd.s32 s3, s9;
	s6 =	sadd.s32 @!p0 $0x88, s6;
	s7 =	simm.s32 @p2 $0x1082  }
0x22: {  	[simem:s7], [sflag:s8] =	dma.local @!p0 [hbm:s6], $0xF7A  }
0x23: {  	s9 =	sor.u32 $0xD0000000, s2;
	s6 =	simm.s32 $0x108;
	_ =	swait.ge @!p0 [sflag:s8], $0x0  }
0x24: {  	s3 =	sadd.s32 $0x88, s3;
	s6 =	simm.s32 @!p1 $0x1082;
	[sflag:s4] =	ssyncset.s32 $0xFFFFF086  }
0x25: {  	[simem:s6], [sflag:s4] =	dma.local [hbm:s3], $0xF7A  }
0x26: {  	[smem:$0x3F88] =	sst s1;
	(tag) =	ssettag s2;
	_ =	strace s9  }
0x27: {  	s1 =	sld [smem:$0x3F98]  }
0x28: {  	s2 =	sld [smem:$0x3F99]  }
0x29: {  	s4 =	sld [smem:$0x3F9B]  }
0x2a: {  	p0 =	seq.s32 s5, $0x0;
	s5 =	sld [smem:$0x3F9C]  }
0x2b: {  	s6 =	sld [smem:$0x3F9D]  }
0x2c: {  	s7 =	sld [smem:$0x3F9E]  }
0x2d: {  	s3 =	simm.s32 $0x108;
	s8 =	sld [smem:$0x3F9F]  }
0x2e: {  	s3 =	simm.s32 @!p0 $0x1082;
	s9 =	sld [smem:$0x3FA0]  }
0x2f: {  	lr =	sadd.s32 s0, s3;
	s0 =	sld [smem:$0x3F97]  }
0x30: {  	s3 =	sld [smem:$0x3F9A]  }
0x31: {  	[smem:$0x3FA3] =	sst s10  }
0x32: {  	s10 =	sld [smem:$0x3FA1];
	_ =	sdelay $0x3  }
0x33: {  	p0 =	seq.s32 s10, $0x1;
	s10 =	sld [smem:$0x3FA3];
	_ =	sdelay $0x3  }
0x34: {  	[smem:$0x3FA3] =	sst s10  }
0x35: {  	s10 =	sld [smem:$0x3FA2];
	_ =	sdelay $0x3  }
0x36: {  	p1 =	seq.s32 s10, $0x1;
	s10 =	sld [smem:$0x3FA3];
	_ =	sdelay $0x3  }
0x37: {  	[smem:$0x3FA3] =	sst s10  }
0x38: {  	s10 =	sld [smem:$0x3FA4]  }
0x39: {  	_ = 	snop;
	(pc) =	sbr.ind lr, $3  }
0x3a: {  	_ = 	snop  }
0x3b: {  	_ = 	snop  }
0x3c: {  	p2 =	seq.s32 s10, $0x1;
	s10 =	sld [smem:$0x3FA3]  }
0x3d: {  	_ =	shalt  }
0x3e: {  	_ =	shalt  }
0x3f: {  	_ =	shalt  }
0x40: {  	_ =	shalt  }
0x41: {  	_ =	shalt  }
0x42: {  	_ =	shalt  }
0x43: {  	_ =	shalt  }
0x44: {  	_ =	shalt  }
0x45: {  	_ =	shalt  }
0x46: {  	_ =	shalt  }
0x47: {  	_ =	shalt  }
0x48: {  	_ =	shalt  }
0x49: {  	_ =	shalt  }
0x4a: {  	_ =	shalt  }
0x4b: {  	_ =	shalt  }
0x4c: {  	_ =	shalt  }
0x4d: {  	_ =	shalt  }
0x4e: {  	_ =	shalt  }
0x4f: {  	_ =	shalt  }
0x50: {  	_ =	shalt  }
0x51: {  	_ =	shalt  }
0x52: {  	_ =	shalt  }
0x53: {  	_ =	shalt  }
0x54: {  	_ =	shalt  }
0x55: {  	_ =	shalt  }
0x56: {  	_ =	shalt  }
0x57: {  	_ =	shalt  }
0x58: {  	_ =	shalt  }
0x59: {  	_ =	shalt  }
0x5a: {  	_ =	shalt  }
0x5b: {  	_ =	shalt  }
0x5c: {  	_ =	shalt  }
0x5d: {  	_ =	shalt  }
0x5e: {  	_ =	shalt  }
0x5f: {  	_ =	shalt  }
0x60: {  	_ =	shalt  }
0x61: {  	_ =	shalt  }
0x62: {  	_ =	shalt  }
0x63: {  	_ =	shalt  }
0x64: {  	_ =	shalt  }
0x65: {  	_ =	shalt  }
0x66: {  	_ =	shalt  }
0x67: {  	_ =	shalt  }
0x68: {  	_ =	shalt  }
0x69: {  	_ =	shalt  }
0x6a: {  	_ =	shalt  }
0x6b: {  	_ =	shalt  }
0x6c: {  	_ =	shalt  }
0x6d: {  	_ =	shalt  }
0x6e: {  	_ =	shalt  }
0x6f: {  	_ =	shalt  }
0x70: {  	_ =	shalt  }
0x71: {  	_ =	shalt  }
0x72: {  	_ =	shalt  }
0x73: {  	_ =	shalt  }
0x74: {  	_ =	shalt  }
0x75: {  	_ =	shalt  }
0x76: {  	_ =	shalt  }
0x77: {  	_ =	shalt  }
0x78: {  	_ =	shalt  }
0x79: {  	_ =	shalt  }
0x7a: {  	_ =	shalt  }
0x7b: {  	_ =	shalt  }
0x7c: {  	_ =	shalt  }
0x7d: {  	_ =	shalt  }
0x7e: {  	_ =	shalt  }
0x7f: {  	_ =	shalt  }
0x80: {  	_ =	shalt  }
0x81: {  	_ =	shalt  }
0x82: {  	_ =	shalt  }
0x83: {  	_ =	shalt  }
0x84: {  	_ =	shalt  }
0x85: {  	_ =	shalt  }
0x86: {  	_ =	shalt  }
0x87: {  	_ =	shalt  }
.Lfunc_end0:
.L_simem_size_0:
called_computation.4_lowered:
.L_overlay_start_0:
0x88: {  	s2 =	sld [smem:$0x3FD9]  }
0x89: {  	s3 =	sld [smem:$0x3FFE];
	_ =	sdelay $0x1  }
0x8a: {  	s1 =	srdreg.scid  }
0x8b: {  	s0 =	sand.u32 $0x1, s1  }
0x8c: {  	s16 =	sshll.u32 s0, $0xA;
	s2 =	sadd.s32 s3, s2  }
0x8d: {  	s2 =	sadd.s32 s2, s16  }
0x8e: {  	[smem:$0x3FAF] =	sst s2  }
0x8f: {  	_ = 	snop  }
0x90: {  	(tm) =	ssettm $0x1  }
0x91: {  	s17 =	sld [smem:$0x3FFB];
	_ =	sdelay $0x3  }
0x92: {  	_ =	strace s17  }
0x93: {  	s2 =	sld [smem:$0x3FFC];
	_ =	sdelay $0x3  }
0x94: {  	_ =	strace s2  }
0x95: {  	s2 =	sld [smem:$0x3FFD];
	_ =	sdelay $0x3  }
0x96: {  	_ =	strace s2  }
0x97: {  	_ =	strace $0x8FFFFFFF  }
0x98: {  	s18 =	sld [smem:$0x3FDB];
	_ =	sdelay $0x1  }
0x99: {  	s19 =	simm.s32 $_scs_section_size  }
0x9a: {  	s4 =	simm.s32 $_size__tile_overlayer_lowered;
	s5 =	simm.s32 $_tile_overlayer_lowered  }
0x9b: {  	s22 =	simm.s32 $0x1BFF;
	s21 =	sshll.u32 s5, $0x1;
	s2 =	sadd.s32 s19, s18  }
0x9c: {  	s6 =	simm.s32 $0x0;
	s20 =	sshll.u32 s4, $0x1;
	s4 =	sadd.s32 s21, s2  }
0x9d: {  	[timem:s6], [sflag:s22] =	dma.local [hbm:s4], s20  }
0x9e: {  	_ =	swait.ge [sflag:s22], s20  }
0x9f: {  	s3 =	ssub.s32 $0x0, s20;
	[sflag:s22] =	ssyncset.done $0x0  }
0xa0: {  	[sflag:s22] =	ssyncadd.s32 s3;
	_ =	sdelay $0x1  }
0xa1: {  	s23 =	simm.s32 $0x1B8B  }
0xa2: {  	_ =	swait.ge [sflag:s23], $0x1  }
0xa3: {  	[sflag:s23] =	ssyncset.done $0x0  }
0xa4: {  	s25 =	simm.s32 $0x1B8E;
	s24 =	sld [smem:$0x3FFE];
	[sflag:s23] =	ssyncadd.s32 $0xFFFFFFFF  }
0xa5: {  	s26 =	simm.s32 $execute0_lowered;
	[smem:$0x3FD2] =	sst s25  }
0xa6: {  	s4 =	sshll.u32 s26, $0x1;
	_ =	strace $0x80000052;
	[dreg:$0x1] =	wrdreg $0xFFFFFFFF  }
0xa7: {  	s28 =	simm.s32 $_size_execute0_lowered;
	s2 =	sadd.s32 s2, s4;
	[dreg:$0x0] =	wrdreg $0x0  }
0xa8: {  	s4 =	sshll.u32 s28, $0x1;
	[dreg:$0x2] =	wrdreg s2  }
0xa9: {  	[dreg:$0x3] =	wrdreg s4  }
0xaa: {  	[dreg:$0x4] =	wrdreg $0xC0  }
0xab: {  	_ =	task [dreg:s6], $0x5FFFF  }
0xac: {  	[dreg:$0x1] =	wrdreg $0xFFFFFFFF  }
0xad: {  	[dreg:$0x0] =	wrdreg $0x60  }
0xae: {  	[dreg:$0x2] =	wrdreg s24  }
0xaf: {  	[dreg:$0x3] =	wrdreg $0x9  }
0xb0: {  	_ =	task.clear_ibuf [dreg:s6], $0x4FFFF;
	_ =	strace $0x90000052  }
0xb1: {  	s29 =	simm.s32 $0x9;
	_ =	strace $0x80000054  }
0xb2: {  	_ =	swait.ge [sflag:s29], $0x1  }
0xb3: {  	[sflag:s29] =	ssyncadd.s32 $0xFFFFFFFF  }
0xb4: {  	_ =	strace $0x90000054  }
0xb5: {  	_ =	sfence  }
0xb6: {  	s30 =	sld [smem:$0x0];
	_ =	sdelay $0x2  }
0xb7: {  	s31 =	sshll.u32 s1, $0xD;
	s1 =	sshrl.u32 s1, $0x2  }
0xb8: {  	s3 =	sand.u32 $0x4000, s31;
	s1 =	sadd.s32 s1, s30  }
0xb9: {  	s0 =	sor.u32 s3, s0;
	s1 =	sshll.u32 s1, $0x11  }
0xba: {  	s0 =	sor.u32 s1, s0  }
0xbb: {  	s0 =	sadd.s32 $0x8F2B, s0  }
0xbc: {  	[sflag:s0] =	ssyncadd.remote.s32 $0x1  }
0xbd: {  	_ =	sfence.sel $0xFFFF  }
0xbe: {  	[dreg:$0x0] =	wrdreg $0xFFFFFFFF;
	(pc) =	sbr.abs _section_cstart, $3  }
0xbf: {  	[dreg:$0x1] =	wrdreg $0xFFFFFFFF  }
0xc0: {  	_ =	task.clear_ibuf [dreg:s6], $0x2FFFF;
	_ =	strace $0x9FFFFFFF  }
0xc1: {  	(tm) =	ssettm $0x7FFFFFFF  }
tec
execute0_lowered:
.L_overlay_start_1:
0x0: {  	(tag) =	ssettag $0x1  }
0x1: {  	s0 =	srdreg.scid;
	s4 =	rddreg [dreg:$0x0]  }
0x2: {  	s2 =	simm.s32 $0x0;
	s15 =	simm.s32 $0x7;
	s6 =	sand.u32 $0x1, s0  }
0x3: {  	s16 =	simm.s32 $0x6;
	s0 =	stileid.u32;
	s12 =	smul.u32 $0x4F0000, s6  }
0x4: {  	s17 =	simm.s32 $0x0;
	[smem:$0x7FF] =	sst s2;
	s13 =	smul.u32 $0x4F000, s0  }
0x5: {  	s3 =	sadd.s32 $0x20C00, s4;
	s1 =	sshll.u32 s6, $0x4;
	s26 =	smul.u32 $0x9E00, s6  }
0x6: {  	s9 =	sadd.s32 $0xD000, s4;
	s14 =	smul.u32 $0x9E0, s0;
	s5 =	sor.u32 s0, s1  }
0x7: {  	s4 =	sadd.s32 $0xF16C00, s4;
	s11 =	ssub.s32 $0x2, s6;
	s7 =	smul.u32 $0x4F00, s5  }
0x8: {  	s1 =	rddreg [dreg:$0x1];
	s24 =	sshrl.u32 s11, $0x1;
	s8 =	smul.u32 $0x300, s5  }
0x9: {  	_ =	strace $0x80000053;
	s23 =	smul.u32 $0x278000, s5;
	s11 =	ssub.s32 s11, s24  }
0xa: {  	s30 =	sadd.s32 s13, s12;
	s12 =	simm.s32 $0x10100;
	s13 =	simm.s32 $0x80  }
0xb: {  	s10 =	sand.u32 $0xFFC00, s7;
	s8 =	sand.u32 $0x300, s8;
	s7 =	sshrl.u32 s7, $0x3  }
0xc: {  	s25 =	sshrl.u32 s23, $0x3;
	s8 =	sor.u32 s8, s10;
	s28 =	sadd.s32 s9, s7  }
0xd: {  	s29 =	sadd.s32 s4, s25;
	s8 =	sshrl.u32 s8, $0x3;
	s6 =	sadd.s32 $0x20, s28  }
0xe: {  	s7 =	sadd.s32 $0x4E000, s29;
	s5 =	sadd.s32 s9, s8;
	s9 =	sadd.s32 s26, s9  }
0xf: {  	s8 =	smax.u32 s11, $0x1;
	s11 =	simm.s32 $0x10000;
	s31 =	sadd.s32 s14, s9  }
0x10: {  	s9 =	sadd.s32 $0x1FFFF000, s30;
	s14 =	simm.s32 $0x4;
	s10 =	sadd.s32 $0x40, s31  }
.LBB2_1:
0x11: {  	[tilespmem:s11], [sflag:$0x1] =	stream.linear.gather [hbm4b:s5+s2], $0x100, $0x38;
	[tilespmem:$0x10400] =	vst v63  }
0x12: {  	s18 =	smov.u32 s10;
	s19 =	smov.u32 s9;
	s20 =	simm.s32 $0x0  }
0x13: {  	[tilespmem:s12], [sflag:$0x2] =	stream.linear.gather [hbm4b:s6+s2], $0x100, $0x38;
	[tilespmem:$0x10400] =	vst v63  }
.LBB2_2:
0x14: {  	s21 =	smul.u32 $0xAB, s20;
	_ =	sdelay $0x1  }
0x15: {  	s21 =	sshrl.u32 s21, $0x9  }
0x16: {  	s21 =	sand.u32 $0x7F, s21  }
0x17: {  	s22 =	sand.u32 $0x1, s20;
	p0 =	slt.u32 s20, $0x2;
	s21 =	smul.u32 $0x3, s21  }
0x18: {  	s23 =	sor.u32 @!p0 $0x6, s22  }
0x19: {  	_ =	swait.ge @!p0 [sflag:s23], $0x8000;
	s21 =	ssub.s32 s20, s21  }
0x1a: {  	[sflag:s23] =	ssyncset.done @!p0 $0x0;
	s21 =	sand.u32 $0xFF, s21  }
0x1b: {  	[sflag:s23] =	ssyncadd.s32 @!p0 $0xFFFF8000;
	s30 =	sadd.s32 $0x1, s21  }
0x1c: {  	_ =	swait.ge [sflag:s30], $0x100  }
0x1d: {  	s31 =	sshll.u32 s22, $0xF;
	s21 =	sshll.u32 s21, $0x8;
	[sflag:s30] =	ssyncset.done $0x0  }
0x1e: {  	s25 =	sor.u32 $0x4, s22;
	s24 =	sor.u32 $0x10000, s21;
	[sflag:s30] =	ssyncadd.s32 $0xFFFFFF00  }
0x1f: {  	[tilespmem:s31], [sflag:s25] =	stream.indirect.gather [hbm4b:s3+s13], $0x80, s24, s13, $0xb8;
	[tilespmem:$0x10400] =	vst v63  }
0x20: {  	s23 =	sor.u32 $0x4000, s31;
	s21 =	sor.u32 $0x10080, s21  }
0x21: {  	[tilespmem:s23], [sflag:s25] =	stream.indirect.gather [hbm4b:s3+s13], $0x80, s21, s13, $0xb8;
	[tilespmem:$0x10400] =	vst v63  }
0x22: {  	p0 =	seq.s32 s20, $0x0;
	s21 =	sxor.u32 $0x1, s22  }
0x23: {  	s22 =	sor.u32 @!p0 $0x4, s21  }
0x24: {  	_ =	swait.ge @!p0 [sflag:s22], $0x4000  }
0x25: {  	[sflag:s22] =	ssyncset.done @!p0 $0x0  }
0x26: {  	[sflag:s22] =	ssyncadd.s32 @!p0 $0xFFFFC000  }
0x27: {  	p1 =	sgt.u32 @!p0 s20, $0x4C;
	s23 =	sand.u32 @!p0 $0x1FFFF000, s19;
	_ =	swait.ge @!p0 [sflag:s22], $0x4000  }
0x28: {  	s24 =	simm.s32 @!p0 $0x0;
	s23 =	sadd.s32 @!p0 s4, s23;
	[sflag:s22] =	ssyncset.done @!p0 $0x0  }
0x29: {  	[sflag:s22] =	ssyncadd.s32 @!p0 $0xFFFFC000;
	s22 =	sshll.u32 @!p0 s21, $0xF;
	s21 =	sor.u32 @!p0 $0x6, s21  }
0x2a: {  	[hbm4b:s23+s24] =	stream.linear.scatter @!p0 [tilespmem:s22], [sflag:s21], $0x8000, $0x38;
	[tilespmem:$0x10400] =	vst v63  }
0x2b: {  	p0 =	por p0, !p1  }
0x2c: {  	s21 =	sadd.s32 @p0 $0x2, s20  }
0x2d: {  	s22 =	smul.u32 @p0 $0xAB, s21;
	_ =	sdelay $0x1  }
0x2e: {  	s22 =	sshrl.u32 @p0 s22, $0x9  }
0x2f: {  	s22 =	sand.u32 @p0 $0x7F, s22  }
0x30: {  	s22 =	smul.u32 @p0 $0x3, s22;
	_ =	sdelay $0x1  }
0x31: {  	s21 =	ssub.s32 @p0 s21, s22  }
0x32: {  	s21 =	sand.u32 @p0 $0xFF, s21  }
0x33: {  	s22 =	sshll.u32 @p0 s21, $0x8  }
0x34: {  	s20 =	sadd.s32 $0x1, s20;
	s21 =	sadd.s32 @p0 $0x1, s21;
	s22 =	sor.u32 @p0 $0x10000, s22  }
0x35: {  	[tilespmem:s22], [sflag:s21] =	stream.linear.gather @p0 [hbm4b:s18+s2], $0x100, $0x38;
	[tilespmem:$0x10400] =	vst v63  }
0x36: {  	p0 =	sne.s32 s20, $0x4F  }
.Ltmp0:
0x37: {  	_ = 	snop;
	(pc) =	sbr.rel @p0 .LBB2_2-.Ltmp0, $2  }
0x38: {  	_ =	sdelay $0x2  }
0x39: {  	s19 =	sadd.s32 $0x1000, s19;
	s18 =	sadd.s32 $0x20, s18  }
0x3a: {  	_ =	swait.ge [sflag:s14], $0x4000  }
0x3b: {  	[sflag:s14] =	ssyncset.done $0x0  }
0x3c: {  	[sflag:s14] =	ssyncadd.s32 $0xFFFFC000  }
0x3d: {  	_ =	swait.ge [sflag:s14], $0x4000  }
0x3e: {  	[sflag:s14] =	ssyncset.done $0x0  }
0x3f: {  	s17 =	sadd.s32 $0x1, s17;
	[sflag:s14] =	ssyncadd.s32 $0xFFFFC000  }
0x40: {  	[hbm4b:s7+s2] =	stream.linear.scatter [tilespmem:s2], [sflag:$0x6], $0x8000, $0x38;
	[tilespmem:$0x10400] =	vst v63  }
0x41: {  	p0 =	sne.s32 s17, s8;
	_ =	swait.ge [sflag:s15], $0x8000  }
.Ltmp1:
0x42: {  	[sflag:s15] =	ssyncset.done $0x0;
	(pc) =	sbr.rel @p0 .LBB2_1-.Ltmp1, $4  }
0x43: {  	[sflag:s15] =	ssyncadd.s32 $0xFFFF8000  }
0x44: {  	_ =	swait.ge [sflag:s16], $0x8000  }
0x45: {  	[sflag:s16] =	ssyncset.done $0x0  }
0x46: {  	[sflag:s16] =	ssyncadd.s32 $0xFFFF8000  }
0x47: {  	_ =	sfence.sel $0x180000  }
0x48: {  	[bflag:$0x0] =	sbarrier.arrive $0xFFFF  }
0x49: {  	p0 =	sne.s32 s0, $0x0;
	_ =	strace $0x90000053  }
0x4a: {  	s0 =	sadd.s32 @!p0 $0x100000, s1;
	[bflag:$0x2] =	sbarrier.arrive $0xFFFF  }
0x4b: {  	[sflag:s0] =	ssyncadd.tile.s32 @!p0 $0x1;
	_ =	shalt  }
.Lfunc_end2:
_tile_overlayer_lowered:
.L_overlay_start_2:
0x4c: {  	(tag) =	ssettag $0x2  }
0x4d: {  	s0 =	rddreg [dreg:$0x0];
	s2 =	stileid.u32  }
0x4e: {  	s1 =	rddreg [dreg:$0x1];
	p0 =	sne.s32 s2, $0x0  }
0x4f: {  	s3 =	rddreg [dreg:$0x2];
	[bflag:$0x3] =	sbarrier.arrive $0xFFFF;
	s2 =	simm.s32 @!p0 $0x1C08  }
0x50: {  	[timem:s3], [sflag:s2] =	dma.local @!p0 [hbm:s0], s1  }
0x51: {  	s0 =	simm.s32 @!p0 $0x8  }
0x52: {  	_ =	swait.ge @!p0 [sflag:s0], s1  }
0x53: {  	s1 =	ssub.s32 @!p0 $0x0, s1;
	[sflag:s0] =	ssyncset.done @!p0 $0x0  }
0x54: {  	[sflag:s0] =	ssyncadd.s32 @!p0 s1  }
0x55: {  	[bflag:$0x3] =	sbarrier.arrive $0xFFFF  }
0x56: {  	_ =	shalt  }

// kernel: kernel.40.cloned.1.call-start
scs
__scs_entry_jumppad:
0x0: {  	(pc) =	sbr.rel $0x88, $3  }
0x1: {  	(tag) =	ssettag $0x0;
	lr =	simm.s32 $0x1  }
0x2: {  	[smem:$0x3F88] =	sst lr;
	_ =	strace $0xD0000000  }
0x3: {  	_ = 	snop  }
0x4: {  	_ = 	snop  }
0x5: {  	_ = 	snop  }
0x6: {  	_ = 	snop  }
0x7: {  	_ = 	snop  }
__scs_overlays_trampoline_lowered:
0x8: {  	[smem:$0x3F97] =	sst s0  }
0x9: {  	[smem:$0x3F98] =	sst s1  }
0xa: {  	[smem:$0x3F99] =	sst s2  }
0xb: {  	[smem:$0x3F9A] =	sst s3  }
0xc: {  	[smem:$0x3F9B] =	sst s4  }
0xd: {  	[smem:$0x3F9C] =	sst s5  }
0xe: {  	[smem:$0x3F9D] =	sst s6  }
0xf: {  	[smem:$0x3F9E] =	sst s7  }
0x10: {  	[smem:$0x3F9F] =	sst s8  }
0x11: {  	[smem:$0x3FA0] =	sst s9;
	s0 =	simm.s32 @!p0 $0x0  }
0x12: {  	s1 =	sld [smem:$0x3F86];
	s0 =	simm.s32 @p0 $0x1  }
0x13: {  	[smem:$0x3FA1] =	sst s0;
	s0 =	simm.s32 @!p1 $0x0  }
0x14: {  	s2 =	sld [smem:$0x3F85];
	s0 =	simm.s32 @p1 $0x1  }
0x15: {  	[smem:$0x3FA2] =	sst s0;
	s0 =	simm.s32 @!p2 $0x0  }
0x16: {  	s3 =	sld [smem:$0x3FDB];
	s0 =	simm.s32 @p2 $0x1  }
0x17: {  	s4 =	simm.s32 $0x1BF5;
	[smem:$0x3FA4] =	sst s0  }
0x18: {  	s0 =	sld [smem:$0x3F87];
	_ =	swait.ge [sflag:s4], $0x0  }
0x19: {  	s7 =	sld [smem:$0x3F88]  }
0x1a: {  	s8 =	sadd.s32 $0xFFFFE003, lr  }
0x1b: {  	s9 =	sadd.s32 $0xFFFFFEF7, lr;
	s5 =	simm.s32 $0xFFFFFFFF;
	p2 =	slt.u32 s8, $0xFFFFF086  }
0x1c: {  	p1 =	slt.u32 s9, $0xF7A;
	s5 =	simm.s32 @!p2 $0x0  }
0x1d: {  	s5 =	simm.s32 @p1 $0x1;
	p0 =	seq.s32 s7, s2  }
0x1e: {  	s7 =	smul.u32 @!p0 $0xF7A, s2;
	p2 =	seq.s32 @!p0 s5, $0x0  }
0x1f: {  	s9 =	smul.u32 $0xF7A, s1;
	s8 =	simm.s32 @!p0 $0x1BF5;
	p2 =	por !p2, p0  }
0x20: {  	[sflag:s8] =	ssyncset.s32 @!p0 $0xFFFFF086;
	s6 =	sadd.s32 @!p0 s3, s7;
	s7 =	simm.s32 @!p0 $0x108  }
0x21: {  	s3 =	sadd.s32 s3, s9;
	s6 =	sadd.s32 @!p0 $0x88, s6;
	s7 =	simm.s32 @p2 $0x1082  }
0x22: {  	[simem:s7], [sflag:s8] =	dma.local @!p0 [hbm:s6], $0xF7A  }
0x23: {  	s9 =	sor.u32 $0xD0000000, s2;
	s6 =	simm.s32 $0x108;
	_ =	swait.ge @!p0 [sflag:s8], $0x0  }
0x24: {  	s3 =	sadd.s32 $0x88, s3;
	s6 =	simm.s32 @!p1 $0x1082;
	[sflag:s4] =	ssyncset.s32 $0xFFFFF086  }
0x25: {  	[simem:s6], [sflag:s4] =	dma.local [hbm:s3], $0xF7A  }
0x26: {  	[smem:$0x3F88] =	sst s1;
	(tag) =	ssettag s2;
	_ =	strace s9  }
0x27: {  	s1 =	sld [smem:$0x3F98]  }
0x28: {  	s2 =	sld [smem:$0x3F99]  }
0x29: {  	s4 =	sld [smem:$0x3F9B]  }
0x2a: {  	p0 =	seq.s32 s5, $0x0;
	s5 =	sld [smem:$0x3F9C]  }
0x2b: {  	s6 =	sld [smem:$0x3F9D]  }
0x2c: {  	s7 =	sld [smem:$0x3F9E]  }
0x2d: {  	s3 =	simm.s32 $0x108;
	s8 =	sld [smem:$0x3F9F]  }
0x2e: {  	s3 =	simm.s32 @!p0 $0x1082;
	s9 =	sld [smem:$0x3FA0]  }
0x2f: {  	lr =	sadd.s32 s0, s3;
	s0 =	sld [smem:$0x3F97]  }
0x30: {  	s3 =	sld [smem:$0x3F9A]  }
0x31: {  	[smem:$0x3FA3] =	sst s10  }
0x32: {  	s10 =	sld [smem:$0x3FA1];
	_ =	sdelay $0x3  }
0x33: {  	p0 =	seq.s32 s10, $0x1;
	s10 =	sld [smem:$0x3FA3];
	_ =	sdelay $0x3  }
0x34: {  	[smem:$0x3FA3] =	sst s10  }
0x35: {  	s10 =	sld [smem:$0x3FA2];
	_ =	sdelay $0x3  }
0x36: {  	p1 =	seq.s32 s10, $0x1;
	s10 =	sld [smem:$0x3FA3];
	_ =	sdelay $0x3  }
0x37: {  	[smem:$0x3FA3] =	sst s10  }
0x38: {  	s10 =	sld [smem:$0x3FA4]  }
0x39: {  	_ = 	snop;
	(pc) =	sbr.ind lr, $3  }
0x3a: {  	_ = 	snop  }
0x3b: {  	_ = 	snop  }
0x3c: {  	p2 =	seq.s32 s10, $0x1;
	s10 =	sld [smem:$0x3FA3]  }
0x3d: {  	_ =	shalt  }
0x3e: {  	_ =	shalt  }
0x3f: {  	_ =	shalt  }
0x40: {  	_ =	shalt  }
0x41: {  	_ =	shalt  }
0x42: {  	_ =	shalt  }
0x43: {  	_ =	shalt  }
0x44: {  	_ =	shalt  }
0x45: {  	_ =	shalt  }
0x46: {  	_ =	shalt  }
0x47: {  	_ =	shalt  }
0x48: {  	_ =	shalt  }
0x49: {  	_ =	shalt  }
0x4a: {  	_ =	shalt  }
0x4b: {  	_ =	shalt  }
0x4c: {  	_ =	shalt  }
0x4d: {  	_ =	shalt  }
0x4e: {  	_ =	shalt  }
0x4f: {  	_ =	shalt  }
0x50: {  	_ =	shalt  }
0x51: {  	_ =	shalt  }
0x52: {  	_ =	shalt  }
0x53: {  	_ =	shalt  }
0x54: {  	_ =	shalt  }
0x55: {  	_ =	shalt  }
0x56: {  	_ =	shalt  }
0x57: {  	_ =	shalt  }
0x58: {  	_ =	shalt  }
0x59: {  	_ =	shalt  }
0x5a: {  	_ =	shalt  }
0x5b: {  	_ =	shalt  }
0x5c: {  	_ =	shalt  }
0x5d: {  	_ =	shalt  }
0x5e: {  	_ =	shalt  }
0x5f: {  	_ =	shalt  }
0x60: {  	_ =	shalt  }
0x61: {  	_ =	shalt  }
0x62: {  	_ =	shalt  }
0x63: {  	_ =	shalt  }
0x64: {  	_ =	shalt  }
0x65: {  	_ =	shalt  }
0x66: {  	_ =	shalt  }
0x67: {  	_ =	shalt  }
0x68: {  	_ =	shalt  }
0x69: {  	_ =	shalt  }
0x6a: {  	_ =	shalt  }
0x6b: {  	_ =	shalt  }
0x6c: {  	_ =	shalt  }
0x6d: {  	_ =	shalt  }
0x6e: {  	_ =	shalt  }
0x6f: {  	_ =	shalt  }
0x70: {  	_ =	shalt  }
0x71: {  	_ =	shalt  }
0x72: {  	_ =	shalt  }
0x73: {  	_ =	shalt  }
0x74: {  	_ =	shalt  }
0x75: {  	_ =	shalt  }
0x76: {  	_ =	shalt  }
0x77: {  	_ =	shalt  }
0x78: {  	_ =	shalt  }
0x79: {  	_ =	shalt  }
0x7a: {  	_ =	shalt  }
0x7b: {  	_ =	shalt  }
0x7c: {  	_ =	shalt  }
0x7d: {  	_ =	shalt  }
0x7e: {  	_ =	shalt  }
0x7f: {  	_ =	shalt  }
0x80: {  	_ =	shalt  }
0x81: {  	_ =	shalt  }
0x82: {  	_ =	shalt  }
0x83: {  	_ =	shalt  }
0x84: {  	_ =	shalt  }
0x85: {  	_ =	shalt  }
0x86: {  	_ =	shalt  }
0x87: {  	_ =	shalt  }
.Lfunc_end0:
.L_simem_size_0:
called_computation.5_lowered:
.L_overlay_start_0:
0x88: {  	s2 =	sld [smem:$0x3FD9]  }
0x89: {  	s3 =	sld [smem:$0x3FFE];
	_ =	sdelay $0x1  }
0x8a: {  	s1 =	srdreg.scid  }
0x8b: {  	s0 =	sand.u32 $0x1, s1  }
0x8c: {  	s17 =	sshll.u32 s0, $0xA;
	s2 =	sadd.s32 s3, s2  }
0x8d: {  	s2 =	sadd.s32 s2, s17  }
0x8e: {  	[smem:$0x3FAF] =	sst s2  }
0x8f: {  	_ = 	snop  }
0x90: {  	s2 =	sld [smem:$0x3FC7];
	(tm) =	ssettm $0x1  }
0x91: {  	s18 =	sld [smem:$0x3FFB];
	_ =	sdelay $0x3  }
0x92: {  	_ =	strace s18  }
0x93: {  	s3 =	sld [smem:$0x3FFC];
	_ =	sdelay $0x3  }
0x94: {  	_ =	strace s3  }
0x95: {  	s3 =	sld [smem:$0x3FFD];
	_ =	sdelay $0x3  }
0x96: {  	_ =	strace s3  }
0x97: {  	_ =	strace $0x8FFFFFFF  }
0x98: {  	s19 =	sld [smem:$0x3FDB];
	_ =	sdelay $0x1  }
0x99: {  	s4 =	simm.s32 $_scs_section_size  }
0x9a: {  	s5 =	simm.s32 $_size__tile_overlayer_lowered;
	s6 =	simm.s32 $_tile_overlayer_lowered  }
0x9b: {  	s22 =	simm.s32 $0x1BFF;
	s21 =	sshll.u32 s6, $0x1;
	s3 =	sadd.s32 s4, s19  }
0x9c: {  	s7 =	simm.s32 $0x0;
	s20 =	sshll.u32 s5, $0x1;
	s5 =	sadd.s32 s21, s3  }
0x9d: {  	[timem:s7], [sflag:s22] =	dma.local [hbm:s5], s20  }
0x9e: {  	_ =	swait.ge [sflag:s22], s20  }
0x9f: {  	s4 =	ssub.s32 $0x0, s20;
	[sflag:s22] =	ssyncset.done $0x0  }
0xa0: {  	[sflag:s22] =	ssyncadd.s32 s4;
	_ =	sdelay $0x1  }
0xa1: {  	s23 =	simm.s32 $0x1B8B  }
0xa2: {  	_ =	swait.ge [sflag:s23], $0x1  }
0xa3: {  	[sflag:s23] =	ssyncset.done $0x0  }
0xa4: {  	s25 =	simm.s32 $0x1B8E;
	s24 =	sld [smem:$0x3FFE];
	[sflag:s23] =	ssyncadd.s32 $0xFFFFFFFF  }
0xa5: {  	s26 =	simm.s32 $execute0_lowered;
	[smem:$0x3FD2] =	sst s25  }
0xa6: {  	s5 =	sshll.u32 s26, $0x1;
	_ =	strace $0x80000055;
	[dreg:$0x1] =	wrdreg $0xFFFFFFFF  }
0xa7: {  	s28 =	simm.s32 $_size_execute0_lowered;
	s3 =	sadd.s32 s3, s5;
	[dreg:$0x0] =	wrdreg $0x0  }
0xa8: {  	s5 =	sshll.u32 s28, $0x1;
	[dreg:$0x2] =	wrdreg s3  }
0xa9: {  	[dreg:$0x3] =	wrdreg s5  }
0xaa: {  	[dreg:$0x4] =	wrdreg $0xC0  }
0xab: {  	_ =	task [dreg:s7], $0x5FFFF  }
0xac: {  	[dreg:$0x1] =	wrdreg $0xFFFFFFFF  }
0xad: {  	[dreg:$0x0] =	wrdreg $0x60  }
0xae: {  	[dreg:$0x2] =	wrdreg s24  }
0xaf: {  	[dreg:$0x3] =	wrdreg s2  }
0xb0: {  	[dreg:$0x4] =	wrdreg $0x0  }
0xb1: {  	[dreg:$0x5] =	wrdreg $0x9  }
0xb2: {  	_ =	task.clear_ibuf [dreg:s7], $0x6FFFF;
	_ =	strace $0x90000055  }
0xb3: {  	s29 =	simm.s32 $0x9;
	_ =	strace $0x80000057  }
0xb4: {  	_ =	swait.ge [sflag:s29], $0x1  }
0xb5: {  	[sflag:s29] =	ssyncadd.s32 $0xFFFFFFFF  }
0xb6: {  	_ =	strace $0x90000057  }
0xb7: {  	_ =	sfence  }
0xb8: {  	s30 =	sld [smem:$0x0];
	_ =	sdelay $0x2  }
0xb9: {  	s31 =	sshll.u32 s1, $0xD;
	s1 =	sshrl.u32 s1, $0x2  }
0xba: {  	s3 =	sand.u32 $0x4000, s31;
	s1 =	sadd.s32 s1, s30  }
0xbb: {  	s0 =	sor.u32 s3, s0;
	s1 =	sshll.u32 s1, $0x11  }
0xbc: {  	s0 =	sor.u32 s1, s0  }
0xbd: {  	s0 =	sadd.s32 $0x8F2B, s0  }
0xbe: {  	[sflag:s0] =	ssyncadd.remote.s32 $0x1  }
0xbf: {  	_ =	sfence.sel $0xFFFF  }
0xc0: {  	[dreg:$0x0] =	wrdreg $0xFFFFFFFF;
	(pc) =	sbr.abs _section_cstart, $3  }
0xc1: {  	[dreg:$0x1] =	wrdreg $0xFFFFFFFF  }
0xc2: {  	_ =	task.clear_ibuf [dreg:s7], $0x2FFFF;
	_ =	strace $0x9FFFFFFF  }
0xc3: {  	(tm) =	ssettm $0x7FFFFFFF  }
tec
execute0_lowered:
.L_overlay_start_1:
0x0: {  	(tag) =	ssettag $0x1  }
0x1: {  	s4 =	rddreg [dreg:$0x0]  }
0x2: {  	s10 =	rddreg [dreg:$0x1]  }
0x3: {  	s1 =	rddreg [dreg:$0x2];
	s6 =	srdreg.scid  }
0x4: {  	s0 =	rddreg [dreg:$0x3];
	s3 =	simm.s32 $0x0;
	s2 =	stileid.u32  }
0x5: {  	s5 =	sand.u32 $0x1, s6;
	[smem:$0x7FF] =	sst s3;
	s8 =	smul.u32 $0x14000, s2  }
0x6: {  	s11 =	smul.u32 $0x50000, s2;
	s28 =	sshll.u32 s2, $0x5;
	s29 =	sshll.u32 s6, $0x9  }
0x7: {  	s30 =	sshll.u32 s2, $0xC;
	s7 =	smul.u32 $0x140000, s5;
	_ =	strace $0x80000056  }
0x8: {  	s9 =	sshll.u32 s5, $0x10;
	s24 =	ssub.s32 $0x2, s5;
	s13 =	sshll.u32 s5, $0x4  }
0x9: {  	s14 =	sand.u32 $0x60, s28;
	s12 =	sadd.s32 s9, s4;
	s25 =	sshrl.u32 s24, $0x1  }
0xa: {  	s26 =	sshrl.u32 s11, $0x2;
	s9 =	sor.u32 s28, s29;
	s13 =	sor.u32 s13, s2  }
0xb: {  	s7 =	sadd.s32 s8, s7;
	s8 =	ssub.s32 s24, s25;
	s15 =	sand.u32 $0x380, s9  }
0xc: {  	s11 =	sadd.s32 s30, s12;
	s7 =	sshrl.u32 s7, $0x3;
	s6 =	smax.u32 s8, $0x1  }
0xd: {  	s31 =	sadd.s32 s15, s10;
	s11 =	sadd.s32 $0xC0000, s11;
	s15 =	simm.s32 $0x1  }
0xe: {  	s7 =	sadd.s32 s7, s4;
	s4 =	sadd.s32 s26, s1;
	s12 =	sadd.s32 s14, s31  }
0xf: {  	s14 =	simm.s32 $0x14000;
	s5 =	sadd.s32 $0x5A2000, s7;
	s7 =	sadd.s32 $0x4000, s4  }
0x10: {  	v0 =	vimm.f32 $0.0e+00;
	s8 =	sadd.s32 $0x8000, s4;
	s9 =	sadd.s32 $0xC000, s4;
	s10 =	sadd.s32 $0x10000, s4  }
.LBB2_1:
0x11: {  	s16 =	simm.s32 $0x0;
	s17 =	simm.s32 $0x200  }
.LBB2_2:
0x12: {  	p0 =	sne.s32 s17, $0xFE00;
	[tilespmem:s16+$0x14070] =	vst v0  }
0x13: {  	[tilespmem:s16+$0x14000] =	vst v0  }
0x14: {  	[tilespmem:s16+$0x14010] =	vst v0  }
.Ltmp0:
0x15: {  	[tilespmem:s16+$0x14020] =	vst v0;
	(pc) =	sbr.rel @p0 .LBB2_2-.Ltmp0, $4  }
0x16: {  	[tilespmem:s16+$0x14030] =	vst v0  }
0x17: {  	[tilespmem:s16+$0x14040] =	vst v0  }
0x18: {  	[tilespmem:s16+$0x14050] =	vst v0  }
0x19: {  	[tilespmem:s16+$0x14060] =	vst v0;
	s16 =	sshra.s32 s17, $0x2;
	s17 =	sadd.s32 $0x200, s17  }
0x1a: {  	[tilespmem:s16+$0x14070] =	vst v0  }
0x1b: {  	[tilespmem:s16+$0x14000] =	vst v0  }
0x1c: {  	[tilespmem:s16+$0x14010] =	vst v0  }
0x1d: {  	[tilespmem:s16+$0x14020] =	vst v0  }
0x1e: {  	[tilespmem:s16+$0x14030] =	vst v0  }
0x1f: {  	[tilespmem:s16+$0x14040] =	vst v0  }
0x20: {  	[tilespmem:s16+$0x14050] =	vst v0  }
0x21: {  	[tilespmem:s16+$0x14060] =	vst v0  }
0x22: {  	[spmem:s4] =	stream.linear.scatter [tilespmem:s14], [sflag:$0x1], $0x4000, $0x38;
	[tilespmem:$0x1C100] =	vst v63  }
0x23: {  	_ =	swait.ge [sflag:s15], $0x4000  }
0x24: {  	[sflag:s15] =	ssyncset.done $0x0  }
0x25: {  	[sflag:s15] =	ssyncadd.s32 $0xFFFFC000  }
0x26: {  	[spmem:s7] =	stream.linear.scatter [tilespmem:s14], [sflag:$0x1], $0x4000, $0x38;
	[tilespmem:$0x1C100] =	vst v63  }
0x27: {  	_ =	swait.ge [sflag:s15], $0x4000  }
0x28: {  	[sflag:s15] =	ssyncset.done $0x0  }
0x29: {  	[sflag:s15] =	ssyncadd.s32 $0xFFFFC000  }
0x2a: {  	[spmem:s8] =	stream.linear.scatter [tilespmem:s14], [sflag:$0x1], $0x4000, $0x38;
	[tilespmem:$0x1C100] =	vst v63  }
0x2b: {  	_ =	swait.ge [sflag:s15], $0x4000  }
0x2c: {  	[sflag:s15] =	ssyncset.done $0x0  }
0x2d: {  	[sflag:s15] =	ssyncadd.s32 $0xFFFFC000  }
0x2e: {  	[spmem:s9] =	stream.linear.scatter [tilespmem:s14], [sflag:$0x1], $0x4000, $0x38;
	[tilespmem:$0x1C100] =	vst v63  }
0x2f: {  	_ =	swait.ge [sflag:s15], $0x4000  }
0x30: {  	[sflag:s15] =	ssyncset.done $0x0  }
0x31: {  	[sflag:s15] =	ssyncadd.s32 $0xFFFFC000  }
0x32: {  	[spmem:s10] =	stream.linear.scatter [tilespmem:s14], [sflag:$0x1], $0x4000, $0x38;
	[tilespmem:$0x1C100] =	vst v63  }
0x33: {  	s30 =	sadd.s32 $0x0, s13;
	_ =	swait.ge [sflag:s15], $0x4000  }
0x34: {  	p0 =	sgt.u32 s30, $0x4E1;
	[sflag:s15] =	ssyncset.done $0x0  }
0x35: {  	s16 =	simm.s32 @!p0 $0x0;
	[sflag:s15] =	ssyncadd.s32 $0xFFFFC000  }
0x36: {  	s17 =	simm.s32 @!p0 $0x14000;
	s18 =	simm.s32 @!p0 $0x2;
	[bflag:$0x0] =	sbarrier.arrive $0xFFFF  }
0x37: {  	[tilespmem:s17], [sflag:$0x2] =	stream.linear.gather @!p0 [hbm4b:s11+s16], $0x8000, $0x38;
	[tilespmem:$0x1C100] =	vst v63  }
0x38: {  	_ =	swait.ge @!p0 [sflag:s18], $0x8000;
	p0 =	por p0, p0  }
0x39: {  	[sflag:s18] =	ssyncset.done @!p0 $0x0  }
0x3a: {  	s19 =	simm.s32 @!p0 $0x1C000;
	[sflag:s18] =	ssyncadd.s32 @!p0 $0xFFFF8000  }
0x3b: {  	[tilespmem:s19], [sflag:$0x2] =	stream.linear.gather @!p0 [hbm4b:s12+s16], $0x100, $0x38;
	[tilespmem:$0x1C100] =	vst v63  }
0x3c: {  	_ =	swait.ge @!p0 [sflag:s18], $0x100  }
0x3d: {  	[sflag:s18] =	ssyncset.done @!p0 $0x0  }
0x3e: {  	s16 =	simm.s32 @!p0 $0x80;
	[sflag:s18] =	ssyncadd.s32 @!p0 $0xFFFFFF00  }
0x3f: {  	[spmem:s1] =	stream.indirect.scatter.add.f32 @!p0 [tilespmem:s17], [sflag:$0x2], $0x80, s19, s16, $0xb8;
	[tilespmem:$0x1C100] =	vst v63  }
0x40: {  	_ =	swait.ge @!p0 [sflag:s18], $0x4000  }
0x41: {  	s31 =	sadd.s32 $0x20, s13;
	[sflag:s18] =	ssyncset.done @!p0 $0x0  }
0x42: {  	s19 =	simm.s32 @!p0 $0x18000;
	[sflag:s18] =	ssyncadd.s32 @!p0 $0xFFFFC000;
	s18 =	simm.s32 @!p0 $0x1C080  }
0x43: {  	[spmem:s1] =	stream.indirect.scatter.add.f32 @!p0 [tilespmem:s19], [sflag:$0x1], $0x80, s18, s16, $0xb8;
	[tilespmem:$0x1C100] =	vst v63  }
0x44: {  	p2 =	sgt.u32 s31, $0x4E1;
	s17 =	simm.s32 $0x40;
	s19 =	simm.s32 @!p0 $0x1  }
0x45: {  	s16 =	sadd.s32 $0x400, s12;
	s18 =	sadd.s32 $0x20000, s11;
	_ =	swait.ge @!p0 [sflag:s19], $0x4000  }
.LBB2_4:
0x46: {  	s20 =	simm.s32 @!p2 $0x0  }
0x47: {  	s21 =	simm.s32 @!p2 $0x14000;
	[sflag:s19] =	ssyncset.done @!p0 $0x0;
	s22 =	smov.u32 s17  }
0x48: {  	s17 =	sadd.s32 $0x20, s17;
	s23 =	simm.s32 @!p2 $0x2;
	[sflag:s19] =	ssyncadd.s32 @!p0 $0xFFFFC000  }
0x49: {  	[tilespmem:s21], [sflag:$0x2] =	stream.linear.gather @!p2 [hbm4b:s18+s20], $0x8000, $0x38;
	[tilespmem:$0x1C100] =	vst v63  }
0x4a: {  	p1 =	sne.s32 s17, $0x500;
	p0 =	por p2, p2;
	_ =	swait.ge @!p2 [sflag:s23], $0x8000  }
0x4b: {  	[sflag:s23] =	ssyncset.done @!p0 $0x0  }
0x4c: {  	s19 =	simm.s32 @!p0 $0x1C000;
	[sflag:s23] =	ssyncadd.s32 @!p0 $0xFFFF8000  }
0x4d: {  	[tilespmem:s19], [sflag:$0x2] =	stream.linear.gather @!p0 [hbm4b:s16+s20], $0x100, $0x38;
	[tilespmem:$0x1C100] =	vst v63  }
0x4e: {  	_ =	swait.ge @!p0 [sflag:s23], $0x100  }
0x4f: {  	[sflag:s23] =	ssyncset.done @!p0 $0x0  }
0x50: {  	s20 =	simm.s32 @!p0 $0x80;
	[sflag:s23] =	ssyncadd.s32 @!p0 $0xFFFFFF00  }
0x51: {  	[spmem:s1] =	stream.indirect.scatter.add.f32 @!p0 [tilespmem:s21], [sflag:$0x2], $0x80, s19, s20, $0xb8;
	[tilespmem:$0x1C100] =	vst v63  }
.Ltmp1:
0x52: {  	s16 =	sadd.s32 $0x400, s16;
	_ =	swait.ge @!p0 [sflag:s23], $0x4000;
	(pc) =	sbr.rel @p1 .LBB2_4-.Ltmp1, $4  }
0x53: {  	s21 =	sadd.s32 s22, s13;
	s19 =	simm.s32 @!p0 $0x1;
	[sflag:s23] =	ssyncset.done @!p0 $0x0  }
0x54: {  	s22 =	simm.s32 @!p0 $0x1C080;
	[sflag:s23] =	ssyncadd.s32 @!p0 $0xFFFFC000;
	s23 =	simm.s32 @!p0 $0x18000  }
0x55: {  	[spmem:s1] =	stream.indirect.scatter.add.f32 @!p0 [tilespmem:s23], [sflag:$0x1], $0x80, s22, s20, $0xb8;
	[tilespmem:$0x1C100] =	vst v63  }
0x56: {  	s18 =	sadd.s32 $0x20000, s18;
	p2 =	sgt.u32 s21, $0x4E1;
	_ =	swait.ge @!p0 [sflag:s19], $0x4000  }
0x57: {  	s17 =	simm.s32 @!p2 $0x0;
	[sflag:s19] =	ssyncset.done @!p0 $0x0  }
0x58: {  	s20 =	simm.s32 @!p2 $0x14000;
	s21 =	simm.s32 @!p2 $0x2;
	[sflag:s19] =	ssyncadd.s32 @!p0 $0xFFFFC000  }
0x59: {  	[tilespmem:s20], [sflag:$0x2] =	stream.linear.gather @!p2 [hbm4b:s18+s17], $0x8000, $0x38;
	[tilespmem:$0x1C100] =	vst v63  }
0x5a: {  	p0 =	por p2, p2;
	_ =	swait.ge @!p2 [sflag:s21], $0x8000  }
0x5b: {  	[sflag:s21] =	ssyncset.done @!p0 $0x0  }
0x5c: {  	s18 =	simm.s32 @!p0 $0x1C000;
	[sflag:s21] =	ssyncadd.s32 @!p0 $0xFFFF8000  }
0x5d: {  	[tilespmem:s18], [sflag:$0x2] =	stream.linear.gather @!p0 [hbm4b:s16+s17], $0x100, $0x38;
	[tilespmem:$0x1C100] =	vst v63  }
0x5e: {  	_ =	swait.ge @!p0 [sflag:s21], $0x100  }
0x5f: {  	[sflag:s21] =	ssyncset.done @!p0 $0x0  }
0x60: {  	s16 =	simm.s32 @!p0 $0x80;
	[sflag:s21] =	ssyncadd.s32 @!p0 $0xFFFFFF00  }
0x61: {  	[spmem:s1] =	stream.indirect.scatter.add.f32 @!p0 [tilespmem:s20], [sflag:$0x2], $0x80, s18, s16, $0xb8;
	[tilespmem:$0x1C100] =	vst v63  }
0x62: {  	_ =	swait.ge @!p0 [sflag:s21], $0x4000  }
0x63: {  	s19 =	simm.s32 @!p0 $0x18000;
	[sflag:s21] =	ssyncset.done @!p0 $0x0  }
0x64: {  	s17 =	simm.s32 @!p0 $0x1;
	s18 =	simm.s32 @!p0 $0x1C080;
	[sflag:s21] =	ssyncadd.s32 @!p0 $0xFFFFC000  }
0x65: {  	[spmem:s1] =	stream.indirect.scatter.add.f32 @!p0 [tilespmem:s19], [sflag:$0x1], $0x80, s18, s16, $0xb8;
	[tilespmem:$0x1C100] =	vst v63  }
0x66: {  	_ =	swait.ge @!p0 [sflag:s17], $0x4000  }
0x67: {  	s30 =	sshll.u32 s2, $0x6;
	s3 =	sadd.s32 $0x1, s3;
	[sflag:s17] =	ssyncset.done @!p0 $0x0  }
0x68: {  	s31 =	sshrl.u32 s4, $0x3;
	[sflag:s17] =	ssyncadd.s32 @!p0 $0xFFFFC000;
	p0 =	sne.s32 s3, s6  }
.Ltmp2:
0x69: {  	s16 =	sor.u32 $0x1C01, s30;
	[bflag:$0x0] =	sbarrier.arrive $0xFFFF;
	(pc) =	sbr.rel @p0 .LBB2_1-.Ltmp2, $4  }
0x6a: {  	[hbm:s5], [sflag:s16] =	dma.local [spmem:s31], $0x2800  }
0x6b: {  	_ =	swait.ge [sflag:s15], $0x2800  }
0x6c: {  	[sflag:s15] =	ssyncset.done $0x0  }
0x6d: {  	[sflag:s15] =	ssyncadd.s32 $0xFFFFD800  }
0x6e: {  	_ =	sfence.sel $0x180000  }
0x6f: {  	[bflag:$0x0] =	sbarrier.arrive $0xFFFF  }
0x70: {  	p0 =	sne.s32 s2, $0x0;
	_ =	strace $0x90000056  }
0x71: {  	s0 =	sadd.s32 @!p0 $0x100000, s0;
	[bflag:$0x2] =	sbarrier.arrive $0xFFFF  }
0x72: {  	[sflag:s0] =	ssyncadd.tile.s32 @!p0 $0x1;
	_ =	shalt  }
.Lfunc_end2:
_tile_overlayer_lowered:
.L_overlay_start_2:
0x73: {  	(tag) =	ssettag $0x2  }
0x74: {  	s0 =	rddreg [dreg:$0x0];
	s2 =	stileid.u32  }
0x75: {  	s1 =	rddreg [dreg:$0x1];
	p0 =	sne.s32 s2, $0x0  }
0x76: {  	s3 =	rddreg [dreg:$0x2];
	[bflag:$0x3] =	sbarrier.arrive $0xFFFF;
	s2 =	simm.s32 @!p0 $0x1C01  }
0x77: {  	[timem:s3], [sflag:s2] =	dma.local @!p0 [hbm:s0], s1  }
0x78: {  	s0 =	simm.s32 @!p0 $0x1  }
0x79: {  	_ =	swait.ge @!p0 [sflag:s0], s1  }
0x7a: {  	s1 =	ssub.s32 @!p0 $0x0, s1;
	[sflag:s0] =	ssyncset.done @!p0 $0x0  }
0x7b: {  	[sflag:s0] =	ssyncadd.s32 @!p0 s1  }
0x7c: {  	[bflag:$0x3] =	sbarrier.arrive $0xFFFF  }
0x7d: {  	_ =	shalt  }

// kernel: kernel.43.cloned.1.call-start
scs
__scs_entry_jumppad:
0x0: {  	(pc) =	sbr.rel $0x88, $3  }
0x1: {  	(tag) =	ssettag $0x0;
	lr =	simm.s32 $0x1  }
0x2: {  	[smem:$0x3F88] =	sst lr;
	_ =	strace $0xD0000000  }
0x3: {  	_ = 	snop  }
0x4: {  	_ = 	snop  }
0x5: {  	_ = 	snop  }
0x6: {  	_ = 	snop  }
0x7: {  	_ = 	snop  }
__scs_overlays_trampoline_lowered:
0x8: {  	[smem:$0x3F97] =	sst s0  }
0x9: {  	[smem:$0x3F98] =	sst s1  }
0xa: {  	[smem:$0x3F99] =	sst s2  }
0xb: {  	[smem:$0x3F9A] =	sst s3  }
0xc: {  	[smem:$0x3F9B] =	sst s4  }
0xd: {  	[smem:$0x3F9C] =	sst s5  }
0xe: {  	[smem:$0x3F9D] =	sst s6  }
0xf: {  	[smem:$0x3F9E] =	sst s7  }
0x10: {  	[smem:$0x3F9F] =	sst s8  }
0x11: {  	[smem:$0x3FA0] =	sst s9;
	s0 =	simm.s32 @!p0 $0x0  }
0x12: {  	s1 =	sld [smem:$0x3F86];
	s0 =	simm.s32 @p0 $0x1  }
0x13: {  	[smem:$0x3FA1] =	sst s0;
	s0 =	simm.s32 @!p1 $0x0  }
0x14: {  	s2 =	sld [smem:$0x3F85];
	s0 =	simm.s32 @p1 $0x1  }
0x15: {  	[smem:$0x3FA2] =	sst s0;
	s0 =	simm.s32 @!p2 $0x0  }
0x16: {  	s3 =	sld [smem:$0x3FDB];
	s0 =	simm.s32 @p2 $0x1  }
0x17: {  	s4 =	simm.s32 $0x1BF5;
	[smem:$0x3FA4] =	sst s0  }
0x18: {  	s0 =	sld [smem:$0x3F87];
	_ =	swait.ge [sflag:s4], $0x0  }
0x19: {  	s7 =	sld [smem:$0x3F88]  }
0x1a: {  	s8 =	sadd.s32 $0xFFFFE003, lr  }
0x1b: {  	s9 =	sadd.s32 $0xFFFFFEF7, lr;
	s5 =	simm.s32 $0xFFFFFFFF;
	p2 =	slt.u32 s8, $0xFFFFF086  }
0x1c: {  	p1 =	slt.u32 s9, $0xF7A;
	s5 =	simm.s32 @!p2 $0x0  }
0x1d: {  	s5 =	simm.s32 @p1 $0x1;
	p0 =	seq.s32 s7, s2  }
0x1e: {  	s7 =	smul.u32 @!p0 $0xF7A, s2;
	p2 =	seq.s32 @!p0 s5, $0x0  }
0x1f: {  	s9 =	smul.u32 $0xF7A, s1;
	s8 =	simm.s32 @!p0 $0x1BF5;
	p2 =	por !p2, p0  }
0x20: {  	[sflag:s8] =	ssyncset.s32 @!p0 $0xFFFFF086;
	s6 =	sadd.s32 @!p0 s3, s7;
	s7 =	simm.s32 @!p0 $0x108  }
0x21: {  	s3 =	sadd.s32 s3, s9;
	s6 =	sadd.s32 @!p0 $0x88, s6;
	s7 =	simm.s32 @p2 $0x1082  }
0x22: {  	[simem:s7], [sflag:s8] =	dma.local @!p0 [hbm:s6], $0xF7A  }
0x23: {  	s9 =	sor.u32 $0xD0000000, s2;
	s6 =	simm.s32 $0x108;
	_ =	swait.ge @!p0 [sflag:s8], $0x0  }
0x24: {  	s3 =	sadd.s32 $0x88, s3;
	s6 =	simm.s32 @!p1 $0x1082;
	[sflag:s4] =	ssyncset.s32 $0xFFFFF086  }
0x25: {  	[simem:s6], [sflag:s4] =	dma.local [hbm:s3], $0xF7A  }
0x26: {  	[smem:$0x3F88] =	sst s1;
	(tag) =	ssettag s2;
	_ =	strace s9  }
0x27: {  	s1 =	sld [smem:$0x3F98]  }
0x28: {  	s2 =	sld [smem:$0x3F99]  }
0x29: {  	s4 =	sld [smem:$0x3F9B]  }
0x2a: {  	p0 =	seq.s32 s5, $0x0;
	s5 =	sld [smem:$0x3F9C]  }
0x2b: {  	s6 =	sld [smem:$0x3F9D]  }
0x2c: {  	s7 =	sld [smem:$0x3F9E]  }
0x2d: {  	s3 =	simm.s32 $0x108;
	s8 =	sld [smem:$0x3F9F]  }
0x2e: {  	s3 =	simm.s32 @!p0 $0x1082;
	s9 =	sld [smem:$0x3FA0]  }
0x2f: {  	lr =	sadd.s32 s0, s3;
	s0 =	sld [smem:$0x3F97]  }
0x30: {  	s3 =	sld [smem:$0x3F9A]  }
0x31: {  	[smem:$0x3FA3] =	sst s10  }
0x32: {  	s10 =	sld [smem:$0x3FA1];
	_ =	sdelay $0x3  }
0x33: {  	p0 =	seq.s32 s10, $0x1;
	s10 =	sld [smem:$0x3FA3];
	_ =	sdelay $0x3  }
0x34: {  	[smem:$0x3FA3] =	sst s10  }
0x35: {  	s10 =	sld [smem:$0x3FA2];
	_ =	sdelay $0x3  }
0x36: {  	p1 =	seq.s32 s10, $0x1;
	s10 =	sld [smem:$0x3FA3];
	_ =	sdelay $0x3  }
0x37: {  	[smem:$0x3FA3] =	sst s10  }
0x38: {  	s10 =	sld [smem:$0x3FA4]  }
0x39: {  	_ = 	snop;
	(pc) =	sbr.ind lr, $3  }
0x3a: {  	_ = 	snop  }
0x3b: {  	_ = 	snop  }
0x3c: {  	p2 =	seq.s32 s10, $0x1;
	s10 =	sld [smem:$0x3FA3]  }
0x3d: {  	_ =	shalt  }
0x3e: {  	_ =	shalt  }
0x3f: {  	_ =	shalt  }
0x40: {  	_ =	shalt  }
0x41: {  	_ =	shalt  }
0x42: {  	_ =	shalt  }
0x43: {  	_ =	shalt  }
0x44: {  	_ =	shalt  }
0x45: {  	_ =	shalt  }
0x46: {  	_ =	shalt  }
0x47: {  	_ =	shalt  }
0x48: {  	_ =	shalt  }
0x49: {  	_ =	shalt  }
0x4a: {  	_ =	shalt  }
0x4b: {  	_ =	shalt  }
0x4c: {  	_ =	shalt  }
0x4d: {  	_ =	shalt  }
0x4e: {  	_ =	shalt  }
0x4f: {  	_ =	shalt  }
0x50: {  	_ =	shalt  }
0x51: {  	_ =	shalt  }
0x52: {  	_ =	shalt  }
0x53: {  	_ =	shalt  }
0x54: {  	_ =	shalt  }
0x55: {  	_ =	shalt  }
0x56: {  	_ =	shalt  }
0x57: {  	_ =	shalt  }
0x58: {  	_ =	shalt  }
0x59: {  	_ =	shalt  }
0x5a: {  	_ =	shalt  }
0x5b: {  	_ =	shalt  }
0x5c: {  	_ =	shalt  }
0x5d: {  	_ =	shalt  }
0x5e: {  	_ =	shalt  }
0x5f: {  	_ =	shalt  }
0x60: {  	_ =	shalt  }
0x61: {  	_ =	shalt  }
0x62: {  	_ =	shalt  }
0x63: {  	_ =	shalt  }
0x64: {  	_ =	shalt  }
0x65: {  	_ =	shalt  }
0x66: {  	_ =	shalt  }
0x67: {  	_ =	shalt  }
0x68: {  	_ =	shalt  }
0x69: {  	_ =	shalt  }
0x6a: {  	_ =	shalt  }
0x6b: {  	_ =	shalt  }
0x6c: {  	_ =	shalt  }
0x6d: {  	_ =	shalt  }
0x6e: {  	_ =	shalt  }
0x6f: {  	_ =	shalt  }
0x70: {  	_ =	shalt  }
0x71: {  	_ =	shalt  }
0x72: {  	_ =	shalt  }
0x73: {  	_ =	shalt  }
0x74: {  	_ =	shalt  }
0x75: {  	_ =	shalt  }
0x76: {  	_ =	shalt  }
0x77: {  	_ =	shalt  }
0x78: {  	_ =	shalt  }
0x79: {  	_ =	shalt  }
0x7a: {  	_ =	shalt  }
0x7b: {  	_ =	shalt  }
0x7c: {  	_ =	shalt  }
0x7d: {  	_ =	shalt  }
0x7e: {  	_ =	shalt  }
0x7f: {  	_ =	shalt  }
0x80: {  	_ =	shalt  }
0x81: {  	_ =	shalt  }
0x82: {  	_ =	shalt  }
0x83: {  	_ =	shalt  }
0x84: {  	_ =	shalt  }
0x85: {  	_ =	shalt  }
0x86: {  	_ =	shalt  }
0x87: {  	_ =	shalt  }
.Lfunc_end0:
.L_simem_size_0:
called_computation.6_lowered:
.L_overlay_start_0:
0x88: {  	s2 =	sld [smem:$0x3FD9]  }
0x89: {  	s3 =	sld [smem:$0x3FFE];
	_ =	sdelay $0x1  }
0x8a: {  	s1 =	srdreg.scid  }
0x8b: {  	s0 =	sand.u32 $0x1, s1  }
0x8c: {  	s16 =	sshll.u32 s0, $0xA;
	s2 =	sadd.s32 s3, s2  }
0x8d: {  	s2 =	sadd.s32 s2, s16  }
0x8e: {  	[smem:$0x3FAF] =	sst s2  }
0x8f: {  	_ = 	snop  }
0x90: {  	(tm) =	ssettm $0x1  }
0x91: {  	s17 =	sld [smem:$0x3FFB];
	_ =	sdelay $0x3  }
0x92: {  	_ =	strace s17  }
0x93: {  	s2 =	sld [smem:$0x3FFC];
	_ =	sdelay $0x3  }
0x94: {  	_ =	strace s2  }
0x95: {  	s2 =	sld [smem:$0x3FFD];
	_ =	sdelay $0x3  }
0x96: {  	_ =	strace s2  }
0x97: {  	_ =	strace $0x8FFFFFFF  }
0x98: {  	s18 =	sld [smem:$0x3FDB];
	_ =	sdelay $0x1  }
0x99: {  	s19 =	simm.s32 $_scs_section_size  }
0x9a: {  	s4 =	simm.s32 $_size__tile_overlayer_lowered;
	s5 =	simm.s32 $_tile_overlayer_lowered  }
0x9b: {  	s22 =	simm.s32 $0x1BFF;
	s21 =	sshll.u32 s5, $0x1;
	s2 =	sadd.s32 s19, s18  }
0x9c: {  	s6 =	simm.s32 $0x0;
	s20 =	sshll.u32 s4, $0x1;
	s4 =	sadd.s32 s21, s2  }
0x9d: {  	[timem:s6], [sflag:s22] =	dma.local [hbm:s4], s20  }
0x9e: {  	_ =	swait.ge [sflag:s22], s20  }
0x9f: {  	s3 =	ssub.s32 $0x0, s20;
	[sflag:s22] =	ssyncset.done $0x0  }
0xa0: {  	[sflag:s22] =	ssyncadd.s32 s3;
	_ =	sdelay $0x1  }
0xa1: {  	s23 =	simm.s32 $0x1B8B  }
0xa2: {  	_ =	swait.ge [sflag:s23], $0x1  }
0xa3: {  	[sflag:s23] =	ssyncset.done $0x0  }
0xa4: {  	s25 =	simm.s32 $0x1B8E;
	s24 =	sld [smem:$0x3FFE];
	[sflag:s23] =	ssyncadd.s32 $0xFFFFFFFF  }
0xa5: {  	s26 =	simm.s32 $execute0_lowered;
	[smem:$0x3FD2] =	sst s25  }
0xa6: {  	s4 =	sshll.u32 s26, $0x1;
	_ =	strace $0x80000058;
	[dreg:$0x1] =	wrdreg $0xFFFFFFFF  }
0xa7: {  	s28 =	simm.s32 $_size_execute0_lowered;
	s2 =	sadd.s32 s2, s4;
	[dreg:$0x0] =	wrdreg $0x0  }
0xa8: {  	s4 =	sshll.u32 s28, $0x1;
	[dreg:$0x2] =	wrdreg s2  }
0xa9: {  	[dreg:$0x3] =	wrdreg s4  }
0xaa: {  	[dreg:$0x4] =	wrdreg $0xC0  }
0xab: {  	_ =	task [dreg:s6], $0x5FFFF  }
0xac: {  	[dreg:$0x1] =	wrdreg $0xFFFFFFFF  }
0xad: {  	[dreg:$0x0] =	wrdreg $0x60  }
0xae: {  	[dreg:$0x2] =	wrdreg s24  }
0xaf: {  	[dreg:$0x3] =	wrdreg $0x9  }
0xb0: {  	_ =	task.clear_ibuf [dreg:s6], $0x4FFFF;
	_ =	strace $0x90000058  }
0xb1: {  	s29 =	simm.s32 $0x9;
	_ =	strace $0x8000005A  }
0xb2: {  	_ =	swait.ge [sflag:s29], $0x1  }
0xb3: {  	[sflag:s29] =	ssyncadd.s32 $0xFFFFFFFF  }
0xb4: {  	_ =	strace $0x9000005A  }
0xb5: {  	_ =	sfence  }
0xb6: {  	s30 =	sld [smem:$0x0];
	_ =	sdelay $0x2  }
0xb7: {  	s31 =	sshll.u32 s1, $0xD;
	s1 =	sshrl.u32 s1, $0x2  }
0xb8: {  	s3 =	sand.u32 $0x4000, s31;
	s1 =	sadd.s32 s1, s30  }
0xb9: {  	s0 =	sor.u32 s3, s0;
	s1 =	sshll.u32 s1, $0x11  }
0xba: {  	s0 =	sor.u32 s1, s0  }
0xbb: {  	s0 =	sadd.s32 $0x8F2B, s0  }
0xbc: {  	[sflag:s0] =	ssyncadd.remote.s32 $0x1  }
0xbd: {  	_ =	sfence.sel $0xFFFF  }
0xbe: {  	[dreg:$0x0] =	wrdreg $0xFFFFFFFF;
	(pc) =	sbr.abs _section_cstart, $3  }
0xbf: {  	[dreg:$0x1] =	wrdreg $0xFFFFFFFF  }
0xc0: {  	_ =	task.clear_ibuf [dreg:s6], $0x2FFFF;
	_ =	strace $0x9FFFFFFF  }
0xc1: {  	(tm) =	ssettm $0x7FFFFFFF  }
tec
execute0_lowered:
.L_overlay_start_1:
0x0: {  	(tag) =	ssettag $0x1  }
0x1: {  	s0 =	srdreg.scid;
	s4 =	rddreg [dreg:$0x0]  }
0x2: {  	s2 =	simm.s32 $0x0;
	s15 =	simm.s32 $0x7;
	s6 =	sand.u32 $0x1, s0  }
0x3: {  	s16 =	simm.s32 $0x6;
	s0 =	stileid.u32;
	s12 =	smul.u32 $0x4F0000, s6  }
0x4: {  	s17 =	simm.s32 $0x0;
	[smem:$0x7FF] =	sst s2;
	s13 =	smul.u32 $0x4F000, s0  }
0x5: {  	s3 =	sadd.s32 $0x20C00, s4;
	s1 =	sshll.u32 s6, $0x4;
	s26 =	smul.u32 $0x9E00, s6  }
0x6: {  	s9 =	sadd.s32 $0xD000, s4;
	s14 =	smul.u32 $0x9E0, s0;
	s5 =	sor.u32 s0, s1  }
0x7: {  	s4 =	sadd.s32 $0xF16C00, s4;
	s11 =	ssub.s32 $0x2, s6;
	s7 =	smul.u32 $0x4F00, s5  }
0x8: {  	s1 =	rddreg [dreg:$0x1];
	s24 =	sshrl.u32 s11, $0x1;
	s8 =	smul.u32 $0x300, s5  }
0x9: {  	_ =	strace $0x80000059;
	s23 =	smul.u32 $0x278000, s5;
	s11 =	ssub.s32 s11, s24  }
0xa: {  	s30 =	sadd.s32 s13, s12;
	s12 =	simm.s32 $0x10100;
	s13 =	simm.s32 $0x80  }
0xb: {  	s10 =	sand.u32 $0xFFC00, s7;
	s8 =	sand.u32 $0x300, s8;
	s7 =	sshrl.u32 s7, $0x3  }
0xc: {  	s25 =	sshrl.u32 s23, $0x3;
	s8 =	sor.u32 s8, s10;
	s28 =	sadd.s32 s9, s7  }
0xd: {  	s29 =	sadd.s32 s4, s25;
	s8 =	sshrl.u32 s8, $0x3;
	s6 =	sadd.s32 $0x20, s28  }
0xe: {  	s7 =	sadd.s32 $0x4E000, s29;
	s5 =	sadd.s32 s9, s8;
	s9 =	sadd.s32 s26, s9  }
0xf: {  	s8 =	smax.u32 s11, $0x1;
	s11 =	simm.s32 $0x10000;
	s31 =	sadd.s32 s14, s9  }
0x10: {  	s9 =	sadd.s32 $0x1FFFF000, s30;
	s14 =	simm.s32 $0x4;
	s10 =	sadd.s32 $0x40, s31  }
.LBB2_1:
0x11: {  	[tilespmem:s11], [sflag:$0x1] =	stream.linear.gather [hbm4b:s5+s2], $0x100, $0x38;
	[tilespmem:$0x10400] =	vst v63  }
0x12: {  	s18 =	smov.u32 s10;
	s19 =	smov.u32 s9;
	s20 =	simm.s32 $0x0  }
0x13: {  	[tilespmem:s12], [sflag:$0x2] =	stream.linear.gather [hbm4b:s6+s2], $0x100, $0x38;
	[tilespmem:$0x10400] =	vst v63  }
.LBB2_2:
0x14: {  	s21 =	smul.u32 $0xAB, s20;
	_ =	sdelay $0x1  }
0x15: {  	s21 =	sshrl.u32 s21, $0x9  }
0x16: {  	s21 =	sand.u32 $0x7F, s21  }
0x17: {  	s22 =	sand.u32 $0x1, s20;
	p0 =	slt.u32 s20, $0x2;
	s21 =	smul.u32 $0x3, s21  }
0x18: {  	s23 =	sor.u32 @!p0 $0x6, s22  }
0x19: {  	_ =	swait.ge @!p0 [sflag:s23], $0x8000;
	s21 =	ssub.s32 s20, s21  }
0x1a: {  	[sflag:s23] =	ssyncset.done @!p0 $0x0;
	s21 =	sand.u32 $0xFF, s21  }
0x1b: {  	[sflag:s23] =	ssyncadd.s32 @!p0 $0xFFFF8000;
	s30 =	sadd.s32 $0x1, s21  }
0x1c: {  	_ =	swait.ge [sflag:s30], $0x100  }
0x1d: {  	s31 =	sshll.u32 s22, $0xF;
	s21 =	sshll.u32 s21, $0x8;
	[sflag:s30] =	ssyncset.done $0x0  }
0x1e: {  	s25 =	sor.u32 $0x4, s22;
	s24 =	sor.u32 $0x10000, s21;
	[sflag:s30] =	ssyncadd.s32 $0xFFFFFF00  }
0x1f: {  	[tilespmem:s31], [sflag:s25] =	stream.indirect.gather [hbm4b:s3+s13], $0x80, s24, s13, $0xb8;
	[tilespmem:$0x10400] =	vst v63  }
0x20: {  	s23 =	sor.u32 $0x4000, s31;
	s21 =	sor.u32 $0x10080, s21  }
0x21: {  	[tilespmem:s23], [sflag:s25] =	stream.indirect.gather [hbm4b:s3+s13], $0x80, s21, s13, $0xb8;
	[tilespmem:$0x10400] =	vst v63  }
0x22: {  	p0 =	seq.s32 s20, $0x0;
	s21 =	sxor.u32 $0x1, s22  }
0x23: {  	s22 =	sor.u32 @!p0 $0x4, s21  }
0x24: {  	_ =	swait.ge @!p0 [sflag:s22], $0x4000  }
0x25: {  	[sflag:s22] =	ssyncset.done @!p0 $0x0  }
0x26: {  	[sflag:s22] =	ssyncadd.s32 @!p0 $0xFFFFC000  }
0x27: {  	p1 =	sgt.u32 @!p0 s20, $0x4C;
	s23 =	sand.u32 @!p0 $0x1FFFF000, s19;
	_ =	swait.ge @!p0 [sflag:s22], $0x4000  }
0x28: {  	s24 =	simm.s32 @!p0 $0x0;
	s23 =	sadd.s32 @!p0 s4, s23;
	[sflag:s22] =	ssyncset.done @!p0 $0x0  }
0x29: {  	[sflag:s22] =	ssyncadd.s32 @!p0 $0xFFFFC000;
	s22 =	sshll.u32 @!p0 s21, $0xF;
	s21 =	sor.u32 @!p0 $0x6, s21  }
0x2a: {  	[hbm4b:s23+s24] =	stream.linear.scatter @!p0 [tilespmem:s22], [sflag:s21], $0x8000, $0x38;
	[tilespmem:$0x10400] =	vst v63  }
0x2b: {  	p0 =	por p0, !p1  }
0x2c: {  	s21 =	sadd.s32 @p0 $0x2, s20  }
0x2d: {  	s22 =	smul.u32 @p0 $0xAB, s21;
	_ =	sdelay $0x1  }
0x2e: {  	s22 =	sshrl.u32 @p0 s22, $0x9  }
0x2f: {  	s22 =	sand.u32 @p0 $0x7F, s22  }
0x30: {  	s22 =	smul.u32 @p0 $0x3, s22;
	_ =	sdelay $0x1  }
0x31: {  	s21 =	ssub.s32 @p0 s21, s22  }
0x32: {  	s21 =	sand.u32 @p0 $0xFF, s21  }
0x33: {  	s22 =	sshll.u32 @p0 s21, $0x8  }
0x34: {  	s20 =	sadd.s32 $0x1, s20;
	s21 =	sadd.s32 @p0 $0x1, s21;
	s22 =	sor.u32 @p0 $0x10000, s22  }
0x35: {  	[tilespmem:s22], [sflag:s21] =	stream.linear.gather @p0 [hbm4b:s18+s2], $0x100, $0x38;
	[tilespmem:$0x10400] =	vst v63  }
0x36: {  	p0 =	sne.s32 s20, $0x4F  }
.Ltmp0:
0x37: {  	_ = 	snop;
	(pc) =	sbr.rel @p0 .LBB2_2-.Ltmp0, $2  }
0x38: {  	_ =	sdelay $0x2  }
0x39: {  	s19 =	sadd.s32 $0x1000, s19;
	s18 =	sadd.s32 $0x20, s18  }
0x3a: {  	_ =	swait.ge [sflag:s14], $0x4000  }
0x3b: {  	[sflag:s14] =	ssyncset.done $0x0  }
0x3c: {  	[sflag:s14] =	ssyncadd.s32 $0xFFFFC000  }
0x3d: {  	_ =	swait.ge [sflag:s14], $0x4000  }
0x3e: {  	[sflag:s14] =	ssyncset.done $0x0  }
0x3f: {  	s17 =	sadd.s32 $0x1, s17;
	[sflag:s14] =	ssyncadd.s32 $0xFFFFC000  }
0x40: {  	[hbm4b:s7+s2] =	stream.linear.scatter [tilespmem:s2], [sflag:$0x6], $0x8000, $0x38;
	[tilespmem:$0x10400] =	vst v63  }
0x41: {  	p0 =	sne.s32 s17, s8;
	_ =	swait.ge [sflag:s15], $0x8000  }
.Ltmp1:
0x42: {  	[sflag:s15] =	ssyncset.done $0x0;
	(pc) =	sbr.rel @p0 .LBB2_1-.Ltmp1, $4  }
0x43: {  	[sflag:s15] =	ssyncadd.s32 $0xFFFF8000  }
0x44: {  	_ =	swait.ge [sflag:s16], $0x8000  }
0x45: {  	[sflag:s16] =	ssyncset.done $0x0  }
0x46: {  	[sflag:s16] =	ssyncadd.s32 $0xFFFF8000  }
0x47: {  	_ =	sfence.sel $0x180000  }
0x48: {  	[bflag:$0x0] =	sbarrier.arrive $0xFFFF  }
0x49: {  	p0 =	sne.s32 s0, $0x0;
	_ =	strace $0x90000059  }
0x4a: {  	s0 =	sadd.s32 @!p0 $0x100000, s1;
	[bflag:$0x2] =	sbarrier.arrive $0xFFFF  }
0x4b: {  	[sflag:s0] =	ssyncadd.tile.s32 @!p0 $0x1;
	_ =	shalt  }
.Lfunc_end2:
_tile_overlayer_lowered:
.L_overlay_start_2:
0x4c: {  	(tag) =	ssettag $0x2  }
0x4d: {  	s0 =	rddreg [dreg:$0x0];
	s2 =	stileid.u32  }
0x4e: {  	s1 =	rddreg [dreg:$0x1];
	p0 =	sne.s32 s2, $0x0  }
0x4f: {  	s3 =	rddreg [dreg:$0x2];
	[bflag:$0x3] =	sbarrier.arrive $0xFFFF;
	s2 =	simm.s32 @!p0 $0x1C08  }
0x50: {  	[timem:s3], [sflag:s2] =	dma.local @!p0 [hbm:s0], s1  }
0x51: {  	s0 =	simm.s32 @!p0 $0x8  }
0x52: {  	_ =	swait.ge @!p0 [sflag:s0], s1  }
0x53: {  	s1 =	ssub.s32 @!p0 $0x0, s1;
	[sflag:s0] =	ssyncset.done @!p0 $0x0  }
0x54: {  	[sflag:s0] =	ssyncadd.s32 @!p0 s1  }
0x55: {  	[bflag:$0x3] =	sbarrier.arrive $0xFFFF  }
0x56: {  	_ =	shalt  }

// kernel: kernel.46.cloned.1.call-start
scs
__scs_entry_jumppad:
0x0: {  	(pc) =	sbr.rel $0x88, $3  }
0x1: {  	(tag) =	ssettag $0x0;
	lr =	simm.s32 $0x1  }
0x2: {  	[smem:$0x3F88] =	sst lr;
	_ =	strace $0xD0000000  }
0x3: {  	_ = 	snop  }
0x4: {  	_ = 	snop  }
0x5: {  	_ = 	snop  }
0x6: {  	_ = 	snop  }
0x7: {  	_ = 	snop  }
__scs_overlays_trampoline_lowered:
0x8: {  	[smem:$0x3F97] =	sst s0  }
0x9: {  	[smem:$0x3F98] =	sst s1  }
0xa: {  	[smem:$0x3F99] =	sst s2  }
0xb: {  	[smem:$0x3F9A] =	sst s3  }
0xc: {  	[smem:$0x3F9B] =	sst s4  }
0xd: {  	[smem:$0x3F9C] =	sst s5  }
0xe: {  	[smem:$0x3F9D] =	sst s6  }
0xf: {  	[smem:$0x3F9E] =	sst s7  }
0x10: {  	[smem:$0x3F9F] =	sst s8  }
0x11: {  	[smem:$0x3FA0] =	sst s9;
	s0 =	simm.s32 @!p0 $0x0  }
0x12: {  	s1 =	sld [smem:$0x3F86];
	s0 =	simm.s32 @p0 $0x1  }
0x13: {  	[smem:$0x3FA1] =	sst s0;
	s0 =	simm.s32 @!p1 $0x0  }
0x14: {  	s2 =	sld [smem:$0x3F85];
	s0 =	simm.s32 @p1 $0x1  }
0x15: {  	[smem:$0x3FA2] =	sst s0;
	s0 =	simm.s32 @!p2 $0x0  }
0x16: {  	s3 =	sld [smem:$0x3FDB];
	s0 =	simm.s32 @p2 $0x1  }
0x17: {  	s4 =	simm.s32 $0x1BF5;
	[smem:$0x3FA4] =	sst s0  }
0x18: {  	s0 =	sld [smem:$0x3F87];
	_ =	swait.ge [sflag:s4], $0x0  }
0x19: {  	s7 =	sld [smem:$0x3F88]  }
0x1a: {  	s8 =	sadd.s32 $0xFFFFE003, lr  }
0x1b: {  	s9 =	sadd.s32 $0xFFFFFEF7, lr;
	s5 =	simm.s32 $0xFFFFFFFF;
	p2 =	slt.u32 s8, $0xFFFFF086  }
0x1c: {  	p1 =	slt.u32 s9, $0xF7A;
	s5 =	simm.s32 @!p2 $0x0  }
0x1d: {  	s5 =	simm.s32 @p1 $0x1;
	p0 =	seq.s32 s7, s2  }
0x1e: {  	s7 =	smul.u32 @!p0 $0xF7A, s2;
	p2 =	seq.s32 @!p0 s5, $0x0  }
0x1f: {  	s9 =	smul.u32 $0xF7A, s1;
	s8 =	simm.s32 @!p0 $0x1BF5;
	p2 =	por !p2, p0  }
0x20: {  	[sflag:s8] =	ssyncset.s32 @!p0 $0xFFFFF086;
	s6 =	sadd.s32 @!p0 s3, s7;
	s7 =	simm.s32 @!p0 $0x108  }
0x21: {  	s3 =	sadd.s32 s3, s9;
	s6 =	sadd.s32 @!p0 $0x88, s6;
	s7 =	simm.s32 @p2 $0x1082  }
0x22: {  	[simem:s7], [sflag:s8] =	dma.local @!p0 [hbm:s6], $0xF7A  }
0x23: {  	s9 =	sor.u32 $0xD0000000, s2;
	s6 =	simm.s32 $0x108;
	_ =	swait.ge @!p0 [sflag:s8], $0x0  }
0x24: {  	s3 =	sadd.s32 $0x88, s3;
	s6 =	simm.s32 @!p1 $0x1082;
	[sflag:s4] =	ssyncset.s32 $0xFFFFF086  }
0x25: {  	[simem:s6], [sflag:s4] =	dma.local [hbm:s3], $0xF7A  }
0x26: {  	[smem:$0x3F88] =	sst s1;
	(tag) =	ssettag s2;
	_ =	strace s9  }
0x27: {  	s1 =	sld [smem:$0x3F98]  }
0x28: {  	s2 =	sld [smem:$0x3F99]  }
0x29: {  	s4 =	sld [smem:$0x3F9B]  }
0x2a: {  	p0 =	seq.s32 s5, $0x0;
	s5 =	sld [smem:$0x3F9C]  }
0x2b: {  	s6 =	sld [smem:$0x3F9D]  }
0x2c: {  	s7 =	sld [smem:$0x3F9E]  }
0x2d: {  	s3 =	simm.s32 $0x108;
	s8 =	sld [smem:$0x3F9F]  }
0x2e: {  	s3 =	simm.s32 @!p0 $0x1082;
	s9 =	sld [smem:$0x3FA0]  }
0x2f: {  	lr =	sadd.s32 s0, s3;
	s0 =	sld [smem:$0x3F97]  }
0x30: {  	s3 =	sld [smem:$0x3F9A]  }
0x31: {  	[smem:$0x3FA3] =	sst s10  }
0x32: {  	s10 =	sld [smem:$0x3FA1];
	_ =	sdelay $0x3  }
0x33: {  	p0 =	seq.s32 s10, $0x1;
	s10 =	sld [smem:$0x3FA3];
	_ =	sdelay $0x3  }
0x34: {  	[smem:$0x3FA3] =	sst s10  }
0x35: {  	s10 =	sld [smem:$0x3FA2];
	_ =	sdelay $0x3  }
0x36: {  	p1 =	seq.s32 s10, $0x1;
	s10 =	sld [smem:$0x3FA3];
	_ =	sdelay $0x3  }
0x37: {  	[smem:$0x3FA3] =	sst s10  }
0x38: {  	s10 =	sld [smem:$0x3FA4]  }
0x39: {  	_ = 	snop;
	(pc) =	sbr.ind lr, $3  }
0x3a: {  	_ = 	snop  }
0x3b: {  	_ = 	snop  }
0x3c: {  	p2 =	seq.s32 s10, $0x1;
	s10 =	sld [smem:$0x3FA3]  }
0x3d: {  	_ =	shalt  }
0x3e: {  	_ =	shalt  }
0x3f: {  	_ =	shalt  }
0x40: {  	_ =	shalt  }
0x41: {  	_ =	shalt  }
0x42: {  	_ =	shalt  }
0x43: {  	_ =	shalt  }
0x44: {  	_ =	shalt  }
0x45: {  	_ =	shalt  }
0x46: {  	_ =	shalt  }
0x47: {  	_ =	shalt  }
0x48: {  	_ =	shalt  }
0x49: {  	_ =	shalt  }
0x4a: {  	_ =	shalt  }
0x4b: {  	_ =	shalt  }
0x4c: {  	_ =	shalt  }
0x4d: {  	_ =	shalt  }
0x4e: {  	_ =	shalt  }
0x4f: {  	_ =	shalt  }
0x50: {  	_ =	shalt  }
0x51: {  	_ =	shalt  }
0x52: {  	_ =	shalt  }
0x53: {  	_ =	shalt  }
0x54: {  	_ =	shalt  }
0x55: {  	_ =	shalt  }
0x56: {  	_ =	shalt  }
0x57: {  	_ =	shalt  }
0x58: {  	_ =	shalt  }
0x59: {  	_ =	shalt  }
0x5a: {  	_ =	shalt  }
0x5b: {  	_ =	shalt  }
0x5c: {  	_ =	shalt  }
0x5d: {  	_ =	shalt  }
0x5e: {  	_ =	shalt  }
0x5f: {  	_ =	shalt  }
0x60: {  	_ =	shalt  }
0x61: {  	_ =	shalt  }
0x62: {  	_ =	shalt  }
0x63: {  	_ =	shalt  }
0x64: {  	_ =	shalt  }
0x65: {  	_ =	shalt  }
0x66: {  	_ =	shalt  }
0x67: {  	_ =	shalt  }
0x68: {  	_ =	shalt  }
0x69: {  	_ =	shalt  }
0x6a: {  	_ =	shalt  }
0x6b: {  	_ =	shalt  }
0x6c: {  	_ =	shalt  }
0x6d: {  	_ =	shalt  }
0x6e: {  	_ =	shalt  }
0x6f: {  	_ =	shalt  }
0x70: {  	_ =	shalt  }
0x71: {  	_ =	shalt  }
0x72: {  	_ =	shalt  }
0x73: {  	_ =	shalt  }
0x74: {  	_ =	shalt  }
0x75: {  	_ =	shalt  }
0x76: {  	_ =	shalt  }
0x77: {  	_ =	shalt  }
0x78: {  	_ =	shalt  }
0x79: {  	_ =	shalt  }
0x7a: {  	_ =	shalt  }
0x7b: {  	_ =	shalt  }
0x7c: {  	_ =	shalt  }
0x7d: {  	_ =	shalt  }
0x7e: {  	_ =	shalt  }
0x7f: {  	_ =	shalt  }
0x80: {  	_ =	shalt  }
0x81: {  	_ =	shalt  }
0x82: {  	_ =	shalt  }
0x83: {  	_ =	shalt  }
0x84: {  	_ =	shalt  }
0x85: {  	_ =	shalt  }
0x86: {  	_ =	shalt  }
0x87: {  	_ =	shalt  }
.Lfunc_end0:
.L_simem_size_0:
called_computation.7_lowered:
.L_overlay_start_0:
0x88: {  	s2 =	sld [smem:$0x3FD9]  }
0x89: {  	s3 =	sld [smem:$0x3FFE];
	_ =	sdelay $0x1  }
0x8a: {  	s1 =	srdreg.scid  }
0x8b: {  	s0 =	sand.u32 $0x1, s1  }
0x8c: {  	s17 =	sshll.u32 s0, $0xA;
	s2 =	sadd.s32 s3, s2  }
0x8d: {  	s2 =	sadd.s32 s2, s17  }
0x8e: {  	[smem:$0x3FAF] =	sst s2  }
0x8f: {  	_ = 	snop  }
0x90: {  	s2 =	sld [smem:$0x3FC7];
	(tm) =	ssettm $0x1  }
0x91: {  	s18 =	sld [smem:$0x3FFB];
	_ =	sdelay $0x3  }
0x92: {  	_ =	strace s18  }
0x93: {  	s3 =	sld [smem:$0x3FFC];
	_ =	sdelay $0x3  }
0x94: {  	_ =	strace s3  }
0x95: {  	s3 =	sld [smem:$0x3FFD];
	_ =	sdelay $0x3  }
0x96: {  	_ =	strace s3  }
0x97: {  	_ =	strace $0x8FFFFFFF  }
0x98: {  	s19 =	sld [smem:$0x3FDB];
	_ =	sdelay $0x1  }
0x99: {  	s4 =	simm.s32 $_scs_section_size  }
0x9a: {  	s5 =	simm.s32 $_size__tile_overlayer_lowered;
	s6 =	simm.s32 $_tile_overlayer_lowered  }
0x9b: {  	s22 =	simm.s32 $0x1BFF;
	s21 =	sshll.u32 s6, $0x1;
	s3 =	sadd.s32 s4, s19  }
0x9c: {  	s7 =	simm.s32 $0x0;
	s20 =	sshll.u32 s5, $0x1;
	s5 =	sadd.s32 s21, s3  }
0x9d: {  	[timem:s7], [sflag:s22] =	dma.local [hbm:s5], s20  }
0x9e: {  	_ =	swait.ge [sflag:s22], s20  }
0x9f: {  	s4 =	ssub.s32 $0x0, s20;
	[sflag:s22] =	ssyncset.done $0x0  }
0xa0: {  	[sflag:s22] =	ssyncadd.s32 s4;
	_ =	sdelay $0x1  }
0xa1: {  	s23 =	simm.s32 $0x1B8B  }
0xa2: {  	_ =	swait.ge [sflag:s23], $0x1  }
0xa3: {  	[sflag:s23] =	ssyncset.done $0x0  }
0xa4: {  	s25 =	simm.s32 $0x1B8E;
	s24 =	sld [smem:$0x3FFE];
	[sflag:s23] =	ssyncadd.s32 $0xFFFFFFFF  }
0xa5: {  	s26 =	simm.s32 $execute0_lowered;
	[smem:$0x3FD2] =	sst s25  }
0xa6: {  	s5 =	sshll.u32 s26, $0x1;
	_ =	strace $0x8000005B;
	[dreg:$0x1] =	wrdreg $0xFFFFFFFF  }
0xa7: {  	s28 =	simm.s32 $_size_execute0_lowered;
	s3 =	sadd.s32 s3, s5;
	[dreg:$0x0] =	wrdreg $0x0  }
0xa8: {  	s5 =	sshll.u32 s28, $0x1;
	[dreg:$0x2] =	wrdreg s3  }
0xa9: {  	[dreg:$0x3] =	wrdreg s5  }
0xaa: {  	[dreg:$0x4] =	wrdreg $0xC0  }
0xab: {  	_ =	task [dreg:s7], $0x5FFFF  }
0xac: {  	[dreg:$0x1] =	wrdreg $0xFFFFFFFF  }
0xad: {  	[dreg:$0x0] =	wrdreg $0x60  }
0xae: {  	[dreg:$0x2] =	wrdreg s24  }
0xaf: {  	[dreg:$0x3] =	wrdreg s2  }
0xb0: {  	[dreg:$0x4] =	wrdreg $0x0  }
0xb1: {  	[dreg:$0x5] =	wrdreg $0x9  }
0xb2: {  	_ =	task.clear_ibuf [dreg:s7], $0x6FFFF;
	_ =	strace $0x9000005B  }
0xb3: {  	s29 =	simm.s32 $0x9;
	_ =	strace $0x8000005D  }
0xb4: {  	_ =	swait.ge [sflag:s29], $0x1  }
0xb5: {  	[sflag:s29] =	ssyncadd.s32 $0xFFFFFFFF  }
0xb6: {  	_ =	strace $0x9000005D  }
0xb7: {  	_ =	sfence  }
0xb8: {  	s30 =	sld [smem:$0x0];
	_ =	sdelay $0x2  }
0xb9: {  	s31 =	sshll.u32 s1, $0xD;
	s1 =	sshrl.u32 s1, $0x2  }
0xba: {  	s3 =	sand.u32 $0x4000, s31;
	s1 =	sadd.s32 s1, s30  }
0xbb: {  	s0 =	sor.u32 s3, s0;
	s1 =	sshll.u32 s1, $0x11  }
0xbc: {  	s0 =	sor.u32 s1, s0  }
0xbd: {  	s0 =	sadd.s32 $0x8F2B, s0  }
0xbe: {  	[sflag:s0] =	ssyncadd.remote.s32 $0x1  }
0xbf: {  	_ =	sfence.sel $0xFFFF  }
0xc0: {  	[dreg:$0x0] =	wrdreg $0xFFFFFFFF;
	(pc) =	sbr.abs _section_cstart, $3  }
0xc1: {  	[dreg:$0x1] =	wrdreg $0xFFFFFFFF  }
0xc2: {  	_ =	task.clear_ibuf [dreg:s7], $0x2FFFF;
	_ =	strace $0x9FFFFFFF  }
0xc3: {  	(tm) =	ssettm $0x7FFFFFFF  }
tec
execute0_lowered:
.L_overlay_start_1:
0x0: {  	(tag) =	ssettag $0x1  }
0x1: {  	s4 =	rddreg [dreg:$0x0]  }
0x2: {  	s10 =	rddreg [dreg:$0x1]  }
0x3: {  	s1 =	rddreg [dreg:$0x2];
	s6 =	srdreg.scid  }
0x4: {  	s0 =	rddreg [dreg:$0x3];
	s3 =	simm.s32 $0x0;
	s2 =	stileid.u32  }
0x5: {  	s5 =	sand.u32 $0x1, s6;
	[smem:$0x7FF] =	sst s3;
	s8 =	smul.u32 $0x14000, s2  }
0x6: {  	s11 =	smul.u32 $0x50000, s2;
	s28 =	sshll.u32 s2, $0x5;
	s29 =	sshll.u32 s6, $0x9  }
0x7: {  	s30 =	sshll.u32 s2, $0xC;
	s7 =	smul.u32 $0x140000, s5;
	_ =	strace $0x8000005C  }
0x8: {  	s9 =	sshll.u32 s5, $0x10;
	s24 =	ssub.s32 $0x2, s5;
	s13 =	sshll.u32 s5, $0x4  }
0x9: {  	s14 =	sand.u32 $0x60, s28;
	s12 =	sadd.s32 s9, s4;
	s25 =	sshrl.u32 s24, $0x1  }
0xa: {  	s26 =	sshrl.u32 s11, $0x2;
	s9 =	sor.u32 s28, s29;
	s13 =	sor.u32 s13, s2  }
0xb: {  	s7 =	sadd.s32 s8, s7;
	s8 =	ssub.s32 s24, s25;
	s15 =	sand.u32 $0x380, s9  }
0xc: {  	s11 =	sadd.s32 s30, s12;
	s7 =	sshrl.u32 s7, $0x3;
	s6 =	smax.u32 s8, $0x1  }
0xd: {  	s31 =	sadd.s32 s15, s10;
	s11 =	sadd.s32 $0xC0000, s11;
	s15 =	simm.s32 $0x1  }
0xe: {  	s7 =	sadd.s32 s7, s4;
	s4 =	sadd.s32 s26, s1;
	s12 =	sadd.s32 s14, s31  }
0xf: {  	s14 =	simm.s32 $0x14000;
	s5 =	sadd.s32 $0x5A2000, s7;
	s7 =	sadd.s32 $0x4000, s4  }
0x10: {  	v0 =	vimm.f32 $0.0e+00;
	s8 =	sadd.s32 $0x8000, s4;
	s9 =	sadd.s32 $0xC000, s4;
	s10 =	sadd.s32 $0x10000, s4  }
.LBB2_1:
0x11: {  	s16 =	simm.s32 $0x0;
	s17 =	simm.s32 $0x200  }
.LBB2_2:
0x12: {  	p0 =	sne.s32 s17, $0xFE00;
	[tilespmem:s16+$0x14070] =	vst v0  }
0x13: {  	[tilespmem:s16+$0x14000] =	vst v0  }
0x14: {  	[tilespmem:s16+$0x14010] =	vst v0  }
.Ltmp0:
0x15: {  	[tilespmem:s16+$0x14020] =	vst v0;
	(pc) =	sbr.rel @p0 .LBB2_2-.Ltmp0, $4  }
0x16: {  	[tilespmem:s16+$0x14030] =	vst v0  }
0x17: {  	[tilespmem:s16+$0x14040] =	vst v0  }
0x18: {  	[tilespmem:s16+$0x14050] =	vst v0  }
0x19: {  	[tilespmem:s16+$0x14060] =	vst v0;
	s16 =	sshra.s32 s17, $0x2;
	s17 =	sadd.s32 $0x200, s17  }
0x1a: {  	[tilespmem:s16+$0x14070] =	vst v0  }
0x1b: {  	[tilespmem:s16+$0x14000] =	vst v0  }
0x1c: {  	[tilespmem:s16+$0x14010] =	vst v0  }
0x1d: {  	[tilespmem:s16+$0x14020] =	vst v0  }
0x1e: {  	[tilespmem:s16+$0x14030] =	vst v0  }
0x1f: {  	[tilespmem:s16+$0x14040] =	vst v0  }
0x20: {  	[tilespmem:s16+$0x14050] =	vst v0  }
0x21: {  	[tilespmem:s16+$0x14060] =	vst v0  }
0x22: {  	[spmem:s4] =	stream.linear.scatter [tilespmem:s14], [sflag:$0x1], $0x4000, $0x38;
	[tilespmem:$0x1C100] =	vst v63  }
0x23: {  	_ =	swait.ge [sflag:s15], $0x4000  }
0x24: {  	[sflag:s15] =	ssyncset.done $0x0  }
0x25: {  	[sflag:s15] =	ssyncadd.s32 $0xFFFFC000  }
0x26: {  	[spmem:s7] =	stream.linear.scatter [tilespmem:s14], [sflag:$0x1], $0x4000, $0x38;
	[tilespmem:$0x1C100] =	vst v63  }
0x27: {  	_ =	swait.ge [sflag:s15], $0x4000  }
0x28: {  	[sflag:s15] =	ssyncset.done $0x0  }
0x29: {  	[sflag:s15] =	ssyncadd.s32 $0xFFFFC000  }
0x2a: {  	[spmem:s8] =	stream.linear.scatter [tilespmem:s14], [sflag:$0x1], $0x4000, $0x38;
	[tilespmem:$0x1C100] =	vst v63  }
0x2b: {  	_ =	swait.ge [sflag:s15], $0x4000  }
0x2c: {  	[sflag:s15] =	ssyncset.done $0x0  }
0x2d: {  	[sflag:s15] =	ssyncadd.s32 $0xFFFFC000  }
0x2e: {  	[spmem:s9] =	stream.linear.scatter [tilespmem:s14], [sflag:$0x1], $0x4000, $0x38;
	[tilespmem:$0x1C100] =	vst v63  }
0x2f: {  	_ =	swait.ge [sflag:s15], $0x4000  }
0x30: {  	[sflag:s15] =	ssyncset.done $0x0  }
0x31: {  	[sflag:s15] =	ssyncadd.s32 $0xFFFFC000  }
0x32: {  	[spmem:s10] =	stream.linear.scatter [tilespmem:s14], [sflag:$0x1], $0x4000, $0x38;
	[tilespmem:$0x1C100] =	vst v63  }
0x33: {  	s30 =	sadd.s32 $0x0, s13;
	_ =	swait.ge [sflag:s15], $0x4000  }
0x34: {  	p0 =	sgt.u32 s30, $0x4E1;
	[sflag:s15] =	ssyncset.done $0x0  }
0x35: {  	s16 =	simm.s32 @!p0 $0x0;
	[sflag:s15] =	ssyncadd.s32 $0xFFFFC000  }
0x36: {  	s17 =	simm.s32 @!p0 $0x14000;
	s18 =	simm.s32 @!p0 $0x2;
	[bflag:$0x0] =	sbarrier.arrive $0xFFFF  }
0x37: {  	[tilespmem:s17], [sflag:$0x2] =	stream.linear.gather @!p0 [hbm4b:s11+s16], $0x8000, $0x38;
	[tilespmem:$0x1C100] =	vst v63  }
0x38: {  	_ =	swait.ge @!p0 [sflag:s18], $0x8000;
	p0 =	por p0, p0  }
0x39: {  	[sflag:s18] =	ssyncset.done @!p0 $0x0  }
0x3a: {  	s19 =	simm.s32 @!p0 $0x1C000;
	[sflag:s18] =	ssyncadd.s32 @!p0 $0xFFFF8000  }
0x3b: {  	[tilespmem:s19], [sflag:$0x2] =	stream.linear.gather @!p0 [hbm4b:s12+s16], $0x100, $0x38;
	[tilespmem:$0x1C100] =	vst v63  }
0x3c: {  	_ =	swait.ge @!p0 [sflag:s18], $0x100  }
0x3d: {  	[sflag:s18] =	ssyncset.done @!p0 $0x0  }
0x3e: {  	s16 =	simm.s32 @!p0 $0x80;
	[sflag:s18] =	ssyncadd.s32 @!p0 $0xFFFFFF00  }
0x3f: {  	[spmem:s1] =	stream.indirect.scatter.add.f32 @!p0 [tilespmem:s17], [sflag:$0x2], $0x80, s19, s16, $0xb8;
	[tilespmem:$0x1C100] =	vst v63  }
0x40: {  	_ =	swait.ge @!p0 [sflag:s18], $0x4000  }
0x41: {  	s31 =	sadd.s32 $0x20, s13;
	[sflag:s18] =	ssyncset.done @!p0 $0x0  }
0x42: {  	s19 =	simm.s32 @!p0 $0x18000;
	[sflag:s18] =	ssyncadd.s32 @!p0 $0xFFFFC000;
	s18 =	simm.s32 @!p0 $0x1C080  }
0x43: {  	[spmem:s1] =	stream.indirect.scatter.add.f32 @!p0 [tilespmem:s19], [sflag:$0x1], $0x80, s18, s16, $0xb8;
	[tilespmem:$0x1C100] =	vst v63  }
0x44: {  	p2 =	sgt.u32 s31, $0x4E1;
	s17 =	simm.s32 $0x40;
	s19 =	simm.s32 @!p0 $0x1  }
0x45: {  	s16 =	sadd.s32 $0x400, s12;
	s18 =	sadd.s32 $0x20000, s11;
	_ =	swait.ge @!p0 [sflag:s19], $0x4000  }
.LBB2_4:
0x46: {  	s20 =	simm.s32 @!p2 $0x0  }
0x47: {  	s21 =	simm.s32 @!p2 $0x14000;
	[sflag:s19] =	ssyncset.done @!p0 $0x0;
	s22 =	smov.u32 s17  }
0x48: {  	s17 =	sadd.s32 $0x20, s17;
	s23 =	simm.s32 @!p2 $0x2;
	[sflag:s19] =	ssyncadd.s32 @!p0 $0xFFFFC000  }
0x49: {  	[tilespmem:s21], [sflag:$0x2] =	stream.linear.gather @!p2 [hbm4b:s18+s20], $0x8000, $0x38;
	[tilespmem:$0x1C100] =	vst v63  }
0x4a: {  	p1 =	sne.s32 s17, $0x500;
	p0 =	por p2, p2;
	_ =	swait.ge @!p2 [sflag:s23], $0x8000  }
0x4b: {  	[sflag:s23] =	ssyncset.done @!p0 $0x0  }
0x4c: {  	s19 =	simm.s32 @!p0 $0x1C000;
	[sflag:s23] =	ssyncadd.s32 @!p0 $0xFFFF8000  }
0x4d: {  	[tilespmem:s19], [sflag:$0x2] =	stream.linear.gather @!p0 [hbm4b:s16+s20], $0x100, $0x38;
	[tilespmem:$0x1C100] =	vst v63  }
0x4e: {  	_ =	swait.ge @!p0 [sflag:s23], $0x100  }
0x4f: {  	[sflag:s23] =	ssyncset.done @!p0 $0x0  }
0x50: {  	s20 =	simm.s32 @!p0 $0x80;
	[sflag:s23] =	ssyncadd.s32 @!p0 $0xFFFFFF00  }
0x51: {  	[spmem:s1] =	stream.indirect.scatter.add.f32 @!p0 [tilespmem:s21], [sflag:$0x2], $0x80, s19, s20, $0xb8;
	[tilespmem:$0x1C100] =	vst v63  }
.Ltmp1:
0x52: {  	s16 =	sadd.s32 $0x400, s16;
	_ =	swait.ge @!p0 [sflag:s23], $0x4000;
	(pc) =	sbr.rel @p1 .LBB2_4-.Ltmp1, $4  }
0x53: {  	s21 =	sadd.s32 s22, s13;
	s19 =	simm.s32 @!p0 $0x1;
	[sflag:s23] =	ssyncset.done @!p0 $0x0  }
0x54: {  	s22 =	simm.s32 @!p0 $0x1C080;
	[sflag:s23] =	ssyncadd.s32 @!p0 $0xFFFFC000;
	s23 =	simm.s32 @!p0 $0x18000  }
0x55: {  	[spmem:s1] =	stream.indirect.scatter.add.f32 @!p0 [tilespmem:s23], [sflag:$0x1], $0x80, s22, s20, $0xb8;
	[tilespmem:$0x1C100] =	vst v63  }
0x56: {  	s18 =	sadd.s32 $0x20000, s18;
	p2 =	sgt.u32 s21, $0x4E1;
	_ =	swait.ge @!p0 [sflag:s19], $0x4000  }
0x57: {  	s17 =	simm.s32 @!p2 $0x0;
	[sflag:s19] =	ssyncset.done @!p0 $0x0  }
0x58: {  	s20 =	simm.s32 @!p2 $0x14000;
	s21 =	simm.s32 @!p2 $0x2;
	[sflag:s19] =	ssyncadd.s32 @!p0 $0xFFFFC000  }
0x59: {  	[tilespmem:s20], [sflag:$0x2] =	stream.linear.gather @!p2 [hbm4b:s18+s17], $0x8000, $0x38;
	[tilespmem:$0x1C100] =	vst v63  }
0x5a: {  	p0 =	por p2, p2;
	_ =	swait.ge @!p2 [sflag:s21], $0x8000  }
0x5b: {  	[sflag:s21] =	ssyncset.done @!p0 $0x0  }
0x5c: {  	s18 =	simm.s32 @!p0 $0x1C000;
	[sflag:s21] =	ssyncadd.s32 @!p0 $0xFFFF8000  }
0x5d: {  	[tilespmem:s18], [sflag:$0x2] =	stream.linear.gather @!p0 [hbm4b:s16+s17], $0x100, $0x38;
	[tilespmem:$0x1C100] =	vst v63  }
0x5e: {  	_ =	swait.ge @!p0 [sflag:s21], $0x100  }
0x5f: {  	[sflag:s21] =	ssyncset.done @!p0 $0x0  }
0x60: {  	s16 =	simm.s32 @!p0 $0x80;
	[sflag:s21] =	ssyncadd.s32 @!p0 $0xFFFFFF00  }
0x61: {  	[spmem:s1] =	stream.indirect.scatter.add.f32 @!p0 [tilespmem:s20], [sflag:$0x2], $0x80, s18, s16, $0xb8;
	[tilespmem:$0x1C100] =	vst v63  }
0x62: {  	_ =	swait.ge @!p0 [sflag:s21], $0x4000  }
0x63: {  	s19 =	simm.s32 @!p0 $0x18000;
	[sflag:s21] =	ssyncset.done @!p0 $0x0  }
0x64: {  	s17 =	simm.s32 @!p0 $0x1;
	s18 =	simm.s32 @!p0 $0x1C080;
	[sflag:s21] =	ssyncadd.s32 @!p0 $0xFFFFC000  }
0x65: {  	[spmem:s1] =	stream.indirect.scatter.add.f32 @!p0 [tilespmem:s19], [sflag:$0x1], $0x80, s18, s16, $0xb8;
	[tilespmem:$0x1C100] =	vst v63  }
0x66: {  	_ =	swait.ge @!p0 [sflag:s17], $0x4000  }
0x67: {  	s30 =	sshll.u32 s2, $0x6;
	s3 =	sadd.s32 $0x1, s3;
	[sflag:s17] =	ssyncset.done @!p0 $0x0  }
0x68: {  	s31 =	sshrl.u32 s4, $0x3;
	[sflag:s17] =	ssyncadd.s32 @!p0 $0xFFFFC000;
	p0 =	sne.s32 s3, s6  }
.Ltmp2:
0x69: {  	s16 =	sor.u32 $0x1C01, s30;
	[bflag:$0x0] =	sbarrier.arrive $0xFFFF;
	(pc) =	sbr.rel @p0 .LBB2_1-.Ltmp2, $4  }
0x6a: {  	[hbm:s5], [sflag:s16] =	dma.local [spmem:s31], $0x2800  }
0x6b: {  	_ =	swait.ge [sflag:s15], $0x2800  }
0x6c: {  	[sflag:s15] =	ssyncset.done $0x0  }
0x6d: {  	[sflag:s15] =	ssyncadd.s32 $0xFFFFD800  }
0x6e: {  	_ =	sfence.sel $0x180000  }
0x6f: {  	[bflag:$0x0] =	sbarrier.arrive $0xFFFF  }
0x70: {  	p0 =	sne.s32 s2, $0x0;
	_ =	strace $0x9000005C  }
0x71: {  	s0 =	sadd.s32 @!p0 $0x100000, s0;
	[bflag:$0x2] =	sbarrier.arrive $0xFFFF  }
0x72: {  	[sflag:s0] =	ssyncadd.tile.s32 @!p0 $0x1;
	_ =	shalt  }
.Lfunc_end2:
_tile_overlayer_lowered:
.L_overlay_start_2:
0x73: {  	(tag) =	ssettag $0x2  }
0x74: {  	s0 =	rddreg [dreg:$0x0];
	s2 =	stileid.u32  }
0x75: {  	s1 =	rddreg [dreg:$0x1];
	p0 =	sne.s32 s2, $0x0  }
0x76: {  	s3 =	rddreg [dreg:$0x2];
	[bflag:$0x3] =	sbarrier.arrive $0xFFFF;
	s2 =	simm.s32 @!p0 $0x1C01  }
0x77: {  	[timem:s3], [sflag:s2] =	dma.local @!p0 [hbm:s0], s1  }
0x78: {  	s0 =	simm.s32 @!p0 $0x1  }
0x79: {  	_ =	swait.ge @!p0 [sflag:s0], s1  }
0x7a: {  	s1 =	ssub.s32 @!p0 $0x0, s1;
	[sflag:s0] =	ssyncset.done @!p0 $0x0  }
0x7b: {  	[sflag:s0] =	ssyncadd.s32 @!p0 s1  }
0x7c: {  	[bflag:$0x3] =	sbarrier.arrive $0xFFFF  }
0x7d: {  	_ =	shalt  }

// kernel: kernel.49.cloned.1.call-start
scs
__scs_entry_jumppad:
0x0: {  	(pc) =	sbr.rel $0x88, $3  }
0x1: {  	(tag) =	ssettag $0x0;
	lr =	simm.s32 $0x1  }
0x2: {  	[smem:$0x3F88] =	sst lr;
	_ =	strace $0xD0000000  }
0x3: {  	_ = 	snop  }
0x4: {  	_ = 	snop  }
0x5: {  	_ = 	snop  }
0x6: {  	_ = 	snop  }
0x7: {  	_ = 	snop  }
__scs_overlays_trampoline_lowered:
0x8: {  	[smem:$0x3F97] =	sst s0  }
0x9: {  	[smem:$0x3F98] =	sst s1  }
0xa: {  	[smem:$0x3F99] =	sst s2  }
0xb: {  	[smem:$0x3F9A] =	sst s3  }
0xc: {  	[smem:$0x3F9B] =	sst s4  }
0xd: {  	[smem:$0x3F9C] =	sst s5  }
0xe: {  	[smem:$0x3F9D] =	sst s6  }
0xf: {  	[smem:$0x3F9E] =	sst s7  }
0x10: {  	[smem:$0x3F9F] =	sst s8  }
0x11: {  	[smem:$0x3FA0] =	sst s9;
	s0 =	simm.s32 @!p0 $0x0  }
0x12: {  	s1 =	sld [smem:$0x3F86];
	s0 =	simm.s32 @p0 $0x1  }
0x13: {  	[smem:$0x3FA1] =	sst s0;
	s0 =	simm.s32 @!p1 $0x0  }
0x14: {  	s2 =	sld [smem:$0x3F85];
	s0 =	simm.s32 @p1 $0x1  }
0x15: {  	[smem:$0x3FA2] =	sst s0;
	s0 =	simm.s32 @!p2 $0x0  }
0x16: {  	s3 =	sld [smem:$0x3FDB];
	s0 =	simm.s32 @p2 $0x1  }
0x17: {  	s4 =	simm.s32 $0x1BF5;
	[smem:$0x3FA4] =	sst s0  }
0x18: {  	s0 =	sld [smem:$0x3F87];
	_ =	swait.ge [sflag:s4], $0x0  }
0x19: {  	s7 =	sld [smem:$0x3F88]  }
0x1a: {  	s8 =	sadd.s32 $0xFFFFE003, lr  }
0x1b: {  	s9 =	sadd.s32 $0xFFFFFEF7, lr;
	s5 =	simm.s32 $0xFFFFFFFF;
	p2 =	slt.u32 s8, $0xFFFFF086  }
0x1c: {  	p1 =	slt.u32 s9, $0xF7A;
	s5 =	simm.s32 @!p2 $0x0  }
0x1d: {  	s5 =	simm.s32 @p1 $0x1;
	p0 =	seq.s32 s7, s2  }
0x1e: {  	s7 =	smul.u32 @!p0 $0xF7A, s2;
	p2 =	seq.s32 @!p0 s5, $0x0  }
0x1f: {  	s9 =	smul.u32 $0xF7A, s1;
	s8 =	simm.s32 @!p0 $0x1BF5;
	p2 =	por !p2, p0  }
0x20: {  	[sflag:s8] =	ssyncset.s32 @!p0 $0xFFFFF086;
	s6 =	sadd.s32 @!p0 s3, s7;
	s7 =	simm.s32 @!p0 $0x108  }
0x21: {  	s3 =	sadd.s32 s3, s9;
	s6 =	sadd.s32 @!p0 $0x88, s6;
	s7 =	simm.s32 @p2 $0x1082  }
0x22: {  	[simem:s7], [sflag:s8] =	dma.local @!p0 [hbm:s6], $0xF7A  }
0x23: {  	s9 =	sor.u32 $0xD0000000, s2;
	s6 =	simm.s32 $0x108;
	_ =	swait.ge @!p0 [sflag:s8], $0x0  }
0x24: {  	s3 =	sadd.s32 $0x88, s3;
	s6 =	simm.s32 @!p1 $0x1082;
	[sflag:s4] =	ssyncset.s32 $0xFFFFF086  }
0x25: {  	[simem:s6], [sflag:s4] =	dma.local [hbm:s3], $0xF7A  }
0x26: {  	[smem:$0x3F88] =	sst s1;
	(tag) =	ssettag s2;
	_ =	strace s9  }
0x27: {  	s1 =	sld [smem:$0x3F98]  }
0x28: {  	s2 =	sld [smem:$0x3F99]  }
0x29: {  	s4 =	sld [smem:$0x3F9B]  }
0x2a: {  	p0 =	seq.s32 s5, $0x0;
	s5 =	sld [smem:$0x3F9C]  }
0x2b: {  	s6 =	sld [smem:$0x3F9D]  }
0x2c: {  	s7 =	sld [smem:$0x3F9E]  }
0x2d: {  	s3 =	simm.s32 $0x108;
	s8 =	sld [smem:$0x3F9F]  }
0x2e: {  	s3 =	simm.s32 @!p0 $0x1082;
	s9 =	sld [smem:$0x3FA0]  }
0x2f: {  	lr =	sadd.s32 s0, s3;
	s0 =	sld [smem:$0x3F97]  }
0x30: {  	s3 =	sld [smem:$0x3F9A]  }
0x31: {  	[smem:$0x3FA3] =	sst s10  }
0x32: {  	s10 =	sld [smem:$0x3FA1];
	_ =	sdelay $0x3  }
0x33: {  	p0 =	seq.s32 s10, $0x1;
	s10 =	sld [smem:$0x3FA3];
	_ =	sdelay $0x3  }
0x34: {  	[smem:$0x3FA3] =	sst s10  }
0x35: {  	s10 =	sld [smem:$0x3FA2];
	_ =	sdelay $0x3  }
0x36: {  	p1 =	seq.s32 s10, $0x1;
	s10 =	sld [smem:$0x3FA3];
	_ =	sdelay $0x3  }
0x37: {  	[smem:$0x3FA3] =	sst s10  }
0x38: {  	s10 =	sld [smem:$0x3FA4]  }
0x39: {  	_ = 	snop;
	(pc) =	sbr.ind lr, $3  }
0x3a: {  	_ = 	snop  }
0x3b: {  	_ = 	snop  }
0x3c: {  	p2 =	seq.s32 s10, $0x1;
	s10 =	sld [smem:$0x3FA3]  }
0x3d: {  	_ =	shalt  }
0x3e: {  	_ =	shalt  }
0x3f: {  	_ =	shalt  }
0x40: {  	_ =	shalt  }
0x41: {  	_ =	shalt  }
0x42: {  	_ =	shalt  }
0x43: {  	_ =	shalt  }
0x44: {  	_ =	shalt  }
0x45: {  	_ =	shalt  }
0x46: {  	_ =	shalt  }
0x47: {  	_ =	shalt  }
0x48: {  	_ =	shalt  }
0x49: {  	_ =	shalt  }
0x4a: {  	_ =	shalt  }
0x4b: {  	_ =	shalt  }
0x4c: {  	_ =	shalt  }
0x4d: {  	_ =	shalt  }
0x4e: {  	_ =	shalt  }
0x4f: {  	_ =	shalt  }
0x50: {  	_ =	shalt  }
0x51: {  	_ =	shalt  }
0x52: {  	_ =	shalt  }
0x53: {  	_ =	shalt  }
0x54: {  	_ =	shalt  }
0x55: {  	_ =	shalt  }
0x56: {  	_ =	shalt  }
0x57: {  	_ =	shalt  }
0x58: {  	_ =	shalt  }
0x59: {  	_ =	shalt  }
0x5a: {  	_ =	shalt  }
0x5b: {  	_ =	shalt  }
0x5c: {  	_ =	shalt  }
0x5d: {  	_ =	shalt  }
0x5e: {  	_ =	shalt  }
0x5f: {  	_ =	shalt  }
0x60: {  	_ =	shalt  }
0x61: {  	_ =	shalt  }
0x62: {  	_ =	shalt  }
0x63: {  	_ =	shalt  }
0x64: {  	_ =	shalt  }
0x65: {  	_ =	shalt  }
0x66: {  	_ =	shalt  }
0x67: {  	_ =	shalt  }
0x68: {  	_ =	shalt  }
0x69: {  	_ =	shalt  }
0x6a: {  	_ =	shalt  }
0x6b: {  	_ =	shalt  }
0x6c: {  	_ =	shalt  }
0x6d: {  	_ =	shalt  }
0x6e: {  	_ =	shalt  }
0x6f: {  	_ =	shalt  }
0x70: {  	_ =	shalt  }
0x71: {  	_ =	shalt  }
0x72: {  	_ =	shalt  }
0x73: {  	_ =	shalt  }
0x74: {  	_ =	shalt  }
0x75: {  	_ =	shalt  }
0x76: {  	_ =	shalt  }
0x77: {  	_ =	shalt  }
0x78: {  	_ =	shalt  }
0x79: {  	_ =	shalt  }
0x7a: {  	_ =	shalt  }
0x7b: {  	_ =	shalt  }
0x7c: {  	_ =	shalt  }
0x7d: {  	_ =	shalt  }
0x7e: {  	_ =	shalt  }
0x7f: {  	_ =	shalt  }
0x80: {  	_ =	shalt  }
0x81: {  	_ =	shalt  }
0x82: {  	_ =	shalt  }
0x83: {  	_ =	shalt  }
0x84: {  	_ =	shalt  }
0x85: {  	_ =	shalt  }
0x86: {  	_ =	shalt  }
0x87: {  	_ =	shalt  }
.Lfunc_end0:
.L_simem_size_0:
called_computation.8_lowered:
.L_overlay_start_0:
0x88: {  	s2 =	sld [smem:$0x3FD9]  }
0x89: {  	s3 =	sld [smem:$0x3FFE];
	_ =	sdelay $0x1  }
0x8a: {  	s1 =	srdreg.scid  }
0x8b: {  	s0 =	sand.u32 $0x1, s1  }
0x8c: {  	s16 =	sshll.u32 s0, $0xA;
	s2 =	sadd.s32 s3, s2  }
0x8d: {  	s2 =	sadd.s32 s2, s16  }
0x8e: {  	[smem:$0x3FAF] =	sst s2  }
0x8f: {  	_ = 	snop  }
0x90: {  	(tm) =	ssettm $0x1  }
0x91: {  	s17 =	sld [smem:$0x3FFB];
	_ =	sdelay $0x3  }
0x92: {  	_ =	strace s17  }
0x93: {  	s2 =	sld [smem:$0x3FFC];
	_ =	sdelay $0x3  }
0x94: {  	_ =	strace s2  }
0x95: {  	s2 =	sld [smem:$0x3FFD];
	_ =	sdelay $0x3  }
0x96: {  	_ =	strace s2  }
0x97: {  	_ =	strace $0x8FFFFFFF  }
0x98: {  	s18 =	sld [smem:$0x3FDB];
	_ =	sdelay $0x1  }
0x99: {  	s19 =	simm.s32 $_scs_section_size  }
0x9a: {  	s4 =	simm.s32 $_size__tile_overlayer_lowered;
	s5 =	simm.s32 $_tile_overlayer_lowered  }
0x9b: {  	s22 =	simm.s32 $0x1BFF;
	s21 =	sshll.u32 s5, $0x1;
	s2 =	sadd.s32 s19, s18  }
0x9c: {  	s6 =	simm.s32 $0x0;
	s20 =	sshll.u32 s4, $0x1;
	s4 =	sadd.s32 s21, s2  }
0x9d: {  	[timem:s6], [sflag:s22] =	dma.local [hbm:s4], s20  }
0x9e: {  	_ =	swait.ge [sflag:s22], s20  }
0x9f: {  	s3 =	ssub.s32 $0x0, s20;
	[sflag:s22] =	ssyncset.done $0x0  }
0xa0: {  	[sflag:s22] =	ssyncadd.s32 s3;
	_ =	sdelay $0x1  }
0xa1: {  	s23 =	simm.s32 $0x1B8B  }
0xa2: {  	_ =	swait.ge [sflag:s23], $0x1  }
0xa3: {  	[sflag:s23] =	ssyncset.done $0x0  }
0xa4: {  	s25 =	simm.s32 $0x1B8E;
	s24 =	sld [smem:$0x3FFE];
	[sflag:s23] =	ssyncadd.s32 $0xFFFFFFFF  }
0xa5: {  	s26 =	simm.s32 $execute0_lowered;
	[smem:$0x3FD2] =	sst s25  }
0xa6: {  	s4 =	sshll.u32 s26, $0x1;
	_ =	strace $0x8000005E;
	[dreg:$0x1] =	wrdreg $0xFFFFFFFF  }
0xa7: {  	s28 =	simm.s32 $_size_execute0_lowered;
	s2 =	sadd.s32 s2, s4;
	[dreg:$0x0] =	wrdreg $0x0  }
0xa8: {  	s4 =	sshll.u32 s28, $0x1;
	[dreg:$0x2] =	wrdreg s2  }
0xa9: {  	[dreg:$0x3] =	wrdreg s4  }
0xaa: {  	[dreg:$0x4] =	wrdreg $0xC0  }
0xab: {  	_ =	task [dreg:s6], $0x5FFFF  }
0xac: {  	[dreg:$0x1] =	wrdreg $0xFFFFFFFF  }
0xad: {  	[dreg:$0x0] =	wrdreg $0x60  }
0xae: {  	[dreg:$0x2] =	wrdreg s24  }
0xaf: {  	[dreg:$0x3] =	wrdreg $0x9  }
0xb0: {  	_ =	task.clear_ibuf [dreg:s6], $0x4FFFF;
	_ =	strace $0x9000005E  }
0xb1: {  	s29 =	simm.s32 $0x9;
	_ =	strace $0x80000060  }
0xb2: {  	_ =	swait.ge [sflag:s29], $0x1  }
0xb3: {  	[sflag:s29] =	ssyncadd.s32 $0xFFFFFFFF  }
0xb4: {  	_ =	strace $0x90000060  }
0xb5: {  	_ =	sfence  }
0xb6: {  	s30 =	sld [smem:$0x0];
	_ =	sdelay $0x2  }
0xb7: {  	s31 =	sshll.u32 s1, $0xD;
	s1 =	sshrl.u32 s1, $0x2  }
0xb8: {  	s3 =	sand.u32 $0x4000, s31;
	s1 =	sadd.s32 s1, s30  }
0xb9: {  	s0 =	sor.u32 s3, s0;
	s1 =	sshll.u32 s1, $0x11  }
0xba: {  	s0 =	sor.u32 s1, s0  }
0xbb: {  	s0 =	sadd.s32 $0x8F2B, s0  }
0xbc: {  	[sflag:s0] =	ssyncadd.remote.s32 $0x1  }
0xbd: {  	_ =	sfence.sel $0xFFFF  }
0xbe: {  	[dreg:$0x0] =	wrdreg $0xFFFFFFFF;
	(pc) =	sbr.abs _section_cstart, $3  }
0xbf: {  	[dreg:$0x1] =	wrdreg $0xFFFFFFFF  }
0xc0: {  	_ =	task.clear_ibuf [dreg:s6], $0x2FFFF;
	_ =	strace $0x9FFFFFFF  }
0xc1: {  	(tm) =	ssettm $0x7FFFFFFF  }
tec
execute0_lowered:
.L_overlay_start_1:
0x0: {  	(tag) =	ssettag $0x1  }
0x1: {  	s0 =	srdreg.scid;
	s4 =	rddreg [dreg:$0x0]  }
0x2: {  	s2 =	simm.s32 $0x0;
	s15 =	simm.s32 $0x7;
	s6 =	sand.u32 $0x1, s0  }
0x3: {  	s16 =	simm.s32 $0x6;
	s0 =	stileid.u32;
	s12 =	smul.u32 $0x4F0000, s6  }
0x4: {  	s17 =	simm.s32 $0x0;
	[smem:$0x7FF] =	sst s2;
	s13 =	smul.u32 $0x4F000, s0  }
0x5: {  	s3 =	sadd.s32 $0x20C00, s4;
	s1 =	sshll.u32 s6, $0x4;
	s26 =	smul.u32 $0x9E00, s6  }
0x6: {  	s9 =	sadd.s32 $0xD000, s4;
	s14 =	smul.u32 $0x9E0, s0;
	s5 =	sor.u32 s0, s1  }
0x7: {  	s4 =	sadd.s32 $0xF16C00, s4;
	s11 =	ssub.s32 $0x2, s6;
	s7 =	smul.u32 $0x4F00, s5  }
0x8: {  	s1 =	rddreg [dreg:$0x1];
	s24 =	sshrl.u32 s11, $0x1;
	s8 =	smul.u32 $0x300, s5  }
0x9: {  	_ =	strace $0x8000005F;
	s23 =	smul.u32 $0x278000, s5;
	s11 =	ssub.s32 s11, s24  }
0xa: {  	s30 =	sadd.s32 s13, s12;
	s12 =	simm.s32 $0x10100;
	s13 =	simm.s32 $0x80  }
0xb: {  	s10 =	sand.u32 $0xFFC00, s7;
	s8 =	sand.u32 $0x300, s8;
	s7 =	sshrl.u32 s7, $0x3  }
0xc: {  	s25 =	sshrl.u32 s23, $0x3;
	s8 =	sor.u32 s8, s10;
	s28 =	sadd.s32 s9, s7  }
0xd: {  	s29 =	sadd.s32 s4, s25;
	s8 =	sshrl.u32 s8, $0x3;
	s6 =	sadd.s32 $0x20, s28  }
0xe: {  	s7 =	sadd.s32 $0x4E000, s29;
	s5 =	sadd.s32 s9, s8;
	s9 =	sadd.s32 s26, s9  }
0xf: {  	s8 =	smax.u32 s11, $0x1;
	s11 =	simm.s32 $0x10000;
	s31 =	sadd.s32 s14, s9  }
0x10: {  	s9 =	sadd.s32 $0x1FFFF000, s30;
	s14 =	simm.s32 $0x4;
	s10 =	sadd.s32 $0x40, s31  }
.LBB2_1:
0x11: {  	[tilespmem:s11], [sflag:$0x1] =	stream.linear.gather [hbm4b:s5+s2], $0x100, $0x38;
	[tilespmem:$0x10400] =	vst v63  }
0x12: {  	s18 =	smov.u32 s10;
	s19 =	smov.u32 s9;
	s20 =	simm.s32 $0x0  }
0x13: {  	[tilespmem:s12], [sflag:$0x2] =	stream.linear.gather [hbm4b:s6+s2], $0x100, $0x38;
	[tilespmem:$0x10400] =	vst v63  }
.LBB2_2:
0x14: {  	s21 =	smul.u32 $0xAB, s20;
	_ =	sdelay $0x1  }
0x15: {  	s21 =	sshrl.u32 s21, $0x9  }
0x16: {  	s21 =	sand.u32 $0x7F, s21  }
0x17: {  	s22 =	sand.u32 $0x1, s20;
	p0 =	slt.u32 s20, $0x2;
	s21 =	smul.u32 $0x3, s21  }
0x18: {  	s23 =	sor.u32 @!p0 $0x6, s22  }
0x19: {  	_ =	swait.ge @!p0 [sflag:s23], $0x8000;
	s21 =	ssub.s32 s20, s21  }
0x1a: {  	[sflag:s23] =	ssyncset.done @!p0 $0x0;
	s21 =	sand.u32 $0xFF, s21  }
0x1b: {  	[sflag:s23] =	ssyncadd.s32 @!p0 $0xFFFF8000;
	s30 =	sadd.s32 $0x1, s21  }
0x1c: {  	_ =	swait.ge [sflag:s30], $0x100  }
0x1d: {  	s31 =	sshll.u32 s22, $0xF;
	s21 =	sshll.u32 s21, $0x8;
	[sflag:s30] =	ssyncset.done $0x0  }
0x1e: {  	s25 =	sor.u32 $0x4, s22;
	s24 =	sor.u32 $0x10000, s21;
	[sflag:s30] =	ssyncadd.s32 $0xFFFFFF00  }
0x1f: {  	[tilespmem:s31], [sflag:s25] =	stream.indirect.gather [hbm4b:s3+s13], $0x80, s24, s13, $0xb8;
	[tilespmem:$0x10400] =	vst v63  }
0x20: {  	s23 =	sor.u32 $0x4000, s31;
	s21 =	sor.u32 $0x10080, s21  }
0x21: {  	[tilespmem:s23], [sflag:s25] =	stream.indirect.gather [hbm4b:s3+s13], $0x80, s21, s13, $0xb8;
	[tilespmem:$0x10400] =	vst v63  }
0x22: {  	p0 =	seq.s32 s20, $0x0;
	s21 =	sxor.u32 $0x1, s22  }
0x23: {  	s22 =	sor.u32 @!p0 $0x4, s21  }
0x24: {  	_ =	swait.ge @!p0 [sflag:s22], $0x4000  }
0x25: {  	[sflag:s22] =	ssyncset.done @!p0 $0x0  }
0x26: {  	[sflag:s22] =	ssyncadd.s32 @!p0 $0xFFFFC000  }
0x27: {  	p1 =	sgt.u32 @!p0 s20, $0x4C;
	s23 =	sand.u32 @!p0 $0x1FFFF000, s19;
	_ =	swait.ge @!p0 [sflag:s22], $0x4000  }
0x28: {  	s24 =	simm.s32 @!p0 $0x0;
	s23 =	sadd.s32 @!p0 s4, s23;
	[sflag:s22] =	ssyncset.done @!p0 $0x0  }
0x29: {  	[sflag:s22] =	ssyncadd.s32 @!p0 $0xFFFFC000;
	s22 =	sshll.u32 @!p0 s21, $0xF;
	s21 =	sor.u32 @!p0 $0x6, s21  }
0x2a: {  	[hbm4b:s23+s24] =	stream.linear.scatter @!p0 [tilespmem:s22], [sflag:s21], $0x8000, $0x38;
	[tilespmem:$0x10400] =	vst v63  }
0x2b: {  	p0 =	por p0, !p1  }
0x2c: {  	s21 =	sadd.s32 @p0 $0x2, s20  }
0x2d: {  	s22 =	smul.u32 @p0 $0xAB, s21;
	_ =	sdelay $0x1  }
0x2e: {  	s22 =	sshrl.u32 @p0 s22, $0x9  }
0x2f: {  	s22 =	sand.u32 @p0 $0x7F, s22  }
0x30: {  	s22 =	smul.u32 @p0 $0x3, s22;
	_ =	sdelay $0x1  }
0x31: {  	s21 =	ssub.s32 @p0 s21, s22  }
0x32: {  	s21 =	sand.u32 @p0 $0xFF, s21  }
0x33: {  	s22 =	sshll.u32 @p0 s21, $0x8  }
0x34: {  	s20 =	sadd.s32 $0x1, s20;
	s21 =	sadd.s32 @p0 $0x1, s21;
	s22 =	sor.u32 @p0 $0x10000, s22  }
0x35: {  	[tilespmem:s22], [sflag:s21] =	stream.linear.gather @p0 [hbm4b:s18+s2], $0x100, $0x38;
	[tilespmem:$0x10400] =	vst v63  }
0x36: {  	p0 =	sne.s32 s20, $0x4F  }
.Ltmp0:
0x37: {  	_ = 	snop;
	(pc) =	sbr.rel @p0 .LBB2_2-.Ltmp0, $2  }
0x38: {  	_ =	sdelay $0x2  }
0x39: {  	s19 =	sadd.s32 $0x1000, s19;
	s18 =	sadd.s32 $0x20, s18  }
0x3a: {  	_ =	swait.ge [sflag:s14], $0x4000  }
0x3b: {  	[sflag:s14] =	ssyncset.done $0x0  }
0x3c: {  	[sflag:s14] =	ssyncadd.s32 $0xFFFFC000  }
0x3d: {  	_ =	swait.ge [sflag:s14], $0x4000  }
0x3e: {  	[sflag:s14] =	ssyncset.done $0x0  }
0x3f: {  	s17 =	sadd.s32 $0x1, s17;
	[sflag:s14] =	ssyncadd.s32 $0xFFFFC000  }
0x40: {  	[hbm4b:s7+s2] =	stream.linear.scatter [tilespmem:s2], [sflag:$0x6], $0x8000, $0x38;
	[tilespmem:$0x10400] =	vst v63  }
0x41: {  	p0 =	sne.s32 s17, s8;
	_ =	swait.ge [sflag:s15], $0x8000  }
.Ltmp1:
0x42: {  	[sflag:s15] =	ssyncset.done $0x0;
	(pc) =	sbr.rel @p0 .LBB2_1-.Ltmp1, $4  }
0x43: {  	[sflag:s15] =	ssyncadd.s32 $0xFFFF8000  }
0x44: {  	_ =	swait.ge [sflag:s16], $0x8000  }
0x45: {  	[sflag:s16] =	ssyncset.done $0x0  }
0x46: {  	[sflag:s16] =	ssyncadd.s32 $0xFFFF8000  }
0x47: {  	_ =	sfence.sel $0x180000  }
0x48: {  	[bflag:$0x0] =	sbarrier.arrive $0xFFFF  }
0x49: {  	p0 =	sne.s32 s0, $0x0;
	_ =	strace $0x9000005F  }
0x4a: {  	s0 =	sadd.s32 @!p0 $0x100000, s1;
	[bflag:$0x2] =	sbarrier.arrive $0xFFFF  }
0x4b: {  	[sflag:s0] =	ssyncadd.tile.s32 @!p0 $0x1;
	_ =	shalt  }
.Lfunc_end2:
_tile_overlayer_lowered:
.L_overlay_start_2:
0x4c: {  	(tag) =	ssettag $0x2  }
0x4d: {  	s0 =	rddreg [dreg:$0x0];
	s2 =	stileid.u32  }
0x4e: {  	s1 =	rddreg [dreg:$0x1];
	p0 =	sne.s32 s2, $0x0  }
0x4f: {  	s3 =	rddreg [dreg:$0x2];
	[bflag:$0x3] =	sbarrier.arrive $0xFFFF;
	s2 =	simm.s32 @!p0 $0x1C08  }
0x50: {  	[timem:s3], [sflag:s2] =	dma.local @!p0 [hbm:s0], s1  }
0x51: {  	s0 =	simm.s32 @!p0 $0x8  }
0x52: {  	_ =	swait.ge @!p0 [sflag:s0], s1  }
0x53: {  	s1 =	ssub.s32 @!p0 $0x0, s1;
	[sflag:s0] =	ssyncset.done @!p0 $0x0  }
0x54: {  	[sflag:s0] =	ssyncadd.s32 @!p0 s1  }
0x55: {  	[bflag:$0x3] =	sbarrier.arrive $0xFFFF  }
0x56: {  	_ =	shalt  }

// kernel: kernel.52.cloned.1.call-start
scs
__scs_entry_jumppad:
0x0: {  	(pc) =	sbr.rel $0x88, $3  }
0x1: {  	(tag) =	ssettag $0x0;
	lr =	simm.s32 $0x1  }
0x2: {  	[smem:$0x3F88] =	sst lr;
	_ =	strace $0xD0000000  }
0x3: {  	_ = 	snop  }
0x4: {  	_ = 	snop  }
0x5: {  	_ = 	snop  }
0x6: {  	_ = 	snop  }
0x7: {  	_ = 	snop  }
__scs_overlays_trampoline_lowered:
0x8: {  	[smem:$0x3F97] =	sst s0  }
0x9: {  	[smem:$0x3F98] =	sst s1  }
0xa: {  	[smem:$0x3F99] =	sst s2  }
0xb: {  	[smem:$0x3F9A] =	sst s3  }
0xc: {  	[smem:$0x3F9B] =	sst s4  }
0xd: {  	[smem:$0x3F9C] =	sst s5  }
0xe: {  	[smem:$0x3F9D] =	sst s6  }
0xf: {  	[smem:$0x3F9E] =	sst s7  }
0x10: {  	[smem:$0x3F9F] =	sst s8  }
0x11: {  	[smem:$0x3FA0] =	sst s9;
	s0 =	simm.s32 @!p0 $0x0  }
0x12: {  	s1 =	sld [smem:$0x3F86];
	s0 =	simm.s32 @p0 $0x1  }
0x13: {  	[smem:$0x3FA1] =	sst s0;
	s0 =	simm.s32 @!p1 $0x0  }
0x14: {  	s2 =	sld [smem:$0x3F85];
	s0 =	simm.s32 @p1 $0x1  }
0x15: {  	[smem:$0x3FA2] =	sst s0;
	s0 =	simm.s32 @!p2 $0x0  }
0x16: {  	s3 =	sld [smem:$0x3FDB];
	s0 =	simm.s32 @p2 $0x1  }
0x17: {  	s4 =	simm.s32 $0x1BF5;
	[smem:$0x3FA4] =	sst s0  }
0x18: {  	s0 =	sld [smem:$0x3F87];
	_ =	swait.ge [sflag:s4], $0x0  }
0x19: {  	s7 =	sld [smem:$0x3F88]  }
0x1a: {  	s8 =	sadd.s32 $0xFFFFE003, lr  }
0x1b: {  	s9 =	sadd.s32 $0xFFFFFEF7, lr;
	s5 =	simm.s32 $0xFFFFFFFF;
	p2 =	slt.u32 s8, $0xFFFFF086  }
0x1c: {  	p1 =	slt.u32 s9, $0xF7A;
	s5 =	simm.s32 @!p2 $0x0  }
0x1d: {  	s5 =	simm.s32 @p1 $0x1;
	p0 =	seq.s32 s7, s2  }
0x1e: {  	s7 =	smul.u32 @!p0 $0xF7A, s2;
	p2 =	seq.s32 @!p0 s5, $0x0  }
0x1f: {  	s9 =	smul.u32 $0xF7A, s1;
	s8 =	simm.s32 @!p0 $0x1BF5;
	p2 =	por !p2, p0  }
0x20: {  	[sflag:s8] =	ssyncset.s32 @!p0 $0xFFFFF086;
	s6 =	sadd.s32 @!p0 s3, s7;
	s7 =	simm.s32 @!p0 $0x108  }
0x21: {  	s3 =	sadd.s32 s3, s9;
	s6 =	sadd.s32 @!p0 $0x88, s6;
	s7 =	simm.s32 @p2 $0x1082  }
0x22: {  	[simem:s7], [sflag:s8] =	dma.local @!p0 [hbm:s6], $0xF7A  }
0x23: {  	s9 =	sor.u32 $0xD0000000, s2;
	s6 =	simm.s32 $0x108;
	_ =	swait.ge @!p0 [sflag:s8], $0x0  }
0x24: {  	s3 =	sadd.s32 $0x88, s3;
	s6 =	simm.s32 @!p1 $0x1082;
	[sflag:s4] =	ssyncset.s32 $0xFFFFF086  }
0x25: {  	[simem:s6], [sflag:s4] =	dma.local [hbm:s3], $0xF7A  }
0x26: {  	[smem:$0x3F88] =	sst s1;
	(tag) =	ssettag s2;
	_ =	strace s9  }
0x27: {  	s1 =	sld [smem:$0x3F98]  }
0x28: {  	s2 =	sld [smem:$0x3F99]  }
0x29: {  	s4 =	sld [smem:$0x3F9B]  }
0x2a: {  	p0 =	seq.s32 s5, $0x0;
	s5 =	sld [smem:$0x3F9C]  }
0x2b: {  	s6 =	sld [smem:$0x3F9D]  }
0x2c: {  	s7 =	sld [smem:$0x3F9E]  }
0x2d: {  	s3 =	simm.s32 $0x108;
	s8 =	sld [smem:$0x3F9F]  }
0x2e: {  	s3 =	simm.s32 @!p0 $0x1082;
	s9 =	sld [smem:$0x3FA0]  }
0x2f: {  	lr =	sadd.s32 s0, s3;
	s0 =	sld [smem:$0x3F97]  }
0x30: {  	s3 =	sld [smem:$0x3F9A]  }
0x31: {  	[smem:$0x3FA3] =	sst s10  }
0x32: {  	s10 =	sld [smem:$0x3FA1];
	_ =	sdelay $0x3  }
0x33: {  	p0 =	seq.s32 s10, $0x1;
	s10 =	sld [smem:$0x3FA3];
	_ =	sdelay $0x3  }
0x34: {  	[smem:$0x3FA3] =	sst s10  }
0x35: {  	s10 =	sld [smem:$0x3FA2];
	_ =	sdelay $0x3  }
0x36: {  	p1 =	seq.s32 s10, $0x1;
	s10 =	sld [smem:$0x3FA3];
	_ =	sdelay $0x3  }
0x37: {  	[smem:$0x3FA3] =	sst s10  }
0x38: {  	s10 =	sld [smem:$0x3FA4]  }
0x39: {  	_ = 	snop;
	(pc) =	sbr.ind lr, $3  }
0x3a: {  	_ = 	snop  }
0x3b: {  	_ = 	snop  }
0x3c: {  	p2 =	seq.s32 s10, $0x1;
	s10 =	sld [smem:$0x3FA3]  }
0x3d: {  	_ =	shalt  }
0x3e: {  	_ =	shalt  }
0x3f: {  	_ =	shalt  }
0x40: {  	_ =	shalt  }
0x41: {  	_ =	shalt  }
0x42: {  	_ =	shalt  }
0x43: {  	_ =	shalt  }
0x44: {  	_ =	shalt  }
0x45: {  	_ =	shalt  }
0x46: {  	_ =	shalt  }
0x47: {  	_ =	shalt  }
0x48: {  	_ =	shalt  }
0x49: {  	_ =	shalt  }
0x4a: {  	_ =	shalt  }
0x4b: {  	_ =	shalt  }
0x4c: {  	_ =	shalt  }
0x4d: {  	_ =	shalt  }
0x4e: {  	_ =	shalt  }
0x4f: {  	_ =	shalt  }
0x50: {  	_ =	shalt  }
0x51: {  	_ =	shalt  }
0x52: {  	_ =	shalt  }
0x53: {  	_ =	shalt  }
0x54: {  	_ =	shalt  }
0x55: {  	_ =	shalt  }
0x56: {  	_ =	shalt  }
0x57: {  	_ =	shalt  }
0x58: {  	_ =	shalt  }
0x59: {  	_ =	shalt  }
0x5a: {  	_ =	shalt  }
0x5b: {  	_ =	shalt  }
0x5c: {  	_ =	shalt  }
0x5d: {  	_ =	shalt  }
0x5e: {  	_ =	shalt  }
0x5f: {  	_ =	shalt  }
0x60: {  	_ =	shalt  }
0x61: {  	_ =	shalt  }
0x62: {  	_ =	shalt  }
0x63: {  	_ =	shalt  }
0x64: {  	_ =	shalt  }
0x65: {  	_ =	shalt  }
0x66: {  	_ =	shalt  }
0x67: {  	_ =	shalt  }
0x68: {  	_ =	shalt  }
0x69: {  	_ =	shalt  }
0x6a: {  	_ =	shalt  }
0x6b: {  	_ =	shalt  }
0x6c: {  	_ =	shalt  }
0x6d: {  	_ =	shalt  }
0x6e: {  	_ =	shalt  }
0x6f: {  	_ =	shalt  }
0x70: {  	_ =	shalt  }
0x71: {  	_ =	shalt  }
0x72: {  	_ =	shalt  }
0x73: {  	_ =	shalt  }
0x74: {  	_ =	shalt  }
0x75: {  	_ =	shalt  }
0x76: {  	_ =	shalt  }
0x77: {  	_ =	shalt  }
0x78: {  	_ =	shalt  }
0x79: {  	_ =	shalt  }
0x7a: {  	_ =	shalt  }
0x7b: {  	_ =	shalt  }
0x7c: {  	_ =	shalt  }
0x7d: {  	_ =	shalt  }
0x7e: {  	_ =	shalt  }
0x7f: {  	_ =	shalt  }
0x80: {  	_ =	shalt  }
0x81: {  	_ =	shalt  }
0x82: {  	_ =	shalt  }
0x83: {  	_ =	shalt  }
0x84: {  	_ =	shalt  }
0x85: {  	_ =	shalt  }
0x86: {  	_ =	shalt  }
0x87: {  	_ =	shalt  }
.Lfunc_end0:
.L_simem_size_0:
called_computation.9_lowered:
.L_overlay_start_0:
0x88: {  	s2 =	sld [smem:$0x3FD9]  }
0x89: {  	s3 =	sld [smem:$0x3FFE];
	_ =	sdelay $0x1  }
0x8a: {  	s1 =	srdreg.scid  }
0x8b: {  	s0 =	sand.u32 $0x1, s1  }
0x8c: {  	s17 =	sshll.u32 s0, $0xA;
	s2 =	sadd.s32 s3, s2  }
0x8d: {  	s2 =	sadd.s32 s2, s17  }
0x8e: {  	[smem:$0x3FAF] =	sst s2  }
0x8f: {  	_ = 	snop  }
0x90: {  	s2 =	sld [smem:$0x3FC7];
	(tm) =	ssettm $0x1  }
0x91: {  	s18 =	sld [smem:$0x3FFB];
	_ =	sdelay $0x3  }
0x92: {  	_ =	strace s18  }
0x93: {  	s3 =	sld [smem:$0x3FFC];
	_ =	sdelay $0x3  }
0x94: {  	_ =	strace s3  }
0x95: {  	s3 =	sld [smem:$0x3FFD];
	_ =	sdelay $0x3  }
0x96: {  	_ =	strace s3  }
0x97: {  	_ =	strace $0x8FFFFFFF  }
0x98: {  	s19 =	sld [smem:$0x3FDB];
	_ =	sdelay $0x1  }
0x99: {  	s4 =	simm.s32 $_scs_section_size  }
0x9a: {  	s5 =	simm.s32 $_size__tile_overlayer_lowered;
	s6 =	simm.s32 $_tile_overlayer_lowered  }
0x9b: {  	s22 =	simm.s32 $0x1BFF;
	s21 =	sshll.u32 s6, $0x1;
	s3 =	sadd.s32 s4, s19  }
0x9c: {  	s7 =	simm.s32 $0x0;
	s20 =	sshll.u32 s5, $0x1;
	s5 =	sadd.s32 s21, s3  }
0x9d: {  	[timem:s7], [sflag:s22] =	dma.local [hbm:s5], s20  }
0x9e: {  	_ =	swait.ge [sflag:s22], s20  }
0x9f: {  	s4 =	ssub.s32 $0x0, s20;
	[sflag:s22] =	ssyncset.done $0x0  }
0xa0: {  	[sflag:s22] =	ssyncadd.s32 s4;
	_ =	sdelay $0x1  }
0xa1: {  	s23 =	simm.s32 $0x1B8B  }
0xa2: {  	_ =	swait.ge [sflag:s23], $0x1  }
0xa3: {  	[sflag:s23] =	ssyncset.done $0x0  }
0xa4: {  	s25 =	simm.s32 $0x1B8E;
	s24 =	sld [smem:$0x3FFE];
	[sflag:s23] =	ssyncadd.s32 $0xFFFFFFFF  }
0xa5: {  	s26 =	simm.s32 $execute0_lowered;
	[smem:$0x3FD2] =	sst s25  }
0xa6: {  	s5 =	sshll.u32 s26, $0x1;
	_ =	strace $0x80000061;
	[dreg:$0x1] =	wrdreg $0xFFFFFFFF  }
0xa7: {  	s28 =	simm.s32 $_size_execute0_lowered;
	s3 =	sadd.s32 s3, s5;
	[dreg:$0x0] =	wrdreg $0x0  }
0xa8: {  	s5 =	sshll.u32 s28, $0x1;
	[dreg:$0x2] =	wrdreg s3  }
0xa9: {  	[dreg:$0x3] =	wrdreg s5  }
0xaa: {  	[dreg:$0x4] =	wrdreg $0xC0  }
0xab: {  	_ =	task [dreg:s7], $0x5FFFF  }
0xac: {  	[dreg:$0x1] =	wrdreg $0xFFFFFFFF  }
0xad: {  	[dreg:$0x0] =	wrdreg $0x60  }
0xae: {  	[dreg:$0x2] =	wrdreg s24  }
0xaf: {  	[dreg:$0x3] =	wrdreg s2  }
0xb0: {  	[dreg:$0x4] =	wrdreg $0x0  }
0xb1: {  	[dreg:$0x5] =	wrdreg $0x9  }
0xb2: {  	_ =	task.clear_ibuf [dreg:s7], $0x6FFFF;
	_ =	strace $0x90000061  }
0xb3: {  	s29 =	simm.s32 $0x9;
	_ =	strace $0x80000063  }
0xb4: {  	_ =	swait.ge [sflag:s29], $0x1  }
0xb5: {  	[sflag:s29] =	ssyncadd.s32 $0xFFFFFFFF  }
0xb6: {  	_ =	strace $0x90000063  }
0xb7: {  	_ =	sfence  }
0xb8: {  	s30 =	sld [smem:$0x0];
	_ =	sdelay $0x2  }
0xb9: {  	s31 =	sshll.u32 s1, $0xD;
	s1 =	sshrl.u32 s1, $0x2  }
0xba: {  	s3 =	sand.u32 $0x4000, s31;
	s1 =	sadd.s32 s1, s30  }
0xbb: {  	s0 =	sor.u32 s3, s0;
	s1 =	sshll.u32 s1, $0x11  }
0xbc: {  	s0 =	sor.u32 s1, s0  }
0xbd: {  	s0 =	sadd.s32 $0x8F2B, s0  }
0xbe: {  	[sflag:s0] =	ssyncadd.remote.s32 $0x1  }
0xbf: {  	_ =	sfence.sel $0xFFFF  }
0xc0: {  	[dreg:$0x0] =	wrdreg $0xFFFFFFFF;
	(pc) =	sbr.abs _section_cstart, $3  }
0xc1: {  	[dreg:$0x1] =	wrdreg $0xFFFFFFFF  }
0xc2: {  	_ =	task.clear_ibuf [dreg:s7], $0x2FFFF;
	_ =	strace $0x9FFFFFFF  }
0xc3: {  	(tm) =	ssettm $0x7FFFFFFF  }
tec
execute0_lowered:
.L_overlay_start_1:
0x0: {  	(tag) =	ssettag $0x1  }
0x1: {  	s4 =	rddreg [dreg:$0x0]  }
0x2: {  	s10 =	rddreg [dreg:$0x1]  }
0x3: {  	s1 =	rddreg [dreg:$0x2];
	s6 =	srdreg.scid  }
0x4: {  	s0 =	rddreg [dreg:$0x3];
	s3 =	simm.s32 $0x0;
	s2 =	stileid.u32  }
0x5: {  	s5 =	sand.u32 $0x1, s6;
	[smem:$0x7FF] =	sst s3;
	s8 =	smul.u32 $0x14000, s2  }
0x6: {  	s11 =	smul.u32 $0x50000, s2;
	s28 =	sshll.u32 s2, $0x5;
	s29 =	sshll.u32 s6, $0x9  }
0x7: {  	s30 =	sshll.u32 s2, $0xC;
	s7 =	smul.u32 $0x140000, s5;
	_ =	strace $0x80000062  }
0x8: {  	s9 =	sshll.u32 s5, $0x10;
	s24 =	ssub.s32 $0x2, s5;
	s13 =	sshll.u32 s5, $0x4  }
0x9: {  	s14 =	sand.u32 $0x60, s28;
	s12 =	sadd.s32 s9, s4;
	s25 =	sshrl.u32 s24, $0x1  }
0xa: {  	s26 =	sshrl.u32 s11, $0x2;
	s9 =	sor.u32 s28, s29;
	s13 =	sor.u32 s13, s2  }
0xb: {  	s7 =	sadd.s32 s8, s7;
	s8 =	ssub.s32 s24, s25;
	s15 =	sand.u32 $0x380, s9  }
0xc: {  	s11 =	sadd.s32 s30, s12;
	s7 =	sshrl.u32 s7, $0x3;
	s6 =	smax.u32 s8, $0x1  }
0xd: {  	s31 =	sadd.s32 s15, s10;
	s11 =	sadd.s32 $0xC0000, s11;
	s15 =	simm.s32 $0x1  }
0xe: {  	s7 =	sadd.s32 s7, s4;
	s4 =	sadd.s32 s26, s1;
	s12 =	sadd.s32 s14, s31  }
0xf: {  	s14 =	simm.s32 $0x14000;
	s5 =	sadd.s32 $0x5A2000, s7;
	s7 =	sadd.s32 $0x4000, s4  }
0x10: {  	v0 =	vimm.f32 $0.0e+00;
	s8 =	sadd.s32 $0x8000, s4;
	s9 =	sadd.s32 $0xC000, s4;
	s10 =	sadd.s32 $0x10000, s4  }
.LBB2_1:
0x11: {  	s16 =	simm.s32 $0x0;
	s17 =	simm.s32 $0x200  }
.LBB2_2:
0x12: {  	p0 =	sne.s32 s17, $0xFE00;
	[tilespmem:s16+$0x14070] =	vst v0  }
0x13: {  	[tilespmem:s16+$0x14000] =	vst v0  }
0x14: {  	[tilespmem:s16+$0x14010] =	vst v0  }
.Ltmp0:
0x15: {  	[tilespmem:s16+$0x14020] =	vst v0;
	(pc) =	sbr.rel @p0 .LBB2_2-.Ltmp0, $4  }
0x16: {  	[tilespmem:s16+$0x14030] =	vst v0  }
0x17: {  	[tilespmem:s16+$0x14040] =	vst v0  }
0x18: {  	[tilespmem:s16+$0x14050] =	vst v0  }
0x19: {  	[tilespmem:s16+$0x14060] =	vst v0;
	s16 =	sshra.s32 s17, $0x2;
	s17 =	sadd.s32 $0x200, s17  }
0x1a: {  	[tilespmem:s16+$0x14070] =	vst v0  }
0x1b: {  	[tilespmem:s16+$0x14000] =	vst v0  }
0x1c: {  	[tilespmem:s16+$0x14010] =	vst v0  }
0x1d: {  	[tilespmem:s16+$0x14020] =	vst v0  }
0x1e: {  	[tilespmem:s16+$0x14030] =	vst v0  }
0x1f: {  	[tilespmem:s16+$0x14040] =	vst v0  }
0x20: {  	[tilespmem:s16+$0x14050] =	vst v0  }
0x21: {  	[tilespmem:s16+$0x14060] =	vst v0  }
0x22: {  	[spmem:s4] =	stream.linear.scatter [tilespmem:s14], [sflag:$0x1], $0x4000, $0x38;
	[tilespmem:$0x1C100] =	vst v63  }
0x23: {  	_ =	swait.ge [sflag:s15], $0x4000  }
0x24: {  	[sflag:s15] =	ssyncset.done $0x0  }
0x25: {  	[sflag:s15] =	ssyncadd.s32 $0xFFFFC000  }
0x26: {  	[spmem:s7] =	stream.linear.scatter [tilespmem:s14], [sflag:$0x1], $0x4000, $0x38;
	[tilespmem:$0x1C100] =	vst v63  }
0x27: {  	_ =	swait.ge [sflag:s15], $0x4000  }
0x28: {  	[sflag:s15] =	ssyncset.done $0x0  }
0x29: {  	[sflag:s15] =	ssyncadd.s32 $0xFFFFC000  }
0x2a: {  	[spmem:s8] =	stream.linear.scatter [tilespmem:s14], [sflag:$0x1], $0x4000, $0x38;
	[tilespmem:$0x1C100] =	vst v63  }
0x2b: {  	_ =	swait.ge [sflag:s15], $0x4000  }
0x2c: {  	[sflag:s15] =	ssyncset.done $0x0  }
0x2d: {  	[sflag:s15] =	ssyncadd.s32 $0xFFFFC000  }
0x2e: {  	[spmem:s9] =	stream.linear.scatter [tilespmem:s14], [sflag:$0x1], $0x4000, $0x38;
	[tilespmem:$0x1C100] =	vst v63  }
0x2f: {  	_ =	swait.ge [sflag:s15], $0x4000  }
0x30: {  	[sflag:s15] =	ssyncset.done $0x0  }
0x31: {  	[sflag:s15] =	ssyncadd.s32 $0xFFFFC000  }
0x32: {  	[spmem:s10] =	stream.linear.scatter [tilespmem:s14], [sflag:$0x1], $0x4000, $0x38;
	[tilespmem:$0x1C100] =	vst v63  }
0x33: {  	s30 =	sadd.s32 $0x0, s13;
	_ =	swait.ge [sflag:s15], $0x4000  }
0x34: {  	p0 =	sgt.u32 s30, $0x4E1;
	[sflag:s15] =	ssyncset.done $0x0  }
0x35: {  	s16 =	simm.s32 @!p0 $0x0;
	[sflag:s15] =	ssyncadd.s32 $0xFFFFC000  }
0x36: {  	s17 =	simm.s32 @!p0 $0x14000;
	s18 =	simm.s32 @!p0 $0x2;
	[bflag:$0x0] =	sbarrier.arrive $0xFFFF  }
0x37: {  	[tilespmem:s17], [sflag:$0x2] =	stream.linear.gather @!p0 [hbm4b:s11+s16], $0x8000, $0x38;
	[tilespmem:$0x1C100] =	vst v63  }
0x38: {  	_ =	swait.ge @!p0 [sflag:s18], $0x8000;
	p0 =	por p0, p0  }
0x39: {  	[sflag:s18] =	ssyncset.done @!p0 $0x0  }
0x3a: {  	s19 =	simm.s32 @!p0 $0x1C000;
	[sflag:s18] =	ssyncadd.s32 @!p0 $0xFFFF8000  }
0x3b: {  	[tilespmem:s19], [sflag:$0x2] =	stream.linear.gather @!p0 [hbm4b:s12+s16], $0x100, $0x38;
	[tilespmem:$0x1C100] =	vst v63  }
0x3c: {  	_ =	swait.ge @!p0 [sflag:s18], $0x100  }
0x3d: {  	[sflag:s18] =	ssyncset.done @!p0 $0x0  }
0x3e: {  	s16 =	simm.s32 @!p0 $0x80;
	[sflag:s18] =	ssyncadd.s32 @!p0 $0xFFFFFF00  }
0x3f: {  	[spmem:s1] =	stream.indirect.scatter.add.f32 @!p0 [tilespmem:s17], [sflag:$0x2], $0x80, s19, s16, $0xb8;
	[tilespmem:$0x1C100] =	vst v63  }
0x40: {  	_ =	swait.ge @!p0 [sflag:s18], $0x4000  }
0x41: {  	s31 =	sadd.s32 $0x20, s13;
	[sflag:s18] =	ssyncset.done @!p0 $0x0  }
0x42: {  	s19 =	simm.s32 @!p0 $0x18000;
	[sflag:s18] =	ssyncadd.s32 @!p0 $0xFFFFC000;
	s18 =	simm.s32 @!p0 $0x1C080  }
0x43: {  	[spmem:s1] =	stream.indirect.scatter.add.f32 @!p0 [tilespmem:s19], [sflag:$0x1], $0x80, s18, s16, $0xb8;
	[tilespmem:$0x1C100] =	vst v63  }
0x44: {  	p2 =	sgt.u32 s31, $0x4E1;
	s17 =	simm.s32 $0x40;
	s19 =	simm.s32 @!p0 $0x1  }
0x45: {  	s16 =	sadd.s32 $0x400, s12;
	s18 =	sadd.s32 $0x20000, s11;
	_ =	swait.ge @!p0 [sflag:s19], $0x4000  }
.LBB2_4:
0x46: {  	s20 =	simm.s32 @!p2 $0x0  }
0x47: {  	s21 =	simm.s32 @!p2 $0x14000;
	[sflag:s19] =	ssyncset.done @!p0 $0x0;
	s22 =	smov.u32 s17  }
0x48: {  	s17 =	sadd.s32 $0x20, s17;
	s23 =	simm.s32 @!p2 $0x2;
	[sflag:s19] =	ssyncadd.s32 @!p0 $0xFFFFC000  }
0x49: {  	[tilespmem:s21], [sflag:$0x2] =	stream.linear.gather @!p2 [hbm4b:s18+s20], $0x8000, $0x38;
	[tilespmem:$0x1C100] =	vst v63  }
0x4a: {  	p1 =	sne.s32 s17, $0x500;
	p0 =	por p2, p2;
	_ =	swait.ge @!p2 [sflag:s23], $0x8000  }
0x4b: {  	[sflag:s23] =	ssyncset.done @!p0 $0x0  }
0x4c: {  	s19 =	simm.s32 @!p0 $0x1C000;
	[sflag:s23] =	ssyncadd.s32 @!p0 $0xFFFF8000  }
0x4d: {  	[tilespmem:s19], [sflag:$0x2] =	stream.linear.gather @!p0 [hbm4b:s16+s20], $0x100, $0x38;
	[tilespmem:$0x1C100] =	vst v63  }
0x4e: {  	_ =	swait.ge @!p0 [sflag:s23], $0x100  }
0x4f: {  	[sflag:s23] =	ssyncset.done @!p0 $0x0  }
0x50: {  	s20 =	simm.s32 @!p0 $0x80;
	[sflag:s23] =	ssyncadd.s32 @!p0 $0xFFFFFF00  }
0x51: {  	[spmem:s1] =	stream.indirect.scatter.add.f32 @!p0 [tilespmem:s21], [sflag:$0x2], $0x80, s19, s20, $0xb8;
	[tilespmem:$0x1C100] =	vst v63  }
.Ltmp1:
0x52: {  	s16 =	sadd.s32 $0x400, s16;
	_ =	swait.ge @!p0 [sflag:s23], $0x4000;
	(pc) =	sbr.rel @p1 .LBB2_4-.Ltmp1, $4  }
0x53: {  	s21 =	sadd.s32 s22, s13;
	s19 =	simm.s32 @!p0 $0x1;
	[sflag:s23] =	ssyncset.done @!p0 $0x0  }
0x54: {  	s22 =	simm.s32 @!p0 $0x1C080;
	[sflag:s23] =	ssyncadd.s32 @!p0 $0xFFFFC000;
	s23 =	simm.s32 @!p0 $0x18000  }
0x55: {  	[spmem:s1] =	stream.indirect.scatter.add.f32 @!p0 [tilespmem:s23], [sflag:$0x1], $0x80, s22, s20, $0xb8;
	[tilespmem:$0x1C100] =	vst v63  }
0x56: {  	s18 =	sadd.s32 $0x20000, s18;
	p2 =	sgt.u32 s21, $0x4E1;
	_ =	swait.ge @!p0 [sflag:s19], $0x4000  }
0x57: {  	s17 =	simm.s32 @!p2 $0x0;
	[sflag:s19] =	ssyncset.done @!p0 $0x0  }
0x58: {  	s20 =	simm.s32 @!p2 $0x14000;
	s21 =	simm.s32 @!p2 $0x2;
	[sflag:s19] =	ssyncadd.s32 @!p0 $0xFFFFC000  }
0x59: {  	[tilespmem:s20], [sflag:$0x2] =	stream.linear.gather @!p2 [hbm4b:s18+s17], $0x8000, $0x38;
	[tilespmem:$0x1C100] =	vst v63  }
0x5a: {  	p0 =	por p2, p2;
	_ =	swait.ge @!p2 [sflag:s21], $0x8000  }
0x5b: {  	[sflag:s21] =	ssyncset.done @!p0 $0x0  }
0x5c: {  	s18 =	simm.s32 @!p0 $0x1C000;
	[sflag:s21] =	ssyncadd.s32 @!p0 $0xFFFF8000  }
0x5d: {  	[tilespmem:s18], [sflag:$0x2] =	stream.linear.gather @!p0 [hbm4b:s16+s17], $0x100, $0x38;
	[tilespmem:$0x1C100] =	vst v63  }
0x5e: {  	_ =	swait.ge @!p0 [sflag:s21], $0x100  }
0x5f: {  	[sflag:s21] =	ssyncset.done @!p0 $0x0  }
0x60: {  	s16 =	simm.s32 @!p0 $0x80;
	[sflag:s21] =	ssyncadd.s32 @!p0 $0xFFFFFF00  }
0x61: {  	[spmem:s1] =	stream.indirect.scatter.add.f32 @!p0 [tilespmem:s20], [sflag:$0x2], $0x80, s18, s16, $0xb8;
	[tilespmem:$0x1C100] =	vst v63  }
0x62: {  	_ =	swait.ge @!p0 [sflag:s21], $0x4000  }
0x63: {  	s19 =	simm.s32 @!p0 $0x18000;
	[sflag:s21] =	ssyncset.done @!p0 $0x0  }
0x64: {  	s17 =	simm.s32 @!p0 $0x1;
	s18 =	simm.s32 @!p0 $0x1C080;
	[sflag:s21] =	ssyncadd.s32 @!p0 $0xFFFFC000  }
0x65: {  	[spmem:s1] =	stream.indirect.scatter.add.f32 @!p0 [tilespmem:s19], [sflag:$0x1], $0x80, s18, s16, $0xb8;
	[tilespmem:$0x1C100] =	vst v63  }
0x66: {  	_ =	swait.ge @!p0 [sflag:s17], $0x4000  }
0x67: {  	s30 =	sshll.u32 s2, $0x6;
	s3 =	sadd.s32 $0x1, s3;
	[sflag:s17] =	ssyncset.done @!p0 $0x0  }
0x68: {  	s31 =	sshrl.u32 s4, $0x3;
	[sflag:s17] =	ssyncadd.s32 @!p0 $0xFFFFC000;
	p0 =	sne.s32 s3, s6  }
.Ltmp2:
0x69: {  	s16 =	sor.u32 $0x1C01, s30;
	[bflag:$0x0] =	sbarrier.arrive $0xFFFF;
	(pc) =	sbr.rel @p0 .LBB2_1-.Ltmp2, $4  }
0x6a: {  	[hbm:s5], [sflag:s16] =	dma.local [spmem:s31], $0x2800  }
0x6b: {  	_ =	swait.ge [sflag:s15], $0x2800  }
0x6c: {  	[sflag:s15] =	ssyncset.done $0x0  }
0x6d: {  	[sflag:s15] =	ssyncadd.s32 $0xFFFFD800  }
0x6e: {  	_ =	sfence.sel $0x180000  }
0x6f: {  	[bflag:$0x0] =	sbarrier.arrive $0xFFFF  }
0x70: {  	p0 =	sne.s32 s2, $0x0;
	_ =	strace $0x90000062  }
0x71: {  	s0 =	sadd.s32 @!p0 $0x100000, s0;
	[bflag:$0x2] =	sbarrier.arrive $0xFFFF  }
0x72: {  	[sflag:s0] =	ssyncadd.tile.s32 @!p0 $0x1;
	_ =	shalt  }
.Lfunc_end2:
_tile_overlayer_lowered:
.L_overlay_start_2:
0x73: {  	(tag) =	ssettag $0x2  }
0x74: {  	s0 =	rddreg [dreg:$0x0];
	s2 =	stileid.u32  }
0x75: {  	s1 =	rddreg [dreg:$0x1];
	p0 =	sne.s32 s2, $0x0  }
0x76: {  	s3 =	rddreg [dreg:$0x2];
	[bflag:$0x3] =	sbarrier.arrive $0xFFFF;
	s2 =	simm.s32 @!p0 $0x1C01  }
0x77: {  	[timem:s3], [sflag:s2] =	dma.local @!p0 [hbm:s0], s1  }
0x78: {  	s0 =	simm.s32 @!p0 $0x1  }
0x79: {  	_ =	swait.ge @!p0 [sflag:s0], s1  }
0x7a: {  	s1 =	ssub.s32 @!p0 $0x0, s1;
	[sflag:s0] =	ssyncset.done @!p0 $0x0  }
0x7b: {  	[sflag:s0] =	ssyncadd.s32 @!p0 s1  }
0x7c: {  	[bflag:$0x3] =	sbarrier.arrive $0xFFFF  }
0x7d: {  	_ =	shalt  }

</sc_bundles>
